<compile_context>
chip_gen: v7x
topology: tpu7x:2x2x1
jax: 0.10.2.dev20260603
libtpu: 0.0.44.dev20260713+nightly
codegen_flags: <defaults>
</compile_context>

<pallas_src>
import functools

import jax
import jax.numpy as jnp
from jax import lax
from jax.experimental import pallas as pl
from jax.experimental.pallas import tpu as pltpu
from jax.experimental.pallas import tpu_sc as plsc

_L, _H = 20, 10
_K = _L * _H
_CLIP = 512
_D_PROTO = 1024
_BERT_LEN, _FEAT = 256, 768
_ROW = _BERT_LEN * _FEAT
_B = 32
_TOPK = 8

_NCH = 64
_SUB = _BERT_LEN // _NCH
_C = _SUB * _FEAT
_NBUF = 4


def _tc_topk_body(img_ref, mat_ref, w_ref, idx_ref):
    img = img_ref[...]
    m = mat_ref[...].reshape(_K, _D_PROTO)[:, : _CLIP]
    imn = img / (jnp.sqrt(jnp.sum(img * img, axis=1, keepdims=True)) + 1e-8)
    mnn = m / (jnp.sqrt(jnp.sum(m * m, axis=1, keepdims=True)) + 1e-8)
    s = lax.dot_general(imn, mnn, (((1,), (1,)), ((), ())),
                        preferred_element_type=jnp.float32)

    iota = lax.broadcasted_iota(jnp.int32, (_B, _K), 1)
    vals, idxs = [], []
    for _ in range(_TOPK):
        mx = jnp.max(s, axis=1, keepdims=True)
        am = jnp.min(jnp.where(s == mx, iota, jnp.int32(2**30)),
                     axis=1, keepdims=True)
        vals.append(mx)
        idxs.append(am)
        s = jnp.where(iota == am, -jnp.inf, s)

    vmax = vals[0]
    es = [jnp.exp(v - vmax) for v in vals]
    den = es[0]
    for e in es[1:]:
        den = den + e

    lane16 = lax.broadcasted_iota(jnp.int32, (_B, 16), 1)
    w16 = jnp.zeros((_B, 16), jnp.float32)
    i16 = jnp.zeros((_B, 16), jnp.int32)
    for k in range(_TOPK):
        w16 = jnp.where(lane16 == k, es[k] / den, w16)
        i16 = jnp.where(lane16 == k, idxs[k], i16)
    w_ref[...] = w16
    idx_ref[...] = i16


def _tc_topk(image, mat_t):
    return pl.pallas_call(
        _tc_topk_body,
        out_shape=(
            jax.ShapeDtypeStruct((_B, 16), jnp.float32),
            jax.ShapeDtypeStruct((_B, 16), jnp.int32),
        ),
    )(image, mat_t)


def _sc_agg_body(idx_hbm, w_hbm, table_hbm, out_hbm,
                 idxraw_v, w_v, idxc_v, rows_v, ob_v,
                 gsem0, gsem1, gsem2, gsem3, osem0, osem1, osem2, osem3):
    nc = jax.lax.axis_size("c")
    b = lax.axis_index("s") * nc + lax.axis_index("c")

    pltpu.sync_copy(idx_hbm.at[b], idxraw_v)
    pltpu.sync_copy(w_hbm.at[b], w_v)

    lane = lax.iota(jnp.int32, 16)
    msk = lane < _TOPK
    idxc_v[0] = jnp.where(msk, idxraw_v[...], 0)

    wvec = w_v[...]
    ws = [wvec[k] for k in range(_TOPK)]
    gsems = (gsem0, gsem1, gsem2, gsem3)
    osems = (osem0, osem1, osem2, osem3)

    def gather(c, buf):
        return pltpu.make_async_copy(
            table_hbm.at[idxc_v.at[0, pl.ds(0, _TOPK)], pl.ds(c * _SUB, _SUB)],
            rows_v.at[buf], gsems[buf])

    def flush(c, buf):
        return pltpu.make_async_copy(
            ob_v.at[buf], out_hbm.at[b, pl.ds(c * _SUB, _SUB)], osems[buf])

    def compute(buf):
        def outer(s, carry):
            def inner(i, carry2):
                sl = pl.ds(i * 16, 16)
                acc = rows_v[buf, 0, s, sl] * ws[0]
                for k in range(1, _TOPK):
                    acc = acc + rows_v[buf, k, s, sl] * ws[k]
                ob_v[buf, s, sl] = acc
                return carry2
            lax.fori_loop(0, _FEAT // 16, inner, 0, unroll=8)
            return carry
        lax.fori_loop(0, _SUB, outer, 0)

    for buf in range(_NBUF):
        gather(buf, buf).start()

    ngroups = _NCH // _NBUF

    def group(g, carry):
        for buf in range(_NBUF):
            c = _NBUF * g + buf
            gather(c, buf).wait()

            @pl.when(g > 0)
            def _():
                flush(c - _NBUF, buf).wait()

            compute(buf)
            flush(c, buf).start()

            @pl.when(g < ngroups - 1)
            def _():
                gather(c + _NBUF, buf).start()
        return carry

    lax.fori_loop(0, ngroups, group, 0)
    for buf in range(_NBUF):
        flush(_NCH - _NBUF + buf, buf).wait()


def _sc_agg(idx16, w16, table):
    mesh = plsc.VectorSubcoreMesh(core_axis_name="c", subcore_axis_name="s")
    fn = functools.partial(
        pl.kernel,
        mesh=mesh,
        out_type=jax.ShapeDtypeStruct((_B, _BERT_LEN, _FEAT), jnp.float32),
        scratch_types=[
            pltpu.VMEM((16,), jnp.int32),
            pltpu.VMEM((16,), jnp.float32),
            pltpu.VMEM((1, 16), jnp.int32),
            pltpu.VMEM((_NBUF, _TOPK, _SUB, _FEAT), jnp.float32),
            pltpu.VMEM((_NBUF, _SUB, _FEAT), jnp.float32),
            pltpu.SemaphoreType.DMA,
            pltpu.SemaphoreType.DMA,
            pltpu.SemaphoreType.DMA,
            pltpu.SemaphoreType.DMA,
            pltpu.SemaphoreType.DMA,
            pltpu.SemaphoreType.DMA,
            pltpu.SemaphoreType.DMA,
            pltpu.SemaphoreType.DMA,
        ],
    )(_sc_agg_body)
    return fn(idx16, w16, table)


def kernel(image, matrix, memory_text):
    w16, idx16 = _tc_topk(image, matrix)
    table = memory_text.reshape(_K, _BERT_LEN, _FEAT)
    return _sc_agg(idx16, w16, table)

# --- scband reference (transcript-rebuilt; emitter-appended) ---
"""Pipeline reference for scband-psa-28991029248506 (READ-ONLY COPY).

The authoritative reference and input builder live on the scoring server;
editing this copy changes nothing except your own understanding.
"""

import jax, jax.numpy as jnp
import numpy as np

# PSA retrieval path: cosine-similarity kNN over flattened prototype matrix,
# then attention-weighted (softmax over top-k scores) aggregation of memory_text.
L, H = 20, 10            # num_classes, num_prototypes -> K = L*H = 200 prototypes
D_PROTO = 1024           # prototype_dim (image-emb || text-emb)
CLIP_DIM = 512           # args.clip_dim: image-embedding slice of prototype
BERT_LEN, FEAT_DIM = 256, 768   # memory_text per-prototype shape (hardcoded in __init__)
B = 32                   # query batch
TOPK = 8                 # args.num_candidate


def setup_inputs(seed: int = 0) -> dict:
    key = jax.random.key(seed)
    k1, k2, k3 = jax.random.split(key, 3)
    image = jax.random.normal(k1, (B, CLIP_DIM), dtype=jnp.float32)
    matrix = jax.random.normal(k2, (L, H, D_PROTO), dtype=jnp.float32)
    memory_text = jax.random.normal(k3, (L, H, BERT_LEN, FEAT_DIM), dtype=jnp.float32)
    return {"image": image, "matrix": matrix, "memory_text": memory_text}


def reference(image, matrix, memory_text):
    # top_k_candidates: cosine similarity of each image embedding vs all (L*H) prototypes
    matrix_slice = matrix[:, :, :CLIP_DIM].reshape(L * H, CLIP_DIM)  # '(L H) D'
    matrix_norm = matrix_slice / (jnp.linalg.norm(matrix_slice, axis=1, keepdims=True) + 1e-08)
    img_norm = image / (jnp.linalg.norm(image, axis=1, keepdims=True) + 1e-08)
    scores = img_norm @ matrix_norm.T                       # [B, L*H]
    topk_scores, topk_flat = jax.lax.top_k(scores, TOPK)    # [B, K], [B, K]
    # respond(mode='sum'): gather memory_text vectors for winning (row, col) pairs
    # (flat index i -> (i // H, i % H), equivalent to indexing the flattened bank)
    mem_flat = memory_text.reshape(L * H, BERT_LEN, FEAT_DIM)
    vectors = jnp.take(mem_flat, topk_flat, axis=0)         # [B, K, 256, 768]
    weights = jax.nn.softmax(topk_scores, axis=1)[:, :, None, None]
    agg_feat = jnp.sum(vectors * weights, axis=1)           # [B, 256, 768]
    return agg_feat

if __name__ == "__main__":
    import jax
    _d = setup_inputs()
    print(jax.jit(kernel)(*tuple(_d.values())))

</pallas_src>

<mosaic_0001>
#map = affine_map<(d0, d1) -> (0, 0)>
#map1 = affine_map<(d0, d1) -> (0, 0, 0)>
module attributes {stable_mosaic.version = 14 : i64} {
  func.func @_sc_agg_body(%arg0: i32, %arg1: i32, %arg2: memref<32x16xi32, #tpu.memory_space<hbm>>, %arg3: memref<32x16xf32, #tpu.memory_space<hbm>>, %arg4: memref<200x256x768xf32, #tpu.memory_space<hbm>>, %arg5: memref<32x256x768xf32, #tpu.memory_space<hbm>>, %arg6: memref<16xi32, #tpu.memory_space<vmem>>, %arg7: memref<16xf32, #tpu.memory_space<vmem>>, %arg8: memref<1x16xi32, #tpu.memory_space<vmem>>, %arg9: memref<4x8x4x768xf32, #tpu.memory_space<vmem>>, %arg10: memref<4x4x768xf32, #tpu.memory_space<vmem>>, %arg11: memref<!tpu.dma_semaphore, #tpu.memory_space<semaphore_mem>>, %arg12: memref<!tpu.dma_semaphore, #tpu.memory_space<semaphore_mem>>, %arg13: memref<!tpu.dma_semaphore, #tpu.memory_space<semaphore_mem>>, %arg14: memref<!tpu.dma_semaphore, #tpu.memory_space<semaphore_mem>>, %arg15: memref<!tpu.dma_semaphore, #tpu.memory_space<semaphore_mem>>, %arg16: memref<!tpu.dma_semaphore, #tpu.memory_space<semaphore_mem>>, %arg17: memref<!tpu.dma_semaphore, #tpu.memory_space<semaphore_mem>>, %arg18: memref<!tpu.dma_semaphore, #tpu.memory_space<semaphore_mem>>) attributes {dimension_semantics = [#tpu.dimension_semantics<core_parallel>, #tpu.dimension_semantics<subcore_parallel>], iteration_bounds = array<i64: 2, 16>, scalar_prefetch = 0 : i64, scratch_operands = 13 : i64, tpu.core_type = #tpu.core_type<sc_vector_subcore>, window_params = [{transform_indices = #map}, {transform_indices = #map}, {transform_indices = #map1}, {transform_indices = #map1}]} {
    %mul3A = arith.constant 2 : i32
    %mul3A_0 = arith.muli %arg1, %mul3A : i32
    %add3A = arith.addi %mul3A_0, %arg0 : i32
    "tpu.region"() ({
      %run_scoped3A = tpu.sem_alloc : memref<!tpu.dma_semaphore, #tpu.memory_space<semaphore_mem>>
      %dma_start3A_154 = arith.constant 0 : i32
      %dma_start3A_155 = tpu.memref_slice %arg2[%add3A, %dma_start3A_154] : memref<32x16xi32, #tpu.memory_space<hbm>> -> memref<1x16xi32, #tpu.memory_space<hbm>>
      %dma_start3A_156 = tpu.memref_squeeze %dma_start3A_155 : memref<1x16xi32, #tpu.memory_space<hbm>> -> memref<16xi32, #tpu.memory_space<hbm>>
      %dma_start3A_157 = arith.constant 0 : i32
      %dma_start3A_158 = tpu.memref_slice %arg2[%add3A, %dma_start3A_157] : memref<32x16xi32, #tpu.memory_space<hbm>> -> memref<1x16xi32, #tpu.memory_space<hbm>>
      %dma_start3A_159 = tpu.memref_squeeze %dma_start3A_158 : memref<1x16xi32, #tpu.memory_space<hbm>> -> memref<16xi32, #tpu.memory_space<hbm>>
      tpu.enqueue_dma source(%dma_start3A_159 : memref<16xi32, #tpu.memory_space<hbm>>) target(%arg6 : memref<16xi32, #tpu.memory_space<vmem>>) target_semaphore(%run_scoped3A : memref<!tpu.dma_semaphore, #tpu.memory_space<semaphore_mem>>)
      %dma_wait3A_160 = arith.constant 0 : i32
      %dma_wait3A_161 = tpu.memref_slice %arg2[%add3A, %dma_wait3A_160] : memref<32x16xi32, #tpu.memory_space<hbm>> -> memref<1x16xi32, #tpu.memory_space<hbm>>
      %dma_wait3A_162 = tpu.memref_squeeze %dma_wait3A_161 : memref<1x16xi32, #tpu.memory_space<hbm>> -> memref<16xi32, #tpu.memory_space<hbm>>
      %dma_wait3A_163 = arith.constant 0 : i32
      %dma_wait3A_164 = tpu.memref_slice %arg2[%add3A, %dma_wait3A_163] : memref<32x16xi32, #tpu.memory_space<hbm>> -> memref<1x16xi32, #tpu.memory_space<hbm>>
      %dma_wait3A_165 = tpu.memref_squeeze %dma_wait3A_164 : memref<1x16xi32, #tpu.memory_space<hbm>> -> memref<16xi32, #tpu.memory_space<hbm>>
      tpu.wait_dma2 semaphore(%run_scoped3A : memref<!tpu.dma_semaphore, #tpu.memory_space<semaphore_mem>>) src(%dma_wait3A_165 : memref<16xi32, #tpu.memory_space<hbm>>) dst(%arg6 : memref<16xi32, #tpu.memory_space<vmem>>)
      tpu.yield
    }) : () -> ()
    "tpu.region"() ({
      %run_scoped3A = tpu.sem_alloc : memref<!tpu.dma_semaphore, #tpu.memory_space<semaphore_mem>>
      %dma_start3A_154 = arith.constant 0 : i32
      %dma_start3A_155 = tpu.memref_slice %arg3[%add3A, %dma_start3A_154] : memref<32x16xf32, #tpu.memory_space<hbm>> -> memref<1x16xf32, #tpu.memory_space<hbm>>
      %dma_start3A_156 = tpu.memref_squeeze %dma_start3A_155 : memref<1x16xf32, #tpu.memory_space<hbm>> -> memref<16xf32, #tpu.memory_space<hbm>>
      %dma_start3A_157 = arith.constant 0 : i32
      %dma_start3A_158 = tpu.memref_slice %arg3[%add3A, %dma_start3A_157] : memref<32x16xf32, #tpu.memory_space<hbm>> -> memref<1x16xf32, #tpu.memory_space<hbm>>
      %dma_start3A_159 = tpu.memref_squeeze %dma_start3A_158 : memref<1x16xf32, #tpu.memory_space<hbm>> -> memref<16xf32, #tpu.memory_space<hbm>>
      tpu.enqueue_dma source(%dma_start3A_159 : memref<16xf32, #tpu.memory_space<hbm>>) target(%arg7 : memref<16xf32, #tpu.memory_space<vmem>>) target_semaphore(%run_scoped3A : memref<!tpu.dma_semaphore, #tpu.memory_space<semaphore_mem>>)
      %dma_wait3A_160 = arith.constant 0 : i32
      %dma_wait3A_161 = tpu.memref_slice %arg3[%add3A, %dma_wait3A_160] : memref<32x16xf32, #tpu.memory_space<hbm>> -> memref<1x16xf32, #tpu.memory_space<hbm>>
      %dma_wait3A_162 = tpu.memref_squeeze %dma_wait3A_161 : memref<1x16xf32, #tpu.memory_space<hbm>> -> memref<16xf32, #tpu.memory_space<hbm>>
      %dma_wait3A_163 = arith.constant 0 : i32
      %dma_wait3A_164 = tpu.memref_slice %arg3[%add3A, %dma_wait3A_163] : memref<32x16xf32, #tpu.memory_space<hbm>> -> memref<1x16xf32, #tpu.memory_space<hbm>>
      %dma_wait3A_165 = tpu.memref_squeeze %dma_wait3A_164 : memref<1x16xf32, #tpu.memory_space<hbm>> -> memref<16xf32, #tpu.memory_space<hbm>>
      tpu.wait_dma2 semaphore(%run_scoped3A : memref<!tpu.dma_semaphore, #tpu.memory_space<semaphore_mem>>) src(%dma_wait3A_165 : memref<16xf32, #tpu.memory_space<hbm>>) dst(%arg7 : memref<16xf32, #tpu.memory_space<vmem>>)
      tpu.yield
    }) : () -> ()
    %iota3A = tpu.iota {dimensions = array<i32: 0>} : vector<16xi32>
    %lt3A = arith.constant 8 : i32
    %lt3A_1 = vector.broadcast %lt3A : i32 to vector<16xi32>
    %lt3A_2 = arith.cmpi slt, %iota3A, %lt3A_1 : vector<16xi32>
    %get3A = arith.constant 0 : index
    %get3A_3 = tpu.vector_load %arg6[%get3A] {strides = array<i32>} : memref<16xi32, #tpu.memory_space<vmem>>, vector<16xi32>,
    %get3A_4 = vector.shape_cast %get3A_3 : vector<16xi32> to vector<16xi32>
    %jit3A = arith.constant 0 : i32
    %broadcast_in_dim3A = vector.broadcast %jit3A : i32 to vector<16xi32>
    %select_n3A = arith.select %lt3A_2, %get3A_4, %broadcast_in_dim3A : vector<16xi1>, vector<16xi32>
    %swap3A = arith.constant 0 : i32
    %swap3A_5 = arith.index_cast %swap3A : i32 to index
    %swap3A_6 = arith.constant 0 : index
    %swap3A_7 = tpu.vector_load %arg8[%swap3A_5, %swap3A_6] {strides = array<i32>} : memref<1x16xi32, #tpu.memory_space<vmem>>, vector<1x16xi32>,
    %swap3A_8 = vector.shape_cast %swap3A_7 : vector<1x16xi32> to vector<16xi32>
    %swap3A_9 = vector.shape_cast %select_n3A : vector<16xi32> to vector<1x16xi32>
    tpu.vector_store %arg8[%swap3A_5, %swap3A_6], %swap3A_9 {strides = array<i32>} : memref<1x16xi32, #tpu.memory_space<vmem>>, vector<1x16xi32>,
    %get3A_10 = arith.constant 0 : index
    %get3A_11 = tpu.vector_load %arg7[%get3A_10] {strides = array<i32>} : memref<16xf32, #tpu.memory_space<vmem>>, vector<16xf32>,
    %get3A_12 = vector.shape_cast %get3A_11 : vector<16xf32> to vector<16xf32>
    %slice3A = vector.extract_strided_slice %get3A_12 {offsets = [0], sizes = [1], strides = [1]} : vector<16xf32> to vector<1xf32>
    %squeeze3A = vector.extract %slice3A[0] : f32 from vector<1xf32>
    %slice3A_13 = vector.extract_strided_slice %get3A_12 {offsets = [1], sizes = [1], strides = [1]} : vector<16xf32> to vector<1xf32>
    %squeeze3A_14 = vector.extract %slice3A_13[0] : f32 from vector<1xf32>
    %slice3A_15 = vector.extract_strided_slice %get3A_12 {offsets = [2], sizes = [1], strides = [1]} : vector<16xf32> to vector<1xf32>
    %squeeze3A_16 = vector.extract %slice3A_15[0] : f32 from vector<1xf32>
    %slice3A_17 = vector.extract_strided_slice %get3A_12 {offsets = [3], sizes = [1], strides = [1]} : vector<16xf32> to vector<1xf32>
    %squeeze3A_18 = vector.extract %slice3A_17[0] : f32 from vector<1xf32>
    %slice3A_19 = vector.extract_strided_slice %get3A_12 {offsets = [4], sizes = [1], strides = [1]} : vector<16xf32> to vector<1xf32>
    %squeeze3A_20 = vector.extract %slice3A_19[0] : f32 from vector<1xf32>
    %slice3A_21 = vector.extract_strided_slice %get3A_12 {offsets = [5], sizes = [1], strides = [1]} : vector<16xf32> to vector<1xf32>
    %squeeze3A_22 = vector.extract %slice3A_21[0] : f32 from vector<1xf32>
    %slice3A_23 = vector.extract_strided_slice %get3A_12 {offsets = [6], sizes = [1], strides = [1]} : vector<16xf32> to vector<1xf32>
    %squeeze3A_24 = vector.extract %slice3A_23[0] : f32 from vector<1xf32>
    %slice3A_25 = vector.extract_strided_slice %get3A_12 {offsets = [7], sizes = [1], strides = [1]} : vector<16xf32> to vector<1xf32>
    %squeeze3A_26 = vector.extract %slice3A_25[0] : f32 from vector<1xf32>
    %dma_start3A = arith.constant 0 : i32
    %dma_start3A_27 = arith.constant 0 : i32
    %dma_start3A_28 = arith.constant 0 : i32
    %dma_start3A_29 = arith.constant 0 : i32
    %dma_start3A_30 = arith.constant 0 : i32
    %dma_start3A_31 = tpu.memref_slice %arg9[%dma_start3A_27, %dma_start3A_28, %dma_start3A_29, %dma_start3A_30] : memref<4x8x4x768xf32, #tpu.memory_space<vmem>> -> memref<1x8x4x768xf32, #tpu.memory_space<vmem>>
    %dma_start3A_32 = tpu.memref_squeeze %dma_start3A_31 : memref<1x8x4x768xf32, #tpu.memory_space<vmem>> -> memref<8x4x768xf32, #tpu.memory_space<vmem>>
    %dma_start3A_33 = arith.constant 0 : i32
    %dma_start3A_34 = tpu.memref_slice %arg8[%dma_start3A, %dma_start3A_33] : memref<1x16xi32, #tpu.memory_space<vmem>> -> memref<1x8xi32, #tpu.memory_space<vmem>>
    %dma_start3A_35 = tpu.memref_squeeze %dma_start3A_34 : memref<1x8xi32, #tpu.memory_space<vmem>> -> memref<8xi32, #tpu.memory_space<vmem>>
    %dma_start3A_36 = arith.constant 0 : i32
    %dma_start3A_37 = arith.constant 0 : i32
    %dma_start3A_38 = arith.constant 0 : i32
    %dma_start3A_39 = tpu.memref_slice %arg4[%dma_start3A_36, %dma_start3A_37, %dma_start3A_38] : memref<200x256x768xf32, #tpu.memory_space<hbm>> -> memref<200x4x768xf32, #tpu.memory_space<hbm>>
    tpu.enqueue_indirect_dma source(%dma_start3A_39 : memref<200x4x768xf32, #tpu.memory_space<hbm>>) target(%dma_start3A_32 : memref<8x4x768xf32, #tpu.memory_space<vmem>>) offsets(%dma_start3A_35 : memref<8xi32, #tpu.memory_space<vmem>>) semaphore(%arg11 : memref<!tpu.dma_semaphore, #tpu.memory_space<semaphore_mem>>)
    %dma_start3A_40 = arith.constant 0 : i32
    %dma_start3A_41 = arith.constant 1 : i32
    %dma_start3A_42 = arith.constant 0 : i32
    %dma_start3A_43 = arith.constant 0 : i32
    %dma_start3A_44 = arith.constant 0 : i32
    %dma_start3A_45 = tpu.memref_slice %arg9[%dma_start3A_41, %dma_start3A_42, %dma_start3A_43, %dma_start3A_44] : memref<4x8x4x768xf32, #tpu.memory_space<vmem>> -> memref<1x8x4x768xf32, #tpu.memory_space<vmem>>
    %dma_start3A_46 = tpu.memref_squeeze %dma_start3A_45 : memref<1x8x4x768xf32, #tpu.memory_space<vmem>> -> memref<8x4x768xf32, #tpu.memory_space<vmem>>
    %dma_start3A_47 = arith.constant 0 : i32
    %dma_start3A_48 = tpu.memref_slice %arg8[%dma_start3A_40, %dma_start3A_47] : memref<1x16xi32, #tpu.memory_space<vmem>> -> memref<1x8xi32, #tpu.memory_space<vmem>>
    %dma_start3A_49 = tpu.memref_squeeze %dma_start3A_48 : memref<1x8xi32, #tpu.memory_space<vmem>> -> memref<8xi32, #tpu.memory_space<vmem>>
    %dma_start3A_50 = arith.constant 0 : i32
    %dma_start3A_51 = arith.constant 4 : i32
    %dma_start3A_52 = arith.constant 0 : i32
    %dma_start3A_53 = tpu.memref_slice %arg4[%dma_start3A_50, %dma_start3A_51, %dma_start3A_52] : memref<200x256x768xf32, #tpu.memory_space<hbm>> -> memref<200x4x768xf32, #tpu.memory_space<hbm>>
    tpu.enqueue_indirect_dma source(%dma_start3A_53 : memref<200x4x768xf32, #tpu.memory_space<hbm>>) target(%dma_start3A_46 : memref<8x4x768xf32, #tpu.memory_space<vmem>>) offsets(%dma_start3A_49 : memref<8xi32, #tpu.memory_space<vmem>>) semaphore(%arg12 : memref<!tpu.dma_semaphore, #tpu.memory_space<semaphore_mem>>)
    %dma_start3A_54 = arith.constant 0 : i32
    %dma_start3A_55 = arith.constant 2 : i32
    %dma_start3A_56 = arith.constant 0 : i32
    %dma_start3A_57 = arith.constant 0 : i32
    %dma_start3A_58 = arith.constant 0 : i32
    %dma_start3A_59 = tpu.memref_slice %arg9[%dma_start3A_55, %dma_start3A_56, %dma_start3A_57, %dma_start3A_58] : memref<4x8x4x768xf32, #tpu.memory_space<vmem>> -> memref<1x8x4x768xf32, #tpu.memory_space<vmem>>
    %dma_start3A_60 = tpu.memref_squeeze %dma_start3A_59 : memref<1x8x4x768xf32, #tpu.memory_space<vmem>> -> memref<8x4x768xf32, #tpu.memory_space<vmem>>
    %dma_start3A_61 = arith.constant 0 : i32
    %dma_start3A_62 = tpu.memref_slice %arg8[%dma_start3A_54, %dma_start3A_61] : memref<1x16xi32, #tpu.memory_space<vmem>> -> memref<1x8xi32, #tpu.memory_space<vmem>>
    %dma_start3A_63 = tpu.memref_squeeze %dma_start3A_62 : memref<1x8xi32, #tpu.memory_space<vmem>> -> memref<8xi32, #tpu.memory_space<vmem>>
    %dma_start3A_64 = arith.constant 0 : i32
    %dma_start3A_65 = arith.constant 8 : i32
    %dma_start3A_66 = arith.constant 0 : i32
    %dma_start3A_67 = tpu.memref_slice %arg4[%dma_start3A_64, %dma_start3A_65, %dma_start3A_66] : memref<200x256x768xf32, #tpu.memory_space<hbm>> -> memref<200x4x768xf32, #tpu.memory_space<hbm>>
    tpu.enqueue_indirect_dma source(%dma_start3A_67 : memref<200x4x768xf32, #tpu.memory_space<hbm>>) target(%dma_start3A_60 : memref<8x4x768xf32, #tpu.memory_space<vmem>>) offsets(%dma_start3A_63 : memref<8xi32, #tpu.memory_space<vmem>>) semaphore(%arg13 : memref<!tpu.dma_semaphore, #tpu.memory_space<semaphore_mem>>)
    %dma_start3A_68 = arith.constant 0 : i32
    %dma_start3A_69 = arith.constant 3 : i32
    %dma_start3A_70 = arith.constant 0 : i32
    %dma_start3A_71 = arith.constant 0 : i32
    %dma_start3A_72 = arith.constant 0 : i32
    %dma_start3A_73 = tpu.memref_slice %arg9[%dma_start3A_69, %dma_start3A_70, %dma_start3A_71, %dma_start3A_72] : memref<4x8x4x768xf32, #tpu.memory_space<vmem>> -> memref<1x8x4x768xf32, #tpu.memory_space<vmem>>
    %dma_start3A_74 = tpu.memref_squeeze %dma_start3A_73 : memref<1x8x4x768xf32, #tpu.memory_space<vmem>> -> memref<8x4x768xf32, #tpu.memory_space<vmem>>
    %dma_start3A_75 = arith.constant 0 : i32
    %dma_start3A_76 = tpu.memref_slice %arg8[%dma_start3A_68, %dma_start3A_75] : memref<1x16xi32, #tpu.memory_space<vmem>> -> memref<1x8xi32, #tpu.memory_space<vmem>>
    %dma_start3A_77 = tpu.memref_squeeze %dma_start3A_76 : memref<1x8xi32, #tpu.memory_space<vmem>> -> memref<8xi32, #tpu.memory_space<vmem>>
    %dma_start3A_78 = arith.constant 0 : i32
    %dma_start3A_79 = arith.constant 12 : i32
    %dma_start3A_80 = arith.constant 0 : i32
    %dma_start3A_81 = tpu.memref_slice %arg4[%dma_start3A_78, %dma_start3A_79, %dma_start3A_80] : memref<200x256x768xf32, #tpu.memory_space<hbm>> -> memref<200x4x768xf32, #tpu.memory_space<hbm>>
    tpu.enqueue_indirect_dma source(%dma_start3A_81 : memref<200x4x768xf32, #tpu.memory_space<hbm>>) target(%dma_start3A_74 : memref<8x4x768xf32, #tpu.memory_space<vmem>>) offsets(%dma_start3A_77 : memref<8xi32, #tpu.memory_space<vmem>>) semaphore(%arg14 : memref<!tpu.dma_semaphore, #tpu.memory_space<semaphore_mem>>)
    %scan3A = arith.constant 0 : i32
    %scan3A_82 = arith.constant 0 : i32
    %scan3A_83 = arith.constant 16 : i32
    %scan3A_84 = arith.addi %scan3A_82, %scan3A_83 : i32
    %scan3A_85 = arith.constant 1 : i32
    scf.for %scan3A_154 = %scan3A_82 to %scan3A_84 step %scan3A_85  : i32 {
      %mul3A_155 = arith.constant 4 : i32
      %mul3A_156 = arith.muli %mul3A_155, %scan3A_154 : i32
      %add3A_157 = arith.constant 0 : i32
      %add3A_158 = arith.addi %mul3A_156, %add3A_157 : i32
      %mul3A_159 = arith.constant 4 : i32
      %mul3A_160 = arith.muli %add3A_158, %mul3A_159 : i32
      %dma_wait3A_161 = arith.constant 0 : i32
      %dma_wait3A_162 = arith.constant 0 : i32
      %dma_wait3A_163 = arith.constant 0 : i32
      %dma_wait3A_164 = arith.constant 0 : i32
      %dma_wait3A_165 = arith.constant 0 : i32
      %dma_wait3A_166 = tpu.memref_slice %arg9[%dma_wait3A_162, %dma_wait3A_163, %dma_wait3A_164, %dma_wait3A_165] : memref<4x8x4x768xf32, #tpu.memory_space<vmem>> -> memref<1x8x4x768xf32, #tpu.memory_space<vmem>>
      %dma_wait3A_167 = tpu.memref_squeeze %dma_wait3A_166 : memref<1x8x4x768xf32, #tpu.memory_space<vmem>> -> memref<8x4x768xf32, #tpu.memory_space<vmem>>
      %dma_wait3A_168 = arith.constant 0 : i32
      %dma_wait3A_169 = tpu.memref_slice %arg8[%dma_wait3A_161, %dma_wait3A_168] : memref<1x16xi32, #tpu.memory_space<vmem>> -> memref<1x8xi32, #tpu.memory_space<vmem>>
      %dma_wait3A_170 = tpu.memref_squeeze %dma_wait3A_169 : memref<1x8xi32, #tpu.memory_space<vmem>> -> memref<8xi32, #tpu.memory_space<vmem>>
      %dma_wait3A_171 = arith.constant 0 : i32
      %dma_wait3A_172 = arith.constant 0 : i32
      %dma_wait3A_173 = tpu.memref_slice %arg4[%dma_wait3A_171, %mul3A_160, %dma_wait3A_172] : memref<200x256x768xf32, #tpu.memory_space<hbm>> -> memref<200x4x768xf32, #tpu.memory_space<hbm>>
      tpu.wait_indirect_dma semaphore(%arg11 : memref<!tpu.dma_semaphore, #tpu.memory_space<semaphore_mem>>) src(%dma_wait3A_173 : memref<200x4x768xf32, #tpu.memory_space<hbm>>) dst(%dma_wait3A_167 : memref<8x4x768xf32, #tpu.memory_space<vmem>>)
      %gt3A = arith.constant 0 : i32
      %gt3A_174 = arith.cmpi sgt, %scan3A_154, %gt3A : i32
      %convert_element_type3A = arith.extui %gt3A_174 : i1 to i32
      %cond3A = arith.constant 0 : i32
      %cond3A_175 = arith.cmpi ne, %convert_element_type3A, %cond3A : i32
      scf.if %cond3A_175 {
        %sub3A = arith.constant 4 : i32
        %sub3A_360 = arith.subi %add3A_158, %sub3A : i32
        %mul3A_361 = arith.constant 4 : i32
        %mul3A_362 = arith.muli %sub3A_360, %mul3A_361 : i32
        %dma_wait3A_363 = arith.constant 0 : i32
        %dma_wait3A_364 = arith.constant 0 : i32
        %dma_wait3A_365 = arith.constant 0 : i32
        %dma_wait3A_366 = tpu.memref_slice %arg10[%dma_wait3A_363, %dma_wait3A_364, %dma_wait3A_365] : memref<4x4x768xf32, #tpu.memory_space<vmem>> -> memref<1x4x768xf32, #tpu.memory_space<vmem>>
        %dma_wait3A_367 = tpu.memref_squeeze %dma_wait3A_366 : memref<1x4x768xf32, #tpu.memory_space<vmem>> -> memref<4x768xf32, #tpu.memory_space<vmem>>
        %dma_wait3A_368 = arith.constant 0 : i32
        %dma_wait3A_369 = tpu.memref_slice %arg5[%add3A, %mul3A_362, %dma_wait3A_368] : memref<32x256x768xf32, #tpu.memory_space<hbm>> -> memref<1x4x768xf32, #tpu.memory_space<hbm>>
        %dma_wait3A_370 = tpu.memref_squeeze %dma_wait3A_369 : memref<1x4x768xf32, #tpu.memory_space<hbm>> -> memref<4x768xf32, #tpu.memory_space<hbm>>
        %dma_wait3A_371 = arith.constant 0 : i32
        %dma_wait3A_372 = tpu.memref_slice %arg5[%add3A, %mul3A_362, %dma_wait3A_371] : memref<32x256x768xf32, #tpu.memory_space<hbm>> -> memref<1x4x768xf32, #tpu.memory_space<hbm>>
        %dma_wait3A_373 = tpu.memref_squeeze %dma_wait3A_372 : memref<1x4x768xf32, #tpu.memory_space<hbm>> -> memref<4x768xf32, #tpu.memory_space<hbm>>
        %dma_wait3A_374 = arith.constant 0 : i32
        %dma_wait3A_375 = arith.constant 0 : i32
        %dma_wait3A_376 = tpu.memref_slice %arg10[%dma_wait3A_363, %dma_wait3A_374, %dma_wait3A_375] : memref<4x4x768xf32, #tpu.memory_space<vmem>> -> memref<1x4x768xf32, #tpu.memory_space<vmem>>
        %dma_wait3A_377 = tpu.memref_squeeze %dma_wait3A_376 : memref<1x4x768xf32, #tpu.memory_space<vmem>> -> memref<4x768xf32, #tpu.memory_space<vmem>>
        tpu.wait_dma2 semaphore(%arg15 : memref<!tpu.dma_semaphore, #tpu.memory_space<semaphore_mem>>) src(%dma_wait3A_377 : memref<4x768xf32, #tpu.memory_space<vmem>>) dst(%dma_wait3A_373 : memref<4x768xf32, #tpu.memory_space<hbm>>)
      } else {
      }
      %scan3A_176 = arith.constant 0 : i32
      %scan3A_177 = arith.constant 0 : i32
      %scan3A_178 = arith.constant 4 : i32
      %scan3A_179 = arith.addi %scan3A_177, %scan3A_178 : i32
      %scan3A_180 = arith.constant 1 : i32
      scf.for %scan3A_360 = %scan3A_177 to %scan3A_179 step %scan3A_180  : i32 {
        %scan3A_361 = arith.constant 0 : i32
        %scan3A_362 = arith.constant 0 : i32
        %scan3A_363 = arith.constant 48 : i32
        %scan3A_364 = arith.addi %scan3A_362, %scan3A_363 : i32
        %scan3A_365 = arith.constant 8 : i32
        scf.for %scan3A_367 = %scan3A_362 to %scan3A_364 step %scan3A_365  : i32 {
          %mul3A_368 = arith.constant 16 : i32
          %mul3A_369 = arith.muli %scan3A_367, %mul3A_368 : i32
          %get3A_370 = arith.constant 0 : i32
          %get3A_371 = arith.constant 0 : i32
          %get3A_372 = arith.index_cast %get3A_370 : i32 to index
          %get3A_373 = arith.index_cast %get3A_371 : i32 to index
          %get3A_374 = arith.index_cast %scan3A_360 : i32 to index
          %get3A_375 = arith.index_cast %mul3A_369 : i32 to index
          %get3A_376 = tpu.vector_load %arg9[%get3A_372, %get3A_373, %get3A_374, %get3A_375] {strides = array<i32>} : memref<4x8x4x768xf32, #tpu.memory_space<vmem>>, vector<1x1x1x16xf32>,
          %get3A_377 = vector.shape_cast %get3A_376 : vector<1x1x1x16xf32> to vector<16xf32>
          %mul3A_378 = vector.broadcast %squeeze3A : f32 to vector<16xf32>
          %mul3A_379 = arith.mulf %get3A_377, %mul3A_378 : vector<16xf32>
          %get3A_380 = arith.constant 0 : i32
          %get3A_381 = arith.constant 1 : i32
          %get3A_382 = arith.index_cast %get3A_380 : i32 to index
          %get3A_383 = arith.index_cast %get3A_381 : i32 to index
          %get3A_384 = arith.index_cast %scan3A_360 : i32 to index
          %get3A_385 = arith.index_cast %mul3A_369 : i32 to index
          %get3A_386 = tpu.vector_load %arg9[%get3A_382, %get3A_383, %get3A_384, %get3A_385] {strides = array<i32>} : memref<4x8x4x768xf32, #tpu.memory_space<vmem>>, vector<1x1x1x16xf32>,
          %get3A_387 = vector.shape_cast %get3A_386 : vector<1x1x1x16xf32> to vector<16xf32>
          %mul3A_388 = vector.broadcast %squeeze3A_14 : f32 to vector<16xf32>
          %mul3A_389 = arith.mulf %get3A_387, %mul3A_388 : vector<16xf32>
          %add3A_390 = arith.addf %mul3A_379, %mul3A_389 : vector<16xf32>
          %get3A_391 = arith.constant 0 : i32
          %get3A_392 = arith.constant 2 : i32
          %get3A_393 = arith.index_cast %get3A_391 : i32 to index
          %get3A_394 = arith.index_cast %get3A_392 : i32 to index
          %get3A_395 = arith.index_cast %scan3A_360 : i32 to index
          %get3A_396 = arith.index_cast %mul3A_369 : i32 to index
          %get3A_397 = tpu.vector_load %arg9[%get3A_393, %get3A_394, %get3A_395, %get3A_396] {strides = array<i32>} : memref<4x8x4x768xf32, #tpu.memory_space<vmem>>, vector<1x1x1x16xf32>,
          %get3A_398 = vector.shape_cast %get3A_397 : vector<1x1x1x16xf32> to vector<16xf32>
          %mul3A_399 = vector.broadcast %squeeze3A_16 : f32 to vector<16xf32>
          %mul3A_400 = arith.mulf %get3A_398, %mul3A_399 : vector<16xf32>
          %add3A_401 = arith.addf %add3A_390, %mul3A_400 : vector<16xf32>
          %get3A_402 = arith.constant 0 : i32
          %get3A_403 = arith.constant 3 : i32
          %get3A_404 = arith.index_cast %get3A_402 : i32 to index
          %get3A_405 = arith.index_cast %get3A_403 : i32 to index
          %get3A_406 = arith.index_cast %scan3A_360 : i32 to index
          %get3A_407 = arith.index_cast %mul3A_369 : i32 to index
          %get3A_408 = tpu.vector_load %arg9[%get3A_404, %get3A_405, %get3A_406, %get3A_407] {strides = array<i32>} : memref<4x8x4x768xf32, #tpu.memory_space<vmem>>, vector<1x1x1x16xf32>,
          %get3A_409 = vector.shape_cast %get3A_408 : vector<1x1x1x16xf32> to vector<16xf32>
          %mul3A_410 = vector.broadcast %squeeze3A_18 : f32 to vector<16xf32>
          %mul3A_411 = arith.mulf %get3A_409, %mul3A_410 : vector<16xf32>
          %add3A_412 = arith.addf %add3A_401, %mul3A_411 : vector<16xf32>
          %get3A_413 = arith.constant 0 : i32
          %get3A_414 = arith.constant 4 : i32
          %get3A_415 = arith.index_cast %get3A_413 : i32 to index
          %get3A_416 = arith.index_cast %get3A_414 : i32 to index
          %get3A_417 = arith.index_cast %scan3A_360 : i32 to index
          %get3A_418 = arith.index_cast %mul3A_369 : i32 to index
          %get3A_419 = tpu.vector_load %arg9[%get3A_415, %get3A_416, %get3A_417, %get3A_418] {strides = array<i32>} : memref<4x8x4x768xf32, #tpu.memory_space<vmem>>, vector<1x1x1x16xf32>,
          %get3A_420 = vector.shape_cast %get3A_419 : vector<1x1x1x16xf32> to vector<16xf32>
          %mul3A_421 = vector.broadcast %squeeze3A_20 : f32 to vector<16xf32>
          %mul3A_422 = arith.mulf %get3A_420, %mul3A_421 : vector<16xf32>
          %add3A_423 = arith.addf %add3A_412, %mul3A_422 : vector<16xf32>
          %get3A_424 = arith.constant 0 : i32
          %get3A_425 = arith.constant 5 : i32
          %get3A_426 = arith.index_cast %get3A_424 : i32 to index
          %get3A_427 = arith.index_cast %get3A_425 : i32 to index
          %get3A_428 = arith.index_cast %scan3A_360 : i32 to index
          %get3A_429 = arith.index_cast %mul3A_369 : i32 to index
          %get3A_430 = tpu.vector_load %arg9[%get3A_426, %get3A_427, %get3A_428, %get3A_429] {strides = array<i32>} : memref<4x8x4x768xf32, #tpu.memory_space<vmem>>, vector<1x1x1x16xf32>,
          %get3A_431 = vector.shape_cast %get3A_430 : vector<1x1x1x16xf32> to vector<16xf32>
          %mul3A_432 = vector.broadcast %squeeze3A_22 : f32 to vector<16xf32>
          %mul3A_433 = arith.mulf %get3A_431, %mul3A_432 : vector<16xf32>
          %add3A_434 = arith.addf %add3A_423, %mul3A_433 : vector<16xf32>
          %get3A_435 = arith.constant 0 : i32
          %get3A_436 = arith.constant 6 : i32
          %get3A_437 = arith.index_cast %get3A_435 : i32 to index
          %get3A_438 = arith.index_cast %get3A_436 : i32 to index
          %get3A_439 = arith.index_cast %scan3A_360 : i32 to index
          %get3A_440 = arith.index_cast %mul3A_369 : i32 to index
          %get3A_441 = tpu.vector_load %arg9[%get3A_437, %get3A_438, %get3A_439, %get3A_440] {strides = array<i32>} : memref<4x8x4x768xf32, #tpu.memory_space<vmem>>, vector<1x1x1x16xf32>,
          %get3A_442 = vector.shape_cast %get3A_441 : vector<1x1x1x16xf32> to vector<16xf32>
          %mul3A_443 = vector.broadcast %squeeze3A_24 : f32 to vector<16xf32>
          %mul3A_444 = arith.mulf %get3A_442, %mul3A_443 : vector<16xf32>
          %add3A_445 = arith.addf %add3A_434, %mul3A_444 : vector<16xf32>
          %get3A_446 = arith.constant 0 : i32
          %get3A_447 = arith.constant 7 : i32
          %get3A_448 = arith.index_cast %get3A_446 : i32 to index
          %get3A_449 = arith.index_cast %get3A_447 : i32 to index
          %get3A_450 = arith.index_cast %scan3A_360 : i32 to index
          %get3A_451 = arith.index_cast %mul3A_369 : i32 to index
          %get3A_452 = tpu.vector_load %arg9[%get3A_448, %get3A_449, %get3A_450, %get3A_451] {strides = array<i32>} : memref<4x8x4x768xf32, #tpu.memory_space<vmem>>, vector<1x1x1x16xf32>,
          %get3A_453 = vector.shape_cast %get3A_452 : vector<1x1x1x16xf32> to vector<16xf32>
          %mul3A_454 = vector.broadcast %squeeze3A_26 : f32 to vector<16xf32>
          %mul3A_455 = arith.mulf %get3A_453, %mul3A_454 : vector<16xf32>
          %add3A_456 = arith.addf %add3A_445, %mul3A_455 : vector<16xf32>
          %swap3A_457 = arith.constant 0 : i32
          %swap3A_458 = arith.index_cast %swap3A_457 : i32 to index
          %swap3A_459 = arith.index_cast %scan3A_360 : i32 to index
          %swap3A_460 = arith.index_cast %mul3A_369 : i32 to index
          %swap3A_461 = tpu.vector_load %arg10[%swap3A_458, %swap3A_459, %swap3A_460] {strides = array<i32>} : memref<4x4x768xf32, #tpu.memory_space<vmem>>, vector<1x1x16xf32>,
          %swap3A_462 = vector.shape_cast %swap3A_461 : vector<1x1x16xf32> to vector<16xf32>
          %swap3A_463 = vector.shape_cast %add3A_456 : vector<16xf32> to vector<1x1x16xf32>
          tpu.vector_store %arg10[%swap3A_458, %swap3A_459, %swap3A_460], %swap3A_463 {strides = array<i32>} : memref<4x4x768xf32, #tpu.memory_space<vmem>>, vector<1x1x16xf32>,
          %scan3A_464 = arith.constant 1 : i32
          %scan3A_465 = arith.addi %scan3A_367, %scan3A_464 : i32
          %mul3A_466 = arith.constant 16 : i32
          %mul3A_467 = arith.muli %scan3A_465, %mul3A_466 : i32
          %get3A_468 = arith.constant 0 : i32
          %get3A_469 = arith.constant 0 : i32
          %get3A_470 = arith.index_cast %get3A_468 : i32 to index
          %get3A_471 = arith.index_cast %get3A_469 : i32 to index
          %get3A_472 = arith.index_cast %scan3A_360 : i32 to index
          %get3A_473 = arith.index_cast %mul3A_467 : i32 to index
          %get3A_474 = tpu.vector_load %arg9[%get3A_470, %get3A_471, %get3A_472, %get3A_473] {strides = array<i32>} : memref<4x8x4x768xf32, #tpu.memory_space<vmem>>, vector<1x1x1x16xf32>,
          %get3A_475 = vector.shape_cast %get3A_474 : vector<1x1x1x16xf32> to vector<16xf32>
          %mul3A_476 = vector.broadcast %squeeze3A : f32 to vector<16xf32>
          %mul3A_477 = arith.mulf %get3A_475, %mul3A_476 : vector<16xf32>
          %get3A_478 = arith.constant 0 : i32
          %get3A_479 = arith.constant 1 : i32
          %get3A_480 = arith.index_cast %get3A_478 : i32 to index
          %get3A_481 = arith.index_cast %get3A_479 : i32 to index
          %get3A_482 = arith.index_cast %scan3A_360 : i32 to index
          %get3A_483 = arith.index_cast %mul3A_467 : i32 to index
          %get3A_484 = tpu.vector_load %arg9[%get3A_480, %get3A_481, %get3A_482, %get3A_483] {strides = array<i32>} : memref<4x8x4x768xf32, #tpu.memory_space<vmem>>, vector<1x1x1x16xf32>,
          %get3A_485 = vector.shape_cast %get3A_484 : vector<1x1x1x16xf32> to vector<16xf32>
          %mul3A_486 = vector.broadcast %squeeze3A_14 : f32 to vector<16xf32>
          %mul3A_487 = arith.mulf %get3A_485, %mul3A_486 : vector<16xf32>
          %add3A_488 = arith.addf %mul3A_477, %mul3A_487 : vector<16xf32>
          %get3A_489 = arith.constant 0 : i32
          %get3A_490 = arith.constant 2 : i32
          %get3A_491 = arith.index_cast %get3A_489 : i32 to index
          %get3A_492 = arith.index_cast %get3A_490 : i32 to index
          %get3A_493 = arith.index_cast %scan3A_360 : i32 to index
          %get3A_494 = arith.index_cast %mul3A_467 : i32 to index
          %get3A_495 = tpu.vector_load %arg9[%get3A_491, %get3A_492, %get3A_493, %get3A_494] {strides = array<i32>} : memref<4x8x4x768xf32, #tpu.memory_space<vmem>>, vector<1x1x1x16xf32>,
          %get3A_496 = vector.shape_cast %get3A_495 : vector<1x1x1x16xf32> to vector<16xf32>
          %mul3A_497 = vector.broadcast %squeeze3A_16 : f32 to vector<16xf32>
          %mul3A_498 = arith.mulf %get3A_496, %mul3A_497 : vector<16xf32>
          %add3A_499 = arith.addf %add3A_488, %mul3A_498 : vector<16xf32>
          %get3A_500 = arith.constant 0 : i32
          %get3A_501 = arith.constant 3 : i32
          %get3A_502 = arith.index_cast %get3A_500 : i32 to index
          %get3A_503 = arith.index_cast %get3A_501 : i32 to index
          %get3A_504 = arith.index_cast %scan3A_360 : i32 to index
          %get3A_505 = arith.index_cast %mul3A_467 : i32 to index
          %get3A_506 = tpu.vector_load %arg9[%get3A_502, %get3A_503, %get3A_504, %get3A_505] {strides = array<i32>} : memref<4x8x4x768xf32, #tpu.memory_space<vmem>>, vector<1x1x1x16xf32>,
          %get3A_507 = vector.shape_cast %get3A_506 : vector<1x1x1x16xf32> to vector<16xf32>
          %mul3A_508 = vector.broadcast %squeeze3A_18 : f32 to vector<16xf32>
          %mul3A_509 = arith.mulf %get3A_507, %mul3A_508 : vector<16xf32>
          %add3A_510 = arith.addf %add3A_499, %mul3A_509 : vector<16xf32>
          %get3A_511 = arith.constant 0 : i32
          %get3A_512 = arith.constant 4 : i32
          %get3A_513 = arith.index_cast %get3A_511 : i32 to index
          %get3A_514 = arith.index_cast %get3A_512 : i32 to index
          %get3A_515 = arith.index_cast %scan3A_360 : i32 to index
          %get3A_516 = arith.index_cast %mul3A_467 : i32 to index
          %get3A_517 = tpu.vector_load %arg9[%get3A_513, %get3A_514, %get3A_515, %get3A_516] {strides = array<i32>} : memref<4x8x4x768xf32, #tpu.memory_space<vmem>>, vector<1x1x1x16xf32>,
          %get3A_518 = vector.shape_cast %get3A_517 : vector<1x1x1x16xf32> to vector<16xf32>
          %mul3A_519 = vector.broadcast %squeeze3A_20 : f32 to vector<16xf32>
          %mul3A_520 = arith.mulf %get3A_518, %mul3A_519 : vector<16xf32>
          %add3A_521 = arith.addf %add3A_510, %mul3A_520 : vector<16xf32>
          %get3A_522 = arith.constant 0 : i32
          %get3A_523 = arith.constant 5 : i32
          %get3A_524 = arith.index_cast %get3A_522 : i32 to index
          %get3A_525 = arith.index_cast %get3A_523 : i32 to index
          %get3A_526 = arith.index_cast %scan3A_360 : i32 to index
          %get3A_527 = arith.index_cast %mul3A_467 : i32 to index
          %get3A_528 = tpu.vector_load %arg9[%get3A_524, %get3A_525, %get3A_526, %get3A_527] {strides = array<i32>} : memref<4x8x4x768xf32, #tpu.memory_space<vmem>>, vector<1x1x1x16xf32>,
          %get3A_529 = vector.shape_cast %get3A_528 : vector<1x1x1x16xf32> to vector<16xf32>
          %mul3A_530 = vector.broadcast %squeeze3A_22 : f32 to vector<16xf32>
          %mul3A_531 = arith.mulf %get3A_529, %mul3A_530 : vector<16xf32>
          %add3A_532 = arith.addf %add3A_521, %mul3A_531 : vector<16xf32>
          %get3A_533 = arith.constant 0 : i32
          %get3A_534 = arith.constant 6 : i32
          %get3A_535 = arith.index_cast %get3A_533 : i32 to index
          %get3A_536 = arith.index_cast %get3A_534 : i32 to index
          %get3A_537 = arith.index_cast %scan3A_360 : i32 to index
          %get3A_538 = arith.index_cast %mul3A_467 : i32 to index
          %get3A_539 = tpu.vector_load %arg9[%get3A_535, %get3A_536, %get3A_537, %get3A_538] {strides = array<i32>} : memref<4x8x4x768xf32, #tpu.memory_space<vmem>>, vector<1x1x1x16xf32>,
          %get3A_540 = vector.shape_cast %get3A_539 : vector<1x1x1x16xf32> to vector<16xf32>
          %mul3A_541 = vector.broadcast %squeeze3A_24 : f32 to vector<16xf32>
          %mul3A_542 = arith.mulf %get3A_540, %mul3A_541 : vector<16xf32>
          %add3A_543 = arith.addf %add3A_532, %mul3A_542 : vector<16xf32>
          %get3A_544 = arith.constant 0 : i32
          %get3A_545 = arith.constant 7 : i32
          %get3A_546 = arith.index_cast %get3A_544 : i32 to index
          %get3A_547 = arith.index_cast %get3A_545 : i32 to index
          %get3A_548 = arith.index_cast %scan3A_360 : i32 to index
          %get3A_549 = arith.index_cast %mul3A_467 : i32 to index
          %get3A_550 = tpu.vector_load %arg9[%get3A_546, %get3A_547, %get3A_548, %get3A_549] {strides = array<i32>} : memref<4x8x4x768xf32, #tpu.memory_space<vmem>>, vector<1x1x1x16xf32>,
          %get3A_551 = vector.shape_cast %get3A_550 : vector<1x1x1x16xf32> to vector<16xf32>
          %mul3A_552 = vector.broadcast %squeeze3A_26 : f32 to vector<16xf32>
          %mul3A_553 = arith.mulf %get3A_551, %mul3A_552 : vector<16xf32>
          %add3A_554 = arith.addf %add3A_543, %mul3A_553 : vector<16xf32>
          %swap3A_555 = arith.constant 0 : i32
          %swap3A_556 = arith.index_cast %swap3A_555 : i32 to index
          %swap3A_557 = arith.index_cast %scan3A_360 : i32 to index
          %swap3A_558 = arith.index_cast %mul3A_467 : i32 to index
          %swap3A_559 = tpu.vector_load %arg10[%swap3A_556, %swap3A_557, %swap3A_558] {strides = array<i32>} : memref<4x4x768xf32, #tpu.memory_space<vmem>>, vector<1x1x16xf32>,
          %swap3A_560 = vector.shape_cast %swap3A_559 : vector<1x1x16xf32> to vector<16xf32>
          %swap3A_561 = vector.shape_cast %add3A_554 : vector<16xf32> to vector<1x1x16xf32>
          tpu.vector_store %arg10[%swap3A_556, %swap3A_557, %swap3A_558], %swap3A_561 {strides = array<i32>} : memref<4x4x768xf32, #tpu.memory_space<vmem>>, vector<1x1x16xf32>,
          %scan3A_562 = arith.constant 2 : i32
          %scan3A_563 = arith.addi %scan3A_367, %scan3A_562 : i32
          %mul3A_564 = arith.constant 16 : i32
          %mul3A_565 = arith.muli %scan3A_563, %mul3A_564 : i32
          %get3A_566 = arith.constant 0 : i32
          %get3A_567 = arith.constant 0 : i32
          %get3A_568 = arith.index_cast %get3A_566 : i32 to index
          %get3A_569 = arith.index_cast %get3A_567 : i32 to index
          %get3A_570 = arith.index_cast %scan3A_360 : i32 to index
          %get3A_571 = arith.index_cast %mul3A_565 : i32 to index
          %get3A_572 = tpu.vector_load %arg9[%get3A_568, %get3A_569, %get3A_570, %get3A_571] {strides = array<i32>} : memref<4x8x4x768xf32, #tpu.memory_space<vmem>>, vector<1x1x1x16xf32>,
          %get3A_573 = vector.shape_cast %get3A_572 : vector<1x1x1x16xf32> to vector<16xf32>
          %mul3A_574 = vector.broadcast %squeeze3A : f32 to vector<16xf32>
          %mul3A_575 = arith.mulf %get3A_573, %mul3A_574 : vector<16xf32>
          %get3A_576 = arith.constant 0 : i32
          %get3A_577 = arith.constant 1 : i32
          %get3A_578 = arith.index_cast %get3A_576 : i32 to index
          %get3A_579 = arith.index_cast %get3A_577 : i32 to index
          %get3A_580 = arith.index_cast %scan3A_360 : i32 to index
          %get3A_581 = arith.index_cast %mul3A_565 : i32 to index
          %get3A_582 = tpu.vector_load %arg9[%get3A_578, %get3A_579, %get3A_580, %get3A_581] {strides = array<i32>} : memref<4x8x4x768xf32, #tpu.memory_space<vmem>>, vector<1x1x1x16xf32>,
          %get3A_583 = vector.shape_cast %get3A_582 : vector<1x1x1x16xf32> to vector<16xf32>
          %mul3A_584 = vector.broadcast %squeeze3A_14 : f32 to vector<16xf32>
          %mul3A_585 = arith.mulf %get3A_583, %mul3A_584 : vector<16xf32>
          %add3A_586 = arith.addf %mul3A_575, %mul3A_585 : vector<16xf32>
          %get3A_587 = arith.constant 0 : i32
          %get3A_588 = arith.constant 2 : i32
          %get3A_589 = arith.index_cast %get3A_587 : i32 to index
          %get3A_590 = arith.index_cast %get3A_588 : i32 to index
          %get3A_591 = arith.index_cast %scan3A_360 : i32 to index
          %get3A_592 = arith.index_cast %mul3A_565 : i32 to index
          %get3A_593 = tpu.vector_load %arg9[%get3A_589, %get3A_590, %get3A_591, %get3A_592] {strides = array<i32>} : memref<4x8x4x768xf32, #tpu.memory_space<vmem>>, vector<1x1x1x16xf32>,
          %get3A_594 = vector.shape_cast %get3A_593 : vector<1x1x1x16xf32> to vector<16xf32>
          %mul3A_595 = vector.broadcast %squeeze3A_16 : f32 to vector<16xf32>
          %mul3A_596 = arith.mulf %get3A_594, %mul3A_595 : vector<16xf32>
          %add3A_597 = arith.addf %add3A_586, %mul3A_596 : vector<16xf32>
          %get3A_598 = arith.constant 0 : i32
          %get3A_599 = arith.constant 3 : i32
          %get3A_600 = arith.index_cast %get3A_598 : i32 to index
          %get3A_601 = arith.index_cast %get3A_599 : i32 to index
          %get3A_602 = arith.index_cast %scan3A_360 : i32 to index
          %get3A_603 = arith.index_cast %mul3A_565 : i32 to index
          %get3A_604 = tpu.vector_load %arg9[%get3A_600, %get3A_601, %get3A_602, %get3A_603] {strides = array<i32>} : memref<4x8x4x768xf32, #tpu.memory_space<vmem>>, vector<1x1x1x16xf32>,
          %get3A_605 = vector.shape_cast %get3A_604 : vector<1x1x1x16xf32> to vector<16xf32>
          %mul3A_606 = vector.broadcast %squeeze3A_18 : f32 to vector<16xf32>
          %mul3A_607 = arith.mulf %get3A_605, %mul3A_606 : vector<16xf32>
          %add3A_608 = arith.addf %add3A_597, %mul3A_607 : vector<16xf32>
          %get3A_609 = arith.constant 0 : i32
          %get3A_610 = arith.constant 4 : i32
          %get3A_611 = arith.index_cast %get3A_609 : i32 to index
          %get3A_612 = arith.index_cast %get3A_610 : i32 to index
          %get3A_613 = arith.index_cast %scan3A_360 : i32 to index
          %get3A_614 = arith.index_cast %mul3A_565 : i32 to index
          %get3A_615 = tpu.vector_load %arg9[%get3A_611, %get3A_612, %get3A_613, %get3A_614] {strides = array<i32>} : memref<4x8x4x768xf32, #tpu.memory_space<vmem>>, vector<1x1x1x16xf32>,
          %get3A_616 = vector.shape_cast %get3A_615 : vector<1x1x1x16xf32> to vector<16xf32>
          %mul3A_617 = vector.broadcast %squeeze3A_20 : f32 to vector<16xf32>
          %mul3A_618 = arith.mulf %get3A_616, %mul3A_617 : vector<16xf32>
          %add3A_619 = arith.addf %add3A_608, %mul3A_618 : vector<16xf32>
          %get3A_620 = arith.constant 0 : i32
          %get3A_621 = arith.constant 5 : i32
          %get3A_622 = arith.index_cast %get3A_620 : i32 to index
          %get3A_623 = arith.index_cast %get3A_621 : i32 to index
          %get3A_624 = arith.index_cast %scan3A_360 : i32 to index
          %get3A_625 = arith.index_cast %mul3A_565 : i32 to index
          %get3A_626 = tpu.vector_load %arg9[%get3A_622, %get3A_623, %get3A_624, %get3A_625] {strides = array<i32>} : memref<4x8x4x768xf32, #tpu.memory_space<vmem>>, vector<1x1x1x16xf32>,
          %get3A_627 = vector.shape_cast %get3A_626 : vector<1x1x1x16xf32> to vector<16xf32>
          %mul3A_628 = vector.broadcast %squeeze3A_22 : f32 to vector<16xf32>
          %mul3A_629 = arith.mulf %get3A_627, %mul3A_628 : vector<16xf32>
          %add3A_630 = arith.addf %add3A_619, %mul3A_629 : vector<16xf32>
          %get3A_631 = arith.constant 0 : i32
          %get3A_632 = arith.constant 6 : i32
          %get3A_633 = arith.index_cast %get3A_631 : i32 to index
          %get3A_634 = arith.index_cast %get3A_632 : i32 to index
          %get3A_635 = arith.index_cast %scan3A_360 : i32 to index
          %get3A_636 = arith.index_cast %mul3A_565 : i32 to index
          %get3A_637 = tpu.vector_load %arg9[%get3A_633, %get3A_634, %get3A_635, %get3A_636] {strides = array<i32>} : memref<4x8x4x768xf32, #tpu.memory_space<vmem>>, vector<1x1x1x16xf32>,
          %get3A_638 = vector.shape_cast %get3A_637 : vector<1x1x1x16xf32> to vector<16xf32>
          %mul3A_639 = vector.broadcast %squeeze3A_24 : f32 to vector<16xf32>
          %mul3A_640 = arith.mulf %get3A_638, %mul3A_639 : vector<16xf32>
          %add3A_641 = arith.addf %add3A_630, %mul3A_640 : vector<16xf32>
          %get3A_642 = arith.constant 0 : i32
          %get3A_643 = arith.constant 7 : i32
          %get3A_644 = arith.index_cast %get3A_642 : i32 to index
          %get3A_645 = arith.index_cast %get3A_643 : i32 to index
          %get3A_646 = arith.index_cast %scan3A_360 : i32 to index
          %get3A_647 = arith.index_cast %mul3A_565 : i32 to index
          %get3A_648 = tpu.vector_load %arg9[%get3A_644, %get3A_645, %get3A_646, %get3A_647] {strides = array<i32>} : memref<4x8x4x768xf32, #tpu.memory_space<vmem>>, vector<1x1x1x16xf32>,
          %get3A_649 = vector.shape_cast %get3A_648 : vector<1x1x1x16xf32> to vector<16xf32>
          %mul3A_650 = vector.broadcast %squeeze3A_26 : f32 to vector<16xf32>
          %mul3A_651 = arith.mulf %get3A_649, %mul3A_650 : vector<16xf32>
          %add3A_652 = arith.addf %add3A_641, %mul3A_651 : vector<16xf32>
          %swap3A_653 = arith.constant 0 : i32
          %swap3A_654 = arith.index_cast %swap3A_653 : i32 to index
          %swap3A_655 = arith.index_cast %scan3A_360 : i32 to index
          %swap3A_656 = arith.index_cast %mul3A_565 : i32 to index
          %swap3A_657 = tpu.vector_load %arg10[%swap3A_654, %swap3A_655, %swap3A_656] {strides = array<i32>} : memref<4x4x768xf32, #tpu.memory_space<vmem>>, vector<1x1x16xf32>,
          %swap3A_658 = vector.shape_cast %swap3A_657 : vector<1x1x16xf32> to vector<16xf32>
          %swap3A_659 = vector.shape_cast %add3A_652 : vector<16xf32> to vector<1x1x16xf32>
          tpu.vector_store %arg10[%swap3A_654, %swap3A_655, %swap3A_656], %swap3A_659 {strides = array<i32>} : memref<4x4x768xf32, #tpu.memory_space<vmem>>, vector<1x1x16xf32>,
          %scan3A_660 = arith.constant 3 : i32
          %scan3A_661 = arith.addi %scan3A_367, %scan3A_660 : i32
          %mul3A_662 = arith.constant 16 : i32
          %mul3A_663 = arith.muli %scan3A_661, %mul3A_662 : i32
          %get3A_664 = arith.constant 0 : i32
          %get3A_665 = arith.constant 0 : i32
          %get3A_666 = arith.index_cast %get3A_664 : i32 to index
          %get3A_667 = arith.index_cast %get3A_665 : i32 to index
          %get3A_668 = arith.index_cast %scan3A_360 : i32 to index
          %get3A_669 = arith.index_cast %mul3A_663 : i32 to index
          %get3A_670 = tpu.vector_load %arg9[%get3A_666, %get3A_667, %get3A_668, %get3A_669] {strides = array<i32>} : memref<4x8x4x768xf32, #tpu.memory_space<vmem>>, vector<1x1x1x16xf32>,
          %get3A_671 = vector.shape_cast %get3A_670 : vector<1x1x1x16xf32> to vector<16xf32>
          %mul3A_672 = vector.broadcast %squeeze3A : f32 to vector<16xf32>
          %mul3A_673 = arith.mulf %get3A_671, %mul3A_672 : vector<16xf32>
          %get3A_674 = arith.constant 0 : i32
          %get3A_675 = arith.constant 1 : i32
          %get3A_676 = arith.index_cast %get3A_674 : i32 to index
          %get3A_677 = arith.index_cast %get3A_675 : i32 to index
          %get3A_678 = arith.index_cast %scan3A_360 : i32 to index
          %get3A_679 = arith.index_cast %mul3A_663 : i32 to index
          %get3A_680 = tpu.vector_load %arg9[%get3A_676, %get3A_677, %get3A_678, %get3A_679] {strides = array<i32>} : memref<4x8x4x768xf32, #tpu.memory_space<vmem>>, vector<1x1x1x16xf32>,
          %get3A_681 = vector.shape_cast %get3A_680 : vector<1x1x1x16xf32> to vector<16xf32>
          %mul3A_682 = vector.broadcast %squeeze3A_14 : f32 to vector<16xf32>
          %mul3A_683 = arith.mulf %get3A_681, %mul3A_682 : vector<16xf32>
          %add3A_684 = arith.addf %mul3A_673, %mul3A_683 : vector<16xf32>
          %get3A_685 = arith.constant 0 : i32
          %get3A_686 = arith.constant 2 : i32
          %get3A_687 = arith.index_cast %get3A_685 : i32 to index
          %get3A_688 = arith.index_cast %get3A_686 : i32 to index
          %get3A_689 = arith.index_cast %scan3A_360 : i32 to index
          %get3A_690 = arith.index_cast %mul3A_663 : i32 to index
          %get3A_691 = tpu.vector_load %arg9[%get3A_687, %get3A_688, %get3A_689, %get3A_690] {strides = array<i32>} : memref<4x8x4x768xf32, #tpu.memory_space<vmem>>, vector<1x1x1x16xf32>,
          %get3A_692 = vector.shape_cast %get3A_691 : vector<1x1x1x16xf32> to vector<16xf32>
          %mul3A_693 = vector.broadcast %squeeze3A_16 : f32 to vector<16xf32>
          %mul3A_694 = arith.mulf %get3A_692, %mul3A_693 : vector<16xf32>
          %add3A_695 = arith.addf %add3A_684, %mul3A_694 : vector<16xf32>
          %get3A_696 = arith.constant 0 : i32
          %get3A_697 = arith.constant 3 : i32
          %get3A_698 = arith.index_cast %get3A_696 : i32 to index
          %get3A_699 = arith.index_cast %get3A_697 : i32 to index
          %get3A_700 = arith.index_cast %scan3A_360 : i32 to index
          %get3A_701 = arith.index_cast %mul3A_663 : i32 to index
          %get3A_702 = tpu.vector_load %arg9[%get3A_698, %get3A_699, %get3A_700, %get3A_701] {strides = array<i32>} : memref<4x8x4x768xf32, #tpu.memory_space<vmem>>, vector<1x1x1x16xf32>,
          %get3A_703 = vector.shape_cast %get3A_702 : vector<1x1x1x16xf32> to vector<16xf32>
          %mul3A_704 = vector.broadcast %squeeze3A_18 : f32 to vector<16xf32>
          %mul3A_705 = arith.mulf %get3A_703, %mul3A_704 : vector<16xf32>
          %add3A_706 = arith.addf %add3A_695, %mul3A_705 : vector<16xf32>
          %get3A_707 = arith.constant 0 : i32
          %get3A_708 = arith.constant 4 : i32
          %get3A_709 = arith.index_cast %get3A_707 : i32 to index
          %get3A_710 = arith.index_cast %get3A_708 : i32 to index
          %get3A_711 = arith.index_cast %scan3A_360 : i32 to index
          %get3A_712 = arith.index_cast %mul3A_663 : i32 to index
          %get3A_713 = tpu.vector_load %arg9[%get3A_709, %get3A_710, %get3A_711, %get3A_712] {strides = array<i32>} : memref<4x8x4x768xf32, #tpu.memory_space<vmem>>, vector<1x1x1x16xf32>,
          %get3A_714 = vector.shape_cast %get3A_713 : vector<1x1x1x16xf32> to vector<16xf32>
          %mul3A_715 = vector.broadcast %squeeze3A_20 : f32 to vector<16xf32>
          %mul3A_716 = arith.mulf %get3A_714, %mul3A_715 : vector<16xf32>
          %add3A_717 = arith.addf %add3A_706, %mul3A_716 : vector<16xf32>
          %get3A_718 = arith.constant 0 : i32
          %get3A_719 = arith.constant 5 : i32
          %get3A_720 = arith.index_cast %get3A_718 : i32 to index
          %get3A_721 = arith.index_cast %get3A_719 : i32 to index
          %get3A_722 = arith.index_cast %scan3A_360 : i32 to index
          %get3A_723 = arith.index_cast %mul3A_663 : i32 to index
          %get3A_724 = tpu.vector_load %arg9[%get3A_720, %get3A_721, %get3A_722, %get3A_723] {strides = array<i32>} : memref<4x8x4x768xf32, #tpu.memory_space<vmem>>, vector<1x1x1x16xf32>,
          %get3A_725 = vector.shape_cast %get3A_724 : vector<1x1x1x16xf32> to vector<16xf32>
          %mul3A_726 = vector.broadcast %squeeze3A_22 : f32 to vector<16xf32>
          %mul3A_727 = arith.mulf %get3A_725, %mul3A_726 : vector<16xf32>
          %add3A_728 = arith.addf %add3A_717, %mul3A_727 : vector<16xf32>
          %get3A_729 = arith.constant 0 : i32
          %get3A_730 = arith.constant 6 : i32
          %get3A_731 = arith.index_cast %get3A_729 : i32 to index
          %get3A_732 = arith.index_cast %get3A_730 : i32 to index
          %get3A_733 = arith.index_cast %scan3A_360 : i32 to index
          %get3A_734 = arith.index_cast %mul3A_663 : i32 to index
          %get3A_735 = tpu.vector_load %arg9[%get3A_731, %get3A_732, %get3A_733, %get3A_734] {strides = array<i32>} : memref<4x8x4x768xf32, #tpu.memory_space<vmem>>, vector<1x1x1x16xf32>,
          %get3A_736 = vector.shape_cast %get3A_735 : vector<1x1x1x16xf32> to vector<16xf32>
          %mul3A_737 = vector.broadcast %squeeze3A_24 : f32 to vector<16xf32>
          %mul3A_738 = arith.mulf %get3A_736, %mul3A_737 : vector<16xf32>
          %add3A_739 = arith.addf %add3A_728, %mul3A_738 : vector<16xf32>
          %get3A_740 = arith.constant 0 : i32
          %get3A_741 = arith.constant 7 : i32
          %get3A_742 = arith.index_cast %get3A_740 : i32 to index
          %get3A_743 = arith.index_cast %get3A_741 : i32 to index
          %get3A_744 = arith.index_cast %scan3A_360 : i32 to index
          %get3A_745 = arith.index_cast %mul3A_663 : i32 to index
          %get3A_746 = tpu.vector_load %arg9[%get3A_742, %get3A_743, %get3A_744, %get3A_745] {strides = array<i32>} : memref<4x8x4x768xf32, #tpu.memory_space<vmem>>, vector<1x1x1x16xf32>,
          %get3A_747 = vector.shape_cast %get3A_746 : vector<1x1x1x16xf32> to vector<16xf32>
          %mul3A_748 = vector.broadcast %squeeze3A_26 : f32 to vector<16xf32>
          %mul3A_749 = arith.mulf %get3A_747, %mul3A_748 : vector<16xf32>
          %add3A_750 = arith.addf %add3A_739, %mul3A_749 : vector<16xf32>
          %swap3A_751 = arith.constant 0 : i32
          %swap3A_752 = arith.index_cast %swap3A_751 : i32 to index
          %swap3A_753 = arith.index_cast %scan3A_360 : i32 to index
          %swap3A_754 = arith.index_cast %mul3A_663 : i32 to index
          %swap3A_755 = tpu.vector_load %arg10[%swap3A_752, %swap3A_753, %swap3A_754] {strides = array<i32>} : memref<4x4x768xf32, #tpu.memory_space<vmem>>, vector<1x1x16xf32>,
          %swap3A_756 = vector.shape_cast %swap3A_755 : vector<1x1x16xf32> to vector<16xf32>
          %swap3A_757 = vector.shape_cast %add3A_750 : vector<16xf32> to vector<1x1x16xf32>
          tpu.vector_store %arg10[%swap3A_752, %swap3A_753, %swap3A_754], %swap3A_757 {strides = array<i32>} : memref<4x4x768xf32, #tpu.memory_space<vmem>>, vector<1x1x16xf32>,
          %scan3A_758 = arith.constant 4 : i32
          %scan3A_759 = arith.addi %scan3A_367, %scan3A_758 : i32
          %mul3A_760 = arith.constant 16 : i32
          %mul3A_761 = arith.muli %scan3A_759, %mul3A_760 : i32
          %get3A_762 = arith.constant 0 : i32
          %get3A_763 = arith.constant 0 : i32
          %get3A_764 = arith.index_cast %get3A_762 : i32 to index
          %get3A_765 = arith.index_cast %get3A_763 : i32 to index
          %get3A_766 = arith.index_cast %scan3A_360 : i32 to index
          %get3A_767 = arith.index_cast %mul3A_761 : i32 to index
          %get3A_768 = tpu.vector_load %arg9[%get3A_764, %get3A_765, %get3A_766, %get3A_767] {strides = array<i32>} : memref<4x8x4x768xf32, #tpu.memory_space<vmem>>, vector<1x1x1x16xf32>,
          %get3A_769 = vector.shape_cast %get3A_768 : vector<1x1x1x16xf32> to vector<16xf32>
          %mul3A_770 = vector.broadcast %squeeze3A : f32 to vector<16xf32>
          %mul3A_771 = arith.mulf %get3A_769, %mul3A_770 : vector<16xf32>
          %get3A_772 = arith.constant 0 : i32
          %get3A_773 = arith.constant 1 : i32
          %get3A_774 = arith.index_cast %get3A_772 : i32 to index
          %get3A_775 = arith.index_cast %get3A_773 : i32 to index
          %get3A_776 = arith.index_cast %scan3A_360 : i32 to index
          %get3A_777 = arith.index_cast %mul3A_761 : i32 to index
          %get3A_778 = tpu.vector_load %arg9[%get3A_774, %get3A_775, %get3A_776, %get3A_777] {strides = array<i32>} : memref<4x8x4x768xf32, #tpu.memory_space<vmem>>, vector<1x1x1x16xf32>,
          %get3A_779 = vector.shape_cast %get3A_778 : vector<1x1x1x16xf32> to vector<16xf32>
          %mul3A_780 = vector.broadcast %squeeze3A_14 : f32 to vector<16xf32>
          %mul3A_781 = arith.mulf %get3A_779, %mul3A_780 : vector<16xf32>
          %add3A_782 = arith.addf %mul3A_771, %mul3A_781 : vector<16xf32>
          %get3A_783 = arith.constant 0 : i32
          %get3A_784 = arith.constant 2 : i32
          %get3A_785 = arith.index_cast %get3A_783 : i32 to index
          %get3A_786 = arith.index_cast %get3A_784 : i32 to index
          %get3A_787 = arith.index_cast %scan3A_360 : i32 to index
          %get3A_788 = arith.index_cast %mul3A_761 : i32 to index
          %get3A_789 = tpu.vector_load %arg9[%get3A_785, %get3A_786, %get3A_787, %get3A_788] {strides = array<i32>} : memref<4x8x4x768xf32, #tpu.memory_space<vmem>>, vector<1x1x1x16xf32>,
          %get3A_790 = vector.shape_cast %get3A_789 : vector<1x1x1x16xf32> to vector<16xf32>
          %mul3A_791 = vector.broadcast %squeeze3A_16 : f32 to vector<16xf32>
          %mul3A_792 = arith.mulf %get3A_790, %mul3A_791 : vector<16xf32>
          %add3A_793 = arith.addf %add3A_782, %mul3A_792 : vector<16xf32>
          %get3A_794 = arith.constant 0 : i32
          %get3A_795 = arith.constant 3 : i32
          %get3A_796 = arith.index_cast %get3A_794 : i32 to index
          %get3A_797 = arith.index_cast %get3A_795 : i32 to index
          %get3A_798 = arith.index_cast %scan3A_360 : i32 to index
          %get3A_799 = arith.index_cast %mul3A_761 : i32 to index
          %get3A_800 = tpu.vector_load %arg9[%get3A_796, %get3A_797, %get3A_798, %get3A_799] {strides = array<i32>} : memref<4x8x4x768xf32, #tpu.memory_space<vmem>>, vector<1x1x1x16xf32>,
          %get3A_801 = vector.shape_cast %get3A_800 : vector<1x1x1x16xf32> to vector<16xf32>
          %mul3A_802 = vector.broadcast %squeeze3A_18 : f32 to vector<16xf32>
          %mul3A_803 = arith.mulf %get3A_801, %mul3A_802 : vector<16xf32>
          %add3A_804 = arith.addf %add3A_793, %mul3A_803 : vector<16xf32>
          %get3A_805 = arith.constant 0 : i32
          %get3A_806 = arith.constant 4 : i32
          %get3A_807 = arith.index_cast %get3A_805 : i32 to index
          %get3A_808 = arith.index_cast %get3A_806 : i32 to index
          %get3A_809 = arith.index_cast %scan3A_360 : i32 to index
          %get3A_810 = arith.index_cast %mul3A_761 : i32 to index
          %get3A_811 = tpu.vector_load %arg9[%get3A_807, %get3A_808, %get3A_809, %get3A_810] {strides = array<i32>} : memref<4x8x4x768xf32, #tpu.memory_space<vmem>>, vector<1x1x1x16xf32>,
          %get3A_812 = vector.shape_cast %get3A_811 : vector<1x1x1x16xf32> to vector<16xf32>
          %mul3A_813 = vector.broadcast %squeeze3A_20 : f32 to vector<16xf32>
          %mul3A_814 = arith.mulf %get3A_812, %mul3A_813 : vector<16xf32>
          %add3A_815 = arith.addf %add3A_804, %mul3A_814 : vector<16xf32>
          %get3A_816 = arith.constant 0 : i32
          %get3A_817 = arith.constant 5 : i32
          %get3A_818 = arith.index_cast %get3A_816 : i32 to index
          %get3A_819 = arith.index_cast %get3A_817 : i32 to index
          %get3A_820 = arith.index_cast %scan3A_360 : i32 to index
          %get3A_821 = arith.index_cast %mul3A_761 : i32 to index
          %get3A_822 = tpu.vector_load %arg9[%get3A_818, %get3A_819, %get3A_820, %get3A_821] {strides = array<i32>} : memref<4x8x4x768xf32, #tpu.memory_space<vmem>>, vector<1x1x1x16xf32>,
          %get3A_823 = vector.shape_cast %get3A_822 : vector<1x1x1x16xf32> to vector<16xf32>
          %mul3A_824 = vector.broadcast %squeeze3A_22 : f32 to vector<16xf32>
          %mul3A_825 = arith.mulf %get3A_823, %mul3A_824 : vector<16xf32>
          %add3A_826 = arith.addf %add3A_815, %mul3A_825 : vector<16xf32>
          %get3A_827 = arith.constant 0 : i32
          %get3A_828 = arith.constant 6 : i32
          %get3A_829 = arith.index_cast %get3A_827 : i32 to index
          %get3A_830 = arith.index_cast %get3A_828 : i32 to index
          %get3A_831 = arith.index_cast %scan3A_360 : i32 to index
          %get3A_832 = arith.index_cast %mul3A_761 : i32 to index
          %get3A_833 = tpu.vector_load %arg9[%get3A_829, %get3A_830, %get3A_831, %get3A_832] {strides = array<i32>} : memref<4x8x4x768xf32, #tpu.memory_space<vmem>>, vector<1x1x1x16xf32>,
          %get3A_834 = vector.shape_cast %get3A_833 : vector<1x1x1x16xf32> to vector<16xf32>
          %mul3A_835 = vector.broadcast %squeeze3A_24 : f32 to vector<16xf32>
          %mul3A_836 = arith.mulf %get3A_834, %mul3A_835 : vector<16xf32>
          %add3A_837 = arith.addf %add3A_826, %mul3A_836 : vector<16xf32>
          %get3A_838 = arith.constant 0 : i32
          %get3A_839 = arith.constant 7 : i32
          %get3A_840 = arith.index_cast %get3A_838 : i32 to index
          %get3A_841 = arith.index_cast %get3A_839 : i32 to index
          %get3A_842 = arith.index_cast %scan3A_360 : i32 to index
          %get3A_843 = arith.index_cast %mul3A_761 : i32 to index
          %get3A_844 = tpu.vector_load %arg9[%get3A_840, %get3A_841, %get3A_842, %get3A_843] {strides = array<i32>} : memref<4x8x4x768xf32, #tpu.memory_space<vmem>>, vector<1x1x1x16xf32>,
          %get3A_845 = vector.shape_cast %get3A_844 : vector<1x1x1x16xf32> to vector<16xf32>
          %mul3A_846 = vector.broadcast %squeeze3A_26 : f32 to vector<16xf32>
          %mul3A_847 = arith.mulf %get3A_845, %mul3A_846 : vector<16xf32>
          %add3A_848 = arith.addf %add3A_837, %mul3A_847 : vector<16xf32>
          %swap3A_849 = arith.constant 0 : i32
          %swap3A_850 = arith.index_cast %swap3A_849 : i32 to index
          %swap3A_851 = arith.index_cast %scan3A_360 : i32 to index
          %swap3A_852 = arith.index_cast %mul3A_761 : i32 to index
          %swap3A_853 = tpu.vector_load %arg10[%swap3A_850, %swap3A_851, %swap3A_852] {strides = array<i32>} : memref<4x4x768xf32, #tpu.memory_space<vmem>>, vector<1x1x16xf32>,
          %swap3A_854 = vector.shape_cast %swap3A_853 : vector<1x1x16xf32> to vector<16xf32>
          %swap3A_855 = vector.shape_cast %add3A_848 : vector<16xf32> to vector<1x1x16xf32>
          tpu.vector_store %arg10[%swap3A_850, %swap3A_851, %swap3A_852], %swap3A_855 {strides = array<i32>} : memref<4x4x768xf32, #tpu.memory_space<vmem>>, vector<1x1x16xf32>,
          %scan3A_856 = arith.constant 5 : i32
          %scan3A_857 = arith.addi %scan3A_367, %scan3A_856 : i32
          %mul3A_858 = arith.constant 16 : i32
          %mul3A_859 = arith.muli %scan3A_857, %mul3A_858 : i32
          %get3A_860 = arith.constant 0 : i32
          %get3A_861 = arith.constant 0 : i32
          %get3A_862 = arith.index_cast %get3A_860 : i32 to index
          %get3A_863 = arith.index_cast %get3A_861 : i32 to index
          %get3A_864 = arith.index_cast %scan3A_360 : i32 to index
          %get3A_865 = arith.index_cast %mul3A_859 : i32 to index
          %get3A_866 = tpu.vector_load %arg9[%get3A_862, %get3A_863, %get3A_864, %get3A_865] {strides = array<i32>} : memref<4x8x4x768xf32, #tpu.memory_space<vmem>>, vector<1x1x1x16xf32>,
          %get3A_867 = vector.shape_cast %get3A_866 : vector<1x1x1x16xf32> to vector<16xf32>
          %mul3A_868 = vector.broadcast %squeeze3A : f32 to vector<16xf32>
          %mul3A_869 = arith.mulf %get3A_867, %mul3A_868 : vector<16xf32>
          %get3A_870 = arith.constant 0 : i32
          %get3A_871 = arith.constant 1 : i32
          %get3A_872 = arith.index_cast %get3A_870 : i32 to index
          %get3A_873 = arith.index_cast %get3A_871 : i32 to index
          %get3A_874 = arith.index_cast %scan3A_360 : i32 to index
          %get3A_875 = arith.index_cast %mul3A_859 : i32 to index
          %get3A_876 = tpu.vector_load %arg9[%get3A_872, %get3A_873, %get3A_874, %get3A_875] {strides = array<i32>} : memref<4x8x4x768xf32, #tpu.memory_space<vmem>>, vector<1x1x1x16xf32>,
          %get3A_877 = vector.shape_cast %get3A_876 : vector<1x1x1x16xf32> to vector<16xf32>
          %mul3A_878 = vector.broadcast %squeeze3A_14 : f32 to vector<16xf32>
          %mul3A_879 = arith.mulf %get3A_877, %mul3A_878 : vector<16xf32>
          %add3A_880 = arith.addf %mul3A_869, %mul3A_879 : vector<16xf32>
          %get3A_881 = arith.constant 0 : i32
          %get3A_882 = arith.constant 2 : i32
          %get3A_883 = arith.index_cast %get3A_881 : i32 to index
          %get3A_884 = arith.index_cast %get3A_882 : i32 to index
          %get3A_885 = arith.index_cast %scan3A_360 : i32 to index
          %get3A_886 = arith.index_cast %mul3A_859 : i32 to index
          %get3A_887 = tpu.vector_load %arg9[%get3A_883, %get3A_884, %get3A_885, %get3A_886] {strides = array<i32>} : memref<4x8x4x768xf32, #tpu.memory_space<vmem>>, vector<1x1x1x16xf32>,
          %get3A_888 = vector.shape_cast %get3A_887 : vector<1x1x1x16xf32> to vector<16xf32>
          %mul3A_889 = vector.broadcast %squeeze3A_16 : f32 to vector<16xf32>
          %mul3A_890 = arith.mulf %get3A_888, %mul3A_889 : vector<16xf32>
          %add3A_891 = arith.addf %add3A_880, %mul3A_890 : vector<16xf32>
          %get3A_892 = arith.constant 0 : i32
          %get3A_893 = arith.constant 3 : i32
          %get3A_894 = arith.index_cast %get3A_892 : i32 to index
          %get3A_895 = arith.index_cast %get3A_893 : i32 to index
          %get3A_896 = arith.index_cast %scan3A_360 : i32 to index
          %get3A_897 = arith.index_cast %mul3A_859 : i32 to index
          %get3A_898 = tpu.vector_load %arg9[%get3A_894, %get3A_895, %get3A_896, %get3A_897] {strides = array<i32>} : memref<4x8x4x768xf32, #tpu.memory_space<vmem>>, vector<1x1x1x16xf32>,
          %get3A_899 = vector.shape_cast %get3A_898 : vector<1x1x1x16xf32> to vector<16xf32>
          %mul3A_900 = vector.broadcast %squeeze3A_18 : f32 to vector<16xf32>
          %mul3A_901 = arith.mulf %get3A_899, %mul3A_900 : vector<16xf32>
          %add3A_902 = arith.addf %add3A_891, %mul3A_901 : vector<16xf32>
          %get3A_903 = arith.constant 0 : i32
          %get3A_904 = arith.constant 4 : i32
          %get3A_905 = arith.index_cast %get3A_903 : i32 to index
          %get3A_906 = arith.index_cast %get3A_904 : i32 to index
          %get3A_907 = arith.index_cast %scan3A_360 : i32 to index
          %get3A_908 = arith.index_cast %mul3A_859 : i32 to index
          %get3A_909 = tpu.vector_load %arg9[%get3A_905, %get3A_906, %get3A_907, %get3A_908] {strides = array<i32>} : memref<4x8x4x768xf32, #tpu.memory_space<vmem>>, vector<1x1x1x16xf32>,
          %get3A_910 = vector.shape_cast %get3A_909 : vector<1x1x1x16xf32> to vector<16xf32>
          %mul3A_911 = vector.broadcast %squeeze3A_20 : f32 to vector<16xf32>
          %mul3A_912 = arith.mulf %get3A_910, %mul3A_911 : vector<16xf32>
          %add3A_913 = arith.addf %add3A_902, %mul3A_912 : vector<16xf32>
          %get3A_914 = arith.constant 0 : i32
          %get3A_915 = arith.constant 5 : i32
          %get3A_916 = arith.index_cast %get3A_914 : i32 to index
          %get3A_917 = arith.index_cast %get3A_915 : i32 to index
          %get3A_918 = arith.index_cast %scan3A_360 : i32 to index
          %get3A_919 = arith.index_cast %mul3A_859 : i32 to index
          %get3A_920 = tpu.vector_load %arg9[%get3A_916, %get3A_917, %get3A_918, %get3A_919] {strides = array<i32>} : memref<4x8x4x768xf32, #tpu.memory_space<vmem>>, vector<1x1x1x16xf32>,
          %get3A_921 = vector.shape_cast %get3A_920 : vector<1x1x1x16xf32> to vector<16xf32>
          %mul3A_922 = vector.broadcast %squeeze3A_22 : f32 to vector<16xf32>
          %mul3A_923 = arith.mulf %get3A_921, %mul3A_922 : vector<16xf32>
          %add3A_924 = arith.addf %add3A_913, %mul3A_923 : vector<16xf32>
          %get3A_925 = arith.constant 0 : i32
          %get3A_926 = arith.constant 6 : i32
          %get3A_927 = arith.index_cast %get3A_925 : i32 to index
          %get3A_928 = arith.index_cast %get3A_926 : i32 to index
          %get3A_929 = arith.index_cast %scan3A_360 : i32 to index
          %get3A_930 = arith.index_cast %mul3A_859 : i32 to index
          %get3A_931 = tpu.vector_load %arg9[%get3A_927, %get3A_928, %get3A_929, %get3A_930] {strides = array<i32>} : memref<4x8x4x768xf32, #tpu.memory_space<vmem>>, vector<1x1x1x16xf32>,
          %get3A_932 = vector.shape_cast %get3A_931 : vector<1x1x1x16xf32> to vector<16xf32>
          %mul3A_933 = vector.broadcast %squeeze3A_24 : f32 to vector<16xf32>
          %mul3A_934 = arith.mulf %get3A_932, %mul3A_933 : vector<16xf32>
          %add3A_935 = arith.addf %add3A_924, %mul3A_934 : vector<16xf32>
          %get3A_936 = arith.constant 0 : i32
          %get3A_937 = arith.constant 7 : i32
          %get3A_938 = arith.index_cast %get3A_936 : i32 to index
          %get3A_939 = arith.index_cast %get3A_937 : i32 to index
          %get3A_940 = arith.index_cast %scan3A_360 : i32 to index
          %get3A_941 = arith.index_cast %mul3A_859 : i32 to index
          %get3A_942 = tpu.vector_load %arg9[%get3A_938, %get3A_939, %get3A_940, %get3A_941] {strides = array<i32>} : memref<4x8x4x768xf32, #tpu.memory_space<vmem>>, vector<1x1x1x16xf32>,
          %get3A_943 = vector.shape_cast %get3A_942 : vector<1x1x1x16xf32> to vector<16xf32>
          %mul3A_944 = vector.broadcast %squeeze3A_26 : f32 to vector<16xf32>
          %mul3A_945 = arith.mulf %get3A_943, %mul3A_944 : vector<16xf32>
          %add3A_946 = arith.addf %add3A_935, %mul3A_945 : vector<16xf32>
          %swap3A_947 = arith.constant 0 : i32
          %swap3A_948 = arith.index_cast %swap3A_947 : i32 to index
          %swap3A_949 = arith.index_cast %scan3A_360 : i32 to index
          %swap3A_950 = arith.index_cast %mul3A_859 : i32 to index
          %swap3A_951 = tpu.vector_load %arg10[%swap3A_948, %swap3A_949, %swap3A_950] {strides = array<i32>} : memref<4x4x768xf32, #tpu.memory_space<vmem>>, vector<1x1x16xf32>,
          %swap3A_952 = vector.shape_cast %swap3A_951 : vector<1x1x16xf32> to vector<16xf32>
          %swap3A_953 = vector.shape_cast %add3A_946 : vector<16xf32> to vector<1x1x16xf32>
          tpu.vector_store %arg10[%swap3A_948, %swap3A_949, %swap3A_950], %swap3A_953 {strides = array<i32>} : memref<4x4x768xf32, #tpu.memory_space<vmem>>, vector<1x1x16xf32>,
          %scan3A_954 = arith.constant 6 : i32
          %scan3A_955 = arith.addi %scan3A_367, %scan3A_954 : i32
          %mul3A_956 = arith.constant 16 : i32
          %mul3A_957 = arith.muli %scan3A_955, %mul3A_956 : i32
          %get3A_958 = arith.constant 0 : i32
          %get3A_959 = arith.constant 0 : i32
          %get3A_960 = arith.index_cast %get3A_958 : i32 to index
          %get3A_961 = arith.index_cast %get3A_959 : i32 to index
          %get3A_962 = arith.index_cast %scan3A_360 : i32 to index
          %get3A_963 = arith.index_cast %mul3A_957 : i32 to index
          %get3A_964 = tpu.vector_load %arg9[%get3A_960, %get3A_961, %get3A_962, %get3A_963] {strides = array<i32>} : memref<4x8x4x768xf32, #tpu.memory_space<vmem>>, vector<1x1x1x16xf32>,
          %get3A_965 = vector.shape_cast %get3A_964 : vector<1x1x1x16xf32> to vector<16xf32>
          %mul3A_966 = vector.broadcast %squeeze3A : f32 to vector<16xf32>
          %mul3A_967 = arith.mulf %get3A_965, %mul3A_966 : vector<16xf32>
          %get3A_968 = arith.constant 0 : i32
          %get3A_969 = arith.constant 1 : i32
          %get3A_970 = arith.index_cast %get3A_968 : i32 to index
          %get3A_971 = arith.index_cast %get3A_969 : i32 to index
          %get3A_972 = arith.index_cast %scan3A_360 : i32 to index
          %get3A_973 = arith.index_cast %mul3A_957 : i32 to index
          %get3A_974 = tpu.vector_load %arg9[%get3A_970, %get3A_971, %get3A_972, %get3A_973] {strides = array<i32>} : memref<4x8x4x768xf32, #tpu.memory_space<vmem>>, vector<1x1x1x16xf32>,
          %get3A_975 = vector.shape_cast %get3A_974 : vector<1x1x1x16xf32> to vector<16xf32>
          %mul3A_976 = vector.broadcast %squeeze3A_14 : f32 to vector<16xf32>
          %mul3A_977 = arith.mulf %get3A_975, %mul3A_976 : vector<16xf32>
          %add3A_978 = arith.addf %mul3A_967, %mul3A_977 : vector<16xf32>
          %get3A_979 = arith.constant 0 : i32
          %get3A_980 = arith.constant 2 : i32
          %get3A_981 = arith.index_cast %get3A_979 : i32 to index
          %get3A_982 = arith.index_cast %get3A_980 : i32 to index
          %get3A_983 = arith.index_cast %scan3A_360 : i32 to index
          %get3A_984 = arith.index_cast %mul3A_957 : i32 to index
          %get3A_985 = tpu.vector_load %arg9[%get3A_981, %get3A_982, %get3A_983, %get3A_984] {strides = array<i32>} : memref<4x8x4x768xf32, #tpu.memory_space<vmem>>, vector<1x1x1x16xf32>,
          %get3A_986 = vector.shape_cast %get3A_985 : vector<1x1x1x16xf32> to vector<16xf32>
          %mul3A_987 = vector.broadcast %squeeze3A_16 : f32 to vector<16xf32>
          %mul3A_988 = arith.mulf %get3A_986, %mul3A_987 : vector<16xf32>
          %add3A_989 = arith.addf %add3A_978, %mul3A_988 : vector<16xf32>
          %get3A_990 = arith.constant 0 : i32
          %get3A_991 = arith.constant 3 : i32
          %get3A_992 = arith.index_cast %get3A_990 : i32 to index
          %get3A_993 = arith.index_cast %get3A_991 : i32 to index
          %get3A_994 = arith.index_cast %scan3A_360 : i32 to index
          %get3A_995 = arith.index_cast %mul3A_957 : i32 to index
          %get3A_996 = tpu.vector_load %arg9[%get3A_992, %get3A_993, %get3A_994, %get3A_995] {strides = array<i32>} : memref<4x8x4x768xf32, #tpu.memory_space<vmem>>, vector<1x1x1x16xf32>,
          %get3A_997 = vector.shape_cast %get3A_996 : vector<1x1x1x16xf32> to vector<16xf32>
          %mul3A_998 = vector.broadcast %squeeze3A_18 : f32 to vector<16xf32>
          %mul3A_999 = arith.mulf %get3A_997, %mul3A_998 : vector<16xf32>
          %add3A_1000 = arith.addf %add3A_989, %mul3A_999 : vector<16xf32>
          %get3A_1001 = arith.constant 0 : i32
          %get3A_1002 = arith.constant 4 : i32
          %get3A_1003 = arith.index_cast %get3A_1001 : i32 to index
          %get3A_1004 = arith.index_cast %get3A_1002 : i32 to index
          %get3A_1005 = arith.index_cast %scan3A_360 : i32 to index
          %get3A_1006 = arith.index_cast %mul3A_957 : i32 to index
          %get3A_1007 = tpu.vector_load %arg9[%get3A_1003, %get3A_1004, %get3A_1005, %get3A_1006] {strides = array<i32>} : memref<4x8x4x768xf32, #tpu.memory_space<vmem>>, vector<1x1x1x16xf32>,
          %get3A_1008 = vector.shape_cast %get3A_1007 : vector<1x1x1x16xf32> to vector<16xf32>
          %mul3A_1009 = vector.broadcast %squeeze3A_20 : f32 to vector<16xf32>
          %mul3A_1010 = arith.mulf %get3A_1008, %mul3A_1009 : vector<16xf32>
          %add3A_1011 = arith.addf %add3A_1000, %mul3A_1010 : vector<16xf32>
          %get3A_1012 = arith.constant 0 : i32
          %get3A_1013 = arith.constant 5 : i32
          %get3A_1014 = arith.index_cast %get3A_1012 : i32 to index
          %get3A_1015 = arith.index_cast %get3A_1013 : i32 to index
          %get3A_1016 = arith.index_cast %scan3A_360 : i32 to index
          %get3A_1017 = arith.index_cast %mul3A_957 : i32 to index
          %get3A_1018 = tpu.vector_load %arg9[%get3A_1014, %get3A_1015, %get3A_1016, %get3A_1017] {strides = array<i32>} : memref<4x8x4x768xf32, #tpu.memory_space<vmem>>, vector<1x1x1x16xf32>,
          %get3A_1019 = vector.shape_cast %get3A_1018 : vector<1x1x1x16xf32> to vector<16xf32>
          %mul3A_1020 = vector.broadcast %squeeze3A_22 : f32 to vector<16xf32>
          %mul3A_1021 = arith.mulf %get3A_1019, %mul3A_1020 : vector<16xf32>
          %add3A_1022 = arith.addf %add3A_1011, %mul3A_1021 : vector<16xf32>
          %get3A_1023 = arith.constant 0 : i32
          %get3A_1024 = arith.constant 6 : i32
          %get3A_1025 = arith.index_cast %get3A_1023 : i32 to index
          %get3A_1026 = arith.index_cast %get3A_1024 : i32 to index
          %get3A_1027 = arith.index_cast %scan3A_360 : i32 to index
          %get3A_1028 = arith.index_cast %mul3A_957 : i32 to index
          %get3A_1029 = tpu.vector_load %arg9[%get3A_1025, %get3A_1026, %get3A_1027, %get3A_1028] {strides = array<i32>} : memref<4x8x4x768xf32, #tpu.memory_space<vmem>>, vector<1x1x1x16xf32>,
          %get3A_1030 = vector.shape_cast %get3A_1029 : vector<1x1x1x16xf32> to vector<16xf32>
          %mul3A_1031 = vector.broadcast %squeeze3A_24 : f32 to vector<16xf32>
          %mul3A_1032 = arith.mulf %get3A_1030, %mul3A_1031 : vector<16xf32>
          %add3A_1033 = arith.addf %add3A_1022, %mul3A_1032 : vector<16xf32>
          %get3A_1034 = arith.constant 0 : i32
          %get3A_1035 = arith.constant 7 : i32
          %get3A_1036 = arith.index_cast %get3A_1034 : i32 to index
          %get3A_1037 = arith.index_cast %get3A_1035 : i32 to index
          %get3A_1038 = arith.index_cast %scan3A_360 : i32 to index
          %get3A_1039 = arith.index_cast %mul3A_957 : i32 to index
          %get3A_1040 = tpu.vector_load %arg9[%get3A_1036, %get3A_1037, %get3A_1038, %get3A_1039] {strides = array<i32>} : memref<4x8x4x768xf32, #tpu.memory_space<vmem>>, vector<1x1x1x16xf32>,
          %get3A_1041 = vector.shape_cast %get3A_1040 : vector<1x1x1x16xf32> to vector<16xf32>
          %mul3A_1042 = vector.broadcast %squeeze3A_26 : f32 to vector<16xf32>
          %mul3A_1043 = arith.mulf %get3A_1041, %mul3A_1042 : vector<16xf32>
          %add3A_1044 = arith.addf %add3A_1033, %mul3A_1043 : vector<16xf32>
          %swap3A_1045 = arith.constant 0 : i32
          %swap3A_1046 = arith.index_cast %swap3A_1045 : i32 to index
          %swap3A_1047 = arith.index_cast %scan3A_360 : i32 to index
          %swap3A_1048 = arith.index_cast %mul3A_957 : i32 to index
          %swap3A_1049 = tpu.vector_load %arg10[%swap3A_1046, %swap3A_1047, %swap3A_1048] {strides = array<i32>} : memref<4x4x768xf32, #tpu.memory_space<vmem>>, vector<1x1x16xf32>,
          %swap3A_1050 = vector.shape_cast %swap3A_1049 : vector<1x1x16xf32> to vector<16xf32>
          %swap3A_1051 = vector.shape_cast %add3A_1044 : vector<16xf32> to vector<1x1x16xf32>
          tpu.vector_store %arg10[%swap3A_1046, %swap3A_1047, %swap3A_1048], %swap3A_1051 {strides = array<i32>} : memref<4x4x768xf32, #tpu.memory_space<vmem>>, vector<1x1x16xf32>,
          %scan3A_1052 = arith.constant 7 : i32
          %scan3A_1053 = arith.addi %scan3A_367, %scan3A_1052 : i32
          %mul3A_1054 = arith.constant 16 : i32
          %mul3A_1055 = arith.muli %scan3A_1053, %mul3A_1054 : i32
          %get3A_1056 = arith.constant 0 : i32
          %get3A_1057 = arith.constant 0 : i32
          %get3A_1058 = arith.index_cast %get3A_1056 : i32 to index
          %get3A_1059 = arith.index_cast %get3A_1057 : i32 to index
          %get3A_1060 = arith.index_cast %scan3A_360 : i32 to index
          %get3A_1061 = arith.index_cast %mul3A_1055 : i32 to index
          %get3A_1062 = tpu.vector_load %arg9[%get3A_1058, %get3A_1059, %get3A_1060, %get3A_1061] {strides = array<i32>} : memref<4x8x4x768xf32, #tpu.memory_space<vmem>>, vector<1x1x1x16xf32>,
          %get3A_1063 = vector.shape_cast %get3A_1062 : vector<1x1x1x16xf32> to vector<16xf32>
          %mul3A_1064 = vector.broadcast %squeeze3A : f32 to vector<16xf32>
          %mul3A_1065 = arith.mulf %get3A_1063, %mul3A_1064 : vector<16xf32>
          %get3A_1066 = arith.constant 0 : i32
          %get3A_1067 = arith.constant 1 : i32
          %get3A_1068 = arith.index_cast %get3A_1066 : i32 to index
          %get3A_1069 = arith.index_cast %get3A_1067 : i32 to index
          %get3A_1070 = arith.index_cast %scan3A_360 : i32 to index
          %get3A_1071 = arith.index_cast %mul3A_1055 : i32 to index
          %get3A_1072 = tpu.vector_load %arg9[%get3A_1068, %get3A_1069, %get3A_1070, %get3A_1071] {strides = array<i32>} : memref<4x8x4x768xf32, #tpu.memory_space<vmem>>, vector<1x1x1x16xf32>,
          %get3A_1073 = vector.shape_cast %get3A_1072 : vector<1x1x1x16xf32> to vector<16xf32>
          %mul3A_1074 = vector.broadcast %squeeze3A_14 : f32 to vector<16xf32>
          %mul3A_1075 = arith.mulf %get3A_1073, %mul3A_1074 : vector<16xf32>
          %add3A_1076 = arith.addf %mul3A_1065, %mul3A_1075 : vector<16xf32>
          %get3A_1077 = arith.constant 0 : i32
          %get3A_1078 = arith.constant 2 : i32
          %get3A_1079 = arith.index_cast %get3A_1077 : i32 to index
          %get3A_1080 = arith.index_cast %get3A_1078 : i32 to index
          %get3A_1081 = arith.index_cast %scan3A_360 : i32 to index
          %get3A_1082 = arith.index_cast %mul3A_1055 : i32 to index
          %get3A_1083 = tpu.vector_load %arg9[%get3A_1079, %get3A_1080, %get3A_1081, %get3A_1082] {strides = array<i32>} : memref<4x8x4x768xf32, #tpu.memory_space<vmem>>, vector<1x1x1x16xf32>,
          %get3A_1084 = vector.shape_cast %get3A_1083 : vector<1x1x1x16xf32> to vector<16xf32>
          %mul3A_1085 = vector.broadcast %squeeze3A_16 : f32 to vector<16xf32>
          %mul3A_1086 = arith.mulf %get3A_1084, %mul3A_1085 : vector<16xf32>
          %add3A_1087 = arith.addf %add3A_1076, %mul3A_1086 : vector<16xf32>
          %get3A_1088 = arith.constant 0 : i32
          %get3A_1089 = arith.constant 3 : i32
          %get3A_1090 = arith.index_cast %get3A_1088 : i32 to index
          %get3A_1091 = arith.index_cast %get3A_1089 : i32 to index
          %get3A_1092 = arith.index_cast %scan3A_360 : i32 to index
          %get3A_1093 = arith.index_cast %mul3A_1055 : i32 to index
          %get3A_1094 = tpu.vector_load %arg9[%get3A_1090, %get3A_1091, %get3A_1092, %get3A_1093] {strides = array<i32>} : memref<4x8x4x768xf32, #tpu.memory_space<vmem>>, vector<1x1x1x16xf32>,
          %get3A_1095 = vector.shape_cast %get3A_1094 : vector<1x1x1x16xf32> to vector<16xf32>
          %mul3A_1096 = vector.broadcast %squeeze3A_18 : f32 to vector<16xf32>
          %mul3A_1097 = arith.mulf %get3A_1095, %mul3A_1096 : vector<16xf32>
          %add3A_1098 = arith.addf %add3A_1087, %mul3A_1097 : vector<16xf32>
          %get3A_1099 = arith.constant 0 : i32
          %get3A_1100 = arith.constant 4 : i32
          %get3A_1101 = arith.index_cast %get3A_1099 : i32 to index
          %get3A_1102 = arith.index_cast %get3A_1100 : i32 to index
          %get3A_1103 = arith.index_cast %scan3A_360 : i32 to index
          %get3A_1104 = arith.index_cast %mul3A_1055 : i32 to index
          %get3A_1105 = tpu.vector_load %arg9[%get3A_1101, %get3A_1102, %get3A_1103, %get3A_1104] {strides = array<i32>} : memref<4x8x4x768xf32, #tpu.memory_space<vmem>>, vector<1x1x1x16xf32>,
          %get3A_1106 = vector.shape_cast %get3A_1105 : vector<1x1x1x16xf32> to vector<16xf32>
          %mul3A_1107 = vector.broadcast %squeeze3A_20 : f32 to vector<16xf32>
          %mul3A_1108 = arith.mulf %get3A_1106, %mul3A_1107 : vector<16xf32>
          %add3A_1109 = arith.addf %add3A_1098, %mul3A_1108 : vector<16xf32>
          %get3A_1110 = arith.constant 0 : i32
          %get3A_1111 = arith.constant 5 : i32
          %get3A_1112 = arith.index_cast %get3A_1110 : i32 to index
          %get3A_1113 = arith.index_cast %get3A_1111 : i32 to index
          %get3A_1114 = arith.index_cast %scan3A_360 : i32 to index
          %get3A_1115 = arith.index_cast %mul3A_1055 : i32 to index
          %get3A_1116 = tpu.vector_load %arg9[%get3A_1112, %get3A_1113, %get3A_1114, %get3A_1115] {strides = array<i32>} : memref<4x8x4x768xf32, #tpu.memory_space<vmem>>, vector<1x1x1x16xf32>,
          %get3A_1117 = vector.shape_cast %get3A_1116 : vector<1x1x1x16xf32> to vector<16xf32>
          %mul3A_1118 = vector.broadcast %squeeze3A_22 : f32 to vector<16xf32>
          %mul3A_1119 = arith.mulf %get3A_1117, %mul3A_1118 : vector<16xf32>
          %add3A_1120 = arith.addf %add3A_1109, %mul3A_1119 : vector<16xf32>
          %get3A_1121 = arith.constant 0 : i32
          %get3A_1122 = arith.constant 6 : i32
          %get3A_1123 = arith.index_cast %get3A_1121 : i32 to index
          %get3A_1124 = arith.index_cast %get3A_1122 : i32 to index
          %get3A_1125 = arith.index_cast %scan3A_360 : i32 to index
          %get3A_1126 = arith.index_cast %mul3A_1055 : i32 to index
          %get3A_1127 = tpu.vector_load %arg9[%get3A_1123, %get3A_1124, %get3A_1125, %get3A_1126] {strides = array<i32>} : memref<4x8x4x768xf32, #tpu.memory_space<vmem>>, vector<1x1x1x16xf32>,
          %get3A_1128 = vector.shape_cast %get3A_1127 : vector<1x1x1x16xf32> to vector<16xf32>
          %mul3A_1129 = vector.broadcast %squeeze3A_24 : f32 to vector<16xf32>
          %mul3A_1130 = arith.mulf %get3A_1128, %mul3A_1129 : vector<16xf32>
          %add3A_1131 = arith.addf %add3A_1120, %mul3A_1130 : vector<16xf32>
          %get3A_1132 = arith.constant 0 : i32
          %get3A_1133 = arith.constant 7 : i32
          %get3A_1134 = arith.index_cast %get3A_1132 : i32 to index
          %get3A_1135 = arith.index_cast %get3A_1133 : i32 to index
          %get3A_1136 = arith.index_cast %scan3A_360 : i32 to index
          %get3A_1137 = arith.index_cast %mul3A_1055 : i32 to index
          %get3A_1138 = tpu.vector_load %arg9[%get3A_1134, %get3A_1135, %get3A_1136, %get3A_1137] {strides = array<i32>} : memref<4x8x4x768xf32, #tpu.memory_space<vmem>>, vector<1x1x1x16xf32>,
          %get3A_1139 = vector.shape_cast %get3A_1138 : vector<1x1x1x16xf32> to vector<16xf32>
          %mul3A_1140 = vector.broadcast %squeeze3A_26 : f32 to vector<16xf32>
          %mul3A_1141 = arith.mulf %get3A_1139, %mul3A_1140 : vector<16xf32>
          %add3A_1142 = arith.addf %add3A_1131, %mul3A_1141 : vector<16xf32>
          %swap3A_1143 = arith.constant 0 : i32
          %swap3A_1144 = arith.index_cast %swap3A_1143 : i32 to index
          %swap3A_1145 = arith.index_cast %scan3A_360 : i32 to index
          %swap3A_1146 = arith.index_cast %mul3A_1055 : i32 to index
          %swap3A_1147 = tpu.vector_load %arg10[%swap3A_1144, %swap3A_1145, %swap3A_1146] {strides = array<i32>} : memref<4x4x768xf32, #tpu.memory_space<vmem>>, vector<1x1x16xf32>,
          %swap3A_1148 = vector.shape_cast %swap3A_1147 : vector<1x1x16xf32> to vector<16xf32>
          %swap3A_1149 = vector.shape_cast %add3A_1142 : vector<16xf32> to vector<1x1x16xf32>
          tpu.vector_store %arg10[%swap3A_1144, %swap3A_1145, %swap3A_1146], %swap3A_1149 {strides = array<i32>} : memref<4x4x768xf32, #tpu.memory_space<vmem>>, vector<1x1x16xf32>,
        }
        %scan3A_366 = arith.constant 48 : i32
      }
      %scan3A_181 = arith.constant 4 : i32
      %mul3A_182 = arith.constant 4 : i32
      %mul3A_183 = arith.muli %add3A_158, %mul3A_182 : i32
      %dma_start3A_184 = arith.constant 0 : i32
      %dma_start3A_185 = arith.constant 0 : i32
      %dma_start3A_186 = arith.constant 0 : i32
      %dma_start3A_187 = tpu.memref_slice %arg10[%dma_start3A_184, %dma_start3A_185, %dma_start3A_186] : memref<4x4x768xf32, #tpu.memory_space<vmem>> -> memref<1x4x768xf32, #tpu.memory_space<vmem>>
      %dma_start3A_188 = tpu.memref_squeeze %dma_start3A_187 : memref<1x4x768xf32, #tpu.memory_space<vmem>> -> memref<4x768xf32, #tpu.memory_space<vmem>>
      %dma_start3A_189 = arith.constant 0 : i32
      %dma_start3A_190 = tpu.memref_slice %arg5[%add3A, %mul3A_183, %dma_start3A_189] : memref<32x256x768xf32, #tpu.memory_space<hbm>> -> memref<1x4x768xf32, #tpu.memory_space<hbm>>
      %dma_start3A_191 = tpu.memref_squeeze %dma_start3A_190 : memref<1x4x768xf32, #tpu.memory_space<hbm>> -> memref<4x768xf32, #tpu.memory_space<hbm>>
      %dma_start3A_192 = arith.constant 0 : i32
      %dma_start3A_193 = tpu.memref_slice %arg5[%add3A, %mul3A_183, %dma_start3A_192] : memref<32x256x768xf32, #tpu.memory_space<hbm>> -> memref<1x4x768xf32, #tpu.memory_space<hbm>>
      %dma_start3A_194 = tpu.memref_squeeze %dma_start3A_193 : memref<1x4x768xf32, #tpu.memory_space<hbm>> -> memref<4x768xf32, #tpu.memory_space<hbm>>
      %dma_start3A_195 = arith.constant 0 : i32
      %dma_start3A_196 = arith.constant 0 : i32
      %dma_start3A_197 = tpu.memref_slice %arg10[%dma_start3A_184, %dma_start3A_195, %dma_start3A_196] : memref<4x4x768xf32, #tpu.memory_space<vmem>> -> memref<1x4x768xf32, #tpu.memory_space<vmem>>
      %dma_start3A_198 = tpu.memref_squeeze %dma_start3A_197 : memref<1x4x768xf32, #tpu.memory_space<vmem>> -> memref<4x768xf32, #tpu.memory_space<vmem>>
      tpu.enqueue_dma source(%dma_start3A_198 : memref<4x768xf32, #tpu.memory_space<vmem>>) target(%dma_start3A_194 : memref<4x768xf32, #tpu.memory_space<hbm>>) target_semaphore(%arg15 : memref<!tpu.dma_semaphore, #tpu.memory_space<semaphore_mem>>)
      %lt3A_199 = arith.constant 15 : i32
      %lt3A_200 = arith.cmpi slt, %scan3A_154, %lt3A_199 : i32
      %convert_element_type3A_201 = arith.extui %lt3A_200 : i1 to i32
      %cond3A_202 = arith.constant 0 : i32
      %cond3A_203 = arith.cmpi ne, %convert_element_type3A_201, %cond3A_202 : i32
      scf.if %cond3A_203 {
        %add3A_360 = arith.constant 4 : i32
        %add3A_361 = arith.addi %add3A_158, %add3A_360 : i32
        %mul3A_362 = arith.constant 4 : i32
        %mul3A_363 = arith.muli %add3A_361, %mul3A_362 : i32
        %dma_start3A_364 = arith.constant 0 : i32
        %dma_start3A_365 = arith.constant 0 : i32
        %dma_start3A_366 = arith.constant 0 : i32
        %dma_start3A_367 = arith.constant 0 : i32
        %dma_start3A_368 = arith.constant 0 : i32
        %dma_start3A_369 = tpu.memref_slice %arg9[%dma_start3A_365, %dma_start3A_366, %dma_start3A_367, %dma_start3A_368] : memref<4x8x4x768xf32, #tpu.memory_space<vmem>> -> memref<1x8x4x768xf32, #tpu.memory_space<vmem>>
        %dma_start3A_370 = tpu.memref_squeeze %dma_start3A_369 : memref<1x8x4x768xf32, #tpu.memory_space<vmem>> -> memref<8x4x768xf32, #tpu.memory_space<vmem>>
        %dma_start3A_371 = arith.constant 0 : i32
        %dma_start3A_372 = tpu.memref_slice %arg8[%dma_start3A_364, %dma_start3A_371] : memref<1x16xi32, #tpu.memory_space<vmem>> -> memref<1x8xi32, #tpu.memory_space<vmem>>
        %dma_start3A_373 = tpu.memref_squeeze %dma_start3A_372 : memref<1x8xi32, #tpu.memory_space<vmem>> -> memref<8xi32, #tpu.memory_space<vmem>>
        %dma_start3A_374 = arith.constant 0 : i32
        %dma_start3A_375 = arith.constant 0 : i32
        %dma_start3A_376 = tpu.memref_slice %arg4[%dma_start3A_374, %mul3A_363, %dma_start3A_375] : memref<200x256x768xf32, #tpu.memory_space<hbm>> -> memref<200x4x768xf32, #tpu.memory_space<hbm>>
        tpu.enqueue_indirect_dma source(%dma_start3A_376 : memref<200x4x768xf32, #tpu.memory_space<hbm>>) target(%dma_start3A_370 : memref<8x4x768xf32, #tpu.memory_space<vmem>>) offsets(%dma_start3A_373 : memref<8xi32, #tpu.memory_space<vmem>>) semaphore(%arg11 : memref<!tpu.dma_semaphore, #tpu.memory_space<semaphore_mem>>)
      } else {
      }
      %mul3A_204 = arith.constant 4 : i32
      %mul3A_205 = arith.muli %mul3A_204, %scan3A_154 : i32
      %add3A_206 = arith.constant 1 : i32
      %add3A_207 = arith.addi %mul3A_205, %add3A_206 : i32
      %mul3A_208 = arith.constant 4 : i32
      %mul3A_209 = arith.muli %add3A_207, %mul3A_208 : i32
      %dma_wait3A_210 = arith.constant 0 : i32
      %dma_wait3A_211 = arith.constant 1 : i32
      %dma_wait3A_212 = arith.constant 0 : i32
      %dma_wait3A_213 = arith.constant 0 : i32
      %dma_wait3A_214 = arith.constant 0 : i32
      %dma_wait3A_215 = tpu.memref_slice %arg9[%dma_wait3A_211, %dma_wait3A_212, %dma_wait3A_213, %dma_wait3A_214] : memref<4x8x4x768xf32, #tpu.memory_space<vmem>> -> memref<1x8x4x768xf32, #tpu.memory_space<vmem>>
      %dma_wait3A_216 = tpu.memref_squeeze %dma_wait3A_215 : memref<1x8x4x768xf32, #tpu.memory_space<vmem>> -> memref<8x4x768xf32, #tpu.memory_space<vmem>>
      %dma_wait3A_217 = arith.constant 0 : i32
      %dma_wait3A_218 = tpu.memref_slice %arg8[%dma_wait3A_210, %dma_wait3A_217] : memref<1x16xi32, #tpu.memory_space<vmem>> -> memref<1x8xi32, #tpu.memory_space<vmem>>
      %dma_wait3A_219 = tpu.memref_squeeze %dma_wait3A_218 : memref<1x8xi32, #tpu.memory_space<vmem>> -> memref<8xi32, #tpu.memory_space<vmem>>
      %dma_wait3A_220 = arith.constant 0 : i32
      %dma_wait3A_221 = arith.constant 0 : i32
      %dma_wait3A_222 = tpu.memref_slice %arg4[%dma_wait3A_220, %mul3A_209, %dma_wait3A_221] : memref<200x256x768xf32, #tpu.memory_space<hbm>> -> memref<200x4x768xf32, #tpu.memory_space<hbm>>
      tpu.wait_indirect_dma semaphore(%arg12 : memref<!tpu.dma_semaphore, #tpu.memory_space<semaphore_mem>>) src(%dma_wait3A_222 : memref<200x4x768xf32, #tpu.memory_space<hbm>>) dst(%dma_wait3A_216 : memref<8x4x768xf32, #tpu.memory_space<vmem>>)
      %gt3A_223 = arith.constant 0 : i32
      %gt3A_224 = arith.cmpi sgt, %scan3A_154, %gt3A_223 : i32
      %convert_element_type3A_225 = arith.extui %gt3A_224 : i1 to i32
      %cond3A_226 = arith.constant 0 : i32
      %cond3A_227 = arith.cmpi ne, %convert_element_type3A_225, %cond3A_226 : i32
      scf.if %cond3A_227 {
        %sub3A = arith.constant 4 : i32
        %sub3A_360 = arith.subi %add3A_207, %sub3A : i32
        %mul3A_361 = arith.constant 4 : i32
        %mul3A_362 = arith.muli %sub3A_360, %mul3A_361 : i32
        %dma_wait3A_363 = arith.constant 1 : i32
        %dma_wait3A_364 = arith.constant 0 : i32
        %dma_wait3A_365 = arith.constant 0 : i32
        %dma_wait3A_366 = tpu.memref_slice %arg10[%dma_wait3A_363, %dma_wait3A_364, %dma_wait3A_365] : memref<4x4x768xf32, #tpu.memory_space<vmem>> -> memref<1x4x768xf32, #tpu.memory_space<vmem>>
        %dma_wait3A_367 = tpu.memref_squeeze %dma_wait3A_366 : memref<1x4x768xf32, #tpu.memory_space<vmem>> -> memref<4x768xf32, #tpu.memory_space<vmem>>
        %dma_wait3A_368 = arith.constant 0 : i32
        %dma_wait3A_369 = tpu.memref_slice %arg5[%add3A, %mul3A_362, %dma_wait3A_368] : memref<32x256x768xf32, #tpu.memory_space<hbm>> -> memref<1x4x768xf32, #tpu.memory_space<hbm>>
        %dma_wait3A_370 = tpu.memref_squeeze %dma_wait3A_369 : memref<1x4x768xf32, #tpu.memory_space<hbm>> -> memref<4x768xf32, #tpu.memory_space<hbm>>
        %dma_wait3A_371 = arith.constant 0 : i32
        %dma_wait3A_372 = tpu.memref_slice %arg5[%add3A, %mul3A_362, %dma_wait3A_371] : memref<32x256x768xf32, #tpu.memory_space<hbm>> -> memref<1x4x768xf32, #tpu.memory_space<hbm>>
        %dma_wait3A_373 = tpu.memref_squeeze %dma_wait3A_372 : memref<1x4x768xf32, #tpu.memory_space<hbm>> -> memref<4x768xf32, #tpu.memory_space<hbm>>
        %dma_wait3A_374 = arith.constant 0 : i32
        %dma_wait3A_375 = arith.constant 0 : i32
        %dma_wait3A_376 = tpu.memref_slice %arg10[%dma_wait3A_363, %dma_wait3A_374, %dma_wait3A_375] : memref<4x4x768xf32, #tpu.memory_space<vmem>> -> memref<1x4x768xf32, #tpu.memory_space<vmem>>
        %dma_wait3A_377 = tpu.memref_squeeze %dma_wait3A_376 : memref<1x4x768xf32, #tpu.memory_space<vmem>> -> memref<4x768xf32, #tpu.memory_space<vmem>>
        tpu.wait_dma2 semaphore(%arg16 : memref<!tpu.dma_semaphore, #tpu.memory_space<semaphore_mem>>) src(%dma_wait3A_377 : memref<4x768xf32, #tpu.memory_space<vmem>>) dst(%dma_wait3A_373 : memref<4x768xf32, #tpu.memory_space<hbm>>)
      } else {
      }
      %scan3A_228 = arith.constant 0 : i32
      %scan3A_229 = arith.constant 0 : i32
      %scan3A_230 = arith.constant 4 : i32
      %scan3A_231 = arith.addi %scan3A_229, %scan3A_230 : i32
      %scan3A_232 = arith.constant 1 : i32
      scf.for %scan3A_360 = %scan3A_229 to %scan3A_231 step %scan3A_232  : i32 {
        %scan3A_361 = arith.constant 0 : i32
        %scan3A_362 = arith.constant 0 : i32
        %scan3A_363 = arith.constant 48 : i32
        %scan3A_364 = arith.addi %scan3A_362, %scan3A_363 : i32
        %scan3A_365 = arith.constant 8 : i32
        scf.for %scan3A_367 = %scan3A_362 to %scan3A_364 step %scan3A_365  : i32 {
          %mul3A_368 = arith.constant 16 : i32
          %mul3A_369 = arith.muli %scan3A_367, %mul3A_368 : i32
          %get3A_370 = arith.constant 1 : i32
          %get3A_371 = arith.constant 0 : i32
          %get3A_372 = arith.index_cast %get3A_370 : i32 to index
          %get3A_373 = arith.index_cast %get3A_371 : i32 to index
          %get3A_374 = arith.index_cast %scan3A_360 : i32 to index
          %get3A_375 = arith.index_cast %mul3A_369 : i32 to index
          %get3A_376 = tpu.vector_load %arg9[%get3A_372, %get3A_373, %get3A_374, %get3A_375] {strides = array<i32>} : memref<4x8x4x768xf32, #tpu.memory_space<vmem>>, vector<1x1x1x16xf32>,
          %get3A_377 = vector.shape_cast %get3A_376 : vector<1x1x1x16xf32> to vector<16xf32>
          %mul3A_378 = vector.broadcast %squeeze3A : f32 to vector<16xf32>
          %mul3A_379 = arith.mulf %get3A_377, %mul3A_378 : vector<16xf32>
          %get3A_380 = arith.constant 1 : i32
          %get3A_381 = arith.constant 1 : i32
          %get3A_382 = arith.index_cast %get3A_380 : i32 to index
          %get3A_383 = arith.index_cast %get3A_381 : i32 to index
          %get3A_384 = arith.index_cast %scan3A_360 : i32 to index
          %get3A_385 = arith.index_cast %mul3A_369 : i32 to index
          %get3A_386 = tpu.vector_load %arg9[%get3A_382, %get3A_383, %get3A_384, %get3A_385] {strides = array<i32>} : memref<4x8x4x768xf32, #tpu.memory_space<vmem>>, vector<1x1x1x16xf32>,
          %get3A_387 = vector.shape_cast %get3A_386 : vector<1x1x1x16xf32> to vector<16xf32>
          %mul3A_388 = vector.broadcast %squeeze3A_14 : f32 to vector<16xf32>
          %mul3A_389 = arith.mulf %get3A_387, %mul3A_388 : vector<16xf32>
          %add3A_390 = arith.addf %mul3A_379, %mul3A_389 : vector<16xf32>
          %get3A_391 = arith.constant 1 : i32
          %get3A_392 = arith.constant 2 : i32
          %get3A_393 = arith.index_cast %get3A_391 : i32 to index
          %get3A_394 = arith.index_cast %get3A_392 : i32 to index
          %get3A_395 = arith.index_cast %scan3A_360 : i32 to index
          %get3A_396 = arith.index_cast %mul3A_369 : i32 to index
          %get3A_397 = tpu.vector_load %arg9[%get3A_393, %get3A_394, %get3A_395, %get3A_396] {strides = array<i32>} : memref<4x8x4x768xf32, #tpu.memory_space<vmem>>, vector<1x1x1x16xf32>,
          %get3A_398 = vector.shape_cast %get3A_397 : vector<1x1x1x16xf32> to vector<16xf32>
          %mul3A_399 = vector.broadcast %squeeze3A_16 : f32 to vector<16xf32>
          %mul3A_400 = arith.mulf %get3A_398, %mul3A_399 : vector<16xf32>
          %add3A_401 = arith.addf %add3A_390, %mul3A_400 : vector<16xf32>
          %get3A_402 = arith.constant 1 : i32
          %get3A_403 = arith.constant 3 : i32
          %get3A_404 = arith.index_cast %get3A_402 : i32 to index
          %get3A_405 = arith.index_cast %get3A_403 : i32 to index
          %get3A_406 = arith.index_cast %scan3A_360 : i32 to index
          %get3A_407 = arith.index_cast %mul3A_369 : i32 to index
          %get3A_408 = tpu.vector_load %arg9[%get3A_404, %get3A_405, %get3A_406, %get3A_407] {strides = array<i32>} : memref<4x8x4x768xf32, #tpu.memory_space<vmem>>, vector<1x1x1x16xf32>,
          %get3A_409 = vector.shape_cast %get3A_408 : vector<1x1x1x16xf32> to vector<16xf32>
          %mul3A_410 = vector.broadcast %squeeze3A_18 : f32 to vector<16xf32>
          %mul3A_411 = arith.mulf %get3A_409, %mul3A_410 : vector<16xf32>
          %add3A_412 = arith.addf %add3A_401, %mul3A_411 : vector<16xf32>
          %get3A_413 = arith.constant 1 : i32
          %get3A_414 = arith.constant 4 : i32
          %get3A_415 = arith.index_cast %get3A_413 : i32 to index
          %get3A_416 = arith.index_cast %get3A_414 : i32 to index
          %get3A_417 = arith.index_cast %scan3A_360 : i32 to index
          %get3A_418 = arith.index_cast %mul3A_369 : i32 to index
          %get3A_419 = tpu.vector_load %arg9[%get3A_415, %get3A_416, %get3A_417, %get3A_418] {strides = array<i32>} : memref<4x8x4x768xf32, #tpu.memory_space<vmem>>, vector<1x1x1x16xf32>,
          %get3A_420 = vector.shape_cast %get3A_419 : vector<1x1x1x16xf32> to vector<16xf32>
          %mul3A_421 = vector.broadcast %squeeze3A_20 : f32 to vector<16xf32>
          %mul3A_422 = arith.mulf %get3A_420, %mul3A_421 : vector<16xf32>
          %add3A_423 = arith.addf %add3A_412, %mul3A_422 : vector<16xf32>
          %get3A_424 = arith.constant 1 : i32
          %get3A_425 = arith.constant 5 : i32
          %get3A_426 = arith.index_cast %get3A_424 : i32 to index
          %get3A_427 = arith.index_cast %get3A_425 : i32 to index
          %get3A_428 = arith.index_cast %scan3A_360 : i32 to index
          %get3A_429 = arith.index_cast %mul3A_369 : i32 to index
          %get3A_430 = tpu.vector_load %arg9[%get3A_426, %get3A_427, %get3A_428, %get3A_429] {strides = array<i32>} : memref<4x8x4x768xf32, #tpu.memory_space<vmem>>, vector<1x1x1x16xf32>,
          %get3A_431 = vector.shape_cast %get3A_430 : vector<1x1x1x16xf32> to vector<16xf32>
          %mul3A_432 = vector.broadcast %squeeze3A_22 : f32 to vector<16xf32>
          %mul3A_433 = arith.mulf %get3A_431, %mul3A_432 : vector<16xf32>
          %add3A_434 = arith.addf %add3A_423, %mul3A_433 : vector<16xf32>
          %get3A_435 = arith.constant 1 : i32
          %get3A_436 = arith.constant 6 : i32
          %get3A_437 = arith.index_cast %get3A_435 : i32 to index
          %get3A_438 = arith.index_cast %get3A_436 : i32 to index
          %get3A_439 = arith.index_cast %scan3A_360 : i32 to index
          %get3A_440 = arith.index_cast %mul3A_369 : i32 to index
          %get3A_441 = tpu.vector_load %arg9[%get3A_437, %get3A_438, %get3A_439, %get3A_440] {strides = array<i32>} : memref<4x8x4x768xf32, #tpu.memory_space<vmem>>, vector<1x1x1x16xf32>,
          %get3A_442 = vector.shape_cast %get3A_441 : vector<1x1x1x16xf32> to vector<16xf32>
          %mul3A_443 = vector.broadcast %squeeze3A_24 : f32 to vector<16xf32>
          %mul3A_444 = arith.mulf %get3A_442, %mul3A_443 : vector<16xf32>
          %add3A_445 = arith.addf %add3A_434, %mul3A_444 : vector<16xf32>
          %get3A_446 = arith.constant 1 : i32
          %get3A_447 = arith.constant 7 : i32
          %get3A_448 = arith.index_cast %get3A_446 : i32 to index
          %get3A_449 = arith.index_cast %get3A_447 : i32 to index
          %get3A_450 = arith.index_cast %scan3A_360 : i32 to index
          %get3A_451 = arith.index_cast %mul3A_369 : i32 to index
          %get3A_452 = tpu.vector_load %arg9[%get3A_448, %get3A_449, %get3A_450, %get3A_451] {strides = array<i32>} : memref<4x8x4x768xf32, #tpu.memory_space<vmem>>, vector<1x1x1x16xf32>,
          %get3A_453 = vector.shape_cast %get3A_452 : vector<1x1x1x16xf32> to vector<16xf32>
          %mul3A_454 = vector.broadcast %squeeze3A_26 : f32 to vector<16xf32>
          %mul3A_455 = arith.mulf %get3A_453, %mul3A_454 : vector<16xf32>
          %add3A_456 = arith.addf %add3A_445, %mul3A_455 : vector<16xf32>
          %swap3A_457 = arith.constant 1 : i32
          %swap3A_458 = arith.index_cast %swap3A_457 : i32 to index
          %swap3A_459 = arith.index_cast %scan3A_360 : i32 to index
          %swap3A_460 = arith.index_cast %mul3A_369 : i32 to index
          %swap3A_461 = tpu.vector_load %arg10[%swap3A_458, %swap3A_459, %swap3A_460] {strides = array<i32>} : memref<4x4x768xf32, #tpu.memory_space<vmem>>, vector<1x1x16xf32>,
          %swap3A_462 = vector.shape_cast %swap3A_461 : vector<1x1x16xf32> to vector<16xf32>
          %swap3A_463 = vector.shape_cast %add3A_456 : vector<16xf32> to vector<1x1x16xf32>
          tpu.vector_store %arg10[%swap3A_458, %swap3A_459, %swap3A_460], %swap3A_463 {strides = array<i32>} : memref<4x4x768xf32, #tpu.memory_space<vmem>>, vector<1x1x16xf32>,
          %scan3A_464 = arith.constant 1 : i32
          %scan3A_465 = arith.addi %scan3A_367, %scan3A_464 : i32
          %mul3A_466 = arith.constant 16 : i32
          %mul3A_467 = arith.muli %scan3A_465, %mul3A_466 : i32
          %get3A_468 = arith.constant 1 : i32
          %get3A_469 = arith.constant 0 : i32
          %get3A_470 = arith.index_cast %get3A_468 : i32 to index
          %get3A_471 = arith.index_cast %get3A_469 : i32 to index
          %get3A_472 = arith.index_cast %scan3A_360 : i32 to index
          %get3A_473 = arith.index_cast %mul3A_467 : i32 to index
          %get3A_474 = tpu.vector_load %arg9[%get3A_470, %get3A_471, %get3A_472, %get3A_473] {strides = array<i32>} : memref<4x8x4x768xf32, #tpu.memory_space<vmem>>, vector<1x1x1x16xf32>,
          %get3A_475 = vector.shape_cast %get3A_474 : vector<1x1x1x16xf32> to vector<16xf32>
          %mul3A_476 = vector.broadcast %squeeze3A : f32 to vector<16xf32>
          %mul3A_477 = arith.mulf %get3A_475, %mul3A_476 : vector<16xf32>
          %get3A_478 = arith.constant 1 : i32
          %get3A_479 = arith.constant 1 : i32
          %get3A_480 = arith.index_cast %get3A_478 : i32 to index
          %get3A_481 = arith.index_cast %get3A_479 : i32 to index
          %get3A_482 = arith.index_cast %scan3A_360 : i32 to index
          %get3A_483 = arith.index_cast %mul3A_467 : i32 to index
          %get3A_484 = tpu.vector_load %arg9[%get3A_480, %get3A_481, %get3A_482, %get3A_483] {strides = array<i32>} : memref<4x8x4x768xf32, #tpu.memory_space<vmem>>, vector<1x1x1x16xf32>,
          %get3A_485 = vector.shape_cast %get3A_484 : vector<1x1x1x16xf32> to vector<16xf32>
          %mul3A_486 = vector.broadcast %squeeze3A_14 : f32 to vector<16xf32>
          %mul3A_487 = arith.mulf %get3A_485, %mul3A_486 : vector<16xf32>
          %add3A_488 = arith.addf %mul3A_477, %mul3A_487 : vector<16xf32>
          %get3A_489 = arith.constant 1 : i32
          %get3A_490 = arith.constant 2 : i32
          %get3A_491 = arith.index_cast %get3A_489 : i32 to index
          %get3A_492 = arith.index_cast %get3A_490 : i32 to index
          %get3A_493 = arith.index_cast %scan3A_360 : i32 to index
          %get3A_494 = arith.index_cast %mul3A_467 : i32 to index
          %get3A_495 = tpu.vector_load %arg9[%get3A_491, %get3A_492, %get3A_493, %get3A_494] {strides = array<i32>} : memref<4x8x4x768xf32, #tpu.memory_space<vmem>>, vector<1x1x1x16xf32>,
          %get3A_496 = vector.shape_cast %get3A_495 : vector<1x1x1x16xf32> to vector<16xf32>
          %mul3A_497 = vector.broadcast %squeeze3A_16 : f32 to vector<16xf32>
          %mul3A_498 = arith.mulf %get3A_496, %mul3A_497 : vector<16xf32>
          %add3A_499 = arith.addf %add3A_488, %mul3A_498 : vector<16xf32>
          %get3A_500 = arith.constant 1 : i32
          %get3A_501 = arith.constant 3 : i32
          %get3A_502 = arith.index_cast %get3A_500 : i32 to index
          %get3A_503 = arith.index_cast %get3A_501 : i32 to index
          %get3A_504 = arith.index_cast %scan3A_360 : i32 to index
          %get3A_505 = arith.index_cast %mul3A_467 : i32 to index
          %get3A_506 = tpu.vector_load %arg9[%get3A_502, %get3A_503, %get3A_504, %get3A_505] {strides = array<i32>} : memref<4x8x4x768xf32, #tpu.memory_space<vmem>>, vector<1x1x1x16xf32>,
          %get3A_507 = vector.shape_cast %get3A_506 : vector<1x1x1x16xf32> to vector<16xf32>
          %mul3A_508 = vector.broadcast %squeeze3A_18 : f32 to vector<16xf32>
          %mul3A_509 = arith.mulf %get3A_507, %mul3A_508 : vector<16xf32>
          %add3A_510 = arith.addf %add3A_499, %mul3A_509 : vector<16xf32>
          %get3A_511 = arith.constant 1 : i32
          %get3A_512 = arith.constant 4 : i32
          %get3A_513 = arith.index_cast %get3A_511 : i32 to index
          %get3A_514 = arith.index_cast %get3A_512 : i32 to index
          %get3A_515 = arith.index_cast %scan3A_360 : i32 to index
          %get3A_516 = arith.index_cast %mul3A_467 : i32 to index
          %get3A_517 = tpu.vector_load %arg9[%get3A_513, %get3A_514, %get3A_515, %get3A_516] {strides = array<i32>} : memref<4x8x4x768xf32, #tpu.memory_space<vmem>>, vector<1x1x1x16xf32>,
          %get3A_518 = vector.shape_cast %get3A_517 : vector<1x1x1x16xf32> to vector<16xf32>
          %mul3A_519 = vector.broadcast %squeeze3A_20 : f32 to vector<16xf32>
          %mul3A_520 = arith.mulf %get3A_518, %mul3A_519 : vector<16xf32>
          %add3A_521 = arith.addf %add3A_510, %mul3A_520 : vector<16xf32>
          %get3A_522 = arith.constant 1 : i32
          %get3A_523 = arith.constant 5 : i32
          %get3A_524 = arith.index_cast %get3A_522 : i32 to index
          %get3A_525 = arith.index_cast %get3A_523 : i32 to index
          %get3A_526 = arith.index_cast %scan3A_360 : i32 to index
          %get3A_527 = arith.index_cast %mul3A_467 : i32 to index
          %get3A_528 = tpu.vector_load %arg9[%get3A_524, %get3A_525, %get3A_526, %get3A_527] {strides = array<i32>} : memref<4x8x4x768xf32, #tpu.memory_space<vmem>>, vector<1x1x1x16xf32>,
          %get3A_529 = vector.shape_cast %get3A_528 : vector<1x1x1x16xf32> to vector<16xf32>
          %mul3A_530 = vector.broadcast %squeeze3A_22 : f32 to vector<16xf32>
          %mul3A_531 = arith.mulf %get3A_529, %mul3A_530 : vector<16xf32>
          %add3A_532 = arith.addf %add3A_521, %mul3A_531 : vector<16xf32>
          %get3A_533 = arith.constant 1 : i32
          %get3A_534 = arith.constant 6 : i32
          %get3A_535 = arith.index_cast %get3A_533 : i32 to index
          %get3A_536 = arith.index_cast %get3A_534 : i32 to index
          %get3A_537 = arith.index_cast %scan3A_360 : i32 to index
          %get3A_538 = arith.index_cast %mul3A_467 : i32 to index
          %get3A_539 = tpu.vector_load %arg9[%get3A_535, %get3A_536, %get3A_537, %get3A_538] {strides = array<i32>} : memref<4x8x4x768xf32, #tpu.memory_space<vmem>>, vector<1x1x1x16xf32>,
          %get3A_540 = vector.shape_cast %get3A_539 : vector<1x1x1x16xf32> to vector<16xf32>
          %mul3A_541 = vector.broadcast %squeeze3A_24 : f32 to vector<16xf32>
          %mul3A_542 = arith.mulf %get3A_540, %mul3A_541 : vector<16xf32>
          %add3A_543 = arith.addf %add3A_532, %mul3A_542 : vector<16xf32>
          %get3A_544 = arith.constant 1 : i32
          %get3A_545 = arith.constant 7 : i32
          %get3A_546 = arith.index_cast %get3A_544 : i32 to index
          %get3A_547 = arith.index_cast %get3A_545 : i32 to index
          %get3A_548 = arith.index_cast %scan3A_360 : i32 to index
          %get3A_549 = arith.index_cast %mul3A_467 : i32 to index
          %get3A_550 = tpu.vector_load %arg9[%get3A_546, %get3A_547, %get3A_548, %get3A_549] {strides = array<i32>} : memref<4x8x4x768xf32, #tpu.memory_space<vmem>>, vector<1x1x1x16xf32>,
          %get3A_551 = vector.shape_cast %get3A_550 : vector<1x1x1x16xf32> to vector<16xf32>
          %mul3A_552 = vector.broadcast %squeeze3A_26 : f32 to vector<16xf32>
          %mul3A_553 = arith.mulf %get3A_551, %mul3A_552 : vector<16xf32>
          %add3A_554 = arith.addf %add3A_543, %mul3A_553 : vector<16xf32>
          %swap3A_555 = arith.constant 1 : i32
          %swap3A_556 = arith.index_cast %swap3A_555 : i32 to index
          %swap3A_557 = arith.index_cast %scan3A_360 : i32 to index
          %swap3A_558 = arith.index_cast %mul3A_467 : i32 to index
          %swap3A_559 = tpu.vector_load %arg10[%swap3A_556, %swap3A_557, %swap3A_558] {strides = array<i32>} : memref<4x4x768xf32, #tpu.memory_space<vmem>>, vector<1x1x16xf32>,
          %swap3A_560 = vector.shape_cast %swap3A_559 : vector<1x1x16xf32> to vector<16xf32>
          %swap3A_561 = vector.shape_cast %add3A_554 : vector<16xf32> to vector<1x1x16xf32>
          tpu.vector_store %arg10[%swap3A_556, %swap3A_557, %swap3A_558], %swap3A_561 {strides = array<i32>} : memref<4x4x768xf32, #tpu.memory_space<vmem>>, vector<1x1x16xf32>,
          %scan3A_562 = arith.constant 2 : i32
          %scan3A_563 = arith.addi %scan3A_367, %scan3A_562 : i32
          %mul3A_564 = arith.constant 16 : i32
          %mul3A_565 = arith.muli %scan3A_563, %mul3A_564 : i32
          %get3A_566 = arith.constant 1 : i32
          %get3A_567 = arith.constant 0 : i32
          %get3A_568 = arith.index_cast %get3A_566 : i32 to index
          %get3A_569 = arith.index_cast %get3A_567 : i32 to index
          %get3A_570 = arith.index_cast %scan3A_360 : i32 to index
          %get3A_571 = arith.index_cast %mul3A_565 : i32 to index
          %get3A_572 = tpu.vector_load %arg9[%get3A_568, %get3A_569, %get3A_570, %get3A_571] {strides = array<i32>} : memref<4x8x4x768xf32, #tpu.memory_space<vmem>>, vector<1x1x1x16xf32>,
          %get3A_573 = vector.shape_cast %get3A_572 : vector<1x1x1x16xf32> to vector<16xf32>
          %mul3A_574 = vector.broadcast %squeeze3A : f32 to vector<16xf32>
          %mul3A_575 = arith.mulf %get3A_573, %mul3A_574 : vector<16xf32>
          %get3A_576 = arith.constant 1 : i32
          %get3A_577 = arith.constant 1 : i32
          %get3A_578 = arith.index_cast %get3A_576 : i32 to index
          %get3A_579 = arith.index_cast %get3A_577 : i32 to index
          %get3A_580 = arith.index_cast %scan3A_360 : i32 to index
          %get3A_581 = arith.index_cast %mul3A_565 : i32 to index
          %get3A_582 = tpu.vector_load %arg9[%get3A_578, %get3A_579, %get3A_580, %get3A_581] {strides = array<i32>} : memref<4x8x4x768xf32, #tpu.memory_space<vmem>>, vector<1x1x1x16xf32>,
          %get3A_583 = vector.shape_cast %get3A_582 : vector<1x1x1x16xf32> to vector<16xf32>
          %mul3A_584 = vector.broadcast %squeeze3A_14 : f32 to vector<16xf32>
          %mul3A_585 = arith.mulf %get3A_583, %mul3A_584 : vector<16xf32>
          %add3A_586 = arith.addf %mul3A_575, %mul3A_585 : vector<16xf32>
          %get3A_587 = arith.constant 1 : i32
          %get3A_588 = arith.constant 2 : i32
          %get3A_589 = arith.index_cast %get3A_587 : i32 to index
          %get3A_590 = arith.index_cast %get3A_588 : i32 to index
          %get3A_591 = arith.index_cast %scan3A_360 : i32 to index
          %get3A_592 = arith.index_cast %mul3A_565 : i32 to index
          %get3A_593 = tpu.vector_load %arg9[%get3A_589, %get3A_590, %get3A_591, %get3A_592] {strides = array<i32>} : memref<4x8x4x768xf32, #tpu.memory_space<vmem>>, vector<1x1x1x16xf32>,
          %get3A_594 = vector.shape_cast %get3A_593 : vector<1x1x1x16xf32> to vector<16xf32>
          %mul3A_595 = vector.broadcast %squeeze3A_16 : f32 to vector<16xf32>
          %mul3A_596 = arith.mulf %get3A_594, %mul3A_595 : vector<16xf32>
          %add3A_597 = arith.addf %add3A_586, %mul3A_596 : vector<16xf32>
          %get3A_598 = arith.constant 1 : i32
          %get3A_599 = arith.constant 3 : i32
          %get3A_600 = arith.index_cast %get3A_598 : i32 to index
          %get3A_601 = arith.index_cast %get3A_599 : i32 to index
          %get3A_602 = arith.index_cast %scan3A_360 : i32 to index
          %get3A_603 = arith.index_cast %mul3A_565 : i32 to index
          %get3A_604 = tpu.vector_load %arg9[%get3A_600, %get3A_601, %get3A_602, %get3A_603] {strides = array<i32>} : memref<4x8x4x768xf32, #tpu.memory_space<vmem>>, vector<1x1x1x16xf32>,
          %get3A_605 = vector.shape_cast %get3A_604 : vector<1x1x1x16xf32> to vector<16xf32>
          %mul3A_606 = vector.broadcast %squeeze3A_18 : f32 to vector<16xf32>
          %mul3A_607 = arith.mulf %get3A_605, %mul3A_606 : vector<16xf32>
          %add3A_608 = arith.addf %add3A_597, %mul3A_607 : vector<16xf32>
          %get3A_609 = arith.constant 1 : i32
          %get3A_610 = arith.constant 4 : i32
          %get3A_611 = arith.index_cast %get3A_609 : i32 to index
          %get3A_612 = arith.index_cast %get3A_610 : i32 to index
          %get3A_613 = arith.index_cast %scan3A_360 : i32 to index
          %get3A_614 = arith.index_cast %mul3A_565 : i32 to index
          %get3A_615 = tpu.vector_load %arg9[%get3A_611, %get3A_612, %get3A_613, %get3A_614] {strides = array<i32>} : memref<4x8x4x768xf32, #tpu.memory_space<vmem>>, vector<1x1x1x16xf32>,
          %get3A_616 = vector.shape_cast %get3A_615 : vector<1x1x1x16xf32> to vector<16xf32>
          %mul3A_617 = vector.broadcast %squeeze3A_20 : f32 to vector<16xf32>
          %mul3A_618 = arith.mulf %get3A_616, %mul3A_617 : vector<16xf32>
          %add3A_619 = arith.addf %add3A_608, %mul3A_618 : vector<16xf32>
          %get3A_620 = arith.constant 1 : i32
          %get3A_621 = arith.constant 5 : i32
          %get3A_622 = arith.index_cast %get3A_620 : i32 to index
          %get3A_623 = arith.index_cast %get3A_621 : i32 to index
          %get3A_624 = arith.index_cast %scan3A_360 : i32 to index
          %get3A_625 = arith.index_cast %mul3A_565 : i32 to index
          %get3A_626 = tpu.vector_load %arg9[%get3A_622, %get3A_623, %get3A_624, %get3A_625] {strides = array<i32>} : memref<4x8x4x768xf32, #tpu.memory_space<vmem>>, vector<1x1x1x16xf32>,
          %get3A_627 = vector.shape_cast %get3A_626 : vector<1x1x1x16xf32> to vector<16xf32>
          %mul3A_628 = vector.broadcast %squeeze3A_22 : f32 to vector<16xf32>
          %mul3A_629 = arith.mulf %get3A_627, %mul3A_628 : vector<16xf32>
          %add3A_630 = arith.addf %add3A_619, %mul3A_629 : vector<16xf32>
          %get3A_631 = arith.constant 1 : i32
          %get3A_632 = arith.constant 6 : i32
          %get3A_633 = arith.index_cast %get3A_631 : i32 to index
          %get3A_634 = arith.index_cast %get3A_632 : i32 to index
          %get3A_635 = arith.index_cast %scan3A_360 : i32 to index
          %get3A_636 = arith.index_cast %mul3A_565 : i32 to index
          %get3A_637 = tpu.vector_load %arg9[%get3A_633, %get3A_634, %get3A_635, %get3A_636] {strides = array<i32>} : memref<4x8x4x768xf32, #tpu.memory_space<vmem>>, vector<1x1x1x16xf32>,
          %get3A_638 = vector.shape_cast %get3A_637 : vector<1x1x1x16xf32> to vector<16xf32>
          %mul3A_639 = vector.broadcast %squeeze3A_24 : f32 to vector<16xf32>
          %mul3A_640 = arith.mulf %get3A_638, %mul3A_639 : vector<16xf32>
          %add3A_641 = arith.addf %add3A_630, %mul3A_640 : vector<16xf32>
          %get3A_642 = arith.constant 1 : i32
          %get3A_643 = arith.constant 7 : i32
          %get3A_644 = arith.index_cast %get3A_642 : i32 to index
          %get3A_645 = arith.index_cast %get3A_643 : i32 to index
          %get3A_646 = arith.index_cast %scan3A_360 : i32 to index
          %get3A_647 = arith.index_cast %mul3A_565 : i32 to index
          %get3A_648 = tpu.vector_load %arg9[%get3A_644, %get3A_645, %get3A_646, %get3A_647] {strides = array<i32>} : memref<4x8x4x768xf32, #tpu.memory_space<vmem>>, vector<1x1x1x16xf32>,
          %get3A_649 = vector.shape_cast %get3A_648 : vector<1x1x1x16xf32> to vector<16xf32>
          %mul3A_650 = vector.broadcast %squeeze3A_26 : f32 to vector<16xf32>
          %mul3A_651 = arith.mulf %get3A_649, %mul3A_650 : vector<16xf32>
          %add3A_652 = arith.addf %add3A_641, %mul3A_651 : vector<16xf32>
          %swap3A_653 = arith.constant 1 : i32
          %swap3A_654 = arith.index_cast %swap3A_653 : i32 to index
          %swap3A_655 = arith.index_cast %scan3A_360 : i32 to index
          %swap3A_656 = arith.index_cast %mul3A_565 : i32 to index
          %swap3A_657 = tpu.vector_load %arg10[%swap3A_654, %swap3A_655, %swap3A_656] {strides = array<i32>} : memref<4x4x768xf32, #tpu.memory_space<vmem>>, vector<1x1x16xf32>,
          %swap3A_658 = vector.shape_cast %swap3A_657 : vector<1x1x16xf32> to vector<16xf32>
          %swap3A_659 = vector.shape_cast %add3A_652 : vector<16xf32> to vector<1x1x16xf32>
          tpu.vector_store %arg10[%swap3A_654, %swap3A_655, %swap3A_656], %swap3A_659 {strides = array<i32>} : memref<4x4x768xf32, #tpu.memory_space<vmem>>, vector<1x1x16xf32>,
          %scan3A_660 = arith.constant 3 : i32
          %scan3A_661 = arith.addi %scan3A_367, %scan3A_660 : i32
          %mul3A_662 = arith.constant 16 : i32
          %mul3A_663 = arith.muli %scan3A_661, %mul3A_662 : i32
          %get3A_664 = arith.constant 1 : i32
          %get3A_665 = arith.constant 0 : i32
          %get3A_666 = arith.index_cast %get3A_664 : i32 to index
          %get3A_667 = arith.index_cast %get3A_665 : i32 to index
          %get3A_668 = arith.index_cast %scan3A_360 : i32 to index
          %get3A_669 = arith.index_cast %mul3A_663 : i32 to index
          %get3A_670 = tpu.vector_load %arg9[%get3A_666, %get3A_667, %get3A_668, %get3A_669] {strides = array<i32>} : memref<4x8x4x768xf32, #tpu.memory_space<vmem>>, vector<1x1x1x16xf32>,
          %get3A_671 = vector.shape_cast %get3A_670 : vector<1x1x1x16xf32> to vector<16xf32>
          %mul3A_672 = vector.broadcast %squeeze3A : f32 to vector<16xf32>
          %mul3A_673 = arith.mulf %get3A_671, %mul3A_672 : vector<16xf32>
          %get3A_674 = arith.constant 1 : i32
          %get3A_675 = arith.constant 1 : i32
          %get3A_676 = arith.index_cast %get3A_674 : i32 to index
          %get3A_677 = arith.index_cast %get3A_675 : i32 to index
          %get3A_678 = arith.index_cast %scan3A_360 : i32 to index
          %get3A_679 = arith.index_cast %mul3A_663 : i32 to index
          %get3A_680 = tpu.vector_load %arg9[%get3A_676, %get3A_677, %get3A_678, %get3A_679] {strides = array<i32>} : memref<4x8x4x768xf32, #tpu.memory_space<vmem>>, vector<1x1x1x16xf32>,
          %get3A_681 = vector.shape_cast %get3A_680 : vector<1x1x1x16xf32> to vector<16xf32>
          %mul3A_682 = vector.broadcast %squeeze3A_14 : f32 to vector<16xf32>
          %mul3A_683 = arith.mulf %get3A_681, %mul3A_682 : vector<16xf32>
          %add3A_684 = arith.addf %mul3A_673, %mul3A_683 : vector<16xf32>
          %get3A_685 = arith.constant 1 : i32
          %get3A_686 = arith.constant 2 : i32
          %get3A_687 = arith.index_cast %get3A_685 : i32 to index
          %get3A_688 = arith.index_cast %get3A_686 : i32 to index
          %get3A_689 = arith.index_cast %scan3A_360 : i32 to index
          %get3A_690 = arith.index_cast %mul3A_663 : i32 to index
          %get3A_691 = tpu.vector_load %arg9[%get3A_687, %get3A_688, %get3A_689, %get3A_690] {strides = array<i32>} : memref<4x8x4x768xf32, #tpu.memory_space<vmem>>, vector<1x1x1x16xf32>,
          %get3A_692 = vector.shape_cast %get3A_691 : vector<1x1x1x16xf32> to vector<16xf32>
          %mul3A_693 = vector.broadcast %squeeze3A_16 : f32 to vector<16xf32>
          %mul3A_694 = arith.mulf %get3A_692, %mul3A_693 : vector<16xf32>
          %add3A_695 = arith.addf %add3A_684, %mul3A_694 : vector<16xf32>
          %get3A_696 = arith.constant 1 : i32
          %get3A_697 = arith.constant 3 : i32
          %get3A_698 = arith.index_cast %get3A_696 : i32 to index
          %get3A_699 = arith.index_cast %get3A_697 : i32 to index
          %get3A_700 = arith.index_cast %scan3A_360 : i32 to index
          %get3A_701 = arith.index_cast %mul3A_663 : i32 to index
          %get3A_702 = tpu.vector_load %arg9[%get3A_698, %get3A_699, %get3A_700, %get3A_701] {strides = array<i32>} : memref<4x8x4x768xf32, #tpu.memory_space<vmem>>, vector<1x1x1x16xf32>,
          %get3A_703 = vector.shape_cast %get3A_702 : vector<1x1x1x16xf32> to vector<16xf32>
          %mul3A_704 = vector.broadcast %squeeze3A_18 : f32 to vector<16xf32>
          %mul3A_705 = arith.mulf %get3A_703, %mul3A_704 : vector<16xf32>
          %add3A_706 = arith.addf %add3A_695, %mul3A_705 : vector<16xf32>
          %get3A_707 = arith.constant 1 : i32
          %get3A_708 = arith.constant 4 : i32
          %get3A_709 = arith.index_cast %get3A_707 : i32 to index
          %get3A_710 = arith.index_cast %get3A_708 : i32 to index
          %get3A_711 = arith.index_cast %scan3A_360 : i32 to index
          %get3A_712 = arith.index_cast %mul3A_663 : i32 to index
          %get3A_713 = tpu.vector_load %arg9[%get3A_709, %get3A_710, %get3A_711, %get3A_712] {strides = array<i32>} : memref<4x8x4x768xf32, #tpu.memory_space<vmem>>, vector<1x1x1x16xf32>,
          %get3A_714 = vector.shape_cast %get3A_713 : vector<1x1x1x16xf32> to vector<16xf32>
          %mul3A_715 = vector.broadcast %squeeze3A_20 : f32 to vector<16xf32>
          %mul3A_716 = arith.mulf %get3A_714, %mul3A_715 : vector<16xf32>
          %add3A_717 = arith.addf %add3A_706, %mul3A_716 : vector<16xf32>
          %get3A_718 = arith.constant 1 : i32
          %get3A_719 = arith.constant 5 : i32
          %get3A_720 = arith.index_cast %get3A_718 : i32 to index
          %get3A_721 = arith.index_cast %get3A_719 : i32 to index
          %get3A_722 = arith.index_cast %scan3A_360 : i32 to index
          %get3A_723 = arith.index_cast %mul3A_663 : i32 to index
          %get3A_724 = tpu.vector_load %arg9[%get3A_720, %get3A_721, %get3A_722, %get3A_723] {strides = array<i32>} : memref<4x8x4x768xf32, #tpu.memory_space<vmem>>, vector<1x1x1x16xf32>,
          %get3A_725 = vector.shape_cast %get3A_724 : vector<1x1x1x16xf32> to vector<16xf32>
          %mul3A_726 = vector.broadcast %squeeze3A_22 : f32 to vector<16xf32>
          %mul3A_727 = arith.mulf %get3A_725, %mul3A_726 : vector<16xf32>
          %add3A_728 = arith.addf %add3A_717, %mul3A_727 : vector<16xf32>
          %get3A_729 = arith.constant 1 : i32
          %get3A_730 = arith.constant 6 : i32
          %get3A_731 = arith.index_cast %get3A_729 : i32 to index
          %get3A_732 = arith.index_cast %get3A_730 : i32 to index
          %get3A_733 = arith.index_cast %scan3A_360 : i32 to index
          %get3A_734 = arith.index_cast %mul3A_663 : i32 to index
          %get3A_735 = tpu.vector_load %arg9[%get3A_731, %get3A_732, %get3A_733, %get3A_734] {strides = array<i32>} : memref<4x8x4x768xf32, #tpu.memory_space<vmem>>, vector<1x1x1x16xf32>,
          %get3A_736 = vector.shape_cast %get3A_735 : vector<1x1x1x16xf32> to vector<16xf32>
          %mul3A_737 = vector.broadcast %squeeze3A_24 : f32 to vector<16xf32>
          %mul3A_738 = arith.mulf %get3A_736, %mul3A_737 : vector<16xf32>
          %add3A_739 = arith.addf %add3A_728, %mul3A_738 : vector<16xf32>
          %get3A_740 = arith.constant 1 : i32
          %get3A_741 = arith.constant 7 : i32
          %get3A_742 = arith.index_cast %get3A_740 : i32 to index
          %get3A_743 = arith.index_cast %get3A_741 : i32 to index
          %get3A_744 = arith.index_cast %scan3A_360 : i32 to index
          %get3A_745 = arith.index_cast %mul3A_663 : i32 to index
          %get3A_746 = tpu.vector_load %arg9[%get3A_742, %get3A_743, %get3A_744, %get3A_745] {strides = array<i32>} : memref<4x8x4x768xf32, #tpu.memory_space<vmem>>, vector<1x1x1x16xf32>,
          %get3A_747 = vector.shape_cast %get3A_746 : vector<1x1x1x16xf32> to vector<16xf32>
          %mul3A_748 = vector.broadcast %squeeze3A_26 : f32 to vector<16xf32>
          %mul3A_749 = arith.mulf %get3A_747, %mul3A_748 : vector<16xf32>
          %add3A_750 = arith.addf %add3A_739, %mul3A_749 : vector<16xf32>
          %swap3A_751 = arith.constant 1 : i32
          %swap3A_752 = arith.index_cast %swap3A_751 : i32 to index
          %swap3A_753 = arith.index_cast %scan3A_360 : i32 to index
          %swap3A_754 = arith.index_cast %mul3A_663 : i32 to index
          %swap3A_755 = tpu.vector_load %arg10[%swap3A_752, %swap3A_753, %swap3A_754] {strides = array<i32>} : memref<4x4x768xf32, #tpu.memory_space<vmem>>, vector<1x1x16xf32>,
          %swap3A_756 = vector.shape_cast %swap3A_755 : vector<1x1x16xf32> to vector<16xf32>
          %swap3A_757 = vector.shape_cast %add3A_750 : vector<16xf32> to vector<1x1x16xf32>
          tpu.vector_store %arg10[%swap3A_752, %swap3A_753, %swap3A_754], %swap3A_757 {strides = array<i32>} : memref<4x4x768xf32, #tpu.memory_space<vmem>>, vector<1x1x16xf32>,
          %scan3A_758 = arith.constant 4 : i32
          %scan3A_759 = arith.addi %scan3A_367, %scan3A_758 : i32
          %mul3A_760 = arith.constant 16 : i32
          %mul3A_761 = arith.muli %scan3A_759, %mul3A_760 : i32
          %get3A_762 = arith.constant 1 : i32
          %get3A_763 = arith.constant 0 : i32
          %get3A_764 = arith.index_cast %get3A_762 : i32 to index
          %get3A_765 = arith.index_cast %get3A_763 : i32 to index
          %get3A_766 = arith.index_cast %scan3A_360 : i32 to index
          %get3A_767 = arith.index_cast %mul3A_761 : i32 to index
          %get3A_768 = tpu.vector_load %arg9[%get3A_764, %get3A_765, %get3A_766, %get3A_767] {strides = array<i32>} : memref<4x8x4x768xf32, #tpu.memory_space<vmem>>, vector<1x1x1x16xf32>,
          %get3A_769 = vector.shape_cast %get3A_768 : vector<1x1x1x16xf32> to vector<16xf32>
          %mul3A_770 = vector.broadcast %squeeze3A : f32 to vector<16xf32>
          %mul3A_771 = arith.mulf %get3A_769, %mul3A_770 : vector<16xf32>
          %get3A_772 = arith.constant 1 : i32
          %get3A_773 = arith.constant 1 : i32
          %get3A_774 = arith.index_cast %get3A_772 : i32 to index
          %get3A_775 = arith.index_cast %get3A_773 : i32 to index
          %get3A_776 = arith.index_cast %scan3A_360 : i32 to index
          %get3A_777 = arith.index_cast %mul3A_761 : i32 to index
          %get3A_778 = tpu.vector_load %arg9[%get3A_774, %get3A_775, %get3A_776, %get3A_777] {strides = array<i32>} : memref<4x8x4x768xf32, #tpu.memory_space<vmem>>, vector<1x1x1x16xf32>,
          %get3A_779 = vector.shape_cast %get3A_778 : vector<1x1x1x16xf32> to vector<16xf32>
          %mul3A_780 = vector.broadcast %squeeze3A_14 : f32 to vector<16xf32>
          %mul3A_781 = arith.mulf %get3A_779, %mul3A_780 : vector<16xf32>
          %add3A_782 = arith.addf %mul3A_771, %mul3A_781 : vector<16xf32>
          %get3A_783 = arith.constant 1 : i32
          %get3A_784 = arith.constant 2 : i32
          %get3A_785 = arith.index_cast %get3A_783 : i32 to index
          %get3A_786 = arith.index_cast %get3A_784 : i32 to index
          %get3A_787 = arith.index_cast %scan3A_360 : i32 to index
          %get3A_788 = arith.index_cast %mul3A_761 : i32 to index
          %get3A_789 = tpu.vector_load %arg9[%get3A_785, %get3A_786, %get3A_787, %get3A_788] {strides = array<i32>} : memref<4x8x4x768xf32, #tpu.memory_space<vmem>>, vector<1x1x1x16xf32>,
          %get3A_790 = vector.shape_cast %get3A_789 : vector<1x1x1x16xf32> to vector<16xf32>
          %mul3A_791 = vector.broadcast %squeeze3A_16 : f32 to vector<16xf32>
          %mul3A_792 = arith.mulf %get3A_790, %mul3A_791 : vector<16xf32>
          %add3A_793 = arith.addf %add3A_782, %mul3A_792 : vector<16xf32>
          %get3A_794 = arith.constant 1 : i32
          %get3A_795 = arith.constant 3 : i32
          %get3A_796 = arith.index_cast %get3A_794 : i32 to index
          %get3A_797 = arith.index_cast %get3A_795 : i32 to index
          %get3A_798 = arith.index_cast %scan3A_360 : i32 to index
          %get3A_799 = arith.index_cast %mul3A_761 : i32 to index
          %get3A_800 = tpu.vector_load %arg9[%get3A_796, %get3A_797, %get3A_798, %get3A_799] {strides = array<i32>} : memref<4x8x4x768xf32, #tpu.memory_space<vmem>>, vector<1x1x1x16xf32>,
          %get3A_801 = vector.shape_cast %get3A_800 : vector<1x1x1x16xf32> to vector<16xf32>
          %mul3A_802 = vector.broadcast %squeeze3A_18 : f32 to vector<16xf32>
          %mul3A_803 = arith.mulf %get3A_801, %mul3A_802 : vector<16xf32>
          %add3A_804 = arith.addf %add3A_793, %mul3A_803 : vector<16xf32>
          %get3A_805 = arith.constant 1 : i32
          %get3A_806 = arith.constant 4 : i32
          %get3A_807 = arith.index_cast %get3A_805 : i32 to index
          %get3A_808 = arith.index_cast %get3A_806 : i32 to index
          %get3A_809 = arith.index_cast %scan3A_360 : i32 to index
          %get3A_810 = arith.index_cast %mul3A_761 : i32 to index
          %get3A_811 = tpu.vector_load %arg9[%get3A_807, %get3A_808, %get3A_809, %get3A_810] {strides = array<i32>} : memref<4x8x4x768xf32, #tpu.memory_space<vmem>>, vector<1x1x1x16xf32>,
          %get3A_812 = vector.shape_cast %get3A_811 : vector<1x1x1x16xf32> to vector<16xf32>
          %mul3A_813 = vector.broadcast %squeeze3A_20 : f32 to vector<16xf32>
          %mul3A_814 = arith.mulf %get3A_812, %mul3A_813 : vector<16xf32>
          %add3A_815 = arith.addf %add3A_804, %mul3A_814 : vector<16xf32>
          %get3A_816 = arith.constant 1 : i32
          %get3A_817 = arith.constant 5 : i32
          %get3A_818 = arith.index_cast %get3A_816 : i32 to index
          %get3A_819 = arith.index_cast %get3A_817 : i32 to index
          %get3A_820 = arith.index_cast %scan3A_360 : i32 to index
          %get3A_821 = arith.index_cast %mul3A_761 : i32 to index
          %get3A_822 = tpu.vector_load %arg9[%get3A_818, %get3A_819, %get3A_820, %get3A_821] {strides = array<i32>} : memref<4x8x4x768xf32, #tpu.memory_space<vmem>>, vector<1x1x1x16xf32>,
          %get3A_823 = vector.shape_cast %get3A_822 : vector<1x1x1x16xf32> to vector<16xf32>
          %mul3A_824 = vector.broadcast %squeeze3A_22 : f32 to vector<16xf32>
          %mul3A_825 = arith.mulf %get3A_823, %mul3A_824 : vector<16xf32>
          %add3A_826 = arith.addf %add3A_815, %mul3A_825 : vector<16xf32>
          %get3A_827 = arith.constant 1 : i32
          %get3A_828 = arith.constant 6 : i32
          %get3A_829 = arith.index_cast %get3A_827 : i32 to index
          %get3A_830 = arith.index_cast %get3A_828 : i32 to index
          %get3A_831 = arith.index_cast %scan3A_360 : i32 to index
          %get3A_832 = arith.index_cast %mul3A_761 : i32 to index
          %get3A_833 = tpu.vector_load %arg9[%get3A_829, %get3A_830, %get3A_831, %get3A_832] {strides = array<i32>} : memref<4x8x4x768xf32, #tpu.memory_space<vmem>>, vector<1x1x1x16xf32>,
          %get3A_834 = vector.shape_cast %get3A_833 : vector<1x1x1x16xf32> to vector<16xf32>
          %mul3A_835 = vector.broadcast %squeeze3A_24 : f32 to vector<16xf32>
          %mul3A_836 = arith.mulf %get3A_834, %mul3A_835 : vector<16xf32>
          %add3A_837 = arith.addf %add3A_826, %mul3A_836 : vector<16xf32>
          %get3A_838 = arith.constant 1 : i32
          %get3A_839 = arith.constant 7 : i32
          %get3A_840 = arith.index_cast %get3A_838 : i32 to index
          %get3A_841 = arith.index_cast %get3A_839 : i32 to index
          %get3A_842 = arith.index_cast %scan3A_360 : i32 to index
          %get3A_843 = arith.index_cast %mul3A_761 : i32 to index
          %get3A_844 = tpu.vector_load %arg9[%get3A_840, %get3A_841, %get3A_842, %get3A_843] {strides = array<i32>} : memref<4x8x4x768xf32, #tpu.memory_space<vmem>>, vector<1x1x1x16xf32>,
          %get3A_845 = vector.shape_cast %get3A_844 : vector<1x1x1x16xf32> to vector<16xf32>
          %mul3A_846 = vector.broadcast %squeeze3A_26 : f32 to vector<16xf32>
          %mul3A_847 = arith.mulf %get3A_845, %mul3A_846 : vector<16xf32>
          %add3A_848 = arith.addf %add3A_837, %mul3A_847 : vector<16xf32>
          %swap3A_849 = arith.constant 1 : i32
          %swap3A_850 = arith.index_cast %swap3A_849 : i32 to index
          %swap3A_851 = arith.index_cast %scan3A_360 : i32 to index
          %swap3A_852 = arith.index_cast %mul3A_761 : i32 to index
          %swap3A_853 = tpu.vector_load %arg10[%swap3A_850, %swap3A_851, %swap3A_852] {strides = array<i32>} : memref<4x4x768xf32, #tpu.memory_space<vmem>>, vector<1x1x16xf32>,
          %swap3A_854 = vector.shape_cast %swap3A_853 : vector<1x1x16xf32> to vector<16xf32>
          %swap3A_855 = vector.shape_cast %add3A_848 : vector<16xf32> to vector<1x1x16xf32>
          tpu.vector_store %arg10[%swap3A_850, %swap3A_851, %swap3A_852], %swap3A_855 {strides = array<i32>} : memref<4x4x768xf32, #tpu.memory_space<vmem>>, vector<1x1x16xf32>,
          %scan3A_856 = arith.constant 5 : i32
          %scan3A_857 = arith.addi %scan3A_367, %scan3A_856 : i32
          %mul3A_858 = arith.constant 16 : i32
          %mul3A_859 = arith.muli %scan3A_857, %mul3A_858 : i32
          %get3A_860 = arith.constant 1 : i32
          %get3A_861 = arith.constant 0 : i32
          %get3A_862 = arith.index_cast %get3A_860 : i32 to index
          %get3A_863 = arith.index_cast %get3A_861 : i32 to index
          %get3A_864 = arith.index_cast %scan3A_360 : i32 to index
          %get3A_865 = arith.index_cast %mul3A_859 : i32 to index
          %get3A_866 = tpu.vector_load %arg9[%get3A_862, %get3A_863, %get3A_864, %get3A_865] {strides = array<i32>} : memref<4x8x4x768xf32, #tpu.memory_space<vmem>>, vector<1x1x1x16xf32>,
          %get3A_867 = vector.shape_cast %get3A_866 : vector<1x1x1x16xf32> to vector<16xf32>
          %mul3A_868 = vector.broadcast %squeeze3A : f32 to vector<16xf32>
          %mul3A_869 = arith.mulf %get3A_867, %mul3A_868 : vector<16xf32>
          %get3A_870 = arith.constant 1 : i32
          %get3A_871 = arith.constant 1 : i32
          %get3A_872 = arith.index_cast %get3A_870 : i32 to index
          %get3A_873 = arith.index_cast %get3A_871 : i32 to index
          %get3A_874 = arith.index_cast %scan3A_360 : i32 to index
          %get3A_875 = arith.index_cast %mul3A_859 : i32 to index
          %get3A_876 = tpu.vector_load %arg9[%get3A_872, %get3A_873, %get3A_874, %get3A_875] {strides = array<i32>} : memref<4x8x4x768xf32, #tpu.memory_space<vmem>>, vector<1x1x1x16xf32>,
          %get3A_877 = vector.shape_cast %get3A_876 : vector<1x1x1x16xf32> to vector<16xf32>
          %mul3A_878 = vector.broadcast %squeeze3A_14 : f32 to vector<16xf32>
          %mul3A_879 = arith.mulf %get3A_877, %mul3A_878 : vector<16xf32>
          %add3A_880 = arith.addf %mul3A_869, %mul3A_879 : vector<16xf32>
          %get3A_881 = arith.constant 1 : i32
          %get3A_882 = arith.constant 2 : i32
          %get3A_883 = arith.index_cast %get3A_881 : i32 to index
          %get3A_884 = arith.index_cast %get3A_882 : i32 to index
          %get3A_885 = arith.index_cast %scan3A_360 : i32 to index
          %get3A_886 = arith.index_cast %mul3A_859 : i32 to index
          %get3A_887 = tpu.vector_load %arg9[%get3A_883, %get3A_884, %get3A_885, %get3A_886] {strides = array<i32>} : memref<4x8x4x768xf32, #tpu.memory_space<vmem>>, vector<1x1x1x16xf32>,
          %get3A_888 = vector.shape_cast %get3A_887 : vector<1x1x1x16xf32> to vector<16xf32>
          %mul3A_889 = vector.broadcast %squeeze3A_16 : f32 to vector<16xf32>
          %mul3A_890 = arith.mulf %get3A_888, %mul3A_889 : vector<16xf32>
          %add3A_891 = arith.addf %add3A_880, %mul3A_890 : vector<16xf32>
          %get3A_892 = arith.constant 1 : i32
          %get3A_893 = arith.constant 3 : i32
          %get3A_894 = arith.index_cast %get3A_892 : i32 to index
          %get3A_895 = arith.index_cast %get3A_893 : i32 to index
          %get3A_896 = arith.index_cast %scan3A_360 : i32 to index
          %get3A_897 = arith.index_cast %mul3A_859 : i32 to index
          %get3A_898 = tpu.vector_load %arg9[%get3A_894, %get3A_895, %get3A_896, %get3A_897] {strides = array<i32>} : memref<4x8x4x768xf32, #tpu.memory_space<vmem>>, vector<1x1x1x16xf32>,
          %get3A_899 = vector.shape_cast %get3A_898 : vector<1x1x1x16xf32> to vector<16xf32>
          %mul3A_900 = vector.broadcast %squeeze3A_18 : f32 to vector<16xf32>
          %mul3A_901 = arith.mulf %get3A_899, %mul3A_900 : vector<16xf32>
          %add3A_902 = arith.addf %add3A_891, %mul3A_901 : vector<16xf32>
          %get3A_903 = arith.constant 1 : i32
          %get3A_904 = arith.constant 4 : i32
          %get3A_905 = arith.index_cast %get3A_903 : i32 to index
          %get3A_906 = arith.index_cast %get3A_904 : i32 to index
          %get3A_907 = arith.index_cast %scan3A_360 : i32 to index
          %get3A_908 = arith.index_cast %mul3A_859 : i32 to index
          %get3A_909 = tpu.vector_load %arg9[%get3A_905, %get3A_906, %get3A_907, %get3A_908] {strides = array<i32>} : memref<4x8x4x768xf32, #tpu.memory_space<vmem>>, vector<1x1x1x16xf32>,
          %get3A_910 = vector.shape_cast %get3A_909 : vector<1x1x1x16xf32> to vector<16xf32>
          %mul3A_911 = vector.broadcast %squeeze3A_20 : f32 to vector<16xf32>
          %mul3A_912 = arith.mulf %get3A_910, %mul3A_911 : vector<16xf32>
          %add3A_913 = arith.addf %add3A_902, %mul3A_912 : vector<16xf32>
          %get3A_914 = arith.constant 1 : i32
          %get3A_915 = arith.constant 5 : i32
          %get3A_916 = arith.index_cast %get3A_914 : i32 to index
          %get3A_917 = arith.index_cast %get3A_915 : i32 to index
          %get3A_918 = arith.index_cast %scan3A_360 : i32 to index
          %get3A_919 = arith.index_cast %mul3A_859 : i32 to index
          %get3A_920 = tpu.vector_load %arg9[%get3A_916, %get3A_917, %get3A_918, %get3A_919] {strides = array<i32>} : memref<4x8x4x768xf32, #tpu.memory_space<vmem>>, vector<1x1x1x16xf32>,
          %get3A_921 = vector.shape_cast %get3A_920 : vector<1x1x1x16xf32> to vector<16xf32>
          %mul3A_922 = vector.broadcast %squeeze3A_22 : f32 to vector<16xf32>
          %mul3A_923 = arith.mulf %get3A_921, %mul3A_922 : vector<16xf32>
          %add3A_924 = arith.addf %add3A_913, %mul3A_923 : vector<16xf32>
          %get3A_925 = arith.constant 1 : i32
          %get3A_926 = arith.constant 6 : i32
          %get3A_927 = arith.index_cast %get3A_925 : i32 to index
          %get3A_928 = arith.index_cast %get3A_926 : i32 to index
          %get3A_929 = arith.index_cast %scan3A_360 : i32 to index
          %get3A_930 = arith.index_cast %mul3A_859 : i32 to index
          %get3A_931 = tpu.vector_load %arg9[%get3A_927, %get3A_928, %get3A_929, %get3A_930] {strides = array<i32>} : memref<4x8x4x768xf32, #tpu.memory_space<vmem>>, vector<1x1x1x16xf32>,
          %get3A_932 = vector.shape_cast %get3A_931 : vector<1x1x1x16xf32> to vector<16xf32>
          %mul3A_933 = vector.broadcast %squeeze3A_24 : f32 to vector<16xf32>
          %mul3A_934 = arith.mulf %get3A_932, %mul3A_933 : vector<16xf32>
          %add3A_935 = arith.addf %add3A_924, %mul3A_934 : vector<16xf32>
          %get3A_936 = arith.constant 1 : i32
          %get3A_937 = arith.constant 7 : i32
          %get3A_938 = arith.index_cast %get3A_936 : i32 to index
          %get3A_939 = arith.index_cast %get3A_937 : i32 to index
          %get3A_940 = arith.index_cast %scan3A_360 : i32 to index
          %get3A_941 = arith.index_cast %mul3A_859 : i32 to index
          %get3A_942 = tpu.vector_load %arg9[%get3A_938, %get3A_939, %get3A_940, %get3A_941] {strides = array<i32>} : memref<4x8x4x768xf32, #tpu.memory_space<vmem>>, vector<1x1x1x16xf32>,
          %get3A_943 = vector.shape_cast %get3A_942 : vector<1x1x1x16xf32> to vector<16xf32>
          %mul3A_944 = vector.broadcast %squeeze3A_26 : f32 to vector<16xf32>
          %mul3A_945 = arith.mulf %get3A_943, %mul3A_944 : vector<16xf32>
          %add3A_946 = arith.addf %add3A_935, %mul3A_945 : vector<16xf32>
          %swap3A_947 = arith.constant 1 : i32
          %swap3A_948 = arith.index_cast %swap3A_947 : i32 to index
          %swap3A_949 = arith.index_cast %scan3A_360 : i32 to index
          %swap3A_950 = arith.index_cast %mul3A_859 : i32 to index
          %swap3A_951 = tpu.vector_load %arg10[%swap3A_948, %swap3A_949, %swap3A_950] {strides = array<i32>} : memref<4x4x768xf32, #tpu.memory_space<vmem>>, vector<1x1x16xf32>,
          %swap3A_952 = vector.shape_cast %swap3A_951 : vector<1x1x16xf32> to vector<16xf32>
          %swap3A_953 = vector.shape_cast %add3A_946 : vector<16xf32> to vector<1x1x16xf32>
          tpu.vector_store %arg10[%swap3A_948, %swap3A_949, %swap3A_950], %swap3A_953 {strides = array<i32>} : memref<4x4x768xf32, #tpu.memory_space<vmem>>, vector<1x1x16xf32>,
          %scan3A_954 = arith.constant 6 : i32
          %scan3A_955 = arith.addi %scan3A_367, %scan3A_954 : i32
          %mul3A_956 = arith.constant 16 : i32
          %mul3A_957 = arith.muli %scan3A_955, %mul3A_956 : i32
          %get3A_958 = arith.constant 1 : i32
          %get3A_959 = arith.constant 0 : i32
          %get3A_960 = arith.index_cast %get3A_958 : i32 to index
          %get3A_961 = arith.index_cast %get3A_959 : i32 to index
          %get3A_962 = arith.index_cast %scan3A_360 : i32 to index
          %get3A_963 = arith.index_cast %mul3A_957 : i32 to index
          %get3A_964 = tpu.vector_load %arg9[%get3A_960, %get3A_961, %get3A_962, %get3A_963] {strides = array<i32>} : memref<4x8x4x768xf32, #tpu.memory_space<vmem>>, vector<1x1x1x16xf32>,
          %get3A_965 = vector.shape_cast %get3A_964 : vector<1x1x1x16xf32> to vector<16xf32>
          %mul3A_966 = vector.broadcast %squeeze3A : f32 to vector<16xf32>
          %mul3A_967 = arith.mulf %get3A_965, %mul3A_966 : vector<16xf32>
          %get3A_968 = arith.constant 1 : i32
          %get3A_969 = arith.constant 1 : i32
          %get3A_970 = arith.index_cast %get3A_968 : i32 to index
          %get3A_971 = arith.index_cast %get3A_969 : i32 to index
          %get3A_972 = arith.index_cast %scan3A_360 : i32 to index
          %get3A_973 = arith.index_cast %mul3A_957 : i32 to index
          %get3A_974 = tpu.vector_load %arg9[%get3A_970, %get3A_971, %get3A_972, %get3A_973] {strides = array<i32>} : memref<4x8x4x768xf32, #tpu.memory_space<vmem>>, vector<1x1x1x16xf32>,
          %get3A_975 = vector.shape_cast %get3A_974 : vector<1x1x1x16xf32> to vector<16xf32>
          %mul3A_976 = vector.broadcast %squeeze3A_14 : f32 to vector<16xf32>
          %mul3A_977 = arith.mulf %get3A_975, %mul3A_976 : vector<16xf32>
          %add3A_978 = arith.addf %mul3A_967, %mul3A_977 : vector<16xf32>
          %get3A_979 = arith.constant 1 : i32
          %get3A_980 = arith.constant 2 : i32
          %get3A_981 = arith.index_cast %get3A_979 : i32 to index
          %get3A_982 = arith.index_cast %get3A_980 : i32 to index
          %get3A_983 = arith.index_cast %scan3A_360 : i32 to index
          %get3A_984 = arith.index_cast %mul3A_957 : i32 to index
          %get3A_985 = tpu.vector_load %arg9[%get3A_981, %get3A_982, %get3A_983, %get3A_984] {strides = array<i32>} : memref<4x8x4x768xf32, #tpu.memory_space<vmem>>, vector<1x1x1x16xf32>,
          %get3A_986 = vector.shape_cast %get3A_985 : vector<1x1x1x16xf32> to vector<16xf32>
          %mul3A_987 = vector.broadcast %squeeze3A_16 : f32 to vector<16xf32>
          %mul3A_988 = arith.mulf %get3A_986, %mul3A_987 : vector<16xf32>
          %add3A_989 = arith.addf %add3A_978, %mul3A_988 : vector<16xf32>
          %get3A_990 = arith.constant 1 : i32
          %get3A_991 = arith.constant 3 : i32
          %get3A_992 = arith.index_cast %get3A_990 : i32 to index
          %get3A_993 = arith.index_cast %get3A_991 : i32 to index
          %get3A_994 = arith.index_cast %scan3A_360 : i32 to index
          %get3A_995 = arith.index_cast %mul3A_957 : i32 to index
          %get3A_996 = tpu.vector_load %arg9[%get3A_992, %get3A_993, %get3A_994, %get3A_995] {strides = array<i32>} : memref<4x8x4x768xf32, #tpu.memory_space<vmem>>, vector<1x1x1x16xf32>,
          %get3A_997 = vector.shape_cast %get3A_996 : vector<1x1x1x16xf32> to vector<16xf32>
          %mul3A_998 = vector.broadcast %squeeze3A_18 : f32 to vector<16xf32>
          %mul3A_999 = arith.mulf %get3A_997, %mul3A_998 : vector<16xf32>
          %add3A_1000 = arith.addf %add3A_989, %mul3A_999 : vector<16xf32>
          %get3A_1001 = arith.constant 1 : i32
          %get3A_1002 = arith.constant 4 : i32
          %get3A_1003 = arith.index_cast %get3A_1001 : i32 to index
          %get3A_1004 = arith.index_cast %get3A_1002 : i32 to index
          %get3A_1005 = arith.index_cast %scan3A_360 : i32 to index
          %get3A_1006 = arith.index_cast %mul3A_957 : i32 to index
          %get3A_1007 = tpu.vector_load %arg9[%get3A_1003, %get3A_1004, %get3A_1005, %get3A_1006] {strides = array<i32>} : memref<4x8x4x768xf32, #tpu.memory_space<vmem>>, vector<1x1x1x16xf32>,
          %get3A_1008 = vector.shape_cast %get3A_1007 : vector<1x1x1x16xf32> to vector<16xf32>
          %mul3A_1009 = vector.broadcast %squeeze3A_20 : f32 to vector<16xf32>
          %mul3A_1010 = arith.mulf %get3A_1008, %mul3A_1009 : vector<16xf32>
          %add3A_1011 = arith.addf %add3A_1000, %mul3A_1010 : vector<16xf32>
          %get3A_1012 = arith.constant 1 : i32
          %get3A_1013 = arith.constant 5 : i32
          %get3A_1014 = arith.index_cast %get3A_1012 : i32 to index
          %get3A_1015 = arith.index_cast %get3A_1013 : i32 to index
          %get3A_1016 = arith.index_cast %scan3A_360 : i32 to index
          %get3A_1017 = arith.index_cast %mul3A_957 : i32 to index
          %get3A_1018 = tpu.vector_load %arg9[%get3A_1014, %get3A_1015, %get3A_1016, %get3A_1017] {strides = array<i32>} : memref<4x8x4x768xf32, #tpu.memory_space<vmem>>, vector<1x1x1x16xf32>,
          %get3A_1019 = vector.shape_cast %get3A_1018 : vector<1x1x1x16xf32> to vector<16xf32>
          %mul3A_1020 = vector.broadcast %squeeze3A_22 : f32 to vector<16xf32>
          %mul3A_1021 = arith.mulf %get3A_1019, %mul3A_1020 : vector<16xf32>
          %add3A_1022 = arith.addf %add3A_1011, %mul3A_1021 : vector<16xf32>
          %get3A_1023 = arith.constant 1 : i32
          %get3A_1024 = arith.constant 6 : i32
          %get3A_1025 = arith.index_cast %get3A_1023 : i32 to index
          %get3A_1026 = arith.index_cast %get3A_1024 : i32 to index
          %get3A_1027 = arith.index_cast %scan3A_360 : i32 to index
          %get3A_1028 = arith.index_cast %mul3A_957 : i32 to index
          %get3A_1029 = tpu.vector_load %arg9[%get3A_1025, %get3A_1026, %get3A_1027, %get3A_1028] {strides = array<i32>} : memref<4x8x4x768xf32, #tpu.memory_space<vmem>>, vector<1x1x1x16xf32>,
          %get3A_1030 = vector.shape_cast %get3A_1029 : vector<1x1x1x16xf32> to vector<16xf32>
          %mul3A_1031 = vector.broadcast %squeeze3A_24 : f32 to vector<16xf32>
          %mul3A_1032 = arith.mulf %get3A_1030, %mul3A_1031 : vector<16xf32>
          %add3A_1033 = arith.addf %add3A_1022, %mul3A_1032 : vector<16xf32>
          %get3A_1034 = arith.constant 1 : i32
          %get3A_1035 = arith.constant 7 : i32
          %get3A_1036 = arith.index_cast %get3A_1034 : i32 to index
          %get3A_1037 = arith.index_cast %get3A_1035 : i32 to index
          %get3A_1038 = arith.index_cast %scan3A_360 : i32 to index
          %get3A_1039 = arith.index_cast %mul3A_957 : i32 to index
          %get3A_1040 = tpu.vector_load %arg9[%get3A_1036, %get3A_1037, %get3A_1038, %get3A_1039] {strides = array<i32>} : memref<4x8x4x768xf32, #tpu.memory_space<vmem>>, vector<1x1x1x16xf32>,
          %get3A_1041 = vector.shape_cast %get3A_1040 : vector<1x1x1x16xf32> to vector<16xf32>
          %mul3A_1042 = vector.broadcast %squeeze3A_26 : f32 to vector<16xf32>
          %mul3A_1043 = arith.mulf %get3A_1041, %mul3A_1042 : vector<16xf32>
          %add3A_1044 = arith.addf %add3A_1033, %mul3A_1043 : vector<16xf32>
          %swap3A_1045 = arith.constant 1 : i32
          %swap3A_1046 = arith.index_cast %swap3A_1045 : i32 to index
          %swap3A_1047 = arith.index_cast %scan3A_360 : i32 to index
          %swap3A_1048 = arith.index_cast %mul3A_957 : i32 to index
          %swap3A_1049 = tpu.vector_load %arg10[%swap3A_1046, %swap3A_1047, %swap3A_1048] {strides = array<i32>} : memref<4x4x768xf32, #tpu.memory_space<vmem>>, vector<1x1x16xf32>,
          %swap3A_1050 = vector.shape_cast %swap3A_1049 : vector<1x1x16xf32> to vector<16xf32>
          %swap3A_1051 = vector.shape_cast %add3A_1044 : vector<16xf32> to vector<1x1x16xf32>
          tpu.vector_store %arg10[%swap3A_1046, %swap3A_1047, %swap3A_1048], %swap3A_1051 {strides = array<i32>} : memref<4x4x768xf32, #tpu.memory_space<vmem>>, vector<1x1x16xf32>,
          %scan3A_1052 = arith.constant 7 : i32
          %scan3A_1053 = arith.addi %scan3A_367, %scan3A_1052 : i32
          %mul3A_1054 = arith.constant 16 : i32
          %mul3A_1055 = arith.muli %scan3A_1053, %mul3A_1054 : i32
          %get3A_1056 = arith.constant 1 : i32
          %get3A_1057 = arith.constant 0 : i32
          %get3A_1058 = arith.index_cast %get3A_1056 : i32 to index
          %get3A_1059 = arith.index_cast %get3A_1057 : i32 to index
          %get3A_1060 = arith.index_cast %scan3A_360 : i32 to index
          %get3A_1061 = arith.index_cast %mul3A_1055 : i32 to index
          %get3A_1062 = tpu.vector_load %arg9[%get3A_1058, %get3A_1059, %get3A_1060, %get3A_1061] {strides = array<i32>} : memref<4x8x4x768xf32, #tpu.memory_space<vmem>>, vector<1x1x1x16xf32>,
          %get3A_1063 = vector.shape_cast %get3A_1062 : vector<1x1x1x16xf32> to vector<16xf32>
          %mul3A_1064 = vector.broadcast %squeeze3A : f32 to vector<16xf32>
          %mul3A_1065 = arith.mulf %get3A_1063, %mul3A_1064 : vector<16xf32>
          %get3A_1066 = arith.constant 1 : i32
          %get3A_1067 = arith.constant 1 : i32
          %get3A_1068 = arith.index_cast %get3A_1066 : i32 to index
          %get3A_1069 = arith.index_cast %get3A_1067 : i32 to index
          %get3A_1070 = arith.index_cast %scan3A_360 : i32 to index
          %get3A_1071 = arith.index_cast %mul3A_1055 : i32 to index
          %get3A_1072 = tpu.vector_load %arg9[%get3A_1068, %get3A_1069, %get3A_1070, %get3A_1071] {strides = array<i32>} : memref<4x8x4x768xf32, #tpu.memory_space<vmem>>, vector<1x1x1x16xf32>,
          %get3A_1073 = vector.shape_cast %get3A_1072 : vector<1x1x1x16xf32> to vector<16xf32>
          %mul3A_1074 = vector.broadcast %squeeze3A_14 : f32 to vector<16xf32>
          %mul3A_1075 = arith.mulf %get3A_1073, %mul3A_1074 : vector<16xf32>
          %add3A_1076 = arith.addf %mul3A_1065, %mul3A_1075 : vector<16xf32>
          %get3A_1077 = arith.constant 1 : i32
          %get3A_1078 = arith.constant 2 : i32
          %get3A_1079 = arith.index_cast %get3A_1077 : i32 to index
          %get3A_1080 = arith.index_cast %get3A_1078 : i32 to index
          %get3A_1081 = arith.index_cast %scan3A_360 : i32 to index
          %get3A_1082 = arith.index_cast %mul3A_1055 : i32 to index
          %get3A_1083 = tpu.vector_load %arg9[%get3A_1079, %get3A_1080, %get3A_1081, %get3A_1082] {strides = array<i32>} : memref<4x8x4x768xf32, #tpu.memory_space<vmem>>, vector<1x1x1x16xf32>,
          %get3A_1084 = vector.shape_cast %get3A_1083 : vector<1x1x1x16xf32> to vector<16xf32>
          %mul3A_1085 = vector.broadcast %squeeze3A_16 : f32 to vector<16xf32>
          %mul3A_1086 = arith.mulf %get3A_1084, %mul3A_1085 : vector<16xf32>
          %add3A_1087 = arith.addf %add3A_1076, %mul3A_1086 : vector<16xf32>
          %get3A_1088 = arith.constant 1 : i32
          %get3A_1089 = arith.constant 3 : i32
          %get3A_1090 = arith.index_cast %get3A_1088 : i32 to index
          %get3A_1091 = arith.index_cast %get3A_1089 : i32 to index
          %get3A_1092 = arith.index_cast %scan3A_360 : i32 to index
          %get3A_1093 = arith.index_cast %mul3A_1055 : i32 to index
          %get3A_1094 = tpu.vector_load %arg9[%get3A_1090, %get3A_1091, %get3A_1092, %get3A_1093] {strides = array<i32>} : memref<4x8x4x768xf32, #tpu.memory_space<vmem>>, vector<1x1x1x16xf32>,
          %get3A_1095 = vector.shape_cast %get3A_1094 : vector<1x1x1x16xf32> to vector<16xf32>
          %mul3A_1096 = vector.broadcast %squeeze3A_18 : f32 to vector<16xf32>
          %mul3A_1097 = arith.mulf %get3A_1095, %mul3A_1096 : vector<16xf32>
          %add3A_1098 = arith.addf %add3A_1087, %mul3A_1097 : vector<16xf32>
          %get3A_1099 = arith.constant 1 : i32
          %get3A_1100 = arith.constant 4 : i32
          %get3A_1101 = arith.index_cast %get3A_1099 : i32 to index
          %get3A_1102 = arith.index_cast %get3A_1100 : i32 to index
          %get3A_1103 = arith.index_cast %scan3A_360 : i32 to index
          %get3A_1104 = arith.index_cast %mul3A_1055 : i32 to index
          %get3A_1105 = tpu.vector_load %arg9[%get3A_1101, %get3A_1102, %get3A_1103, %get3A_1104] {strides = array<i32>} : memref<4x8x4x768xf32, #tpu.memory_space<vmem>>, vector<1x1x1x16xf32>,
          %get3A_1106 = vector.shape_cast %get3A_1105 : vector<1x1x1x16xf32> to vector<16xf32>
          %mul3A_1107 = vector.broadcast %squeeze3A_20 : f32 to vector<16xf32>
          %mul3A_1108 = arith.mulf %get3A_1106, %mul3A_1107 : vector<16xf32>
          %add3A_1109 = arith.addf %add3A_1098, %mul3A_1108 : vector<16xf32>
          %get3A_1110 = arith.constant 1 : i32
          %get3A_1111 = arith.constant 5 : i32
          %get3A_1112 = arith.index_cast %get3A_1110 : i32 to index
          %get3A_1113 = arith.index_cast %get3A_1111 : i32 to index
          %get3A_1114 = arith.index_cast %scan3A_360 : i32 to index
          %get3A_1115 = arith.index_cast %mul3A_1055 : i32 to index
          %get3A_1116 = tpu.vector_load %arg9[%get3A_1112, %get3A_1113, %get3A_1114, %get3A_1115] {strides = array<i32>} : memref<4x8x4x768xf32, #tpu.memory_space<vmem>>, vector<1x1x1x16xf32>,
          %get3A_1117 = vector.shape_cast %get3A_1116 : vector<1x1x1x16xf32> to vector<16xf32>
          %mul3A_1118 = vector.broadcast %squeeze3A_22 : f32 to vector<16xf32>
          %mul3A_1119 = arith.mulf %get3A_1117, %mul3A_1118 : vector<16xf32>
          %add3A_1120 = arith.addf %add3A_1109, %mul3A_1119 : vector<16xf32>
          %get3A_1121 = arith.constant 1 : i32
          %get3A_1122 = arith.constant 6 : i32
          %get3A_1123 = arith.index_cast %get3A_1121 : i32 to index
          %get3A_1124 = arith.index_cast %get3A_1122 : i32 to index
          %get3A_1125 = arith.index_cast %scan3A_360 : i32 to index
          %get3A_1126 = arith.index_cast %mul3A_1055 : i32 to index
          %get3A_1127 = tpu.vector_load %arg9[%get3A_1123, %get3A_1124, %get3A_1125, %get3A_1126] {strides = array<i32>} : memref<4x8x4x768xf32, #tpu.memory_space<vmem>>, vector<1x1x1x16xf32>,
          %get3A_1128 = vector.shape_cast %get3A_1127 : vector<1x1x1x16xf32> to vector<16xf32>
          %mul3A_1129 = vector.broadcast %squeeze3A_24 : f32 to vector<16xf32>
          %mul3A_1130 = arith.mulf %get3A_1128, %mul3A_1129 : vector<16xf32>
          %add3A_1131 = arith.addf %add3A_1120, %mul3A_1130 : vector<16xf32>
          %get3A_1132 = arith.constant 1 : i32
          %get3A_1133 = arith.constant 7 : i32
          %get3A_1134 = arith.index_cast %get3A_1132 : i32 to index
          %get3A_1135 = arith.index_cast %get3A_1133 : i32 to index
          %get3A_1136 = arith.index_cast %scan3A_360 : i32 to index
          %get3A_1137 = arith.index_cast %mul3A_1055 : i32 to index
          %get3A_1138 = tpu.vector_load %arg9[%get3A_1134, %get3A_1135, %get3A_1136, %get3A_1137] {strides = array<i32>} : memref<4x8x4x768xf32, #tpu.memory_space<vmem>>, vector<1x1x1x16xf32>,
          %get3A_1139 = vector.shape_cast %get3A_1138 : vector<1x1x1x16xf32> to vector<16xf32>
          %mul3A_1140 = vector.broadcast %squeeze3A_26 : f32 to vector<16xf32>
          %mul3A_1141 = arith.mulf %get3A_1139, %mul3A_1140 : vector<16xf32>
          %add3A_1142 = arith.addf %add3A_1131, %mul3A_1141 : vector<16xf32>
          %swap3A_1143 = arith.constant 1 : i32
          %swap3A_1144 = arith.index_cast %swap3A_1143 : i32 to index
          %swap3A_1145 = arith.index_cast %scan3A_360 : i32 to index
          %swap3A_1146 = arith.index_cast %mul3A_1055 : i32 to index
          %swap3A_1147 = tpu.vector_load %arg10[%swap3A_1144, %swap3A_1145, %swap3A_1146] {strides = array<i32>} : memref<4x4x768xf32, #tpu.memory_space<vmem>>, vector<1x1x16xf32>,
          %swap3A_1148 = vector.shape_cast %swap3A_1147 : vector<1x1x16xf32> to vector<16xf32>
          %swap3A_1149 = vector.shape_cast %add3A_1142 : vector<16xf32> to vector<1x1x16xf32>
          tpu.vector_store %arg10[%swap3A_1144, %swap3A_1145, %swap3A_1146], %swap3A_1149 {strides = array<i32>} : memref<4x4x768xf32, #tpu.memory_space<vmem>>, vector<1x1x16xf32>,
        }
        %scan3A_366 = arith.constant 48 : i32
      }
      %scan3A_233 = arith.constant 4 : i32
      %mul3A_234 = arith.constant 4 : i32
      %mul3A_235 = arith.muli %add3A_207, %mul3A_234 : i32
      %dma_start3A_236 = arith.constant 1 : i32
      %dma_start3A_237 = arith.constant 0 : i32
      %dma_start3A_238 = arith.constant 0 : i32
      %dma_start3A_239 = tpu.memref_slice %arg10[%dma_start3A_236, %dma_start3A_237, %dma_start3A_238] : memref<4x4x768xf32, #tpu.memory_space<vmem>> -> memref<1x4x768xf32, #tpu.memory_space<vmem>>
      %dma_start3A_240 = tpu.memref_squeeze %dma_start3A_239 : memref<1x4x768xf32, #tpu.memory_space<vmem>> -> memref<4x768xf32, #tpu.memory_space<vmem>>
      %dma_start3A_241 = arith.constant 0 : i32
      %dma_start3A_242 = tpu.memref_slice %arg5[%add3A, %mul3A_235, %dma_start3A_241] : memref<32x256x768xf32, #tpu.memory_space<hbm>> -> memref<1x4x768xf32, #tpu.memory_space<hbm>>
      %dma_start3A_243 = tpu.memref_squeeze %dma_start3A_242 : memref<1x4x768xf32, #tpu.memory_space<hbm>> -> memref<4x768xf32, #tpu.memory_space<hbm>>
      %dma_start3A_244 = arith.constant 0 : i32
      %dma_start3A_245 = tpu.memref_slice %arg5[%add3A, %mul3A_235, %dma_start3A_244] : memref<32x256x768xf32, #tpu.memory_space<hbm>> -> memref<1x4x768xf32, #tpu.memory_space<hbm>>
      %dma_start3A_246 = tpu.memref_squeeze %dma_start3A_245 : memref<1x4x768xf32, #tpu.memory_space<hbm>> -> memref<4x768xf32, #tpu.memory_space<hbm>>
      %dma_start3A_247 = arith.constant 0 : i32
      %dma_start3A_248 = arith.constant 0 : i32
      %dma_start3A_249 = tpu.memref_slice %arg10[%dma_start3A_236, %dma_start3A_247, %dma_start3A_248] : memref<4x4x768xf32, #tpu.memory_space<vmem>> -> memref<1x4x768xf32, #tpu.memory_space<vmem>>
      %dma_start3A_250 = tpu.memref_squeeze %dma_start3A_249 : memref<1x4x768xf32, #tpu.memory_space<vmem>> -> memref<4x768xf32, #tpu.memory_space<vmem>>
      tpu.enqueue_dma source(%dma_start3A_250 : memref<4x768xf32, #tpu.memory_space<vmem>>) target(%dma_start3A_246 : memref<4x768xf32, #tpu.memory_space<hbm>>) target_semaphore(%arg16 : memref<!tpu.dma_semaphore, #tpu.memory_space<semaphore_mem>>)
      %lt3A_251 = arith.constant 15 : i32
      %lt3A_252 = arith.cmpi slt, %scan3A_154, %lt3A_251 : i32
      %convert_element_type3A_253 = arith.extui %lt3A_252 : i1 to i32
      %cond3A_254 = arith.constant 0 : i32
      %cond3A_255 = arith.cmpi ne, %convert_element_type3A_253, %cond3A_254 : i32
      scf.if %cond3A_255 {
        %add3A_360 = arith.constant 4 : i32
        %add3A_361 = arith.addi %add3A_207, %add3A_360 : i32
        %mul3A_362 = arith.constant 4 : i32
        %mul3A_363 = arith.muli %add3A_361, %mul3A_362 : i32
        %dma_start3A_364 = arith.constant 0 : i32
        %dma_start3A_365 = arith.constant 1 : i32
        %dma_start3A_366 = arith.constant 0 : i32
        %dma_start3A_367 = arith.constant 0 : i32
        %dma_start3A_368 = arith.constant 0 : i32
        %dma_start3A_369 = tpu.memref_slice %arg9[%dma_start3A_365, %dma_start3A_366, %dma_start3A_367, %dma_start3A_368] : memref<4x8x4x768xf32, #tpu.memory_space<vmem>> -> memref<1x8x4x768xf32, #tpu.memory_space<vmem>>
        %dma_start3A_370 = tpu.memref_squeeze %dma_start3A_369 : memref<1x8x4x768xf32, #tpu.memory_space<vmem>> -> memref<8x4x768xf32, #tpu.memory_space<vmem>>
        %dma_start3A_371 = arith.constant 0 : i32
        %dma_start3A_372 = tpu.memref_slice %arg8[%dma_start3A_364, %dma_start3A_371] : memref<1x16xi32, #tpu.memory_space<vmem>> -> memref<1x8xi32, #tpu.memory_space<vmem>>
        %dma_start3A_373 = tpu.memref_squeeze %dma_start3A_372 : memref<1x8xi32, #tpu.memory_space<vmem>> -> memref<8xi32, #tpu.memory_space<vmem>>
        %dma_start3A_374 = arith.constant 0 : i32
        %dma_start3A_375 = arith.constant 0 : i32
        %dma_start3A_376 = tpu.memref_slice %arg4[%dma_start3A_374, %mul3A_363, %dma_start3A_375] : memref<200x256x768xf32, #tpu.memory_space<hbm>> -> memref<200x4x768xf32, #tpu.memory_space<hbm>>
        tpu.enqueue_indirect_dma source(%dma_start3A_376 : memref<200x4x768xf32, #tpu.memory_space<hbm>>) target(%dma_start3A_370 : memref<8x4x768xf32, #tpu.memory_space<vmem>>) offsets(%dma_start3A_373 : memref<8xi32, #tpu.memory_space<vmem>>) semaphore(%arg12 : memref<!tpu.dma_semaphore, #tpu.memory_space<semaphore_mem>>)
      } else {
      }
      %mul3A_256 = arith.constant 4 : i32
      %mul3A_257 = arith.muli %mul3A_256, %scan3A_154 : i32
      %add3A_258 = arith.constant 2 : i32
      %add3A_259 = arith.addi %mul3A_257, %add3A_258 : i32
      %mul3A_260 = arith.constant 4 : i32
      %mul3A_261 = arith.muli %add3A_259, %mul3A_260 : i32
      %dma_wait3A_262 = arith.constant 0 : i32
      %dma_wait3A_263 = arith.constant 2 : i32
      %dma_wait3A_264 = arith.constant 0 : i32
      %dma_wait3A_265 = arith.constant 0 : i32
      %dma_wait3A_266 = arith.constant 0 : i32
      %dma_wait3A_267 = tpu.memref_slice %arg9[%dma_wait3A_263, %dma_wait3A_264, %dma_wait3A_265, %dma_wait3A_266] : memref<4x8x4x768xf32, #tpu.memory_space<vmem>> -> memref<1x8x4x768xf32, #tpu.memory_space<vmem>>
      %dma_wait3A_268 = tpu.memref_squeeze %dma_wait3A_267 : memref<1x8x4x768xf32, #tpu.memory_space<vmem>> -> memref<8x4x768xf32, #tpu.memory_space<vmem>>
      %dma_wait3A_269 = arith.constant 0 : i32
      %dma_wait3A_270 = tpu.memref_slice %arg8[%dma_wait3A_262, %dma_wait3A_269] : memref<1x16xi32, #tpu.memory_space<vmem>> -> memref<1x8xi32, #tpu.memory_space<vmem>>
      %dma_wait3A_271 = tpu.memref_squeeze %dma_wait3A_270 : memref<1x8xi32, #tpu.memory_space<vmem>> -> memref<8xi32, #tpu.memory_space<vmem>>
      %dma_wait3A_272 = arith.constant 0 : i32
      %dma_wait3A_273 = arith.constant 0 : i32
      %dma_wait3A_274 = tpu.memref_slice %arg4[%dma_wait3A_272, %mul3A_261, %dma_wait3A_273] : memref<200x256x768xf32, #tpu.memory_space<hbm>> -> memref<200x4x768xf32, #tpu.memory_space<hbm>>
      tpu.wait_indirect_dma semaphore(%arg13 : memref<!tpu.dma_semaphore, #tpu.memory_space<semaphore_mem>>) src(%dma_wait3A_274 : memref<200x4x768xf32, #tpu.memory_space<hbm>>) dst(%dma_wait3A_268 : memref<8x4x768xf32, #tpu.memory_space<vmem>>)
      %gt3A_275 = arith.constant 0 : i32
      %gt3A_276 = arith.cmpi sgt, %scan3A_154, %gt3A_275 : i32
      %convert_element_type3A_277 = arith.extui %gt3A_276 : i1 to i32
      %cond3A_278 = arith.constant 0 : i32
      %cond3A_279 = arith.cmpi ne, %convert_element_type3A_277, %cond3A_278 : i32
      scf.if %cond3A_279 {
        %sub3A = arith.constant 4 : i32
        %sub3A_360 = arith.subi %add3A_259, %sub3A : i32
        %mul3A_361 = arith.constant 4 : i32
        %mul3A_362 = arith.muli %sub3A_360, %mul3A_361 : i32
        %dma_wait3A_363 = arith.constant 2 : i32
        %dma_wait3A_364 = arith.constant 0 : i32
        %dma_wait3A_365 = arith.constant 0 : i32
        %dma_wait3A_366 = tpu.memref_slice %arg10[%dma_wait3A_363, %dma_wait3A_364, %dma_wait3A_365] : memref<4x4x768xf32, #tpu.memory_space<vmem>> -> memref<1x4x768xf32, #tpu.memory_space<vmem>>
        %dma_wait3A_367 = tpu.memref_squeeze %dma_wait3A_366 : memref<1x4x768xf32, #tpu.memory_space<vmem>> -> memref<4x768xf32, #tpu.memory_space<vmem>>
        %dma_wait3A_368 = arith.constant 0 : i32
        %dma_wait3A_369 = tpu.memref_slice %arg5[%add3A, %mul3A_362, %dma_wait3A_368] : memref<32x256x768xf32, #tpu.memory_space<hbm>> -> memref<1x4x768xf32, #tpu.memory_space<hbm>>
        %dma_wait3A_370 = tpu.memref_squeeze %dma_wait3A_369 : memref<1x4x768xf32, #tpu.memory_space<hbm>> -> memref<4x768xf32, #tpu.memory_space<hbm>>
        %dma_wait3A_371 = arith.constant 0 : i32
        %dma_wait3A_372 = tpu.memref_slice %arg5[%add3A, %mul3A_362, %dma_wait3A_371] : memref<32x256x768xf32, #tpu.memory_space<hbm>> -> memref<1x4x768xf32, #tpu.memory_space<hbm>>
        %dma_wait3A_373 = tpu.memref_squeeze %dma_wait3A_372 : memref<1x4x768xf32, #tpu.memory_space<hbm>> -> memref<4x768xf32, #tpu.memory_space<hbm>>
        %dma_wait3A_374 = arith.constant 0 : i32
        %dma_wait3A_375 = arith.constant 0 : i32
        %dma_wait3A_376 = tpu.memref_slice %arg10[%dma_wait3A_363, %dma_wait3A_374, %dma_wait3A_375] : memref<4x4x768xf32, #tpu.memory_space<vmem>> -> memref<1x4x768xf32, #tpu.memory_space<vmem>>
        %dma_wait3A_377 = tpu.memref_squeeze %dma_wait3A_376 : memref<1x4x768xf32, #tpu.memory_space<vmem>> -> memref<4x768xf32, #tpu.memory_space<vmem>>
        tpu.wait_dma2 semaphore(%arg17 : memref<!tpu.dma_semaphore, #tpu.memory_space<semaphore_mem>>) src(%dma_wait3A_377 : memref<4x768xf32, #tpu.memory_space<vmem>>) dst(%dma_wait3A_373 : memref<4x768xf32, #tpu.memory_space<hbm>>)
      } else {
      }
      %scan3A_280 = arith.constant 0 : i32
      %scan3A_281 = arith.constant 0 : i32
      %scan3A_282 = arith.constant 4 : i32
      %scan3A_283 = arith.addi %scan3A_281, %scan3A_282 : i32
      %scan3A_284 = arith.constant 1 : i32
      scf.for %scan3A_360 = %scan3A_281 to %scan3A_283 step %scan3A_284  : i32 {
        %scan3A_361 = arith.constant 0 : i32
        %scan3A_362 = arith.constant 0 : i32
        %scan3A_363 = arith.constant 48 : i32
        %scan3A_364 = arith.addi %scan3A_362, %scan3A_363 : i32
        %scan3A_365 = arith.constant 8 : i32
        scf.for %scan3A_367 = %scan3A_362 to %scan3A_364 step %scan3A_365  : i32 {
          %mul3A_368 = arith.constant 16 : i32
          %mul3A_369 = arith.muli %scan3A_367, %mul3A_368 : i32
          %get3A_370 = arith.constant 2 : i32
          %get3A_371 = arith.constant 0 : i32
          %get3A_372 = arith.index_cast %get3A_370 : i32 to index
          %get3A_373 = arith.index_cast %get3A_371 : i32 to index
          %get3A_374 = arith.index_cast %scan3A_360 : i32 to index
          %get3A_375 = arith.index_cast %mul3A_369 : i32 to index
          %get3A_376 = tpu.vector_load %arg9[%get3A_372, %get3A_373, %get3A_374, %get3A_375] {strides = array<i32>} : memref<4x8x4x768xf32, #tpu.memory_space<vmem>>, vector<1x1x1x16xf32>,
          %get3A_377 = vector.shape_cast %get3A_376 : vector<1x1x1x16xf32> to vector<16xf32>
          %mul3A_378 = vector.broadcast %squeeze3A : f32 to vector<16xf32>
          %mul3A_379 = arith.mulf %get3A_377, %mul3A_378 : vector<16xf32>
          %get3A_380 = arith.constant 2 : i32
          %get3A_381 = arith.constant 1 : i32
          %get3A_382 = arith.index_cast %get3A_380 : i32 to index
          %get3A_383 = arith.index_cast %get3A_381 : i32 to index
          %get3A_384 = arith.index_cast %scan3A_360 : i32 to index
          %get3A_385 = arith.index_cast %mul3A_369 : i32 to index
          %get3A_386 = tpu.vector_load %arg9[%get3A_382, %get3A_383, %get3A_384, %get3A_385] {strides = array<i32>} : memref<4x8x4x768xf32, #tpu.memory_space<vmem>>, vector<1x1x1x16xf32>,
          %get3A_387 = vector.shape_cast %get3A_386 : vector<1x1x1x16xf32> to vector<16xf32>
          %mul3A_388 = vector.broadcast %squeeze3A_14 : f32 to vector<16xf32>
          %mul3A_389 = arith.mulf %get3A_387, %mul3A_388 : vector<16xf32>
          %add3A_390 = arith.addf %mul3A_379, %mul3A_389 : vector<16xf32>
          %get3A_391 = arith.constant 2 : i32
          %get3A_392 = arith.constant 2 : i32
          %get3A_393 = arith.index_cast %get3A_391 : i32 to index
          %get3A_394 = arith.index_cast %get3A_392 : i32 to index
          %get3A_395 = arith.index_cast %scan3A_360 : i32 to index
          %get3A_396 = arith.index_cast %mul3A_369 : i32 to index
          %get3A_397 = tpu.vector_load %arg9[%get3A_393, %get3A_394, %get3A_395, %get3A_396] {strides = array<i32>} : memref<4x8x4x768xf32, #tpu.memory_space<vmem>>, vector<1x1x1x16xf32>,
          %get3A_398 = vector.shape_cast %get3A_397 : vector<1x1x1x16xf32> to vector<16xf32>
          %mul3A_399 = vector.broadcast %squeeze3A_16 : f32 to vector<16xf32>
          %mul3A_400 = arith.mulf %get3A_398, %mul3A_399 : vector<16xf32>
          %add3A_401 = arith.addf %add3A_390, %mul3A_400 : vector<16xf32>
          %get3A_402 = arith.constant 2 : i32
          %get3A_403 = arith.constant 3 : i32
          %get3A_404 = arith.index_cast %get3A_402 : i32 to index
          %get3A_405 = arith.index_cast %get3A_403 : i32 to index
          %get3A_406 = arith.index_cast %scan3A_360 : i32 to index
          %get3A_407 = arith.index_cast %mul3A_369 : i32 to index
          %get3A_408 = tpu.vector_load %arg9[%get3A_404, %get3A_405, %get3A_406, %get3A_407] {strides = array<i32>} : memref<4x8x4x768xf32, #tpu.memory_space<vmem>>, vector<1x1x1x16xf32>,
          %get3A_409 = vector.shape_cast %get3A_408 : vector<1x1x1x16xf32> to vector<16xf32>
          %mul3A_410 = vector.broadcast %squeeze3A_18 : f32 to vector<16xf32>
          %mul3A_411 = arith.mulf %get3A_409, %mul3A_410 : vector<16xf32>
          %add3A_412 = arith.addf %add3A_401, %mul3A_411 : vector<16xf32>
          %get3A_413 = arith.constant 2 : i32
          %get3A_414 = arith.constant 4 : i32
          %get3A_415 = arith.index_cast %get3A_413 : i32 to index
          %get3A_416 = arith.index_cast %get3A_414 : i32 to index
          %get3A_417 = arith.index_cast %scan3A_360 : i32 to index
          %get3A_418 = arith.index_cast %mul3A_369 : i32 to index
          %get3A_419 = tpu.vector_load %arg9[%get3A_415, %get3A_416, %get3A_417, %get3A_418] {strides = array<i32>} : memref<4x8x4x768xf32, #tpu.memory_space<vmem>>, vector<1x1x1x16xf32>,
          %get3A_420 = vector.shape_cast %get3A_419 : vector<1x1x1x16xf32> to vector<16xf32>
          %mul3A_421 = vector.broadcast %squeeze3A_20 : f32 to vector<16xf32>
          %mul3A_422 = arith.mulf %get3A_420, %mul3A_421 : vector<16xf32>
          %add3A_423 = arith.addf %add3A_412, %mul3A_422 : vector<16xf32>
          %get3A_424 = arith.constant 2 : i32
          %get3A_425 = arith.constant 5 : i32
          %get3A_426 = arith.index_cast %get3A_424 : i32 to index
          %get3A_427 = arith.index_cast %get3A_425 : i32 to index
          %get3A_428 = arith.index_cast %scan3A_360 : i32 to index
          %get3A_429 = arith.index_cast %mul3A_369 : i32 to index
          %get3A_430 = tpu.vector_load %arg9[%get3A_426, %get3A_427, %get3A_428, %get3A_429] {strides = array<i32>} : memref<4x8x4x768xf32, #tpu.memory_space<vmem>>, vector<1x1x1x16xf32>,
          %get3A_431 = vector.shape_cast %get3A_430 : vector<1x1x1x16xf32> to vector<16xf32>
          %mul3A_432 = vector.broadcast %squeeze3A_22 : f32 to vector<16xf32>
          %mul3A_433 = arith.mulf %get3A_431, %mul3A_432 : vector<16xf32>
          %add3A_434 = arith.addf %add3A_423, %mul3A_433 : vector<16xf32>
          %get3A_435 = arith.constant 2 : i32
          %get3A_436 = arith.constant 6 : i32
          %get3A_437 = arith.index_cast %get3A_435 : i32 to index
          %get3A_438 = arith.index_cast %get3A_436 : i32 to index
          %get3A_439 = arith.index_cast %scan3A_360 : i32 to index
          %get3A_440 = arith.index_cast %mul3A_369 : i32 to index
          %get3A_441 = tpu.vector_load %arg9[%get3A_437, %get3A_438, %get3A_439, %get3A_440] {strides = array<i32>} : memref<4x8x4x768xf32, #tpu.memory_space<vmem>>, vector<1x1x1x16xf32>,
          %get3A_442 = vector.shape_cast %get3A_441 : vector<1x1x1x16xf32> to vector<16xf32>
          %mul3A_443 = vector.broadcast %squeeze3A_24 : f32 to vector<16xf32>
          %mul3A_444 = arith.mulf %get3A_442, %mul3A_443 : vector<16xf32>
          %add3A_445 = arith.addf %add3A_434, %mul3A_444 : vector<16xf32>
          %get3A_446 = arith.constant 2 : i32
          %get3A_447 = arith.constant 7 : i32
          %get3A_448 = arith.index_cast %get3A_446 : i32 to index
          %get3A_449 = arith.index_cast %get3A_447 : i32 to index
          %get3A_450 = arith.index_cast %scan3A_360 : i32 to index
          %get3A_451 = arith.index_cast %mul3A_369 : i32 to index
          %get3A_452 = tpu.vector_load %arg9[%get3A_448, %get3A_449, %get3A_450, %get3A_451] {strides = array<i32>} : memref<4x8x4x768xf32, #tpu.memory_space<vmem>>, vector<1x1x1x16xf32>,
          %get3A_453 = vector.shape_cast %get3A_452 : vector<1x1x1x16xf32> to vector<16xf32>
          %mul3A_454 = vector.broadcast %squeeze3A_26 : f32 to vector<16xf32>
          %mul3A_455 = arith.mulf %get3A_453, %mul3A_454 : vector<16xf32>
          %add3A_456 = arith.addf %add3A_445, %mul3A_455 : vector<16xf32>
          %swap3A_457 = arith.constant 2 : i32
          %swap3A_458 = arith.index_cast %swap3A_457 : i32 to index
          %swap3A_459 = arith.index_cast %scan3A_360 : i32 to index
          %swap3A_460 = arith.index_cast %mul3A_369 : i32 to index
          %swap3A_461 = tpu.vector_load %arg10[%swap3A_458, %swap3A_459, %swap3A_460] {strides = array<i32>} : memref<4x4x768xf32, #tpu.memory_space<vmem>>, vector<1x1x16xf32>,
          %swap3A_462 = vector.shape_cast %swap3A_461 : vector<1x1x16xf32> to vector<16xf32>
          %swap3A_463 = vector.shape_cast %add3A_456 : vector<16xf32> to vector<1x1x16xf32>
          tpu.vector_store %arg10[%swap3A_458, %swap3A_459, %swap3A_460], %swap3A_463 {strides = array<i32>} : memref<4x4x768xf32, #tpu.memory_space<vmem>>, vector<1x1x16xf32>,
          %scan3A_464 = arith.constant 1 : i32
          %scan3A_465 = arith.addi %scan3A_367, %scan3A_464 : i32
          %mul3A_466 = arith.constant 16 : i32
          %mul3A_467 = arith.muli %scan3A_465, %mul3A_466 : i32
          %get3A_468 = arith.constant 2 : i32
          %get3A_469 = arith.constant 0 : i32
          %get3A_470 = arith.index_cast %get3A_468 : i32 to index
          %get3A_471 = arith.index_cast %get3A_469 : i32 to index
          %get3A_472 = arith.index_cast %scan3A_360 : i32 to index
          %get3A_473 = arith.index_cast %mul3A_467 : i32 to index
          %get3A_474 = tpu.vector_load %arg9[%get3A_470, %get3A_471, %get3A_472, %get3A_473] {strides = array<i32>} : memref<4x8x4x768xf32, #tpu.memory_space<vmem>>, vector<1x1x1x16xf32>,
          %get3A_475 = vector.shape_cast %get3A_474 : vector<1x1x1x16xf32> to vector<16xf32>
          %mul3A_476 = vector.broadcast %squeeze3A : f32 to vector<16xf32>
          %mul3A_477 = arith.mulf %get3A_475, %mul3A_476 : vector<16xf32>
          %get3A_478 = arith.constant 2 : i32
          %get3A_479 = arith.constant 1 : i32
          %get3A_480 = arith.index_cast %get3A_478 : i32 to index
          %get3A_481 = arith.index_cast %get3A_479 : i32 to index
          %get3A_482 = arith.index_cast %scan3A_360 : i32 to index
          %get3A_483 = arith.index_cast %mul3A_467 : i32 to index
          %get3A_484 = tpu.vector_load %arg9[%get3A_480, %get3A_481, %get3A_482, %get3A_483] {strides = array<i32>} : memref<4x8x4x768xf32, #tpu.memory_space<vmem>>, vector<1x1x1x16xf32>,
          %get3A_485 = vector.shape_cast %get3A_484 : vector<1x1x1x16xf32> to vector<16xf32>
          %mul3A_486 = vector.broadcast %squeeze3A_14 : f32 to vector<16xf32>
          %mul3A_487 = arith.mulf %get3A_485, %mul3A_486 : vector<16xf32>
          %add3A_488 = arith.addf %mul3A_477, %mul3A_487 : vector<16xf32>
          %get3A_489 = arith.constant 2 : i32
          %get3A_490 = arith.constant 2 : i32
          %get3A_491 = arith.index_cast %get3A_489 : i32 to index
          %get3A_492 = arith.index_cast %get3A_490 : i32 to index
          %get3A_493 = arith.index_cast %scan3A_360 : i32 to index
          %get3A_494 = arith.index_cast %mul3A_467 : i32 to index
          %get3A_495 = tpu.vector_load %arg9[%get3A_491, %get3A_492, %get3A_493, %get3A_494] {strides = array<i32>} : memref<4x8x4x768xf32, #tpu.memory_space<vmem>>, vector<1x1x1x16xf32>,
          %get3A_496 = vector.shape_cast %get3A_495 : vector<1x1x1x16xf32> to vector<16xf32>
          %mul3A_497 = vector.broadcast %squeeze3A_16 : f32 to vector<16xf32>
          %mul3A_498 = arith.mulf %get3A_496, %mul3A_497 : vector<16xf32>
          %add3A_499 = arith.addf %add3A_488, %mul3A_498 : vector<16xf32>
          %get3A_500 = arith.constant 2 : i32
          %get3A_501 = arith.constant 3 : i32
          %get3A_502 = arith.index_cast %get3A_500 : i32 to index
          %get3A_503 = arith.index_cast %get3A_501 : i32 to index
          %get3A_504 = arith.index_cast %scan3A_360 : i32 to index
          %get3A_505 = arith.index_cast %mul3A_467 : i32 to index
          %get3A_506 = tpu.vector_load %arg9[%get3A_502, %get3A_503, %get3A_504, %get3A_505] {strides = array<i32>} : memref<4x8x4x768xf32, #tpu.memory_space<vmem>>, vector<1x1x1x16xf32>,
          %get3A_507 = vector.shape_cast %get3A_506 : vector<1x1x1x16xf32> to vector<16xf32>
          %mul3A_508 = vector.broadcast %squeeze3A_18 : f32 to vector<16xf32>
          %mul3A_509 = arith.mulf %get3A_507, %mul3A_508 : vector<16xf32>
          %add3A_510 = arith.addf %add3A_499, %mul3A_509 : vector<16xf32>
          %get3A_511 = arith.constant 2 : i32
          %get3A_512 = arith.constant 4 : i32
          %get3A_513 = arith.index_cast %get3A_511 : i32 to index
          %get3A_514 = arith.index_cast %get3A_512 : i32 to index
          %get3A_515 = arith.index_cast %scan3A_360 : i32 to index
          %get3A_516 = arith.index_cast %mul3A_467 : i32 to index
          %get3A_517 = tpu.vector_load %arg9[%get3A_513, %get3A_514, %get3A_515, %get3A_516] {strides = array<i32>} : memref<4x8x4x768xf32, #tpu.memory_space<vmem>>, vector<1x1x1x16xf32>,
          %get3A_518 = vector.shape_cast %get3A_517 : vector<1x1x1x16xf32> to vector<16xf32>
          %mul3A_519 = vector.broadcast %squeeze3A_20 : f32 to vector<16xf32>
          %mul3A_520 = arith.mulf %get3A_518, %mul3A_519 : vector<16xf32>
          %add3A_521 = arith.addf %add3A_510, %mul3A_520 : vector<16xf32>
          %get3A_522 = arith.constant 2 : i32
          %get3A_523 = arith.constant 5 : i32
          %get3A_524 = arith.index_cast %get3A_522 : i32 to index
          %get3A_525 = arith.index_cast %get3A_523 : i32 to index
          %get3A_526 = arith.index_cast %scan3A_360 : i32 to index
          %get3A_527 = arith.index_cast %mul3A_467 : i32 to index
          %get3A_528 = tpu.vector_load %arg9[%get3A_524, %get3A_525, %get3A_526, %get3A_527] {strides = array<i32>} : memref<4x8x4x768xf32, #tpu.memory_space<vmem>>, vector<1x1x1x16xf32>,
          %get3A_529 = vector.shape_cast %get3A_528 : vector<1x1x1x16xf32> to vector<16xf32>
          %mul3A_530 = vector.broadcast %squeeze3A_22 : f32 to vector<16xf32>
          %mul3A_531 = arith.mulf %get3A_529, %mul3A_530 : vector<16xf32>
          %add3A_532 = arith.addf %add3A_521, %mul3A_531 : vector<16xf32>
          %get3A_533 = arith.constant 2 : i32
          %get3A_534 = arith.constant 6 : i32
          %get3A_535 = arith.index_cast %get3A_533 : i32 to index
          %get3A_536 = arith.index_cast %get3A_534 : i32 to index
          %get3A_537 = arith.index_cast %scan3A_360 : i32 to index
          %get3A_538 = arith.index_cast %mul3A_467 : i32 to index
          %get3A_539 = tpu.vector_load %arg9[%get3A_535, %get3A_536, %get3A_537, %get3A_538] {strides = array<i32>} : memref<4x8x4x768xf32, #tpu.memory_space<vmem>>, vector<1x1x1x16xf32>,
          %get3A_540 = vector.shape_cast %get3A_539 : vector<1x1x1x16xf32> to vector<16xf32>
          %mul3A_541 = vector.broadcast %squeeze3A_24 : f32 to vector<16xf32>
          %mul3A_542 = arith.mulf %get3A_540, %mul3A_541 : vector<16xf32>
          %add3A_543 = arith.addf %add3A_532, %mul3A_542 : vector<16xf32>
          %get3A_544 = arith.constant 2 : i32
          %get3A_545 = arith.constant 7 : i32
          %get3A_546 = arith.index_cast %get3A_544 : i32 to index
          %get3A_547 = arith.index_cast %get3A_545 : i32 to index
          %get3A_548 = arith.index_cast %scan3A_360 : i32 to index
          %get3A_549 = arith.index_cast %mul3A_467 : i32 to index
          %get3A_550 = tpu.vector_load %arg9[%get3A_546, %get3A_547, %get3A_548, %get3A_549] {strides = array<i32>} : memref<4x8x4x768xf32, #tpu.memory_space<vmem>>, vector<1x1x1x16xf32>,
          %get3A_551 = vector.shape_cast %get3A_550 : vector<1x1x1x16xf32> to vector<16xf32>
          %mul3A_552 = vector.broadcast %squeeze3A_26 : f32 to vector<16xf32>
          %mul3A_553 = arith.mulf %get3A_551, %mul3A_552 : vector<16xf32>
          %add3A_554 = arith.addf %add3A_543, %mul3A_553 : vector<16xf32>
          %swap3A_555 = arith.constant 2 : i32
          %swap3A_556 = arith.index_cast %swap3A_555 : i32 to index
          %swap3A_557 = arith.index_cast %scan3A_360 : i32 to index
          %swap3A_558 = arith.index_cast %mul3A_467 : i32 to index
          %swap3A_559 = tpu.vector_load %arg10[%swap3A_556, %swap3A_557, %swap3A_558] {strides = array<i32>} : memref<4x4x768xf32, #tpu.memory_space<vmem>>, vector<1x1x16xf32>,
          %swap3A_560 = vector.shape_cast %swap3A_559 : vector<1x1x16xf32> to vector<16xf32>
          %swap3A_561 = vector.shape_cast %add3A_554 : vector<16xf32> to vector<1x1x16xf32>
          tpu.vector_store %arg10[%swap3A_556, %swap3A_557, %swap3A_558], %swap3A_561 {strides = array<i32>} : memref<4x4x768xf32, #tpu.memory_space<vmem>>, vector<1x1x16xf32>,
          %scan3A_562 = arith.constant 2 : i32
          %scan3A_563 = arith.addi %scan3A_367, %scan3A_562 : i32
          %mul3A_564 = arith.constant 16 : i32
          %mul3A_565 = arith.muli %scan3A_563, %mul3A_564 : i32
          %get3A_566 = arith.constant 2 : i32
          %get3A_567 = arith.constant 0 : i32
          %get3A_568 = arith.index_cast %get3A_566 : i32 to index
          %get3A_569 = arith.index_cast %get3A_567 : i32 to index
          %get3A_570 = arith.index_cast %scan3A_360 : i32 to index
          %get3A_571 = arith.index_cast %mul3A_565 : i32 to index
          %get3A_572 = tpu.vector_load %arg9[%get3A_568, %get3A_569, %get3A_570, %get3A_571] {strides = array<i32>} : memref<4x8x4x768xf32, #tpu.memory_space<vmem>>, vector<1x1x1x16xf32>,
          %get3A_573 = vector.shape_cast %get3A_572 : vector<1x1x1x16xf32> to vector<16xf32>
          %mul3A_574 = vector.broadcast %squeeze3A : f32 to vector<16xf32>
          %mul3A_575 = arith.mulf %get3A_573, %mul3A_574 : vector<16xf32>
          %get3A_576 = arith.constant 2 : i32
          %get3A_577 = arith.constant 1 : i32
          %get3A_578 = arith.index_cast %get3A_576 : i32 to index
          %get3A_579 = arith.index_cast %get3A_577 : i32 to index
          %get3A_580 = arith.index_cast %scan3A_360 : i32 to index
          %get3A_581 = arith.index_cast %mul3A_565 : i32 to index
          %get3A_582 = tpu.vector_load %arg9[%get3A_578, %get3A_579, %get3A_580, %get3A_581] {strides = array<i32>} : memref<4x8x4x768xf32, #tpu.memory_space<vmem>>, vector<1x1x1x16xf32>,
          %get3A_583 = vector.shape_cast %get3A_582 : vector<1x1x1x16xf32> to vector<16xf32>
          %mul3A_584 = vector.broadcast %squeeze3A_14 : f32 to vector<16xf32>
          %mul3A_585 = arith.mulf %get3A_583, %mul3A_584 : vector<16xf32>
          %add3A_586 = arith.addf %mul3A_575, %mul3A_585 : vector<16xf32>
          %get3A_587 = arith.constant 2 : i32
          %get3A_588 = arith.constant 2 : i32
          %get3A_589 = arith.index_cast %get3A_587 : i32 to index
          %get3A_590 = arith.index_cast %get3A_588 : i32 to index
          %get3A_591 = arith.index_cast %scan3A_360 : i32 to index
          %get3A_592 = arith.index_cast %mul3A_565 : i32 to index
          %get3A_593 = tpu.vector_load %arg9[%get3A_589, %get3A_590, %get3A_591, %get3A_592] {strides = array<i32>} : memref<4x8x4x768xf32, #tpu.memory_space<vmem>>, vector<1x1x1x16xf32>,
          %get3A_594 = vector.shape_cast %get3A_593 : vector<1x1x1x16xf32> to vector<16xf32>
          %mul3A_595 = vector.broadcast %squeeze3A_16 : f32 to vector<16xf32>
          %mul3A_596 = arith.mulf %get3A_594, %mul3A_595 : vector<16xf32>
          %add3A_597 = arith.addf %add3A_586, %mul3A_596 : vector<16xf32>
          %get3A_598 = arith.constant 2 : i32
          %get3A_599 = arith.constant 3 : i32
          %get3A_600 = arith.index_cast %get3A_598 : i32 to index
          %get3A_601 = arith.index_cast %get3A_599 : i32 to index
          %get3A_602 = arith.index_cast %scan3A_360 : i32 to index
          %get3A_603 = arith.index_cast %mul3A_565 : i32 to index
          %get3A_604 = tpu.vector_load %arg9[%get3A_600, %get3A_601, %get3A_602, %get3A_603] {strides = array<i32>} : memref<4x8x4x768xf32, #tpu.memory_space<vmem>>, vector<1x1x1x16xf32>,
          %get3A_605 = vector.shape_cast %get3A_604 : vector<1x1x1x16xf32> to vector<16xf32>
          %mul3A_606 = vector.broadcast %squeeze3A_18 : f32 to vector<16xf32>
          %mul3A_607 = arith.mulf %get3A_605, %mul3A_606 : vector<16xf32>
          %add3A_608 = arith.addf %add3A_597, %mul3A_607 : vector<16xf32>
          %get3A_609 = arith.constant 2 : i32
          %get3A_610 = arith.constant 4 : i32
          %get3A_611 = arith.index_cast %get3A_609 : i32 to index
          %get3A_612 = arith.index_cast %get3A_610 : i32 to index
          %get3A_613 = arith.index_cast %scan3A_360 : i32 to index
          %get3A_614 = arith.index_cast %mul3A_565 : i32 to index
          %get3A_615 = tpu.vector_load %arg9[%get3A_611, %get3A_612, %get3A_613, %get3A_614] {strides = array<i32>} : memref<4x8x4x768xf32, #tpu.memory_space<vmem>>, vector<1x1x1x16xf32>,
          %get3A_616 = vector.shape_cast %get3A_615 : vector<1x1x1x16xf32> to vector<16xf32>
          %mul3A_617 = vector.broadcast %squeeze3A_20 : f32 to vector<16xf32>
          %mul3A_618 = arith.mulf %get3A_616, %mul3A_617 : vector<16xf32>
          %add3A_619 = arith.addf %add3A_608, %mul3A_618 : vector<16xf32>
          %get3A_620 = arith.constant 2 : i32
          %get3A_621 = arith.constant 5 : i32
          %get3A_622 = arith.index_cast %get3A_620 : i32 to index
          %get3A_623 = arith.index_cast %get3A_621 : i32 to index
          %get3A_624 = arith.index_cast %scan3A_360 : i32 to index
          %get3A_625 = arith.index_cast %mul3A_565 : i32 to index
          %get3A_626 = tpu.vector_load %arg9[%get3A_622, %get3A_623, %get3A_624, %get3A_625] {strides = array<i32>} : memref<4x8x4x768xf32, #tpu.memory_space<vmem>>, vector<1x1x1x16xf32>,
          %get3A_627 = vector.shape_cast %get3A_626 : vector<1x1x1x16xf32> to vector<16xf32>
          %mul3A_628 = vector.broadcast %squeeze3A_22 : f32 to vector<16xf32>
          %mul3A_629 = arith.mulf %get3A_627, %mul3A_628 : vector<16xf32>
          %add3A_630 = arith.addf %add3A_619, %mul3A_629 : vector<16xf32>
          %get3A_631 = arith.constant 2 : i32
          %get3A_632 = arith.constant 6 : i32
          %get3A_633 = arith.index_cast %get3A_631 : i32 to index
          %get3A_634 = arith.index_cast %get3A_632 : i32 to index
          %get3A_635 = arith.index_cast %scan3A_360 : i32 to index
          %get3A_636 = arith.index_cast %mul3A_565 : i32 to index
          %get3A_637 = tpu.vector_load %arg9[%get3A_633, %get3A_634, %get3A_635, %get3A_636] {strides = array<i32>} : memref<4x8x4x768xf32, #tpu.memory_space<vmem>>, vector<1x1x1x16xf32>,
          %get3A_638 = vector.shape_cast %get3A_637 : vector<1x1x1x16xf32> to vector<16xf32>
          %mul3A_639 = vector.broadcast %squeeze3A_24 : f32 to vector<16xf32>
          %mul3A_640 = arith.mulf %get3A_638, %mul3A_639 : vector<16xf32>
          %add3A_641 = arith.addf %add3A_630, %mul3A_640 : vector<16xf32>
          %get3A_642 = arith.constant 2 : i32
          %get3A_643 = arith.constant 7 : i32
          %get3A_644 = arith.index_cast %get3A_642 : i32 to index
          %get3A_645 = arith.index_cast %get3A_643 : i32 to index
          %get3A_646 = arith.index_cast %scan3A_360 : i32 to index
          %get3A_647 = arith.index_cast %mul3A_565 : i32 to index
          %get3A_648 = tpu.vector_load %arg9[%get3A_644, %get3A_645, %get3A_646, %get3A_647] {strides = array<i32>} : memref<4x8x4x768xf32, #tpu.memory_space<vmem>>, vector<1x1x1x16xf32>,
          %get3A_649 = vector.shape_cast %get3A_648 : vector<1x1x1x16xf32> to vector<16xf32>
          %mul3A_650 = vector.broadcast %squeeze3A_26 : f32 to vector<16xf32>
          %mul3A_651 = arith.mulf %get3A_649, %mul3A_650 : vector<16xf32>
          %add3A_652 = arith.addf %add3A_641, %mul3A_651 : vector<16xf32>
          %swap3A_653 = arith.constant 2 : i32
          %swap3A_654 = arith.index_cast %swap3A_653 : i32 to index
          %swap3A_655 = arith.index_cast %scan3A_360 : i32 to index
          %swap3A_656 = arith.index_cast %mul3A_565 : i32 to index
          %swap3A_657 = tpu.vector_load %arg10[%swap3A_654, %swap3A_655, %swap3A_656] {strides = array<i32>} : memref<4x4x768xf32, #tpu.memory_space<vmem>>, vector<1x1x16xf32>,
          %swap3A_658 = vector.shape_cast %swap3A_657 : vector<1x1x16xf32> to vector<16xf32>
          %swap3A_659 = vector.shape_cast %add3A_652 : vector<16xf32> to vector<1x1x16xf32>
          tpu.vector_store %arg10[%swap3A_654, %swap3A_655, %swap3A_656], %swap3A_659 {strides = array<i32>} : memref<4x4x768xf32, #tpu.memory_space<vmem>>, vector<1x1x16xf32>,
          %scan3A_660 = arith.constant 3 : i32
          %scan3A_661 = arith.addi %scan3A_367, %scan3A_660 : i32
          %mul3A_662 = arith.constant 16 : i32
          %mul3A_663 = arith.muli %scan3A_661, %mul3A_662 : i32
          %get3A_664 = arith.constant 2 : i32
          %get3A_665 = arith.constant 0 : i32
          %get3A_666 = arith.index_cast %get3A_664 : i32 to index
          %get3A_667 = arith.index_cast %get3A_665 : i32 to index
          %get3A_668 = arith.index_cast %scan3A_360 : i32 to index
          %get3A_669 = arith.index_cast %mul3A_663 : i32 to index
          %get3A_670 = tpu.vector_load %arg9[%get3A_666, %get3A_667, %get3A_668, %get3A_669] {strides = array<i32>} : memref<4x8x4x768xf32, #tpu.memory_space<vmem>>, vector<1x1x1x16xf32>,
          %get3A_671 = vector.shape_cast %get3A_670 : vector<1x1x1x16xf32> to vector<16xf32>
          %mul3A_672 = vector.broadcast %squeeze3A : f32 to vector<16xf32>
          %mul3A_673 = arith.mulf %get3A_671, %mul3A_672 : vector<16xf32>
          %get3A_674 = arith.constant 2 : i32
          %get3A_675 = arith.constant 1 : i32
          %get3A_676 = arith.index_cast %get3A_674 : i32 to index
          %get3A_677 = arith.index_cast %get3A_675 : i32 to index
          %get3A_678 = arith.index_cast %scan3A_360 : i32 to index
          %get3A_679 = arith.index_cast %mul3A_663 : i32 to index
          %get3A_680 = tpu.vector_load %arg9[%get3A_676, %get3A_677, %get3A_678, %get3A_679] {strides = array<i32>} : memref<4x8x4x768xf32, #tpu.memory_space<vmem>>, vector<1x1x1x16xf32>,
          %get3A_681 = vector.shape_cast %get3A_680 : vector<1x1x1x16xf32> to vector<16xf32>
          %mul3A_682 = vector.broadcast %squeeze3A_14 : f32 to vector<16xf32>
          %mul3A_683 = arith.mulf %get3A_681, %mul3A_682 : vector<16xf32>
          %add3A_684 = arith.addf %mul3A_673, %mul3A_683 : vector<16xf32>
          %get3A_685 = arith.constant 2 : i32
          %get3A_686 = arith.constant 2 : i32
          %get3A_687 = arith.index_cast %get3A_685 : i32 to index
          %get3A_688 = arith.index_cast %get3A_686 : i32 to index
          %get3A_689 = arith.index_cast %scan3A_360 : i32 to index
          %get3A_690 = arith.index_cast %mul3A_663 : i32 to index
          %get3A_691 = tpu.vector_load %arg9[%get3A_687, %get3A_688, %get3A_689, %get3A_690] {strides = array<i32>} : memref<4x8x4x768xf32, #tpu.memory_space<vmem>>, vector<1x1x1x16xf32>,
          %get3A_692 = vector.shape_cast %get3A_691 : vector<1x1x1x16xf32> to vector<16xf32>
          %mul3A_693 = vector.broadcast %squeeze3A_16 : f32 to vector<16xf32>
          %mul3A_694 = arith.mulf %get3A_692, %mul3A_693 : vector<16xf32>
          %add3A_695 = arith.addf %add3A_684, %mul3A_694 : vector<16xf32>
          %get3A_696 = arith.constant 2 : i32
          %get3A_697 = arith.constant 3 : i32
          %get3A_698 = arith.index_cast %get3A_696 : i32 to index
          %get3A_699 = arith.index_cast %get3A_697 : i32 to index
          %get3A_700 = arith.index_cast %scan3A_360 : i32 to index
          %get3A_701 = arith.index_cast %mul3A_663 : i32 to index
          %get3A_702 = tpu.vector_load %arg9[%get3A_698, %get3A_699, %get3A_700, %get3A_701] {strides = array<i32>} : memref<4x8x4x768xf32, #tpu.memory_space<vmem>>, vector<1x1x1x16xf32>,
          %get3A_703 = vector.shape_cast %get3A_702 : vector<1x1x1x16xf32> to vector<16xf32>
          %mul3A_704 = vector.broadcast %squeeze3A_18 : f32 to vector<16xf32>
          %mul3A_705 = arith.mulf %get3A_703, %mul3A_704 : vector<16xf32>
          %add3A_706 = arith.addf %add3A_695, %mul3A_705 : vector<16xf32>
          %get3A_707 = arith.constant 2 : i32
          %get3A_708 = arith.constant 4 : i32
          %get3A_709 = arith.index_cast %get3A_707 : i32 to index
          %get3A_710 = arith.index_cast %get3A_708 : i32 to index
          %get3A_711 = arith.index_cast %scan3A_360 : i32 to index
          %get3A_712 = arith.index_cast %mul3A_663 : i32 to index
          %get3A_713 = tpu.vector_load %arg9[%get3A_709, %get3A_710, %get3A_711, %get3A_712] {strides = array<i32>} : memref<4x8x4x768xf32, #tpu.memory_space<vmem>>, vector<1x1x1x16xf32>,
          %get3A_714 = vector.shape_cast %get3A_713 : vector<1x1x1x16xf32> to vector<16xf32>
          %mul3A_715 = vector.broadcast %squeeze3A_20 : f32 to vector<16xf32>
          %mul3A_716 = arith.mulf %get3A_714, %mul3A_715 : vector<16xf32>
          %add3A_717 = arith.addf %add3A_706, %mul3A_716 : vector<16xf32>
          %get3A_718 = arith.constant 2 : i32
          %get3A_719 = arith.constant 5 : i32
          %get3A_720 = arith.index_cast %get3A_718 : i32 to index
          %get3A_721 = arith.index_cast %get3A_719 : i32 to index
          %get3A_722 = arith.index_cast %scan3A_360 : i32 to index
          %get3A_723 = arith.index_cast %mul3A_663 : i32 to index
          %get3A_724 = tpu.vector_load %arg9[%get3A_720, %get3A_721, %get3A_722, %get3A_723] {strides = array<i32>} : memref<4x8x4x768xf32, #tpu.memory_space<vmem>>, vector<1x1x1x16xf32>,
          %get3A_725 = vector.shape_cast %get3A_724 : vector<1x1x1x16xf32> to vector<16xf32>
          %mul3A_726 = vector.broadcast %squeeze3A_22 : f32 to vector<16xf32>
          %mul3A_727 = arith.mulf %get3A_725, %mul3A_726 : vector<16xf32>
          %add3A_728 = arith.addf %add3A_717, %mul3A_727 : vector<16xf32>
          %get3A_729 = arith.constant 2 : i32
          %get3A_730 = arith.constant 6 : i32
          %get3A_731 = arith.index_cast %get3A_729 : i32 to index
          %get3A_732 = arith.index_cast %get3A_730 : i32 to index
          %get3A_733 = arith.index_cast %scan3A_360 : i32 to index
          %get3A_734 = arith.index_cast %mul3A_663 : i32 to index
          %get3A_735 = tpu.vector_load %arg9[%get3A_731, %get3A_732, %get3A_733, %get3A_734] {strides = array<i32>} : memref<4x8x4x768xf32, #tpu.memory_space<vmem>>, vector<1x1x1x16xf32>,
          %get3A_736 = vector.shape_cast %get3A_735 : vector<1x1x1x16xf32> to vector<16xf32>
          %mul3A_737 = vector.broadcast %squeeze3A_24 : f32 to vector<16xf32>
          %mul3A_738 = arith.mulf %get3A_736, %mul3A_737 : vector<16xf32>
          %add3A_739 = arith.addf %add3A_728, %mul3A_738 : vector<16xf32>
          %get3A_740 = arith.constant 2 : i32
          %get3A_741 = arith.constant 7 : i32
          %get3A_742 = arith.index_cast %get3A_740 : i32 to index
          %get3A_743 = arith.index_cast %get3A_741 : i32 to index
          %get3A_744 = arith.index_cast %scan3A_360 : i32 to index
          %get3A_745 = arith.index_cast %mul3A_663 : i32 to index
          %get3A_746 = tpu.vector_load %arg9[%get3A_742, %get3A_743, %get3A_744, %get3A_745] {strides = array<i32>} : memref<4x8x4x768xf32, #tpu.memory_space<vmem>>, vector<1x1x1x16xf32>,
          %get3A_747 = vector.shape_cast %get3A_746 : vector<1x1x1x16xf32> to vector<16xf32>
          %mul3A_748 = vector.broadcast %squeeze3A_26 : f32 to vector<16xf32>
          %mul3A_749 = arith.mulf %get3A_747, %mul3A_748 : vector<16xf32>
          %add3A_750 = arith.addf %add3A_739, %mul3A_749 : vector<16xf32>
          %swap3A_751 = arith.constant 2 : i32
          %swap3A_752 = arith.index_cast %swap3A_751 : i32 to index
          %swap3A_753 = arith.index_cast %scan3A_360 : i32 to index
          %swap3A_754 = arith.index_cast %mul3A_663 : i32 to index
          %swap3A_755 = tpu.vector_load %arg10[%swap3A_752, %swap3A_753, %swap3A_754] {strides = array<i32>} : memref<4x4x768xf32, #tpu.memory_space<vmem>>, vector<1x1x16xf32>,
          %swap3A_756 = vector.shape_cast %swap3A_755 : vector<1x1x16xf32> to vector<16xf32>
          %swap3A_757 = vector.shape_cast %add3A_750 : vector<16xf32> to vector<1x1x16xf32>
          tpu.vector_store %arg10[%swap3A_752, %swap3A_753, %swap3A_754], %swap3A_757 {strides = array<i32>} : memref<4x4x768xf32, #tpu.memory_space<vmem>>, vector<1x1x16xf32>,
          %scan3A_758 = arith.constant 4 : i32
          %scan3A_759 = arith.addi %scan3A_367, %scan3A_758 : i32
          %mul3A_760 = arith.constant 16 : i32
          %mul3A_761 = arith.muli %scan3A_759, %mul3A_760 : i32
          %get3A_762 = arith.constant 2 : i32
          %get3A_763 = arith.constant 0 : i32
          %get3A_764 = arith.index_cast %get3A_762 : i32 to index
          %get3A_765 = arith.index_cast %get3A_763 : i32 to index
          %get3A_766 = arith.index_cast %scan3A_360 : i32 to index
          %get3A_767 = arith.index_cast %mul3A_761 : i32 to index
          %get3A_768 = tpu.vector_load %arg9[%get3A_764, %get3A_765, %get3A_766, %get3A_767] {strides = array<i32>} : memref<4x8x4x768xf32, #tpu.memory_space<vmem>>, vector<1x1x1x16xf32>,
          %get3A_769 = vector.shape_cast %get3A_768 : vector<1x1x1x16xf32> to vector<16xf32>
          %mul3A_770 = vector.broadcast %squeeze3A : f32 to vector<16xf32>
          %mul3A_771 = arith.mulf %get3A_769, %mul3A_770 : vector<16xf32>
          %get3A_772 = arith.constant 2 : i32
          %get3A_773 = arith.constant 1 : i32
          %get3A_774 = arith.index_cast %get3A_772 : i32 to index
          %get3A_775 = arith.index_cast %get3A_773 : i32 to index
          %get3A_776 = arith.index_cast %scan3A_360 : i32 to index
          %get3A_777 = arith.index_cast %mul3A_761 : i32 to index
          %get3A_778 = tpu.vector_load %arg9[%get3A_774, %get3A_775, %get3A_776, %get3A_777] {strides = array<i32>} : memref<4x8x4x768xf32, #tpu.memory_space<vmem>>, vector<1x1x1x16xf32>,
          %get3A_779 = vector.shape_cast %get3A_778 : vector<1x1x1x16xf32> to vector<16xf32>
          %mul3A_780 = vector.broadcast %squeeze3A_14 : f32 to vector<16xf32>
          %mul3A_781 = arith.mulf %get3A_779, %mul3A_780 : vector<16xf32>
          %add3A_782 = arith.addf %mul3A_771, %mul3A_781 : vector<16xf32>
          %get3A_783 = arith.constant 2 : i32
          %get3A_784 = arith.constant 2 : i32
          %get3A_785 = arith.index_cast %get3A_783 : i32 to index
          %get3A_786 = arith.index_cast %get3A_784 : i32 to index
          %get3A_787 = arith.index_cast %scan3A_360 : i32 to index
          %get3A_788 = arith.index_cast %mul3A_761 : i32 to index
          %get3A_789 = tpu.vector_load %arg9[%get3A_785, %get3A_786, %get3A_787, %get3A_788] {strides = array<i32>} : memref<4x8x4x768xf32, #tpu.memory_space<vmem>>, vector<1x1x1x16xf32>,
          %get3A_790 = vector.shape_cast %get3A_789 : vector<1x1x1x16xf32> to vector<16xf32>
          %mul3A_791 = vector.broadcast %squeeze3A_16 : f32 to vector<16xf32>
          %mul3A_792 = arith.mulf %get3A_790, %mul3A_791 : vector<16xf32>
          %add3A_793 = arith.addf %add3A_782, %mul3A_792 : vector<16xf32>
          %get3A_794 = arith.constant 2 : i32
          %get3A_795 = arith.constant 3 : i32
          %get3A_796 = arith.index_cast %get3A_794 : i32 to index
          %get3A_797 = arith.index_cast %get3A_795 : i32 to index
          %get3A_798 = arith.index_cast %scan3A_360 : i32 to index
          %get3A_799 = arith.index_cast %mul3A_761 : i32 to index
          %get3A_800 = tpu.vector_load %arg9[%get3A_796, %get3A_797, %get3A_798, %get3A_799] {strides = array<i32>} : memref<4x8x4x768xf32, #tpu.memory_space<vmem>>, vector<1x1x1x16xf32>,
          %get3A_801 = vector.shape_cast %get3A_800 : vector<1x1x1x16xf32> to vector<16xf32>
          %mul3A_802 = vector.broadcast %squeeze3A_18 : f32 to vector<16xf32>
          %mul3A_803 = arith.mulf %get3A_801, %mul3A_802 : vector<16xf32>
          %add3A_804 = arith.addf %add3A_793, %mul3A_803 : vector<16xf32>
          %get3A_805 = arith.constant 2 : i32
          %get3A_806 = arith.constant 4 : i32
          %get3A_807 = arith.index_cast %get3A_805 : i32 to index
          %get3A_808 = arith.index_cast %get3A_806 : i32 to index
          %get3A_809 = arith.index_cast %scan3A_360 : i32 to index
          %get3A_810 = arith.index_cast %mul3A_761 : i32 to index
          %get3A_811 = tpu.vector_load %arg9[%get3A_807, %get3A_808, %get3A_809, %get3A_810] {strides = array<i32>} : memref<4x8x4x768xf32, #tpu.memory_space<vmem>>, vector<1x1x1x16xf32>,
          %get3A_812 = vector.shape_cast %get3A_811 : vector<1x1x1x16xf32> to vector<16xf32>
          %mul3A_813 = vector.broadcast %squeeze3A_20 : f32 to vector<16xf32>
          %mul3A_814 = arith.mulf %get3A_812, %mul3A_813 : vector<16xf32>
          %add3A_815 = arith.addf %add3A_804, %mul3A_814 : vector<16xf32>
          %get3A_816 = arith.constant 2 : i32
          %get3A_817 = arith.constant 5 : i32
          %get3A_818 = arith.index_cast %get3A_816 : i32 to index
          %get3A_819 = arith.index_cast %get3A_817 : i32 to index
          %get3A_820 = arith.index_cast %scan3A_360 : i32 to index
          %get3A_821 = arith.index_cast %mul3A_761 : i32 to index
          %get3A_822 = tpu.vector_load %arg9[%get3A_818, %get3A_819, %get3A_820, %get3A_821] {strides = array<i32>} : memref<4x8x4x768xf32, #tpu.memory_space<vmem>>, vector<1x1x1x16xf32>,
          %get3A_823 = vector.shape_cast %get3A_822 : vector<1x1x1x16xf32> to vector<16xf32>
          %mul3A_824 = vector.broadcast %squeeze3A_22 : f32 to vector<16xf32>
          %mul3A_825 = arith.mulf %get3A_823, %mul3A_824 : vector<16xf32>
          %add3A_826 = arith.addf %add3A_815, %mul3A_825 : vector<16xf32>
          %get3A_827 = arith.constant 2 : i32
          %get3A_828 = arith.constant 6 : i32
          %get3A_829 = arith.index_cast %get3A_827 : i32 to index
          %get3A_830 = arith.index_cast %get3A_828 : i32 to index
          %get3A_831 = arith.index_cast %scan3A_360 : i32 to index
          %get3A_832 = arith.index_cast %mul3A_761 : i32 to index
          %get3A_833 = tpu.vector_load %arg9[%get3A_829, %get3A_830, %get3A_831, %get3A_832] {strides = array<i32>} : memref<4x8x4x768xf32, #tpu.memory_space<vmem>>, vector<1x1x1x16xf32>,
          %get3A_834 = vector.shape_cast %get3A_833 : vector<1x1x1x16xf32> to vector<16xf32>
          %mul3A_835 = vector.broadcast %squeeze3A_24 : f32 to vector<16xf32>
          %mul3A_836 = arith.mulf %get3A_834, %mul3A_835 : vector<16xf32>
          %add3A_837 = arith.addf %add3A_826, %mul3A_836 : vector<16xf32>
          %get3A_838 = arith.constant 2 : i32
          %get3A_839 = arith.constant 7 : i32
          %get3A_840 = arith.index_cast %get3A_838 : i32 to index
          %get3A_841 = arith.index_cast %get3A_839 : i32 to index
          %get3A_842 = arith.index_cast %scan3A_360 : i32 to index
          %get3A_843 = arith.index_cast %mul3A_761 : i32 to index
          %get3A_844 = tpu.vector_load %arg9[%get3A_840, %get3A_841, %get3A_842, %get3A_843] {strides = array<i32>} : memref<4x8x4x768xf32, #tpu.memory_space<vmem>>, vector<1x1x1x16xf32>,
          %get3A_845 = vector.shape_cast %get3A_844 : vector<1x1x1x16xf32> to vector<16xf32>
          %mul3A_846 = vector.broadcast %squeeze3A_26 : f32 to vector<16xf32>
          %mul3A_847 = arith.mulf %get3A_845, %mul3A_846 : vector<16xf32>
          %add3A_848 = arith.addf %add3A_837, %mul3A_847 : vector<16xf32>
          %swap3A_849 = arith.constant 2 : i32
          %swap3A_850 = arith.index_cast %swap3A_849 : i32 to index
          %swap3A_851 = arith.index_cast %scan3A_360 : i32 to index
          %swap3A_852 = arith.index_cast %mul3A_761 : i32 to index
          %swap3A_853 = tpu.vector_load %arg10[%swap3A_850, %swap3A_851, %swap3A_852] {strides = array<i32>} : memref<4x4x768xf32, #tpu.memory_space<vmem>>, vector<1x1x16xf32>,
          %swap3A_854 = vector.shape_cast %swap3A_853 : vector<1x1x16xf32> to vector<16xf32>
          %swap3A_855 = vector.shape_cast %add3A_848 : vector<16xf32> to vector<1x1x16xf32>
          tpu.vector_store %arg10[%swap3A_850, %swap3A_851, %swap3A_852], %swap3A_855 {strides = array<i32>} : memref<4x4x768xf32, #tpu.memory_space<vmem>>, vector<1x1x16xf32>,
          %scan3A_856 = arith.constant 5 : i32
          %scan3A_857 = arith.addi %scan3A_367, %scan3A_856 : i32
          %mul3A_858 = arith.constant 16 : i32
          %mul3A_859 = arith.muli %scan3A_857, %mul3A_858 : i32
          %get3A_860 = arith.constant 2 : i32
          %get3A_861 = arith.constant 0 : i32
          %get3A_862 = arith.index_cast %get3A_860 : i32 to index
          %get3A_863 = arith.index_cast %get3A_861 : i32 to index
          %get3A_864 = arith.index_cast %scan3A_360 : i32 to index
          %get3A_865 = arith.index_cast %mul3A_859 : i32 to index
          %get3A_866 = tpu.vector_load %arg9[%get3A_862, %get3A_863, %get3A_864, %get3A_865] {strides = array<i32>} : memref<4x8x4x768xf32, #tpu.memory_space<vmem>>, vector<1x1x1x16xf32>,
          %get3A_867 = vector.shape_cast %get3A_866 : vector<1x1x1x16xf32> to vector<16xf32>
          %mul3A_868 = vector.broadcast %squeeze3A : f32 to vector<16xf32>
          %mul3A_869 = arith.mulf %get3A_867, %mul3A_868 : vector<16xf32>
          %get3A_870 = arith.constant 2 : i32
          %get3A_871 = arith.constant 1 : i32
          %get3A_872 = arith.index_cast %get3A_870 : i32 to index
          %get3A_873 = arith.index_cast %get3A_871 : i32 to index
          %get3A_874 = arith.index_cast %scan3A_360 : i32 to index
          %get3A_875 = arith.index_cast %mul3A_859 : i32 to index
          %get3A_876 = tpu.vector_load %arg9[%get3A_872, %get3A_873, %get3A_874, %get3A_875] {strides = array<i32>} : memref<4x8x4x768xf32, #tpu.memory_space<vmem>>, vector<1x1x1x16xf32>,
          %get3A_877 = vector.shape_cast %get3A_876 : vector<1x1x1x16xf32> to vector<16xf32>
          %mul3A_878 = vector.broadcast %squeeze3A_14 : f32 to vector<16xf32>
          %mul3A_879 = arith.mulf %get3A_877, %mul3A_878 : vector<16xf32>
          %add3A_880 = arith.addf %mul3A_869, %mul3A_879 : vector<16xf32>
          %get3A_881 = arith.constant 2 : i32
          %get3A_882 = arith.constant 2 : i32
          %get3A_883 = arith.index_cast %get3A_881 : i32 to index
          %get3A_884 = arith.index_cast %get3A_882 : i32 to index
          %get3A_885 = arith.index_cast %scan3A_360 : i32 to index
          %get3A_886 = arith.index_cast %mul3A_859 : i32 to index
          %get3A_887 = tpu.vector_load %arg9[%get3A_883, %get3A_884, %get3A_885, %get3A_886] {strides = array<i32>} : memref<4x8x4x768xf32, #tpu.memory_space<vmem>>, vector<1x1x1x16xf32>,
          %get3A_888 = vector.shape_cast %get3A_887 : vector<1x1x1x16xf32> to vector<16xf32>
          %mul3A_889 = vector.broadcast %squeeze3A_16 : f32 to vector<16xf32>
          %mul3A_890 = arith.mulf %get3A_888, %mul3A_889 : vector<16xf32>
          %add3A_891 = arith.addf %add3A_880, %mul3A_890 : vector<16xf32>
          %get3A_892 = arith.constant 2 : i32
          %get3A_893 = arith.constant 3 : i32
          %get3A_894 = arith.index_cast %get3A_892 : i32 to index
          %get3A_895 = arith.index_cast %get3A_893 : i32 to index
          %get3A_896 = arith.index_cast %scan3A_360 : i32 to index
          %get3A_897 = arith.index_cast %mul3A_859 : i32 to index
          %get3A_898 = tpu.vector_load %arg9[%get3A_894, %get3A_895, %get3A_896, %get3A_897] {strides = array<i32>} : memref<4x8x4x768xf32, #tpu.memory_space<vmem>>, vector<1x1x1x16xf32>,
          %get3A_899 = vector.shape_cast %get3A_898 : vector<1x1x1x16xf32> to vector<16xf32>
          %mul3A_900 = vector.broadcast %squeeze3A_18 : f32 to vector<16xf32>
          %mul3A_901 = arith.mulf %get3A_899, %mul3A_900 : vector<16xf32>
          %add3A_902 = arith.addf %add3A_891, %mul3A_901 : vector<16xf32>
          %get3A_903 = arith.constant 2 : i32
          %get3A_904 = arith.constant 4 : i32
          %get3A_905 = arith.index_cast %get3A_903 : i32 to index
          %get3A_906 = arith.index_cast %get3A_904 : i32 to index
          %get3A_907 = arith.index_cast %scan3A_360 : i32 to index
          %get3A_908 = arith.index_cast %mul3A_859 : i32 to index
          %get3A_909 = tpu.vector_load %arg9[%get3A_905, %get3A_906, %get3A_907, %get3A_908] {strides = array<i32>} : memref<4x8x4x768xf32, #tpu.memory_space<vmem>>, vector<1x1x1x16xf32>,
          %get3A_910 = vector.shape_cast %get3A_909 : vector<1x1x1x16xf32> to vector<16xf32>
          %mul3A_911 = vector.broadcast %squeeze3A_20 : f32 to vector<16xf32>
          %mul3A_912 = arith.mulf %get3A_910, %mul3A_911 : vector<16xf32>
          %add3A_913 = arith.addf %add3A_902, %mul3A_912 : vector<16xf32>
          %get3A_914 = arith.constant 2 : i32
          %get3A_915 = arith.constant 5 : i32
          %get3A_916 = arith.index_cast %get3A_914 : i32 to index
          %get3A_917 = arith.index_cast %get3A_915 : i32 to index
          %get3A_918 = arith.index_cast %scan3A_360 : i32 to index
          %get3A_919 = arith.index_cast %mul3A_859 : i32 to index
          %get3A_920 = tpu.vector_load %arg9[%get3A_916, %get3A_917, %get3A_918, %get3A_919] {strides = array<i32>} : memref<4x8x4x768xf32, #tpu.memory_space<vmem>>, vector<1x1x1x16xf32>,
          %get3A_921 = vector.shape_cast %get3A_920 : vector<1x1x1x16xf32> to vector<16xf32>
          %mul3A_922 = vector.broadcast %squeeze3A_22 : f32 to vector<16xf32>
          %mul3A_923 = arith.mulf %get3A_921, %mul3A_922 : vector<16xf32>
          %add3A_924 = arith.addf %add3A_913, %mul3A_923 : vector<16xf32>
          %get3A_925 = arith.constant 2 : i32
          %get3A_926 = arith.constant 6 : i32
          %get3A_927 = arith.index_cast %get3A_925 : i32 to index
          %get3A_928 = arith.index_cast %get3A_926 : i32 to index
          %get3A_929 = arith.index_cast %scan3A_360 : i32 to index
          %get3A_930 = arith.index_cast %mul3A_859 : i32 to index
          %get3A_931 = tpu.vector_load %arg9[%get3A_927, %get3A_928, %get3A_929, %get3A_930] {strides = array<i32>} : memref<4x8x4x768xf32, #tpu.memory_space<vmem>>, vector<1x1x1x16xf32>,
          %get3A_932 = vector.shape_cast %get3A_931 : vector<1x1x1x16xf32> to vector<16xf32>
          %mul3A_933 = vector.broadcast %squeeze3A_24 : f32 to vector<16xf32>
          %mul3A_934 = arith.mulf %get3A_932, %mul3A_933 : vector<16xf32>
          %add3A_935 = arith.addf %add3A_924, %mul3A_934 : vector<16xf32>
          %get3A_936 = arith.constant 2 : i32
          %get3A_937 = arith.constant 7 : i32
          %get3A_938 = arith.index_cast %get3A_936 : i32 to index
          %get3A_939 = arith.index_cast %get3A_937 : i32 to index
          %get3A_940 = arith.index_cast %scan3A_360 : i32 to index
          %get3A_941 = arith.index_cast %mul3A_859 : i32 to index
          %get3A_942 = tpu.vector_load %arg9[%get3A_938, %get3A_939, %get3A_940, %get3A_941] {strides = array<i32>} : memref<4x8x4x768xf32, #tpu.memory_space<vmem>>, vector<1x1x1x16xf32>,
          %get3A_943 = vector.shape_cast %get3A_942 : vector<1x1x1x16xf32> to vector<16xf32>
          %mul3A_944 = vector.broadcast %squeeze3A_26 : f32 to vector<16xf32>
          %mul3A_945 = arith.mulf %get3A_943, %mul3A_944 : vector<16xf32>
          %add3A_946 = arith.addf %add3A_935, %mul3A_945 : vector<16xf32>
          %swap3A_947 = arith.constant 2 : i32
          %swap3A_948 = arith.index_cast %swap3A_947 : i32 to index
          %swap3A_949 = arith.index_cast %scan3A_360 : i32 to index
          %swap3A_950 = arith.index_cast %mul3A_859 : i32 to index
          %swap3A_951 = tpu.vector_load %arg10[%swap3A_948, %swap3A_949, %swap3A_950] {strides = array<i32>} : memref<4x4x768xf32, #tpu.memory_space<vmem>>, vector<1x1x16xf32>,
          %swap3A_952 = vector.shape_cast %swap3A_951 : vector<1x1x16xf32> to vector<16xf32>
          %swap3A_953 = vector.shape_cast %add3A_946 : vector<16xf32> to vector<1x1x16xf32>
          tpu.vector_store %arg10[%swap3A_948, %swap3A_949, %swap3A_950], %swap3A_953 {strides = array<i32>} : memref<4x4x768xf32, #tpu.memory_space<vmem>>, vector<1x1x16xf32>,
          %scan3A_954 = arith.constant 6 : i32
          %scan3A_955 = arith.addi %scan3A_367, %scan3A_954 : i32
          %mul3A_956 = arith.constant 16 : i32
          %mul3A_957 = arith.muli %scan3A_955, %mul3A_956 : i32
          %get3A_958 = arith.constant 2 : i32
          %get3A_959 = arith.constant 0 : i32
          %get3A_960 = arith.index_cast %get3A_958 : i32 to index
          %get3A_961 = arith.index_cast %get3A_959 : i32 to index
          %get3A_962 = arith.index_cast %scan3A_360 : i32 to index
          %get3A_963 = arith.index_cast %mul3A_957 : i32 to index
          %get3A_964 = tpu.vector_load %arg9[%get3A_960, %get3A_961, %get3A_962, %get3A_963] {strides = array<i32>} : memref<4x8x4x768xf32, #tpu.memory_space<vmem>>, vector<1x1x1x16xf32>,
          %get3A_965 = vector.shape_cast %get3A_964 : vector<1x1x1x16xf32> to vector<16xf32>
          %mul3A_966 = vector.broadcast %squeeze3A : f32 to vector<16xf32>
          %mul3A_967 = arith.mulf %get3A_965, %mul3A_966 : vector<16xf32>
          %get3A_968 = arith.constant 2 : i32
          %get3A_969 = arith.constant 1 : i32
          %get3A_970 = arith.index_cast %get3A_968 : i32 to index
          %get3A_971 = arith.index_cast %get3A_969 : i32 to index
          %get3A_972 = arith.index_cast %scan3A_360 : i32 to index
          %get3A_973 = arith.index_cast %mul3A_957 : i32 to index
          %get3A_974 = tpu.vector_load %arg9[%get3A_970, %get3A_971, %get3A_972, %get3A_973] {strides = array<i32>} : memref<4x8x4x768xf32, #tpu.memory_space<vmem>>, vector<1x1x1x16xf32>,
          %get3A_975 = vector.shape_cast %get3A_974 : vector<1x1x1x16xf32> to vector<16xf32>
          %mul3A_976 = vector.broadcast %squeeze3A_14 : f32 to vector<16xf32>
          %mul3A_977 = arith.mulf %get3A_975, %mul3A_976 : vector<16xf32>
          %add3A_978 = arith.addf %mul3A_967, %mul3A_977 : vector<16xf32>
          %get3A_979 = arith.constant 2 : i32
          %get3A_980 = arith.constant 2 : i32
          %get3A_981 = arith.index_cast %get3A_979 : i32 to index
          %get3A_982 = arith.index_cast %get3A_980 : i32 to index
          %get3A_983 = arith.index_cast %scan3A_360 : i32 to index
          %get3A_984 = arith.index_cast %mul3A_957 : i32 to index
          %get3A_985 = tpu.vector_load %arg9[%get3A_981, %get3A_982, %get3A_983, %get3A_984] {strides = array<i32>} : memref<4x8x4x768xf32, #tpu.memory_space<vmem>>, vector<1x1x1x16xf32>,
          %get3A_986 = vector.shape_cast %get3A_985 : vector<1x1x1x16xf32> to vector<16xf32>
          %mul3A_987 = vector.broadcast %squeeze3A_16 : f32 to vector<16xf32>
          %mul3A_988 = arith.mulf %get3A_986, %mul3A_987 : vector<16xf32>
          %add3A_989 = arith.addf %add3A_978, %mul3A_988 : vector<16xf32>
          %get3A_990 = arith.constant 2 : i32
          %get3A_991 = arith.constant 3 : i32
          %get3A_992 = arith.index_cast %get3A_990 : i32 to index
          %get3A_993 = arith.index_cast %get3A_991 : i32 to index
          %get3A_994 = arith.index_cast %scan3A_360 : i32 to index
          %get3A_995 = arith.index_cast %mul3A_957 : i32 to index
          %get3A_996 = tpu.vector_load %arg9[%get3A_992, %get3A_993, %get3A_994, %get3A_995] {strides = array<i32>} : memref<4x8x4x768xf32, #tpu.memory_space<vmem>>, vector<1x1x1x16xf32>,
          %get3A_997 = vector.shape_cast %get3A_996 : vector<1x1x1x16xf32> to vector<16xf32>
          %mul3A_998 = vector.broadcast %squeeze3A_18 : f32 to vector<16xf32>
          %mul3A_999 = arith.mulf %get3A_997, %mul3A_998 : vector<16xf32>
          %add3A_1000 = arith.addf %add3A_989, %mul3A_999 : vector<16xf32>
          %get3A_1001 = arith.constant 2 : i32
          %get3A_1002 = arith.constant 4 : i32
          %get3A_1003 = arith.index_cast %get3A_1001 : i32 to index
          %get3A_1004 = arith.index_cast %get3A_1002 : i32 to index
          %get3A_1005 = arith.index_cast %scan3A_360 : i32 to index
          %get3A_1006 = arith.index_cast %mul3A_957 : i32 to index
          %get3A_1007 = tpu.vector_load %arg9[%get3A_1003, %get3A_1004, %get3A_1005, %get3A_1006] {strides = array<i32>} : memref<4x8x4x768xf32, #tpu.memory_space<vmem>>, vector<1x1x1x16xf32>,
          %get3A_1008 = vector.shape_cast %get3A_1007 : vector<1x1x1x16xf32> to vector<16xf32>
          %mul3A_1009 = vector.broadcast %squeeze3A_20 : f32 to vector<16xf32>
          %mul3A_1010 = arith.mulf %get3A_1008, %mul3A_1009 : vector<16xf32>
          %add3A_1011 = arith.addf %add3A_1000, %mul3A_1010 : vector<16xf32>
          %get3A_1012 = arith.constant 2 : i32
          %get3A_1013 = arith.constant 5 : i32
          %get3A_1014 = arith.index_cast %get3A_1012 : i32 to index
          %get3A_1015 = arith.index_cast %get3A_1013 : i32 to index
          %get3A_1016 = arith.index_cast %scan3A_360 : i32 to index
          %get3A_1017 = arith.index_cast %mul3A_957 : i32 to index
          %get3A_1018 = tpu.vector_load %arg9[%get3A_1014, %get3A_1015, %get3A_1016, %get3A_1017] {strides = array<i32>} : memref<4x8x4x768xf32, #tpu.memory_space<vmem>>, vector<1x1x1x16xf32>,
          %get3A_1019 = vector.shape_cast %get3A_1018 : vector<1x1x1x16xf32> to vector<16xf32>
          %mul3A_1020 = vector.broadcast %squeeze3A_22 : f32 to vector<16xf32>
          %mul3A_1021 = arith.mulf %get3A_1019, %mul3A_1020 : vector<16xf32>
          %add3A_1022 = arith.addf %add3A_1011, %mul3A_1021 : vector<16xf32>
          %get3A_1023 = arith.constant 2 : i32
          %get3A_1024 = arith.constant 6 : i32
          %get3A_1025 = arith.index_cast %get3A_1023 : i32 to index
          %get3A_1026 = arith.index_cast %get3A_1024 : i32 to index
          %get3A_1027 = arith.index_cast %scan3A_360 : i32 to index
          %get3A_1028 = arith.index_cast %mul3A_957 : i32 to index
          %get3A_1029 = tpu.vector_load %arg9[%get3A_1025, %get3A_1026, %get3A_1027, %get3A_1028] {strides = array<i32>} : memref<4x8x4x768xf32, #tpu.memory_space<vmem>>, vector<1x1x1x16xf32>,
          %get3A_1030 = vector.shape_cast %get3A_1029 : vector<1x1x1x16xf32> to vector<16xf32>
          %mul3A_1031 = vector.broadcast %squeeze3A_24 : f32 to vector<16xf32>
          %mul3A_1032 = arith.mulf %get3A_1030, %mul3A_1031 : vector<16xf32>
          %add3A_1033 = arith.addf %add3A_1022, %mul3A_1032 : vector<16xf32>
          %get3A_1034 = arith.constant 2 : i32
          %get3A_1035 = arith.constant 7 : i32
          %get3A_1036 = arith.index_cast %get3A_1034 : i32 to index
          %get3A_1037 = arith.index_cast %get3A_1035 : i32 to index
          %get3A_1038 = arith.index_cast %scan3A_360 : i32 to index
          %get3A_1039 = arith.index_cast %mul3A_957 : i32 to index
          %get3A_1040 = tpu.vector_load %arg9[%get3A_1036, %get3A_1037, %get3A_1038, %get3A_1039] {strides = array<i32>} : memref<4x8x4x768xf32, #tpu.memory_space<vmem>>, vector<1x1x1x16xf32>,
          %get3A_1041 = vector.shape_cast %get3A_1040 : vector<1x1x1x16xf32> to vector<16xf32>
          %mul3A_1042 = vector.broadcast %squeeze3A_26 : f32 to vector<16xf32>
          %mul3A_1043 = arith.mulf %get3A_1041, %mul3A_1042 : vector<16xf32>
          %add3A_1044 = arith.addf %add3A_1033, %mul3A_1043 : vector<16xf32>
          %swap3A_1045 = arith.constant 2 : i32
          %swap3A_1046 = arith.index_cast %swap3A_1045 : i32 to index
          %swap3A_1047 = arith.index_cast %scan3A_360 : i32 to index
          %swap3A_1048 = arith.index_cast %mul3A_957 : i32 to index
          %swap3A_1049 = tpu.vector_load %arg10[%swap3A_1046, %swap3A_1047, %swap3A_1048] {strides = array<i32>} : memref<4x4x768xf32, #tpu.memory_space<vmem>>, vector<1x1x16xf32>,
          %swap3A_1050 = vector.shape_cast %swap3A_1049 : vector<1x1x16xf32> to vector<16xf32>
          %swap3A_1051 = vector.shape_cast %add3A_1044 : vector<16xf32> to vector<1x1x16xf32>
          tpu.vector_store %arg10[%swap3A_1046, %swap3A_1047, %swap3A_1048], %swap3A_1051 {strides = array<i32>} : memref<4x4x768xf32, #tpu.memory_space<vmem>>, vector<1x1x16xf32>,
          %scan3A_1052 = arith.constant 7 : i32
          %scan3A_1053 = arith.addi %scan3A_367, %scan3A_1052 : i32
          %mul3A_1054 = arith.constant 16 : i32
          %mul3A_1055 = arith.muli %scan3A_1053, %mul3A_1054 : i32
          %get3A_1056 = arith.constant 2 : i32
          %get3A_1057 = arith.constant 0 : i32
          %get3A_1058 = arith.index_cast %get3A_1056 : i32 to index
          %get3A_1059 = arith.index_cast %get3A_1057 : i32 to index
          %get3A_1060 = arith.index_cast %scan3A_360 : i32 to index
          %get3A_1061 = arith.index_cast %mul3A_1055 : i32 to index
          %get3A_1062 = tpu.vector_load %arg9[%get3A_1058, %get3A_1059, %get3A_1060, %get3A_1061] {strides = array<i32>} : memref<4x8x4x768xf32, #tpu.memory_space<vmem>>, vector<1x1x1x16xf32>,
          %get3A_1063 = vector.shape_cast %get3A_1062 : vector<1x1x1x16xf32> to vector<16xf32>
          %mul3A_1064 = vector.broadcast %squeeze3A : f32 to vector<16xf32>
          %mul3A_1065 = arith.mulf %get3A_1063, %mul3A_1064 : vector<16xf32>
          %get3A_1066 = arith.constant 2 : i32
          %get3A_1067 = arith.constant 1 : i32
          %get3A_1068 = arith.index_cast %get3A_1066 : i32 to index
          %get3A_1069 = arith.index_cast %get3A_1067 : i32 to index
          %get3A_1070 = arith.index_cast %scan3A_360 : i32 to index
          %get3A_1071 = arith.index_cast %mul3A_1055 : i32 to index
          %get3A_1072 = tpu.vector_load %arg9[%get3A_1068, %get3A_1069, %get3A_1070, %get3A_1071] {strides = array<i32>} : memref<4x8x4x768xf32, #tpu.memory_space<vmem>>, vector<1x1x1x16xf32>,
          %get3A_1073 = vector.shape_cast %get3A_1072 : vector<1x1x1x16xf32> to vector<16xf32>
          %mul3A_1074 = vector.broadcast %squeeze3A_14 : f32 to vector<16xf32>
          %mul3A_1075 = arith.mulf %get3A_1073, %mul3A_1074 : vector<16xf32>
          %add3A_1076 = arith.addf %mul3A_1065, %mul3A_1075 : vector<16xf32>
          %get3A_1077 = arith.constant 2 : i32
          %get3A_1078 = arith.constant 2 : i32
          %get3A_1079 = arith.index_cast %get3A_1077 : i32 to index
          %get3A_1080 = arith.index_cast %get3A_1078 : i32 to index
          %get3A_1081 = arith.index_cast %scan3A_360 : i32 to index
          %get3A_1082 = arith.index_cast %mul3A_1055 : i32 to index
          %get3A_1083 = tpu.vector_load %arg9[%get3A_1079, %get3A_1080, %get3A_1081, %get3A_1082] {strides = array<i32>} : memref<4x8x4x768xf32, #tpu.memory_space<vmem>>, vector<1x1x1x16xf32>,
          %get3A_1084 = vector.shape_cast %get3A_1083 : vector<1x1x1x16xf32> to vector<16xf32>
          %mul3A_1085 = vector.broadcast %squeeze3A_16 : f32 to vector<16xf32>
          %mul3A_1086 = arith.mulf %get3A_1084, %mul3A_1085 : vector<16xf32>
          %add3A_1087 = arith.addf %add3A_1076, %mul3A_1086 : vector<16xf32>
          %get3A_1088 = arith.constant 2 : i32
          %get3A_1089 = arith.constant 3 : i32
          %get3A_1090 = arith.index_cast %get3A_1088 : i32 to index
          %get3A_1091 = arith.index_cast %get3A_1089 : i32 to index
          %get3A_1092 = arith.index_cast %scan3A_360 : i32 to index
          %get3A_1093 = arith.index_cast %mul3A_1055 : i32 to index
          %get3A_1094 = tpu.vector_load %arg9[%get3A_1090, %get3A_1091, %get3A_1092, %get3A_1093] {strides = array<i32>} : memref<4x8x4x768xf32, #tpu.memory_space<vmem>>, vector<1x1x1x16xf32>,
          %get3A_1095 = vector.shape_cast %get3A_1094 : vector<1x1x1x16xf32> to vector<16xf32>
          %mul3A_1096 = vector.broadcast %squeeze3A_18 : f32 to vector<16xf32>
          %mul3A_1097 = arith.mulf %get3A_1095, %mul3A_1096 : vector<16xf32>
          %add3A_1098 = arith.addf %add3A_1087, %mul3A_1097 : vector<16xf32>
          %get3A_1099 = arith.constant 2 : i32
          %get3A_1100 = arith.constant 4 : i32
          %get3A_1101 = arith.index_cast %get3A_1099 : i32 to index
          %get3A_1102 = arith.index_cast %get3A_1100 : i32 to index
          %get3A_1103 = arith.index_cast %scan3A_360 : i32 to index
          %get3A_1104 = arith.index_cast %mul3A_1055 : i32 to index
          %get3A_1105 = tpu.vector_load %arg9[%get3A_1101, %get3A_1102, %get3A_1103, %get3A_1104] {strides = array<i32>} : memref<4x8x4x768xf32, #tpu.memory_space<vmem>>, vector<1x1x1x16xf32>,
          %get3A_1106 = vector.shape_cast %get3A_1105 : vector<1x1x1x16xf32> to vector<16xf32>
          %mul3A_1107 = vector.broadcast %squeeze3A_20 : f32 to vector<16xf32>
          %mul3A_1108 = arith.mulf %get3A_1106, %mul3A_1107 : vector<16xf32>
          %add3A_1109 = arith.addf %add3A_1098, %mul3A_1108 : vector<16xf32>
          %get3A_1110 = arith.constant 2 : i32
          %get3A_1111 = arith.constant 5 : i32
          %get3A_1112 = arith.index_cast %get3A_1110 : i32 to index
          %get3A_1113 = arith.index_cast %get3A_1111 : i32 to index
          %get3A_1114 = arith.index_cast %scan3A_360 : i32 to index
          %get3A_1115 = arith.index_cast %mul3A_1055 : i32 to index
          %get3A_1116 = tpu.vector_load %arg9[%get3A_1112, %get3A_1113, %get3A_1114, %get3A_1115] {strides = array<i32>} : memref<4x8x4x768xf32, #tpu.memory_space<vmem>>, vector<1x1x1x16xf32>,
          %get3A_1117 = vector.shape_cast %get3A_1116 : vector<1x1x1x16xf32> to vector<16xf32>
          %mul3A_1118 = vector.broadcast %squeeze3A_22 : f32 to vector<16xf32>
          %mul3A_1119 = arith.mulf %get3A_1117, %mul3A_1118 : vector<16xf32>
          %add3A_1120 = arith.addf %add3A_1109, %mul3A_1119 : vector<16xf32>
          %get3A_1121 = arith.constant 2 : i32
          %get3A_1122 = arith.constant 6 : i32
          %get3A_1123 = arith.index_cast %get3A_1121 : i32 to index
          %get3A_1124 = arith.index_cast %get3A_1122 : i32 to index
          %get3A_1125 = arith.index_cast %scan3A_360 : i32 to index
          %get3A_1126 = arith.index_cast %mul3A_1055 : i32 to index
          %get3A_1127 = tpu.vector_load %arg9[%get3A_1123, %get3A_1124, %get3A_1125, %get3A_1126] {strides = array<i32>} : memref<4x8x4x768xf32, #tpu.memory_space<vmem>>, vector<1x1x1x16xf32>,
          %get3A_1128 = vector.shape_cast %get3A_1127 : vector<1x1x1x16xf32> to vector<16xf32>
          %mul3A_1129 = vector.broadcast %squeeze3A_24 : f32 to vector<16xf32>
          %mul3A_1130 = arith.mulf %get3A_1128, %mul3A_1129 : vector<16xf32>
          %add3A_1131 = arith.addf %add3A_1120, %mul3A_1130 : vector<16xf32>
          %get3A_1132 = arith.constant 2 : i32
          %get3A_1133 = arith.constant 7 : i32
          %get3A_1134 = arith.index_cast %get3A_1132 : i32 to index
          %get3A_1135 = arith.index_cast %get3A_1133 : i32 to index
          %get3A_1136 = arith.index_cast %scan3A_360 : i32 to index
          %get3A_1137 = arith.index_cast %mul3A_1055 : i32 to index
          %get3A_1138 = tpu.vector_load %arg9[%get3A_1134, %get3A_1135, %get3A_1136, %get3A_1137] {strides = array<i32>} : memref<4x8x4x768xf32, #tpu.memory_space<vmem>>, vector<1x1x1x16xf32>,
          %get3A_1139 = vector.shape_cast %get3A_1138 : vector<1x1x1x16xf32> to vector<16xf32>
          %mul3A_1140 = vector.broadcast %squeeze3A_26 : f32 to vector<16xf32>
          %mul3A_1141 = arith.mulf %get3A_1139, %mul3A_1140 : vector<16xf32>
          %add3A_1142 = arith.addf %add3A_1131, %mul3A_1141 : vector<16xf32>
          %swap3A_1143 = arith.constant 2 : i32
          %swap3A_1144 = arith.index_cast %swap3A_1143 : i32 to index
          %swap3A_1145 = arith.index_cast %scan3A_360 : i32 to index
          %swap3A_1146 = arith.index_cast %mul3A_1055 : i32 to index
          %swap3A_1147 = tpu.vector_load %arg10[%swap3A_1144, %swap3A_1145, %swap3A_1146] {strides = array<i32>} : memref<4x4x768xf32, #tpu.memory_space<vmem>>, vector<1x1x16xf32>,
          %swap3A_1148 = vector.shape_cast %swap3A_1147 : vector<1x1x16xf32> to vector<16xf32>
          %swap3A_1149 = vector.shape_cast %add3A_1142 : vector<16xf32> to vector<1x1x16xf32>
          tpu.vector_store %arg10[%swap3A_1144, %swap3A_1145, %swap3A_1146], %swap3A_1149 {strides = array<i32>} : memref<4x4x768xf32, #tpu.memory_space<vmem>>, vector<1x1x16xf32>,
        }
        %scan3A_366 = arith.constant 48 : i32
      }
      %scan3A_285 = arith.constant 4 : i32
      %mul3A_286 = arith.constant 4 : i32
      %mul3A_287 = arith.muli %add3A_259, %mul3A_286 : i32
      %dma_start3A_288 = arith.constant 2 : i32
      %dma_start3A_289 = arith.constant 0 : i32
      %dma_start3A_290 = arith.constant 0 : i32
      %dma_start3A_291 = tpu.memref_slice %arg10[%dma_start3A_288, %dma_start3A_289, %dma_start3A_290] : memref<4x4x768xf32, #tpu.memory_space<vmem>> -> memref<1x4x768xf32, #tpu.memory_space<vmem>>
      %dma_start3A_292 = tpu.memref_squeeze %dma_start3A_291 : memref<1x4x768xf32, #tpu.memory_space<vmem>> -> memref<4x768xf32, #tpu.memory_space<vmem>>
      %dma_start3A_293 = arith.constant 0 : i32
      %dma_start3A_294 = tpu.memref_slice %arg5[%add3A, %mul3A_287, %dma_start3A_293] : memref<32x256x768xf32, #tpu.memory_space<hbm>> -> memref<1x4x768xf32, #tpu.memory_space<hbm>>
      %dma_start3A_295 = tpu.memref_squeeze %dma_start3A_294 : memref<1x4x768xf32, #tpu.memory_space<hbm>> -> memref<4x768xf32, #tpu.memory_space<hbm>>
      %dma_start3A_296 = arith.constant 0 : i32
      %dma_start3A_297 = tpu.memref_slice %arg5[%add3A, %mul3A_287, %dma_start3A_296] : memref<32x256x768xf32, #tpu.memory_space<hbm>> -> memref<1x4x768xf32, #tpu.memory_space<hbm>>
      %dma_start3A_298 = tpu.memref_squeeze %dma_start3A_297 : memref<1x4x768xf32, #tpu.memory_space<hbm>> -> memref<4x768xf32, #tpu.memory_space<hbm>>
      %dma_start3A_299 = arith.constant 0 : i32
      %dma_start3A_300 = arith.constant 0 : i32
      %dma_start3A_301 = tpu.memref_slice %arg10[%dma_start3A_288, %dma_start3A_299, %dma_start3A_300] : memref<4x4x768xf32, #tpu.memory_space<vmem>> -> memref<1x4x768xf32, #tpu.memory_space<vmem>>
      %dma_start3A_302 = tpu.memref_squeeze %dma_start3A_301 : memref<1x4x768xf32, #tpu.memory_space<vmem>> -> memref<4x768xf32, #tpu.memory_space<vmem>>
      tpu.enqueue_dma source(%dma_start3A_302 : memref<4x768xf32, #tpu.memory_space<vmem>>) target(%dma_start3A_298 : memref<4x768xf32, #tpu.memory_space<hbm>>) target_semaphore(%arg17 : memref<!tpu.dma_semaphore, #tpu.memory_space<semaphore_mem>>)
      %lt3A_303 = arith.constant 15 : i32
      %lt3A_304 = arith.cmpi slt, %scan3A_154, %lt3A_303 : i32
      %convert_element_type3A_305 = arith.extui %lt3A_304 : i1 to i32
      %cond3A_306 = arith.constant 0 : i32
      %cond3A_307 = arith.cmpi ne, %convert_element_type3A_305, %cond3A_306 : i32
      scf.if %cond3A_307 {
        %add3A_360 = arith.constant 4 : i32
        %add3A_361 = arith.addi %add3A_259, %add3A_360 : i32
        %mul3A_362 = arith.constant 4 : i32
        %mul3A_363 = arith.muli %add3A_361, %mul3A_362 : i32
        %dma_start3A_364 = arith.constant 0 : i32
        %dma_start3A_365 = arith.constant 2 : i32
        %dma_start3A_366 = arith.constant 0 : i32
        %dma_start3A_367 = arith.constant 0 : i32
        %dma_start3A_368 = arith.constant 0 : i32
        %dma_start3A_369 = tpu.memref_slice %arg9[%dma_start3A_365, %dma_start3A_366, %dma_start3A_367, %dma_start3A_368] : memref<4x8x4x768xf32, #tpu.memory_space<vmem>> -> memref<1x8x4x768xf32, #tpu.memory_space<vmem>>
        %dma_start3A_370 = tpu.memref_squeeze %dma_start3A_369 : memref<1x8x4x768xf32, #tpu.memory_space<vmem>> -> memref<8x4x768xf32, #tpu.memory_space<vmem>>
        %dma_start3A_371 = arith.constant 0 : i32
        %dma_start3A_372 = tpu.memref_slice %arg8[%dma_start3A_364, %dma_start3A_371] : memref<1x16xi32, #tpu.memory_space<vmem>> -> memref<1x8xi32, #tpu.memory_space<vmem>>
        %dma_start3A_373 = tpu.memref_squeeze %dma_start3A_372 : memref<1x8xi32, #tpu.memory_space<vmem>> -> memref<8xi32, #tpu.memory_space<vmem>>
        %dma_start3A_374 = arith.constant 0 : i32
        %dma_start3A_375 = arith.constant 0 : i32
        %dma_start3A_376 = tpu.memref_slice %arg4[%dma_start3A_374, %mul3A_363, %dma_start3A_375] : memref<200x256x768xf32, #tpu.memory_space<hbm>> -> memref<200x4x768xf32, #tpu.memory_space<hbm>>
        tpu.enqueue_indirect_dma source(%dma_start3A_376 : memref<200x4x768xf32, #tpu.memory_space<hbm>>) target(%dma_start3A_370 : memref<8x4x768xf32, #tpu.memory_space<vmem>>) offsets(%dma_start3A_373 : memref<8xi32, #tpu.memory_space<vmem>>) semaphore(%arg13 : memref<!tpu.dma_semaphore, #tpu.memory_space<semaphore_mem>>)
      } else {
      }
      %mul3A_308 = arith.constant 4 : i32
      %mul3A_309 = arith.muli %mul3A_308, %scan3A_154 : i32
      %add3A_310 = arith.constant 3 : i32
      %add3A_311 = arith.addi %mul3A_309, %add3A_310 : i32
      %mul3A_312 = arith.constant 4 : i32
      %mul3A_313 = arith.muli %add3A_311, %mul3A_312 : i32
      %dma_wait3A_314 = arith.constant 0 : i32
      %dma_wait3A_315 = arith.constant 3 : i32
      %dma_wait3A_316 = arith.constant 0 : i32
      %dma_wait3A_317 = arith.constant 0 : i32
      %dma_wait3A_318 = arith.constant 0 : i32
      %dma_wait3A_319 = tpu.memref_slice %arg9[%dma_wait3A_315, %dma_wait3A_316, %dma_wait3A_317, %dma_wait3A_318] : memref<4x8x4x768xf32, #tpu.memory_space<vmem>> -> memref<1x8x4x768xf32, #tpu.memory_space<vmem>>
      %dma_wait3A_320 = tpu.memref_squeeze %dma_wait3A_319 : memref<1x8x4x768xf32, #tpu.memory_space<vmem>> -> memref<8x4x768xf32, #tpu.memory_space<vmem>>
      %dma_wait3A_321 = arith.constant 0 : i32
      %dma_wait3A_322 = tpu.memref_slice %arg8[%dma_wait3A_314, %dma_wait3A_321] : memref<1x16xi32, #tpu.memory_space<vmem>> -> memref<1x8xi32, #tpu.memory_space<vmem>>
      %dma_wait3A_323 = tpu.memref_squeeze %dma_wait3A_322 : memref<1x8xi32, #tpu.memory_space<vmem>> -> memref<8xi32, #tpu.memory_space<vmem>>
      %dma_wait3A_324 = arith.constant 0 : i32
      %dma_wait3A_325 = arith.constant 0 : i32
      %dma_wait3A_326 = tpu.memref_slice %arg4[%dma_wait3A_324, %mul3A_313, %dma_wait3A_325] : memref<200x256x768xf32, #tpu.memory_space<hbm>> -> memref<200x4x768xf32, #tpu.memory_space<hbm>>
      tpu.wait_indirect_dma semaphore(%arg14 : memref<!tpu.dma_semaphore, #tpu.memory_space<semaphore_mem>>) src(%dma_wait3A_326 : memref<200x4x768xf32, #tpu.memory_space<hbm>>) dst(%dma_wait3A_320 : memref<8x4x768xf32, #tpu.memory_space<vmem>>)
      %gt3A_327 = arith.constant 0 : i32
      %gt3A_328 = arith.cmpi sgt, %scan3A_154, %gt3A_327 : i32
      %convert_element_type3A_329 = arith.extui %gt3A_328 : i1 to i32
      %cond3A_330 = arith.constant 0 : i32
      %cond3A_331 = arith.cmpi ne, %convert_element_type3A_329, %cond3A_330 : i32
      scf.if %cond3A_331 {
        %sub3A = arith.constant 4 : i32
        %sub3A_360 = arith.subi %add3A_311, %sub3A : i32
        %mul3A_361 = arith.constant 4 : i32
        %mul3A_362 = arith.muli %sub3A_360, %mul3A_361 : i32
        %dma_wait3A_363 = arith.constant 3 : i32
        %dma_wait3A_364 = arith.constant 0 : i32
        %dma_wait3A_365 = arith.constant 0 : i32
        %dma_wait3A_366 = tpu.memref_slice %arg10[%dma_wait3A_363, %dma_wait3A_364, %dma_wait3A_365] : memref<4x4x768xf32, #tpu.memory_space<vmem>> -> memref<1x4x768xf32, #tpu.memory_space<vmem>>
        %dma_wait3A_367 = tpu.memref_squeeze %dma_wait3A_366 : memref<1x4x768xf32, #tpu.memory_space<vmem>> -> memref<4x768xf32, #tpu.memory_space<vmem>>
        %dma_wait3A_368 = arith.constant 0 : i32
        %dma_wait3A_369 = tpu.memref_slice %arg5[%add3A, %mul3A_362, %dma_wait3A_368] : memref<32x256x768xf32, #tpu.memory_space<hbm>> -> memref<1x4x768xf32, #tpu.memory_space<hbm>>
        %dma_wait3A_370 = tpu.memref_squeeze %dma_wait3A_369 : memref<1x4x768xf32, #tpu.memory_space<hbm>> -> memref<4x768xf32, #tpu.memory_space<hbm>>
        %dma_wait3A_371 = arith.constant 0 : i32
        %dma_wait3A_372 = tpu.memref_slice %arg5[%add3A, %mul3A_362, %dma_wait3A_371] : memref<32x256x768xf32, #tpu.memory_space<hbm>> -> memref<1x4x768xf32, #tpu.memory_space<hbm>>
        %dma_wait3A_373 = tpu.memref_squeeze %dma_wait3A_372 : memref<1x4x768xf32, #tpu.memory_space<hbm>> -> memref<4x768xf32, #tpu.memory_space<hbm>>
        %dma_wait3A_374 = arith.constant 0 : i32
        %dma_wait3A_375 = arith.constant 0 : i32
        %dma_wait3A_376 = tpu.memref_slice %arg10[%dma_wait3A_363, %dma_wait3A_374, %dma_wait3A_375] : memref<4x4x768xf32, #tpu.memory_space<vmem>> -> memref<1x4x768xf32, #tpu.memory_space<vmem>>
        %dma_wait3A_377 = tpu.memref_squeeze %dma_wait3A_376 : memref<1x4x768xf32, #tpu.memory_space<vmem>> -> memref<4x768xf32, #tpu.memory_space<vmem>>
        tpu.wait_dma2 semaphore(%arg18 : memref<!tpu.dma_semaphore, #tpu.memory_space<semaphore_mem>>) src(%dma_wait3A_377 : memref<4x768xf32, #tpu.memory_space<vmem>>) dst(%dma_wait3A_373 : memref<4x768xf32, #tpu.memory_space<hbm>>)
      } else {
      }
      %scan3A_332 = arith.constant 0 : i32
      %scan3A_333 = arith.constant 0 : i32
      %scan3A_334 = arith.constant 4 : i32
      %scan3A_335 = arith.addi %scan3A_333, %scan3A_334 : i32
      %scan3A_336 = arith.constant 1 : i32
      scf.for %scan3A_360 = %scan3A_333 to %scan3A_335 step %scan3A_336  : i32 {
        %scan3A_361 = arith.constant 0 : i32
        %scan3A_362 = arith.constant 0 : i32
        %scan3A_363 = arith.constant 48 : i32
        %scan3A_364 = arith.addi %scan3A_362, %scan3A_363 : i32
        %scan3A_365 = arith.constant 8 : i32
        scf.for %scan3A_367 = %scan3A_362 to %scan3A_364 step %scan3A_365  : i32 {
          %mul3A_368 = arith.constant 16 : i32
          %mul3A_369 = arith.muli %scan3A_367, %mul3A_368 : i32
          %get3A_370 = arith.constant 3 : i32
          %get3A_371 = arith.constant 0 : i32
          %get3A_372 = arith.index_cast %get3A_370 : i32 to index
          %get3A_373 = arith.index_cast %get3A_371 : i32 to index
          %get3A_374 = arith.index_cast %scan3A_360 : i32 to index
          %get3A_375 = arith.index_cast %mul3A_369 : i32 to index
          %get3A_376 = tpu.vector_load %arg9[%get3A_372, %get3A_373, %get3A_374, %get3A_375] {strides = array<i32>} : memref<4x8x4x768xf32, #tpu.memory_space<vmem>>, vector<1x1x1x16xf32>,
          %get3A_377 = vector.shape_cast %get3A_376 : vector<1x1x1x16xf32> to vector<16xf32>
          %mul3A_378 = vector.broadcast %squeeze3A : f32 to vector<16xf32>
          %mul3A_379 = arith.mulf %get3A_377, %mul3A_378 : vector<16xf32>
          %get3A_380 = arith.constant 3 : i32
          %get3A_381 = arith.constant 1 : i32
          %get3A_382 = arith.index_cast %get3A_380 : i32 to index
          %get3A_383 = arith.index_cast %get3A_381 : i32 to index
          %get3A_384 = arith.index_cast %scan3A_360 : i32 to index
          %get3A_385 = arith.index_cast %mul3A_369 : i32 to index
          %get3A_386 = tpu.vector_load %arg9[%get3A_382, %get3A_383, %get3A_384, %get3A_385] {strides = array<i32>} : memref<4x8x4x768xf32, #tpu.memory_space<vmem>>, vector<1x1x1x16xf32>,
          %get3A_387 = vector.shape_cast %get3A_386 : vector<1x1x1x16xf32> to vector<16xf32>
          %mul3A_388 = vector.broadcast %squeeze3A_14 : f32 to vector<16xf32>
          %mul3A_389 = arith.mulf %get3A_387, %mul3A_388 : vector<16xf32>
          %add3A_390 = arith.addf %mul3A_379, %mul3A_389 : vector<16xf32>
          %get3A_391 = arith.constant 3 : i32
          %get3A_392 = arith.constant 2 : i32
          %get3A_393 = arith.index_cast %get3A_391 : i32 to index
          %get3A_394 = arith.index_cast %get3A_392 : i32 to index
          %get3A_395 = arith.index_cast %scan3A_360 : i32 to index
          %get3A_396 = arith.index_cast %mul3A_369 : i32 to index
          %get3A_397 = tpu.vector_load %arg9[%get3A_393, %get3A_394, %get3A_395, %get3A_396] {strides = array<i32>} : memref<4x8x4x768xf32, #tpu.memory_space<vmem>>, vector<1x1x1x16xf32>,
          %get3A_398 = vector.shape_cast %get3A_397 : vector<1x1x1x16xf32> to vector<16xf32>
          %mul3A_399 = vector.broadcast %squeeze3A_16 : f32 to vector<16xf32>
          %mul3A_400 = arith.mulf %get3A_398, %mul3A_399 : vector<16xf32>
          %add3A_401 = arith.addf %add3A_390, %mul3A_400 : vector<16xf32>
          %get3A_402 = arith.constant 3 : i32
          %get3A_403 = arith.constant 3 : i32
          %get3A_404 = arith.index_cast %get3A_402 : i32 to index
          %get3A_405 = arith.index_cast %get3A_403 : i32 to index
          %get3A_406 = arith.index_cast %scan3A_360 : i32 to index
          %get3A_407 = arith.index_cast %mul3A_369 : i32 to index
          %get3A_408 = tpu.vector_load %arg9[%get3A_404, %get3A_405, %get3A_406, %get3A_407] {strides = array<i32>} : memref<4x8x4x768xf32, #tpu.memory_space<vmem>>, vector<1x1x1x16xf32>,
          %get3A_409 = vector.shape_cast %get3A_408 : vector<1x1x1x16xf32> to vector<16xf32>
          %mul3A_410 = vector.broadcast %squeeze3A_18 : f32 to vector<16xf32>
          %mul3A_411 = arith.mulf %get3A_409, %mul3A_410 : vector<16xf32>
          %add3A_412 = arith.addf %add3A_401, %mul3A_411 : vector<16xf32>
          %get3A_413 = arith.constant 3 : i32
          %get3A_414 = arith.constant 4 : i32
          %get3A_415 = arith.index_cast %get3A_413 : i32 to index
          %get3A_416 = arith.index_cast %get3A_414 : i32 to index
          %get3A_417 = arith.index_cast %scan3A_360 : i32 to index
          %get3A_418 = arith.index_cast %mul3A_369 : i32 to index
          %get3A_419 = tpu.vector_load %arg9[%get3A_415, %get3A_416, %get3A_417, %get3A_418] {strides = array<i32>} : memref<4x8x4x768xf32, #tpu.memory_space<vmem>>, vector<1x1x1x16xf32>,
          %get3A_420 = vector.shape_cast %get3A_419 : vector<1x1x1x16xf32> to vector<16xf32>
          %mul3A_421 = vector.broadcast %squeeze3A_20 : f32 to vector<16xf32>
          %mul3A_422 = arith.mulf %get3A_420, %mul3A_421 : vector<16xf32>
          %add3A_423 = arith.addf %add3A_412, %mul3A_422 : vector<16xf32>
          %get3A_424 = arith.constant 3 : i32
          %get3A_425 = arith.constant 5 : i32
          %get3A_426 = arith.index_cast %get3A_424 : i32 to index
          %get3A_427 = arith.index_cast %get3A_425 : i32 to index
          %get3A_428 = arith.index_cast %scan3A_360 : i32 to index
          %get3A_429 = arith.index_cast %mul3A_369 : i32 to index
          %get3A_430 = tpu.vector_load %arg9[%get3A_426, %get3A_427, %get3A_428, %get3A_429] {strides = array<i32>} : memref<4x8x4x768xf32, #tpu.memory_space<vmem>>, vector<1x1x1x16xf32>,
          %get3A_431 = vector.shape_cast %get3A_430 : vector<1x1x1x16xf32> to vector<16xf32>
          %mul3A_432 = vector.broadcast %squeeze3A_22 : f32 to vector<16xf32>
          %mul3A_433 = arith.mulf %get3A_431, %mul3A_432 : vector<16xf32>
          %add3A_434 = arith.addf %add3A_423, %mul3A_433 : vector<16xf32>
          %get3A_435 = arith.constant 3 : i32
          %get3A_436 = arith.constant 6 : i32
          %get3A_437 = arith.index_cast %get3A_435 : i32 to index
          %get3A_438 = arith.index_cast %get3A_436 : i32 to index
          %get3A_439 = arith.index_cast %scan3A_360 : i32 to index
          %get3A_440 = arith.index_cast %mul3A_369 : i32 to index
          %get3A_441 = tpu.vector_load %arg9[%get3A_437, %get3A_438, %get3A_439, %get3A_440] {strides = array<i32>} : memref<4x8x4x768xf32, #tpu.memory_space<vmem>>, vector<1x1x1x16xf32>,
          %get3A_442 = vector.shape_cast %get3A_441 : vector<1x1x1x16xf32> to vector<16xf32>
          %mul3A_443 = vector.broadcast %squeeze3A_24 : f32 to vector<16xf32>
          %mul3A_444 = arith.mulf %get3A_442, %mul3A_443 : vector<16xf32>
          %add3A_445 = arith.addf %add3A_434, %mul3A_444 : vector<16xf32>
          %get3A_446 = arith.constant 3 : i32
          %get3A_447 = arith.constant 7 : i32
          %get3A_448 = arith.index_cast %get3A_446 : i32 to index
          %get3A_449 = arith.index_cast %get3A_447 : i32 to index
          %get3A_450 = arith.index_cast %scan3A_360 : i32 to index
          %get3A_451 = arith.index_cast %mul3A_369 : i32 to index
          %get3A_452 = tpu.vector_load %arg9[%get3A_448, %get3A_449, %get3A_450, %get3A_451] {strides = array<i32>} : memref<4x8x4x768xf32, #tpu.memory_space<vmem>>, vector<1x1x1x16xf32>,
          %get3A_453 = vector.shape_cast %get3A_452 : vector<1x1x1x16xf32> to vector<16xf32>
          %mul3A_454 = vector.broadcast %squeeze3A_26 : f32 to vector<16xf32>
          %mul3A_455 = arith.mulf %get3A_453, %mul3A_454 : vector<16xf32>
          %add3A_456 = arith.addf %add3A_445, %mul3A_455 : vector<16xf32>
          %swap3A_457 = arith.constant 3 : i32
          %swap3A_458 = arith.index_cast %swap3A_457 : i32 to index
          %swap3A_459 = arith.index_cast %scan3A_360 : i32 to index
          %swap3A_460 = arith.index_cast %mul3A_369 : i32 to index
          %swap3A_461 = tpu.vector_load %arg10[%swap3A_458, %swap3A_459, %swap3A_460] {strides = array<i32>} : memref<4x4x768xf32, #tpu.memory_space<vmem>>, vector<1x1x16xf32>,
          %swap3A_462 = vector.shape_cast %swap3A_461 : vector<1x1x16xf32> to vector<16xf32>
          %swap3A_463 = vector.shape_cast %add3A_456 : vector<16xf32> to vector<1x1x16xf32>
          tpu.vector_store %arg10[%swap3A_458, %swap3A_459, %swap3A_460], %swap3A_463 {strides = array<i32>} : memref<4x4x768xf32, #tpu.memory_space<vmem>>, vector<1x1x16xf32>,
          %scan3A_464 = arith.constant 1 : i32
          %scan3A_465 = arith.addi %scan3A_367, %scan3A_464 : i32
          %mul3A_466 = arith.constant 16 : i32
          %mul3A_467 = arith.muli %scan3A_465, %mul3A_466 : i32
          %get3A_468 = arith.constant 3 : i32
          %get3A_469 = arith.constant 0 : i32
          %get3A_470 = arith.index_cast %get3A_468 : i32 to index
          %get3A_471 = arith.index_cast %get3A_469 : i32 to index
          %get3A_472 = arith.index_cast %scan3A_360 : i32 to index
          %get3A_473 = arith.index_cast %mul3A_467 : i32 to index
          %get3A_474 = tpu.vector_load %arg9[%get3A_470, %get3A_471, %get3A_472, %get3A_473] {strides = array<i32>} : memref<4x8x4x768xf32, #tpu.memory_space<vmem>>, vector<1x1x1x16xf32>,
          %get3A_475 = vector.shape_cast %get3A_474 : vector<1x1x1x16xf32> to vector<16xf32>
          %mul3A_476 = vector.broadcast %squeeze3A : f32 to vector<16xf32>
          %mul3A_477 = arith.mulf %get3A_475, %mul3A_476 : vector<16xf32>
          %get3A_478 = arith.constant 3 : i32
          %get3A_479 = arith.constant 1 : i32
          %get3A_480 = arith.index_cast %get3A_478 : i32 to index
          %get3A_481 = arith.index_cast %get3A_479 : i32 to index
          %get3A_482 = arith.index_cast %scan3A_360 : i32 to index
          %get3A_483 = arith.index_cast %mul3A_467 : i32 to index
          %get3A_484 = tpu.vector_load %arg9[%get3A_480, %get3A_481, %get3A_482, %get3A_483] {strides = array<i32>} : memref<4x8x4x768xf32, #tpu.memory_space<vmem>>, vector<1x1x1x16xf32>,
          %get3A_485 = vector.shape_cast %get3A_484 : vector<1x1x1x16xf32> to vector<16xf32>
          %mul3A_486 = vector.broadcast %squeeze3A_14 : f32 to vector<16xf32>
          %mul3A_487 = arith.mulf %get3A_485, %mul3A_486 : vector<16xf32>
          %add3A_488 = arith.addf %mul3A_477, %mul3A_487 : vector<16xf32>
          %get3A_489 = arith.constant 3 : i32
          %get3A_490 = arith.constant 2 : i32
          %get3A_491 = arith.index_cast %get3A_489 : i32 to index
          %get3A_492 = arith.index_cast %get3A_490 : i32 to index
          %get3A_493 = arith.index_cast %scan3A_360 : i32 to index
          %get3A_494 = arith.index_cast %mul3A_467 : i32 to index
          %get3A_495 = tpu.vector_load %arg9[%get3A_491, %get3A_492, %get3A_493, %get3A_494] {strides = array<i32>} : memref<4x8x4x768xf32, #tpu.memory_space<vmem>>, vector<1x1x1x16xf32>,
          %get3A_496 = vector.shape_cast %get3A_495 : vector<1x1x1x16xf32> to vector<16xf32>
          %mul3A_497 = vector.broadcast %squeeze3A_16 : f32 to vector<16xf32>
          %mul3A_498 = arith.mulf %get3A_496, %mul3A_497 : vector<16xf32>
          %add3A_499 = arith.addf %add3A_488, %mul3A_498 : vector<16xf32>
          %get3A_500 = arith.constant 3 : i32
          %get3A_501 = arith.constant 3 : i32
          %get3A_502 = arith.index_cast %get3A_500 : i32 to index
          %get3A_503 = arith.index_cast %get3A_501 : i32 to index
          %get3A_504 = arith.index_cast %scan3A_360 : i32 to index
          %get3A_505 = arith.index_cast %mul3A_467 : i32 to index
          %get3A_506 = tpu.vector_load %arg9[%get3A_502, %get3A_503, %get3A_504, %get3A_505] {strides = array<i32>} : memref<4x8x4x768xf32, #tpu.memory_space<vmem>>, vector<1x1x1x16xf32>,
          %get3A_507 = vector.shape_cast %get3A_506 : vector<1x1x1x16xf32> to vector<16xf32>
          %mul3A_508 = vector.broadcast %squeeze3A_18 : f32 to vector<16xf32>
          %mul3A_509 = arith.mulf %get3A_507, %mul3A_508 : vector<16xf32>
          %add3A_510 = arith.addf %add3A_499, %mul3A_509 : vector<16xf32>
          %get3A_511 = arith.constant 3 : i32
          %get3A_512 = arith.constant 4 : i32
          %get3A_513 = arith.index_cast %get3A_511 : i32 to index
          %get3A_514 = arith.index_cast %get3A_512 : i32 to index
          %get3A_515 = arith.index_cast %scan3A_360 : i32 to index
          %get3A_516 = arith.index_cast %mul3A_467 : i32 to index
          %get3A_517 = tpu.vector_load %arg9[%get3A_513, %get3A_514, %get3A_515, %get3A_516] {strides = array<i32>} : memref<4x8x4x768xf32, #tpu.memory_space<vmem>>, vector<1x1x1x16xf32>,
          %get3A_518 = vector.shape_cast %get3A_517 : vector<1x1x1x16xf32> to vector<16xf32>
          %mul3A_519 = vector.broadcast %squeeze3A_20 : f32 to vector<16xf32>
          %mul3A_520 = arith.mulf %get3A_518, %mul3A_519 : vector<16xf32>
          %add3A_521 = arith.addf %add3A_510, %mul3A_520 : vector<16xf32>
          %get3A_522 = arith.constant 3 : i32
          %get3A_523 = arith.constant 5 : i32
          %get3A_524 = arith.index_cast %get3A_522 : i32 to index
          %get3A_525 = arith.index_cast %get3A_523 : i32 to index
          %get3A_526 = arith.index_cast %scan3A_360 : i32 to index
          %get3A_527 = arith.index_cast %mul3A_467 : i32 to index
          %get3A_528 = tpu.vector_load %arg9[%get3A_524, %get3A_525, %get3A_526, %get3A_527] {strides = array<i32>} : memref<4x8x4x768xf32, #tpu.memory_space<vmem>>, vector<1x1x1x16xf32>,
          %get3A_529 = vector.shape_cast %get3A_528 : vector<1x1x1x16xf32> to vector<16xf32>
          %mul3A_530 = vector.broadcast %squeeze3A_22 : f32 to vector<16xf32>
          %mul3A_531 = arith.mulf %get3A_529, %mul3A_530 : vector<16xf32>
          %add3A_532 = arith.addf %add3A_521, %mul3A_531 : vector<16xf32>
          %get3A_533 = arith.constant 3 : i32
          %get3A_534 = arith.constant 6 : i32
          %get3A_535 = arith.index_cast %get3A_533 : i32 to index
          %get3A_536 = arith.index_cast %get3A_534 : i32 to index
          %get3A_537 = arith.index_cast %scan3A_360 : i32 to index
          %get3A_538 = arith.index_cast %mul3A_467 : i32 to index
          %get3A_539 = tpu.vector_load %arg9[%get3A_535, %get3A_536, %get3A_537, %get3A_538] {strides = array<i32>} : memref<4x8x4x768xf32, #tpu.memory_space<vmem>>, vector<1x1x1x16xf32>,
          %get3A_540 = vector.shape_cast %get3A_539 : vector<1x1x1x16xf32> to vector<16xf32>
          %mul3A_541 = vector.broadcast %squeeze3A_24 : f32 to vector<16xf32>
          %mul3A_542 = arith.mulf %get3A_540, %mul3A_541 : vector<16xf32>
          %add3A_543 = arith.addf %add3A_532, %mul3A_542 : vector<16xf32>
          %get3A_544 = arith.constant 3 : i32
          %get3A_545 = arith.constant 7 : i32
          %get3A_546 = arith.index_cast %get3A_544 : i32 to index
          %get3A_547 = arith.index_cast %get3A_545 : i32 to index
          %get3A_548 = arith.index_cast %scan3A_360 : i32 to index
          %get3A_549 = arith.index_cast %mul3A_467 : i32 to index
          %get3A_550 = tpu.vector_load %arg9[%get3A_546, %get3A_547, %get3A_548, %get3A_549] {strides = array<i32>} : memref<4x8x4x768xf32, #tpu.memory_space<vmem>>, vector<1x1x1x16xf32>,
          %get3A_551 = vector.shape_cast %get3A_550 : vector<1x1x1x16xf32> to vector<16xf32>
          %mul3A_552 = vector.broadcast %squeeze3A_26 : f32 to vector<16xf32>
          %mul3A_553 = arith.mulf %get3A_551, %mul3A_552 : vector<16xf32>
          %add3A_554 = arith.addf %add3A_543, %mul3A_553 : vector<16xf32>
          %swap3A_555 = arith.constant 3 : i32
          %swap3A_556 = arith.index_cast %swap3A_555 : i32 to index
          %swap3A_557 = arith.index_cast %scan3A_360 : i32 to index
          %swap3A_558 = arith.index_cast %mul3A_467 : i32 to index
          %swap3A_559 = tpu.vector_load %arg10[%swap3A_556, %swap3A_557, %swap3A_558] {strides = array<i32>} : memref<4x4x768xf32, #tpu.memory_space<vmem>>, vector<1x1x16xf32>,
          %swap3A_560 = vector.shape_cast %swap3A_559 : vector<1x1x16xf32> to vector<16xf32>
          %swap3A_561 = vector.shape_cast %add3A_554 : vector<16xf32> to vector<1x1x16xf32>
          tpu.vector_store %arg10[%swap3A_556, %swap3A_557, %swap3A_558], %swap3A_561 {strides = array<i32>} : memref<4x4x768xf32, #tpu.memory_space<vmem>>, vector<1x1x16xf32>,
          %scan3A_562 = arith.constant 2 : i32
          %scan3A_563 = arith.addi %scan3A_367, %scan3A_562 : i32
          %mul3A_564 = arith.constant 16 : i32
          %mul3A_565 = arith.muli %scan3A_563, %mul3A_564 : i32
          %get3A_566 = arith.constant 3 : i32
          %get3A_567 = arith.constant 0 : i32
          %get3A_568 = arith.index_cast %get3A_566 : i32 to index
          %get3A_569 = arith.index_cast %get3A_567 : i32 to index
          %get3A_570 = arith.index_cast %scan3A_360 : i32 to index
          %get3A_571 = arith.index_cast %mul3A_565 : i32 to index
          %get3A_572 = tpu.vector_load %arg9[%get3A_568, %get3A_569, %get3A_570, %get3A_571] {strides = array<i32>} : memref<4x8x4x768xf32, #tpu.memory_space<vmem>>, vector<1x1x1x16xf32>,
          %get3A_573 = vector.shape_cast %get3A_572 : vector<1x1x1x16xf32> to vector<16xf32>
          %mul3A_574 = vector.broadcast %squeeze3A : f32 to vector<16xf32>
          %mul3A_575 = arith.mulf %get3A_573, %mul3A_574 : vector<16xf32>
          %get3A_576 = arith.constant 3 : i32
          %get3A_577 = arith.constant 1 : i32
          %get3A_578 = arith.index_cast %get3A_576 : i32 to index
          %get3A_579 = arith.index_cast %get3A_577 : i32 to index
          %get3A_580 = arith.index_cast %scan3A_360 : i32 to index
          %get3A_581 = arith.index_cast %mul3A_565 : i32 to index
          %get3A_582 = tpu.vector_load %arg9[%get3A_578, %get3A_579, %get3A_580, %get3A_581] {strides = array<i32>} : memref<4x8x4x768xf32, #tpu.memory_space<vmem>>, vector<1x1x1x16xf32>,
          %get3A_583 = vector.shape_cast %get3A_582 : vector<1x1x1x16xf32> to vector<16xf32>
          %mul3A_584 = vector.broadcast %squeeze3A_14 : f32 to vector<16xf32>
          %mul3A_585 = arith.mulf %get3A_583, %mul3A_584 : vector<16xf32>
          %add3A_586 = arith.addf %mul3A_575, %mul3A_585 : vector<16xf32>
          %get3A_587 = arith.constant 3 : i32
          %get3A_588 = arith.constant 2 : i32
          %get3A_589 = arith.index_cast %get3A_587 : i32 to index
          %get3A_590 = arith.index_cast %get3A_588 : i32 to index
          %get3A_591 = arith.index_cast %scan3A_360 : i32 to index
          %get3A_592 = arith.index_cast %mul3A_565 : i32 to index
          %get3A_593 = tpu.vector_load %arg9[%get3A_589, %get3A_590, %get3A_591, %get3A_592] {strides = array<i32>} : memref<4x8x4x768xf32, #tpu.memory_space<vmem>>, vector<1x1x1x16xf32>,
          %get3A_594 = vector.shape_cast %get3A_593 : vector<1x1x1x16xf32> to vector<16xf32>
          %mul3A_595 = vector.broadcast %squeeze3A_16 : f32 to vector<16xf32>
          %mul3A_596 = arith.mulf %get3A_594, %mul3A_595 : vector<16xf32>
          %add3A_597 = arith.addf %add3A_586, %mul3A_596 : vector<16xf32>
          %get3A_598 = arith.constant 3 : i32
          %get3A_599 = arith.constant 3 : i32
          %get3A_600 = arith.index_cast %get3A_598 : i32 to index
          %get3A_601 = arith.index_cast %get3A_599 : i32 to index
          %get3A_602 = arith.index_cast %scan3A_360 : i32 to index
          %get3A_603 = arith.index_cast %mul3A_565 : i32 to index
          %get3A_604 = tpu.vector_load %arg9[%get3A_600, %get3A_601, %get3A_602, %get3A_603] {strides = array<i32>} : memref<4x8x4x768xf32, #tpu.memory_space<vmem>>, vector<1x1x1x16xf32>,
          %get3A_605 = vector.shape_cast %get3A_604 : vector<1x1x1x16xf32> to vector<16xf32>
          %mul3A_606 = vector.broadcast %squeeze3A_18 : f32 to vector<16xf32>
          %mul3A_607 = arith.mulf %get3A_605, %mul3A_606 : vector<16xf32>
          %add3A_608 = arith.addf %add3A_597, %mul3A_607 : vector<16xf32>
          %get3A_609 = arith.constant 3 : i32
          %get3A_610 = arith.constant 4 : i32
          %get3A_611 = arith.index_cast %get3A_609 : i32 to index
          %get3A_612 = arith.index_cast %get3A_610 : i32 to index
          %get3A_613 = arith.index_cast %scan3A_360 : i32 to index
          %get3A_614 = arith.index_cast %mul3A_565 : i32 to index
          %get3A_615 = tpu.vector_load %arg9[%get3A_611, %get3A_612, %get3A_613, %get3A_614] {strides = array<i32>} : memref<4x8x4x768xf32, #tpu.memory_space<vmem>>, vector<1x1x1x16xf32>,
          %get3A_616 = vector.shape_cast %get3A_615 : vector<1x1x1x16xf32> to vector<16xf32>
          %mul3A_617 = vector.broadcast %squeeze3A_20 : f32 to vector<16xf32>
          %mul3A_618 = arith.mulf %get3A_616, %mul3A_617 : vector<16xf32>
          %add3A_619 = arith.addf %add3A_608, %mul3A_618 : vector<16xf32>
          %get3A_620 = arith.constant 3 : i32
          %get3A_621 = arith.constant 5 : i32
          %get3A_622 = arith.index_cast %get3A_620 : i32 to index
          %get3A_623 = arith.index_cast %get3A_621 : i32 to index
          %get3A_624 = arith.index_cast %scan3A_360 : i32 to index
          %get3A_625 = arith.index_cast %mul3A_565 : i32 to index
          %get3A_626 = tpu.vector_load %arg9[%get3A_622, %get3A_623, %get3A_624, %get3A_625] {strides = array<i32>} : memref<4x8x4x768xf32, #tpu.memory_space<vmem>>, vector<1x1x1x16xf32>,
          %get3A_627 = vector.shape_cast %get3A_626 : vector<1x1x1x16xf32> to vector<16xf32>
          %mul3A_628 = vector.broadcast %squeeze3A_22 : f32 to vector<16xf32>
          %mul3A_629 = arith.mulf %get3A_627, %mul3A_628 : vector<16xf32>
          %add3A_630 = arith.addf %add3A_619, %mul3A_629 : vector<16xf32>
          %get3A_631 = arith.constant 3 : i32
          %get3A_632 = arith.constant 6 : i32
          %get3A_633 = arith.index_cast %get3A_631 : i32 to index
          %get3A_634 = arith.index_cast %get3A_632 : i32 to index
          %get3A_635 = arith.index_cast %scan3A_360 : i32 to index
          %get3A_636 = arith.index_cast %mul3A_565 : i32 to index
          %get3A_637 = tpu.vector_load %arg9[%get3A_633, %get3A_634, %get3A_635, %get3A_636] {strides = array<i32>} : memref<4x8x4x768xf32, #tpu.memory_space<vmem>>, vector<1x1x1x16xf32>,
          %get3A_638 = vector.shape_cast %get3A_637 : vector<1x1x1x16xf32> to vector<16xf32>
          %mul3A_639 = vector.broadcast %squeeze3A_24 : f32 to vector<16xf32>
          %mul3A_640 = arith.mulf %get3A_638, %mul3A_639 : vector<16xf32>
          %add3A_641 = arith.addf %add3A_630, %mul3A_640 : vector<16xf32>
          %get3A_642 = arith.constant 3 : i32
          %get3A_643 = arith.constant 7 : i32
          %get3A_644 = arith.index_cast %get3A_642 : i32 to index
          %get3A_645 = arith.index_cast %get3A_643 : i32 to index
          %get3A_646 = arith.index_cast %scan3A_360 : i32 to index
          %get3A_647 = arith.index_cast %mul3A_565 : i32 to index
          %get3A_648 = tpu.vector_load %arg9[%get3A_644, %get3A_645, %get3A_646, %get3A_647] {strides = array<i32>} : memref<4x8x4x768xf32, #tpu.memory_space<vmem>>, vector<1x1x1x16xf32>,
          %get3A_649 = vector.shape_cast %get3A_648 : vector<1x1x1x16xf32> to vector<16xf32>
          %mul3A_650 = vector.broadcast %squeeze3A_26 : f32 to vector<16xf32>
          %mul3A_651 = arith.mulf %get3A_649, %mul3A_650 : vector<16xf32>
          %add3A_652 = arith.addf %add3A_641, %mul3A_651 : vector<16xf32>
          %swap3A_653 = arith.constant 3 : i32
          %swap3A_654 = arith.index_cast %swap3A_653 : i32 to index
          %swap3A_655 = arith.index_cast %scan3A_360 : i32 to index
          %swap3A_656 = arith.index_cast %mul3A_565 : i32 to index
          %swap3A_657 = tpu.vector_load %arg10[%swap3A_654, %swap3A_655, %swap3A_656] {strides = array<i32>} : memref<4x4x768xf32, #tpu.memory_space<vmem>>, vector<1x1x16xf32>,
          %swap3A_658 = vector.shape_cast %swap3A_657 : vector<1x1x16xf32> to vector<16xf32>
          %swap3A_659 = vector.shape_cast %add3A_652 : vector<16xf32> to vector<1x1x16xf32>
          tpu.vector_store %arg10[%swap3A_654, %swap3A_655, %swap3A_656], %swap3A_659 {strides = array<i32>} : memref<4x4x768xf32, #tpu.memory_space<vmem>>, vector<1x1x16xf32>,
          %scan3A_660 = arith.constant 3 : i32
          %scan3A_661 = arith.addi %scan3A_367, %scan3A_660 : i32
          %mul3A_662 = arith.constant 16 : i32
          %mul3A_663 = arith.muli %scan3A_661, %mul3A_662 : i32
          %get3A_664 = arith.constant 3 : i32
          %get3A_665 = arith.constant 0 : i32
          %get3A_666 = arith.index_cast %get3A_664 : i32 to index
          %get3A_667 = arith.index_cast %get3A_665 : i32 to index
          %get3A_668 = arith.index_cast %scan3A_360 : i32 to index
          %get3A_669 = arith.index_cast %mul3A_663 : i32 to index
          %get3A_670 = tpu.vector_load %arg9[%get3A_666, %get3A_667, %get3A_668, %get3A_669] {strides = array<i32>} : memref<4x8x4x768xf32, #tpu.memory_space<vmem>>, vector<1x1x1x16xf32>,
          %get3A_671 = vector.shape_cast %get3A_670 : vector<1x1x1x16xf32> to vector<16xf32>
          %mul3A_672 = vector.broadcast %squeeze3A : f32 to vector<16xf32>
          %mul3A_673 = arith.mulf %get3A_671, %mul3A_672 : vector<16xf32>
          %get3A_674 = arith.constant 3 : i32
          %get3A_675 = arith.constant 1 : i32
          %get3A_676 = arith.index_cast %get3A_674 : i32 to index
          %get3A_677 = arith.index_cast %get3A_675 : i32 to index
          %get3A_678 = arith.index_cast %scan3A_360 : i32 to index
          %get3A_679 = arith.index_cast %mul3A_663 : i32 to index
          %get3A_680 = tpu.vector_load %arg9[%get3A_676, %get3A_677, %get3A_678, %get3A_679] {strides = array<i32>} : memref<4x8x4x768xf32, #tpu.memory_space<vmem>>, vector<1x1x1x16xf32>,
          %get3A_681 = vector.shape_cast %get3A_680 : vector<1x1x1x16xf32> to vector<16xf32>
          %mul3A_682 = vector.broadcast %squeeze3A_14 : f32 to vector<16xf32>
          %mul3A_683 = arith.mulf %get3A_681, %mul3A_682 : vector<16xf32>
          %add3A_684 = arith.addf %mul3A_673, %mul3A_683 : vector<16xf32>
          %get3A_685 = arith.constant 3 : i32
          %get3A_686 = arith.constant 2 : i32
          %get3A_687 = arith.index_cast %get3A_685 : i32 to index
          %get3A_688 = arith.index_cast %get3A_686 : i32 to index
          %get3A_689 = arith.index_cast %scan3A_360 : i32 to index
          %get3A_690 = arith.index_cast %mul3A_663 : i32 to index
          %get3A_691 = tpu.vector_load %arg9[%get3A_687, %get3A_688, %get3A_689, %get3A_690] {strides = array<i32>} : memref<4x8x4x768xf32, #tpu.memory_space<vmem>>, vector<1x1x1x16xf32>,
          %get3A_692 = vector.shape_cast %get3A_691 : vector<1x1x1x16xf32> to vector<16xf32>
          %mul3A_693 = vector.broadcast %squeeze3A_16 : f32 to vector<16xf32>
          %mul3A_694 = arith.mulf %get3A_692, %mul3A_693 : vector<16xf32>
          %add3A_695 = arith.addf %add3A_684, %mul3A_694 : vector<16xf32>
          %get3A_696 = arith.constant 3 : i32
          %get3A_697 = arith.constant 3 : i32
          %get3A_698 = arith.index_cast %get3A_696 : i32 to index
          %get3A_699 = arith.index_cast %get3A_697 : i32 to index
          %get3A_700 = arith.index_cast %scan3A_360 : i32 to index
          %get3A_701 = arith.index_cast %mul3A_663 : i32 to index
          %get3A_702 = tpu.vector_load %arg9[%get3A_698, %get3A_699, %get3A_700, %get3A_701] {strides = array<i32>} : memref<4x8x4x768xf32, #tpu.memory_space<vmem>>, vector<1x1x1x16xf32>,
          %get3A_703 = vector.shape_cast %get3A_702 : vector<1x1x1x16xf32> to vector<16xf32>
          %mul3A_704 = vector.broadcast %squeeze3A_18 : f32 to vector<16xf32>
          %mul3A_705 = arith.mulf %get3A_703, %mul3A_704 : vector<16xf32>
          %add3A_706 = arith.addf %add3A_695, %mul3A_705 : vector<16xf32>
          %get3A_707 = arith.constant 3 : i32
          %get3A_708 = arith.constant 4 : i32
          %get3A_709 = arith.index_cast %get3A_707 : i32 to index
          %get3A_710 = arith.index_cast %get3A_708 : i32 to index
          %get3A_711 = arith.index_cast %scan3A_360 : i32 to index
          %get3A_712 = arith.index_cast %mul3A_663 : i32 to index
          %get3A_713 = tpu.vector_load %arg9[%get3A_709, %get3A_710, %get3A_711, %get3A_712] {strides = array<i32>} : memref<4x8x4x768xf32, #tpu.memory_space<vmem>>, vector<1x1x1x16xf32>,
          %get3A_714 = vector.shape_cast %get3A_713 : vector<1x1x1x16xf32> to vector<16xf32>
          %mul3A_715 = vector.broadcast %squeeze3A_20 : f32 to vector<16xf32>
          %mul3A_716 = arith.mulf %get3A_714, %mul3A_715 : vector<16xf32>
          %add3A_717 = arith.addf %add3A_706, %mul3A_716 : vector<16xf32>
          %get3A_718 = arith.constant 3 : i32
          %get3A_719 = arith.constant 5 : i32
          %get3A_720 = arith.index_cast %get3A_718 : i32 to index
          %get3A_721 = arith.index_cast %get3A_719 : i32 to index
          %get3A_722 = arith.index_cast %scan3A_360 : i32 to index
          %get3A_723 = arith.index_cast %mul3A_663 : i32 to index
          %get3A_724 = tpu.vector_load %arg9[%get3A_720, %get3A_721, %get3A_722, %get3A_723] {strides = array<i32>} : memref<4x8x4x768xf32, #tpu.memory_space<vmem>>, vector<1x1x1x16xf32>,
          %get3A_725 = vector.shape_cast %get3A_724 : vector<1x1x1x16xf32> to vector<16xf32>
          %mul3A_726 = vector.broadcast %squeeze3A_22 : f32 to vector<16xf32>
          %mul3A_727 = arith.mulf %get3A_725, %mul3A_726 : vector<16xf32>
          %add3A_728 = arith.addf %add3A_717, %mul3A_727 : vector<16xf32>
          %get3A_729 = arith.constant 3 : i32
          %get3A_730 = arith.constant 6 : i32
          %get3A_731 = arith.index_cast %get3A_729 : i32 to index
          %get3A_732 = arith.index_cast %get3A_730 : i32 to index
          %get3A_733 = arith.index_cast %scan3A_360 : i32 to index
          %get3A_734 = arith.index_cast %mul3A_663 : i32 to index
          %get3A_735 = tpu.vector_load %arg9[%get3A_731, %get3A_732, %get3A_733, %get3A_734] {strides = array<i32>} : memref<4x8x4x768xf32, #tpu.memory_space<vmem>>, vector<1x1x1x16xf32>,
          %get3A_736 = vector.shape_cast %get3A_735 : vector<1x1x1x16xf32> to vector<16xf32>
          %mul3A_737 = vector.broadcast %squeeze3A_24 : f32 to vector<16xf32>
          %mul3A_738 = arith.mulf %get3A_736, %mul3A_737 : vector<16xf32>
          %add3A_739 = arith.addf %add3A_728, %mul3A_738 : vector<16xf32>
          %get3A_740 = arith.constant 3 : i32
          %get3A_741 = arith.constant 7 : i32
          %get3A_742 = arith.index_cast %get3A_740 : i32 to index
          %get3A_743 = arith.index_cast %get3A_741 : i32 to index
          %get3A_744 = arith.index_cast %scan3A_360 : i32 to index
          %get3A_745 = arith.index_cast %mul3A_663 : i32 to index
          %get3A_746 = tpu.vector_load %arg9[%get3A_742, %get3A_743, %get3A_744, %get3A_745] {strides = array<i32>} : memref<4x8x4x768xf32, #tpu.memory_space<vmem>>, vector<1x1x1x16xf32>,
          %get3A_747 = vector.shape_cast %get3A_746 : vector<1x1x1x16xf32> to vector<16xf32>
          %mul3A_748 = vector.broadcast %squeeze3A_26 : f32 to vector<16xf32>
          %mul3A_749 = arith.mulf %get3A_747, %mul3A_748 : vector<16xf32>
          %add3A_750 = arith.addf %add3A_739, %mul3A_749 : vector<16xf32>
          %swap3A_751 = arith.constant 3 : i32
          %swap3A_752 = arith.index_cast %swap3A_751 : i32 to index
          %swap3A_753 = arith.index_cast %scan3A_360 : i32 to index
          %swap3A_754 = arith.index_cast %mul3A_663 : i32 to index
          %swap3A_755 = tpu.vector_load %arg10[%swap3A_752, %swap3A_753, %swap3A_754] {strides = array<i32>} : memref<4x4x768xf32, #tpu.memory_space<vmem>>, vector<1x1x16xf32>,
          %swap3A_756 = vector.shape_cast %swap3A_755 : vector<1x1x16xf32> to vector<16xf32>
          %swap3A_757 = vector.shape_cast %add3A_750 : vector<16xf32> to vector<1x1x16xf32>
          tpu.vector_store %arg10[%swap3A_752, %swap3A_753, %swap3A_754], %swap3A_757 {strides = array<i32>} : memref<4x4x768xf32, #tpu.memory_space<vmem>>, vector<1x1x16xf32>,
          %scan3A_758 = arith.constant 4 : i32
          %scan3A_759 = arith.addi %scan3A_367, %scan3A_758 : i32
          %mul3A_760 = arith.constant 16 : i32
          %mul3A_761 = arith.muli %scan3A_759, %mul3A_760 : i32
          %get3A_762 = arith.constant 3 : i32
          %get3A_763 = arith.constant 0 : i32
          %get3A_764 = arith.index_cast %get3A_762 : i32 to index
          %get3A_765 = arith.index_cast %get3A_763 : i32 to index
          %get3A_766 = arith.index_cast %scan3A_360 : i32 to index
          %get3A_767 = arith.index_cast %mul3A_761 : i32 to index
          %get3A_768 = tpu.vector_load %arg9[%get3A_764, %get3A_765, %get3A_766, %get3A_767] {strides = array<i32>} : memref<4x8x4x768xf32, #tpu.memory_space<vmem>>, vector<1x1x1x16xf32>,
          %get3A_769 = vector.shape_cast %get3A_768 : vector<1x1x1x16xf32> to vector<16xf32>
          %mul3A_770 = vector.broadcast %squeeze3A : f32 to vector<16xf32>
          %mul3A_771 = arith.mulf %get3A_769, %mul3A_770 : vector<16xf32>
          %get3A_772 = arith.constant 3 : i32
          %get3A_773 = arith.constant 1 : i32
          %get3A_774 = arith.index_cast %get3A_772 : i32 to index
          %get3A_775 = arith.index_cast %get3A_773 : i32 to index
          %get3A_776 = arith.index_cast %scan3A_360 : i32 to index
          %get3A_777 = arith.index_cast %mul3A_761 : i32 to index
          %get3A_778 = tpu.vector_load %arg9[%get3A_774, %get3A_775, %get3A_776, %get3A_777] {strides = array<i32>} : memref<4x8x4x768xf32, #tpu.memory_space<vmem>>, vector<1x1x1x16xf32>,
          %get3A_779 = vector.shape_cast %get3A_778 : vector<1x1x1x16xf32> to vector<16xf32>
          %mul3A_780 = vector.broadcast %squeeze3A_14 : f32 to vector<16xf32>
          %mul3A_781 = arith.mulf %get3A_779, %mul3A_780 : vector<16xf32>
          %add3A_782 = arith.addf %mul3A_771, %mul3A_781 : vector<16xf32>
          %get3A_783 = arith.constant 3 : i32
          %get3A_784 = arith.constant 2 : i32
          %get3A_785 = arith.index_cast %get3A_783 : i32 to index
          %get3A_786 = arith.index_cast %get3A_784 : i32 to index
          %get3A_787 = arith.index_cast %scan3A_360 : i32 to index
          %get3A_788 = arith.index_cast %mul3A_761 : i32 to index
          %get3A_789 = tpu.vector_load %arg9[%get3A_785, %get3A_786, %get3A_787, %get3A_788] {strides = array<i32>} : memref<4x8x4x768xf32, #tpu.memory_space<vmem>>, vector<1x1x1x16xf32>,
          %get3A_790 = vector.shape_cast %get3A_789 : vector<1x1x1x16xf32> to vector<16xf32>
          %mul3A_791 = vector.broadcast %squeeze3A_16 : f32 to vector<16xf32>
          %mul3A_792 = arith.mulf %get3A_790, %mul3A_791 : vector<16xf32>
          %add3A_793 = arith.addf %add3A_782, %mul3A_792 : vector<16xf32>
          %get3A_794 = arith.constant 3 : i32
          %get3A_795 = arith.constant 3 : i32
          %get3A_796 = arith.index_cast %get3A_794 : i32 to index
          %get3A_797 = arith.index_cast %get3A_795 : i32 to index
          %get3A_798 = arith.index_cast %scan3A_360 : i32 to index
          %get3A_799 = arith.index_cast %mul3A_761 : i32 to index
          %get3A_800 = tpu.vector_load %arg9[%get3A_796, %get3A_797, %get3A_798, %get3A_799] {strides = array<i32>} : memref<4x8x4x768xf32, #tpu.memory_space<vmem>>, vector<1x1x1x16xf32>,
          %get3A_801 = vector.shape_cast %get3A_800 : vector<1x1x1x16xf32> to vector<16xf32>
          %mul3A_802 = vector.broadcast %squeeze3A_18 : f32 to vector<16xf32>
          %mul3A_803 = arith.mulf %get3A_801, %mul3A_802 : vector<16xf32>
          %add3A_804 = arith.addf %add3A_793, %mul3A_803 : vector<16xf32>
          %get3A_805 = arith.constant 3 : i32
          %get3A_806 = arith.constant 4 : i32
          %get3A_807 = arith.index_cast %get3A_805 : i32 to index
          %get3A_808 = arith.index_cast %get3A_806 : i32 to index
          %get3A_809 = arith.index_cast %scan3A_360 : i32 to index
          %get3A_810 = arith.index_cast %mul3A_761 : i32 to index
          %get3A_811 = tpu.vector_load %arg9[%get3A_807, %get3A_808, %get3A_809, %get3A_810] {strides = array<i32>} : memref<4x8x4x768xf32, #tpu.memory_space<vmem>>, vector<1x1x1x16xf32>,
          %get3A_812 = vector.shape_cast %get3A_811 : vector<1x1x1x16xf32> to vector<16xf32>
          %mul3A_813 = vector.broadcast %squeeze3A_20 : f32 to vector<16xf32>
          %mul3A_814 = arith.mulf %get3A_812, %mul3A_813 : vector<16xf32>
          %add3A_815 = arith.addf %add3A_804, %mul3A_814 : vector<16xf32>
          %get3A_816 = arith.constant 3 : i32
          %get3A_817 = arith.constant 5 : i32
          %get3A_818 = arith.index_cast %get3A_816 : i32 to index
          %get3A_819 = arith.index_cast %get3A_817 : i32 to index
          %get3A_820 = arith.index_cast %scan3A_360 : i32 to index
          %get3A_821 = arith.index_cast %mul3A_761 : i32 to index
          %get3A_822 = tpu.vector_load %arg9[%get3A_818, %get3A_819, %get3A_820, %get3A_821] {strides = array<i32>} : memref<4x8x4x768xf32, #tpu.memory_space<vmem>>, vector<1x1x1x16xf32>,
          %get3A_823 = vector.shape_cast %get3A_822 : vector<1x1x1x16xf32> to vector<16xf32>
          %mul3A_824 = vector.broadcast %squeeze3A_22 : f32 to vector<16xf32>
          %mul3A_825 = arith.mulf %get3A_823, %mul3A_824 : vector<16xf32>
          %add3A_826 = arith.addf %add3A_815, %mul3A_825 : vector<16xf32>
          %get3A_827 = arith.constant 3 : i32
          %get3A_828 = arith.constant 6 : i32
          %get3A_829 = arith.index_cast %get3A_827 : i32 to index
          %get3A_830 = arith.index_cast %get3A_828 : i32 to index
          %get3A_831 = arith.index_cast %scan3A_360 : i32 to index
          %get3A_832 = arith.index_cast %mul3A_761 : i32 to index
          %get3A_833 = tpu.vector_load %arg9[%get3A_829, %get3A_830, %get3A_831, %get3A_832] {strides = array<i32>} : memref<4x8x4x768xf32, #tpu.memory_space<vmem>>, vector<1x1x1x16xf32>,
          %get3A_834 = vector.shape_cast %get3A_833 : vector<1x1x1x16xf32> to vector<16xf32>
          %mul3A_835 = vector.broadcast %squeeze3A_24 : f32 to vector<16xf32>
          %mul3A_836 = arith.mulf %get3A_834, %mul3A_835 : vector<16xf32>
          %add3A_837 = arith.addf %add3A_826, %mul3A_836 : vector<16xf32>
          %get3A_838 = arith.constant 3 : i32
          %get3A_839 = arith.constant 7 : i32
          %get3A_840 = arith.index_cast %get3A_838 : i32 to index
          %get3A_841 = arith.index_cast %get3A_839 : i32 to index
          %get3A_842 = arith.index_cast %scan3A_360 : i32 to index
          %get3A_843 = arith.index_cast %mul3A_761 : i32 to index
          %get3A_844 = tpu.vector_load %arg9[%get3A_840, %get3A_841, %get3A_842, %get3A_843] {strides = array<i32>} : memref<4x8x4x768xf32, #tpu.memory_space<vmem>>, vector<1x1x1x16xf32>,
          %get3A_845 = vector.shape_cast %get3A_844 : vector<1x1x1x16xf32> to vector<16xf32>
          %mul3A_846 = vector.broadcast %squeeze3A_26 : f32 to vector<16xf32>
          %mul3A_847 = arith.mulf %get3A_845, %mul3A_846 : vector<16xf32>
          %add3A_848 = arith.addf %add3A_837, %mul3A_847 : vector<16xf32>
          %swap3A_849 = arith.constant 3 : i32
          %swap3A_850 = arith.index_cast %swap3A_849 : i32 to index
          %swap3A_851 = arith.index_cast %scan3A_360 : i32 to index
          %swap3A_852 = arith.index_cast %mul3A_761 : i32 to index
          %swap3A_853 = tpu.vector_load %arg10[%swap3A_850, %swap3A_851, %swap3A_852] {strides = array<i32>} : memref<4x4x768xf32, #tpu.memory_space<vmem>>, vector<1x1x16xf32>,
          %swap3A_854 = vector.shape_cast %swap3A_853 : vector<1x1x16xf32> to vector<16xf32>
          %swap3A_855 = vector.shape_cast %add3A_848 : vector<16xf32> to vector<1x1x16xf32>
          tpu.vector_store %arg10[%swap3A_850, %swap3A_851, %swap3A_852], %swap3A_855 {strides = array<i32>} : memref<4x4x768xf32, #tpu.memory_space<vmem>>, vector<1x1x16xf32>,
          %scan3A_856 = arith.constant 5 : i32
          %scan3A_857 = arith.addi %scan3A_367, %scan3A_856 : i32
          %mul3A_858 = arith.constant 16 : i32
          %mul3A_859 = arith.muli %scan3A_857, %mul3A_858 : i32
          %get3A_860 = arith.constant 3 : i32
          %get3A_861 = arith.constant 0 : i32
          %get3A_862 = arith.index_cast %get3A_860 : i32 to index
          %get3A_863 = arith.index_cast %get3A_861 : i32 to index
          %get3A_864 = arith.index_cast %scan3A_360 : i32 to index
          %get3A_865 = arith.index_cast %mul3A_859 : i32 to index
          %get3A_866 = tpu.vector_load %arg9[%get3A_862, %get3A_863, %get3A_864, %get3A_865] {strides = array<i32>} : memref<4x8x4x768xf32, #tpu.memory_space<vmem>>, vector<1x1x1x16xf32>,
          %get3A_867 = vector.shape_cast %get3A_866 : vector<1x1x1x16xf32> to vector<16xf32>
          %mul3A_868 = vector.broadcast %squeeze3A : f32 to vector<16xf32>
          %mul3A_869 = arith.mulf %get3A_867, %mul3A_868 : vector<16xf32>
          %get3A_870 = arith.constant 3 : i32
          %get3A_871 = arith.constant 1 : i32
          %get3A_872 = arith.index_cast %get3A_870 : i32 to index
          %get3A_873 = arith.index_cast %get3A_871 : i32 to index
          %get3A_874 = arith.index_cast %scan3A_360 : i32 to index
          %get3A_875 = arith.index_cast %mul3A_859 : i32 to index
          %get3A_876 = tpu.vector_load %arg9[%get3A_872, %get3A_873, %get3A_874, %get3A_875] {strides = array<i32>} : memref<4x8x4x768xf32, #tpu.memory_space<vmem>>, vector<1x1x1x16xf32>,
          %get3A_877 = vector.shape_cast %get3A_876 : vector<1x1x1x16xf32> to vector<16xf32>
          %mul3A_878 = vector.broadcast %squeeze3A_14 : f32 to vector<16xf32>
          %mul3A_879 = arith.mulf %get3A_877, %mul3A_878 : vector<16xf32>
          %add3A_880 = arith.addf %mul3A_869, %mul3A_879 : vector<16xf32>
          %get3A_881 = arith.constant 3 : i32
          %get3A_882 = arith.constant 2 : i32
          %get3A_883 = arith.index_cast %get3A_881 : i32 to index
          %get3A_884 = arith.index_cast %get3A_882 : i32 to index
          %get3A_885 = arith.index_cast %scan3A_360 : i32 to index
          %get3A_886 = arith.index_cast %mul3A_859 : i32 to index
          %get3A_887 = tpu.vector_load %arg9[%get3A_883, %get3A_884, %get3A_885, %get3A_886] {strides = array<i32>} : memref<4x8x4x768xf32, #tpu.memory_space<vmem>>, vector<1x1x1x16xf32>,
          %get3A_888 = vector.shape_cast %get3A_887 : vector<1x1x1x16xf32> to vector<16xf32>
          %mul3A_889 = vector.broadcast %squeeze3A_16 : f32 to vector<16xf32>
          %mul3A_890 = arith.mulf %get3A_888, %mul3A_889 : vector<16xf32>
          %add3A_891 = arith.addf %add3A_880, %mul3A_890 : vector<16xf32>
          %get3A_892 = arith.constant 3 : i32
          %get3A_893 = arith.constant 3 : i32
          %get3A_894 = arith.index_cast %get3A_892 : i32 to index
          %get3A_895 = arith.index_cast %get3A_893 : i32 to index
          %get3A_896 = arith.index_cast %scan3A_360 : i32 to index
          %get3A_897 = arith.index_cast %mul3A_859 : i32 to index
          %get3A_898 = tpu.vector_load %arg9[%get3A_894, %get3A_895, %get3A_896, %get3A_897] {strides = array<i32>} : memref<4x8x4x768xf32, #tpu.memory_space<vmem>>, vector<1x1x1x16xf32>,
          %get3A_899 = vector.shape_cast %get3A_898 : vector<1x1x1x16xf32> to vector<16xf32>
          %mul3A_900 = vector.broadcast %squeeze3A_18 : f32 to vector<16xf32>
          %mul3A_901 = arith.mulf %get3A_899, %mul3A_900 : vector<16xf32>
          %add3A_902 = arith.addf %add3A_891, %mul3A_901 : vector<16xf32>
          %get3A_903 = arith.constant 3 : i32
          %get3A_904 = arith.constant 4 : i32
          %get3A_905 = arith.index_cast %get3A_903 : i32 to index
          %get3A_906 = arith.index_cast %get3A_904 : i32 to index
          %get3A_907 = arith.index_cast %scan3A_360 : i32 to index
          %get3A_908 = arith.index_cast %mul3A_859 : i32 to index
          %get3A_909 = tpu.vector_load %arg9[%get3A_905, %get3A_906, %get3A_907, %get3A_908] {strides = array<i32>} : memref<4x8x4x768xf32, #tpu.memory_space<vmem>>, vector<1x1x1x16xf32>,
          %get3A_910 = vector.shape_cast %get3A_909 : vector<1x1x1x16xf32> to vector<16xf32>
          %mul3A_911 = vector.broadcast %squeeze3A_20 : f32 to vector<16xf32>
          %mul3A_912 = arith.mulf %get3A_910, %mul3A_911 : vector<16xf32>
          %add3A_913 = arith.addf %add3A_902, %mul3A_912 : vector<16xf32>
          %get3A_914 = arith.constant 3 : i32
          %get3A_915 = arith.constant 5 : i32
          %get3A_916 = arith.index_cast %get3A_914 : i32 to index
          %get3A_917 = arith.index_cast %get3A_915 : i32 to index
          %get3A_918 = arith.index_cast %scan3A_360 : i32 to index
          %get3A_919 = arith.index_cast %mul3A_859 : i32 to index
          %get3A_920 = tpu.vector_load %arg9[%get3A_916, %get3A_917, %get3A_918, %get3A_919] {strides = array<i32>} : memref<4x8x4x768xf32, #tpu.memory_space<vmem>>, vector<1x1x1x16xf32>,
          %get3A_921 = vector.shape_cast %get3A_920 : vector<1x1x1x16xf32> to vector<16xf32>
          %mul3A_922 = vector.broadcast %squeeze3A_22 : f32 to vector<16xf32>
          %mul3A_923 = arith.mulf %get3A_921, %mul3A_922 : vector<16xf32>
          %add3A_924 = arith.addf %add3A_913, %mul3A_923 : vector<16xf32>
          %get3A_925 = arith.constant 3 : i32
          %get3A_926 = arith.constant 6 : i32
          %get3A_927 = arith.index_cast %get3A_925 : i32 to index
          %get3A_928 = arith.index_cast %get3A_926 : i32 to index
          %get3A_929 = arith.index_cast %scan3A_360 : i32 to index
          %get3A_930 = arith.index_cast %mul3A_859 : i32 to index
          %get3A_931 = tpu.vector_load %arg9[%get3A_927, %get3A_928, %get3A_929, %get3A_930] {strides = array<i32>} : memref<4x8x4x768xf32, #tpu.memory_space<vmem>>, vector<1x1x1x16xf32>,
          %get3A_932 = vector.shape_cast %get3A_931 : vector<1x1x1x16xf32> to vector<16xf32>
          %mul3A_933 = vector.broadcast %squeeze3A_24 : f32 to vector<16xf32>
          %mul3A_934 = arith.mulf %get3A_932, %mul3A_933 : vector<16xf32>
          %add3A_935 = arith.addf %add3A_924, %mul3A_934 : vector<16xf32>
          %get3A_936 = arith.constant 3 : i32
          %get3A_937 = arith.constant 7 : i32
          %get3A_938 = arith.index_cast %get3A_936 : i32 to index
          %get3A_939 = arith.index_cast %get3A_937 : i32 to index
          %get3A_940 = arith.index_cast %scan3A_360 : i32 to index
          %get3A_941 = arith.index_cast %mul3A_859 : i32 to index
          %get3A_942 = tpu.vector_load %arg9[%get3A_938, %get3A_939, %get3A_940, %get3A_941] {strides = array<i32>} : memref<4x8x4x768xf32, #tpu.memory_space<vmem>>, vector<1x1x1x16xf32>,
          %get3A_943 = vector.shape_cast %get3A_942 : vector<1x1x1x16xf32> to vector<16xf32>
          %mul3A_944 = vector.broadcast %squeeze3A_26 : f32 to vector<16xf32>
          %mul3A_945 = arith.mulf %get3A_943, %mul3A_944 : vector<16xf32>
          %add3A_946 = arith.addf %add3A_935, %mul3A_945 : vector<16xf32>
          %swap3A_947 = arith.constant 3 : i32
          %swap3A_948 = arith.index_cast %swap3A_947 : i32 to index
          %swap3A_949 = arith.index_cast %scan3A_360 : i32 to index
          %swap3A_950 = arith.index_cast %mul3A_859 : i32 to index
          %swap3A_951 = tpu.vector_load %arg10[%swap3A_948, %swap3A_949, %swap3A_950] {strides = array<i32>} : memref<4x4x768xf32, #tpu.memory_space<vmem>>, vector<1x1x16xf32>,
          %swap3A_952 = vector.shape_cast %swap3A_951 : vector<1x1x16xf32> to vector<16xf32>
          %swap3A_953 = vector.shape_cast %add3A_946 : vector<16xf32> to vector<1x1x16xf32>
          tpu.vector_store %arg10[%swap3A_948, %swap3A_949, %swap3A_950], %swap3A_953 {strides = array<i32>} : memref<4x4x768xf32, #tpu.memory_space<vmem>>, vector<1x1x16xf32>,
          %scan3A_954 = arith.constant 6 : i32
          %scan3A_955 = arith.addi %scan3A_367, %scan3A_954 : i32
          %mul3A_956 = arith.constant 16 : i32
          %mul3A_957 = arith.muli %scan3A_955, %mul3A_956 : i32
          %get3A_958 = arith.constant 3 : i32
          %get3A_959 = arith.constant 0 : i32
          %get3A_960 = arith.index_cast %get3A_958 : i32 to index
          %get3A_961 = arith.index_cast %get3A_959 : i32 to index
          %get3A_962 = arith.index_cast %scan3A_360 : i32 to index
          %get3A_963 = arith.index_cast %mul3A_957 : i32 to index
          %get3A_964 = tpu.vector_load %arg9[%get3A_960, %get3A_961, %get3A_962, %get3A_963] {strides = array<i32>} : memref<4x8x4x768xf32, #tpu.memory_space<vmem>>, vector<1x1x1x16xf32>,
          %get3A_965 = vector.shape_cast %get3A_964 : vector<1x1x1x16xf32> to vector<16xf32>
          %mul3A_966 = vector.broadcast %squeeze3A : f32 to vector<16xf32>
          %mul3A_967 = arith.mulf %get3A_965, %mul3A_966 : vector<16xf32>
          %get3A_968 = arith.constant 3 : i32
          %get3A_969 = arith.constant 1 : i32
          %get3A_970 = arith.index_cast %get3A_968 : i32 to index
          %get3A_971 = arith.index_cast %get3A_969 : i32 to index
          %get3A_972 = arith.index_cast %scan3A_360 : i32 to index
          %get3A_973 = arith.index_cast %mul3A_957 : i32 to index
          %get3A_974 = tpu.vector_load %arg9[%get3A_970, %get3A_971, %get3A_972, %get3A_973] {strides = array<i32>} : memref<4x8x4x768xf32, #tpu.memory_space<vmem>>, vector<1x1x1x16xf32>,
          %get3A_975 = vector.shape_cast %get3A_974 : vector<1x1x1x16xf32> to vector<16xf32>
          %mul3A_976 = vector.broadcast %squeeze3A_14 : f32 to vector<16xf32>
          %mul3A_977 = arith.mulf %get3A_975, %mul3A_976 : vector<16xf32>
          %add3A_978 = arith.addf %mul3A_967, %mul3A_977 : vector<16xf32>
          %get3A_979 = arith.constant 3 : i32
          %get3A_980 = arith.constant 2 : i32
          %get3A_981 = arith.index_cast %get3A_979 : i32 to index
          %get3A_982 = arith.index_cast %get3A_980 : i32 to index
          %get3A_983 = arith.index_cast %scan3A_360 : i32 to index
          %get3A_984 = arith.index_cast %mul3A_957 : i32 to index
          %get3A_985 = tpu.vector_load %arg9[%get3A_981, %get3A_982, %get3A_983, %get3A_984] {strides = array<i32>} : memref<4x8x4x768xf32, #tpu.memory_space<vmem>>, vector<1x1x1x16xf32>,
          %get3A_986 = vector.shape_cast %get3A_985 : vector<1x1x1x16xf32> to vector<16xf32>
          %mul3A_987 = vector.broadcast %squeeze3A_16 : f32 to vector<16xf32>
          %mul3A_988 = arith.mulf %get3A_986, %mul3A_987 : vector<16xf32>
          %add3A_989 = arith.addf %add3A_978, %mul3A_988 : vector<16xf32>
          %get3A_990 = arith.constant 3 : i32
          %get3A_991 = arith.constant 3 : i32
          %get3A_992 = arith.index_cast %get3A_990 : i32 to index
          %get3A_993 = arith.index_cast %get3A_991 : i32 to index
          %get3A_994 = arith.index_cast %scan3A_360 : i32 to index
          %get3A_995 = arith.index_cast %mul3A_957 : i32 to index
          %get3A_996 = tpu.vector_load %arg9[%get3A_992, %get3A_993, %get3A_994, %get3A_995] {strides = array<i32>} : memref<4x8x4x768xf32, #tpu.memory_space<vmem>>, vector<1x1x1x16xf32>,
          %get3A_997 = vector.shape_cast %get3A_996 : vector<1x1x1x16xf32> to vector<16xf32>
          %mul3A_998 = vector.broadcast %squeeze3A_18 : f32 to vector<16xf32>
          %mul3A_999 = arith.mulf %get3A_997, %mul3A_998 : vector<16xf32>
          %add3A_1000 = arith.addf %add3A_989, %mul3A_999 : vector<16xf32>
          %get3A_1001 = arith.constant 3 : i32
          %get3A_1002 = arith.constant 4 : i32
          %get3A_1003 = arith.index_cast %get3A_1001 : i32 to index
          %get3A_1004 = arith.index_cast %get3A_1002 : i32 to index
          %get3A_1005 = arith.index_cast %scan3A_360 : i32 to index
          %get3A_1006 = arith.index_cast %mul3A_957 : i32 to index
          %get3A_1007 = tpu.vector_load %arg9[%get3A_1003, %get3A_1004, %get3A_1005, %get3A_1006] {strides = array<i32>} : memref<4x8x4x768xf32, #tpu.memory_space<vmem>>, vector<1x1x1x16xf32>,
          %get3A_1008 = vector.shape_cast %get3A_1007 : vector<1x1x1x16xf32> to vector<16xf32>
          %mul3A_1009 = vector.broadcast %squeeze3A_20 : f32 to vector<16xf32>
          %mul3A_1010 = arith.mulf %get3A_1008, %mul3A_1009 : vector<16xf32>
          %add3A_1011 = arith.addf %add3A_1000, %mul3A_1010 : vector<16xf32>
          %get3A_1012 = arith.constant 3 : i32
          %get3A_1013 = arith.constant 5 : i32
          %get3A_1014 = arith.index_cast %get3A_1012 : i32 to index
          %get3A_1015 = arith.index_cast %get3A_1013 : i32 to index
          %get3A_1016 = arith.index_cast %scan3A_360 : i32 to index
          %get3A_1017 = arith.index_cast %mul3A_957 : i32 to index
          %get3A_1018 = tpu.vector_load %arg9[%get3A_1014, %get3A_1015, %get3A_1016, %get3A_1017] {strides = array<i32>} : memref<4x8x4x768xf32, #tpu.memory_space<vmem>>, vector<1x1x1x16xf32>,
          %get3A_1019 = vector.shape_cast %get3A_1018 : vector<1x1x1x16xf32> to vector<16xf32>
          %mul3A_1020 = vector.broadcast %squeeze3A_22 : f32 to vector<16xf32>
          %mul3A_1021 = arith.mulf %get3A_1019, %mul3A_1020 : vector<16xf32>
          %add3A_1022 = arith.addf %add3A_1011, %mul3A_1021 : vector<16xf32>
          %get3A_1023 = arith.constant 3 : i32
          %get3A_1024 = arith.constant 6 : i32
          %get3A_1025 = arith.index_cast %get3A_1023 : i32 to index
          %get3A_1026 = arith.index_cast %get3A_1024 : i32 to index
          %get3A_1027 = arith.index_cast %scan3A_360 : i32 to index
          %get3A_1028 = arith.index_cast %mul3A_957 : i32 to index
          %get3A_1029 = tpu.vector_load %arg9[%get3A_1025, %get3A_1026, %get3A_1027, %get3A_1028] {strides = array<i32>} : memref<4x8x4x768xf32, #tpu.memory_space<vmem>>, vector<1x1x1x16xf32>,
          %get3A_1030 = vector.shape_cast %get3A_1029 : vector<1x1x1x16xf32> to vector<16xf32>
          %mul3A_1031 = vector.broadcast %squeeze3A_24 : f32 to vector<16xf32>
          %mul3A_1032 = arith.mulf %get3A_1030, %mul3A_1031 : vector<16xf32>
          %add3A_1033 = arith.addf %add3A_1022, %mul3A_1032 : vector<16xf32>
          %get3A_1034 = arith.constant 3 : i32
          %get3A_1035 = arith.constant 7 : i32
          %get3A_1036 = arith.index_cast %get3A_1034 : i32 to index
          %get3A_1037 = arith.index_cast %get3A_1035 : i32 to index
          %get3A_1038 = arith.index_cast %scan3A_360 : i32 to index
          %get3A_1039 = arith.index_cast %mul3A_957 : i32 to index
          %get3A_1040 = tpu.vector_load %arg9[%get3A_1036, %get3A_1037, %get3A_1038, %get3A_1039] {strides = array<i32>} : memref<4x8x4x768xf32, #tpu.memory_space<vmem>>, vector<1x1x1x16xf32>,
          %get3A_1041 = vector.shape_cast %get3A_1040 : vector<1x1x1x16xf32> to vector<16xf32>
          %mul3A_1042 = vector.broadcast %squeeze3A_26 : f32 to vector<16xf32>
          %mul3A_1043 = arith.mulf %get3A_1041, %mul3A_1042 : vector<16xf32>
          %add3A_1044 = arith.addf %add3A_1033, %mul3A_1043 : vector<16xf32>
          %swap3A_1045 = arith.constant 3 : i32
          %swap3A_1046 = arith.index_cast %swap3A_1045 : i32 to index
          %swap3A_1047 = arith.index_cast %scan3A_360 : i32 to index
          %swap3A_1048 = arith.index_cast %mul3A_957 : i32 to index
          %swap3A_1049 = tpu.vector_load %arg10[%swap3A_1046, %swap3A_1047, %swap3A_1048] {strides = array<i32>} : memref<4x4x768xf32, #tpu.memory_space<vmem>>, vector<1x1x16xf32>,
          %swap3A_1050 = vector.shape_cast %swap3A_1049 : vector<1x1x16xf32> to vector<16xf32>
          %swap3A_1051 = vector.shape_cast %add3A_1044 : vector<16xf32> to vector<1x1x16xf32>
          tpu.vector_store %arg10[%swap3A_1046, %swap3A_1047, %swap3A_1048], %swap3A_1051 {strides = array<i32>} : memref<4x4x768xf32, #tpu.memory_space<vmem>>, vector<1x1x16xf32>,
          %scan3A_1052 = arith.constant 7 : i32
          %scan3A_1053 = arith.addi %scan3A_367, %scan3A_1052 : i32
          %mul3A_1054 = arith.constant 16 : i32
          %mul3A_1055 = arith.muli %scan3A_1053, %mul3A_1054 : i32
          %get3A_1056 = arith.constant 3 : i32
          %get3A_1057 = arith.constant 0 : i32
          %get3A_1058 = arith.index_cast %get3A_1056 : i32 to index
          %get3A_1059 = arith.index_cast %get3A_1057 : i32 to index
          %get3A_1060 = arith.index_cast %scan3A_360 : i32 to index
          %get3A_1061 = arith.index_cast %mul3A_1055 : i32 to index
          %get3A_1062 = tpu.vector_load %arg9[%get3A_1058, %get3A_1059, %get3A_1060, %get3A_1061] {strides = array<i32>} : memref<4x8x4x768xf32, #tpu.memory_space<vmem>>, vector<1x1x1x16xf32>,
          %get3A_1063 = vector.shape_cast %get3A_1062 : vector<1x1x1x16xf32> to vector<16xf32>
          %mul3A_1064 = vector.broadcast %squeeze3A : f32 to vector<16xf32>
          %mul3A_1065 = arith.mulf %get3A_1063, %mul3A_1064 : vector<16xf32>
          %get3A_1066 = arith.constant 3 : i32
          %get3A_1067 = arith.constant 1 : i32
          %get3A_1068 = arith.index_cast %get3A_1066 : i32 to index
          %get3A_1069 = arith.index_cast %get3A_1067 : i32 to index
          %get3A_1070 = arith.index_cast %scan3A_360 : i32 to index
          %get3A_1071 = arith.index_cast %mul3A_1055 : i32 to index
          %get3A_1072 = tpu.vector_load %arg9[%get3A_1068, %get3A_1069, %get3A_1070, %get3A_1071] {strides = array<i32>} : memref<4x8x4x768xf32, #tpu.memory_space<vmem>>, vector<1x1x1x16xf32>,
          %get3A_1073 = vector.shape_cast %get3A_1072 : vector<1x1x1x16xf32> to vector<16xf32>
          %mul3A_1074 = vector.broadcast %squeeze3A_14 : f32 to vector<16xf32>
          %mul3A_1075 = arith.mulf %get3A_1073, %mul3A_1074 : vector<16xf32>
          %add3A_1076 = arith.addf %mul3A_1065, %mul3A_1075 : vector<16xf32>
          %get3A_1077 = arith.constant 3 : i32
          %get3A_1078 = arith.constant 2 : i32
          %get3A_1079 = arith.index_cast %get3A_1077 : i32 to index
          %get3A_1080 = arith.index_cast %get3A_1078 : i32 to index
          %get3A_1081 = arith.index_cast %scan3A_360 : i32 to index
          %get3A_1082 = arith.index_cast %mul3A_1055 : i32 to index
          %get3A_1083 = tpu.vector_load %arg9[%get3A_1079, %get3A_1080, %get3A_1081, %get3A_1082] {strides = array<i32>} : memref<4x8x4x768xf32, #tpu.memory_space<vmem>>, vector<1x1x1x16xf32>,
          %get3A_1084 = vector.shape_cast %get3A_1083 : vector<1x1x1x16xf32> to vector<16xf32>
          %mul3A_1085 = vector.broadcast %squeeze3A_16 : f32 to vector<16xf32>
          %mul3A_1086 = arith.mulf %get3A_1084, %mul3A_1085 : vector<16xf32>
          %add3A_1087 = arith.addf %add3A_1076, %mul3A_1086 : vector<16xf32>
          %get3A_1088 = arith.constant 3 : i32
          %get3A_1089 = arith.constant 3 : i32
          %get3A_1090 = arith.index_cast %get3A_1088 : i32 to index
          %get3A_1091 = arith.index_cast %get3A_1089 : i32 to index
          %get3A_1092 = arith.index_cast %scan3A_360 : i32 to index
          %get3A_1093 = arith.index_cast %mul3A_1055 : i32 to index
          %get3A_1094 = tpu.vector_load %arg9[%get3A_1090, %get3A_1091, %get3A_1092, %get3A_1093] {strides = array<i32>} : memref<4x8x4x768xf32, #tpu.memory_space<vmem>>, vector<1x1x1x16xf32>,
          %get3A_1095 = vector.shape_cast %get3A_1094 : vector<1x1x1x16xf32> to vector<16xf32>
          %mul3A_1096 = vector.broadcast %squeeze3A_18 : f32 to vector<16xf32>
          %mul3A_1097 = arith.mulf %get3A_1095, %mul3A_1096 : vector<16xf32>
          %add3A_1098 = arith.addf %add3A_1087, %mul3A_1097 : vector<16xf32>
          %get3A_1099 = arith.constant 3 : i32
          %get3A_1100 = arith.constant 4 : i32
          %get3A_1101 = arith.index_cast %get3A_1099 : i32 to index
          %get3A_1102 = arith.index_cast %get3A_1100 : i32 to index
          %get3A_1103 = arith.index_cast %scan3A_360 : i32 to index
          %get3A_1104 = arith.index_cast %mul3A_1055 : i32 to index
          %get3A_1105 = tpu.vector_load %arg9[%get3A_1101, %get3A_1102, %get3A_1103, %get3A_1104] {strides = array<i32>} : memref<4x8x4x768xf32, #tpu.memory_space<vmem>>, vector<1x1x1x16xf32>,
          %get3A_1106 = vector.shape_cast %get3A_1105 : vector<1x1x1x16xf32> to vector<16xf32>
          %mul3A_1107 = vector.broadcast %squeeze3A_20 : f32 to vector<16xf32>
          %mul3A_1108 = arith.mulf %get3A_1106, %mul3A_1107 : vector<16xf32>
          %add3A_1109 = arith.addf %add3A_1098, %mul3A_1108 : vector<16xf32>
          %get3A_1110 = arith.constant 3 : i32
          %get3A_1111 = arith.constant 5 : i32
          %get3A_1112 = arith.index_cast %get3A_1110 : i32 to index
          %get3A_1113 = arith.index_cast %get3A_1111 : i32 to index
          %get3A_1114 = arith.index_cast %scan3A_360 : i32 to index
          %get3A_1115 = arith.index_cast %mul3A_1055 : i32 to index
          %get3A_1116 = tpu.vector_load %arg9[%get3A_1112, %get3A_1113, %get3A_1114, %get3A_1115] {strides = array<i32>} : memref<4x8x4x768xf32, #tpu.memory_space<vmem>>, vector<1x1x1x16xf32>,
          %get3A_1117 = vector.shape_cast %get3A_1116 : vector<1x1x1x16xf32> to vector<16xf32>
          %mul3A_1118 = vector.broadcast %squeeze3A_22 : f32 to vector<16xf32>
          %mul3A_1119 = arith.mulf %get3A_1117, %mul3A_1118 : vector<16xf32>
          %add3A_1120 = arith.addf %add3A_1109, %mul3A_1119 : vector<16xf32>
          %get3A_1121 = arith.constant 3 : i32
          %get3A_1122 = arith.constant 6 : i32
          %get3A_1123 = arith.index_cast %get3A_1121 : i32 to index
          %get3A_1124 = arith.index_cast %get3A_1122 : i32 to index
          %get3A_1125 = arith.index_cast %scan3A_360 : i32 to index
          %get3A_1126 = arith.index_cast %mul3A_1055 : i32 to index
          %get3A_1127 = tpu.vector_load %arg9[%get3A_1123, %get3A_1124, %get3A_1125, %get3A_1126] {strides = array<i32>} : memref<4x8x4x768xf32, #tpu.memory_space<vmem>>, vector<1x1x1x16xf32>,
          %get3A_1128 = vector.shape_cast %get3A_1127 : vector<1x1x1x16xf32> to vector<16xf32>
          %mul3A_1129 = vector.broadcast %squeeze3A_24 : f32 to vector<16xf32>
          %mul3A_1130 = arith.mulf %get3A_1128, %mul3A_1129 : vector<16xf32>
          %add3A_1131 = arith.addf %add3A_1120, %mul3A_1130 : vector<16xf32>
          %get3A_1132 = arith.constant 3 : i32
          %get3A_1133 = arith.constant 7 : i32
          %get3A_1134 = arith.index_cast %get3A_1132 : i32 to index
          %get3A_1135 = arith.index_cast %get3A_1133 : i32 to index
          %get3A_1136 = arith.index_cast %scan3A_360 : i32 to index
          %get3A_1137 = arith.index_cast %mul3A_1055 : i32 to index
          %get3A_1138 = tpu.vector_load %arg9[%get3A_1134, %get3A_1135, %get3A_1136, %get3A_1137] {strides = array<i32>} : memref<4x8x4x768xf32, #tpu.memory_space<vmem>>, vector<1x1x1x16xf32>,
          %get3A_1139 = vector.shape_cast %get3A_1138 : vector<1x1x1x16xf32> to vector<16xf32>
          %mul3A_1140 = vector.broadcast %squeeze3A_26 : f32 to vector<16xf32>
          %mul3A_1141 = arith.mulf %get3A_1139, %mul3A_1140 : vector<16xf32>
          %add3A_1142 = arith.addf %add3A_1131, %mul3A_1141 : vector<16xf32>
          %swap3A_1143 = arith.constant 3 : i32
          %swap3A_1144 = arith.index_cast %swap3A_1143 : i32 to index
          %swap3A_1145 = arith.index_cast %scan3A_360 : i32 to index
          %swap3A_1146 = arith.index_cast %mul3A_1055 : i32 to index
          %swap3A_1147 = tpu.vector_load %arg10[%swap3A_1144, %swap3A_1145, %swap3A_1146] {strides = array<i32>} : memref<4x4x768xf32, #tpu.memory_space<vmem>>, vector<1x1x16xf32>,
          %swap3A_1148 = vector.shape_cast %swap3A_1147 : vector<1x1x16xf32> to vector<16xf32>
          %swap3A_1149 = vector.shape_cast %add3A_1142 : vector<16xf32> to vector<1x1x16xf32>
          tpu.vector_store %arg10[%swap3A_1144, %swap3A_1145, %swap3A_1146], %swap3A_1149 {strides = array<i32>} : memref<4x4x768xf32, #tpu.memory_space<vmem>>, vector<1x1x16xf32>,
        }
        %scan3A_366 = arith.constant 48 : i32
      }
      %scan3A_337 = arith.constant 4 : i32
      %mul3A_338 = arith.constant 4 : i32
      %mul3A_339 = arith.muli %add3A_311, %mul3A_338 : i32
      %dma_start3A_340 = arith.constant 3 : i32
      %dma_start3A_341 = arith.constant 0 : i32
      %dma_start3A_342 = arith.constant 0 : i32
      %dma_start3A_343 = tpu.memref_slice %arg10[%dma_start3A_340, %dma_start3A_341, %dma_start3A_342] : memref<4x4x768xf32, #tpu.memory_space<vmem>> -> memref<1x4x768xf32, #tpu.memory_space<vmem>>
      %dma_start3A_344 = tpu.memref_squeeze %dma_start3A_343 : memref<1x4x768xf32, #tpu.memory_space<vmem>> -> memref<4x768xf32, #tpu.memory_space<vmem>>
      %dma_start3A_345 = arith.constant 0 : i32
      %dma_start3A_346 = tpu.memref_slice %arg5[%add3A, %mul3A_339, %dma_start3A_345] : memref<32x256x768xf32, #tpu.memory_space<hbm>> -> memref<1x4x768xf32, #tpu.memory_space<hbm>>
      %dma_start3A_347 = tpu.memref_squeeze %dma_start3A_346 : memref<1x4x768xf32, #tpu.memory_space<hbm>> -> memref<4x768xf32, #tpu.memory_space<hbm>>
      %dma_start3A_348 = arith.constant 0 : i32
      %dma_start3A_349 = tpu.memref_slice %arg5[%add3A, %mul3A_339, %dma_start3A_348] : memref<32x256x768xf32, #tpu.memory_space<hbm>> -> memref<1x4x768xf32, #tpu.memory_space<hbm>>
      %dma_start3A_350 = tpu.memref_squeeze %dma_start3A_349 : memref<1x4x768xf32, #tpu.memory_space<hbm>> -> memref<4x768xf32, #tpu.memory_space<hbm>>
      %dma_start3A_351 = arith.constant 0 : i32
      %dma_start3A_352 = arith.constant 0 : i32
      %dma_start3A_353 = tpu.memref_slice %arg10[%dma_start3A_340, %dma_start3A_351, %dma_start3A_352] : memref<4x4x768xf32, #tpu.memory_space<vmem>> -> memref<1x4x768xf32, #tpu.memory_space<vmem>>
      %dma_start3A_354 = tpu.memref_squeeze %dma_start3A_353 : memref<1x4x768xf32, #tpu.memory_space<vmem>> -> memref<4x768xf32, #tpu.memory_space<vmem>>
      tpu.enqueue_dma source(%dma_start3A_354 : memref<4x768xf32, #tpu.memory_space<vmem>>) target(%dma_start3A_350 : memref<4x768xf32, #tpu.memory_space<hbm>>) target_semaphore(%arg18 : memref<!tpu.dma_semaphore, #tpu.memory_space<semaphore_mem>>)
      %lt3A_355 = arith.constant 15 : i32
      %lt3A_356 = arith.cmpi slt, %scan3A_154, %lt3A_355 : i32
      %convert_element_type3A_357 = arith.extui %lt3A_356 : i1 to i32
      %cond3A_358 = arith.constant 0 : i32
      %cond3A_359 = arith.cmpi ne, %convert_element_type3A_357, %cond3A_358 : i32
      scf.if %cond3A_359 {
        %add3A_360 = arith.constant 4 : i32
        %add3A_361 = arith.addi %add3A_311, %add3A_360 : i32
        %mul3A_362 = arith.constant 4 : i32
        %mul3A_363 = arith.muli %add3A_361, %mul3A_362 : i32
        %dma_start3A_364 = arith.constant 0 : i32
        %dma_start3A_365 = arith.constant 3 : i32
        %dma_start3A_366 = arith.constant 0 : i32
        %dma_start3A_367 = arith.constant 0 : i32
        %dma_start3A_368 = arith.constant 0 : i32
        %dma_start3A_369 = tpu.memref_slice %arg9[%dma_start3A_365, %dma_start3A_366, %dma_start3A_367, %dma_start3A_368] : memref<4x8x4x768xf32, #tpu.memory_space<vmem>> -> memref<1x8x4x768xf32, #tpu.memory_space<vmem>>
        %dma_start3A_370 = tpu.memref_squeeze %dma_start3A_369 : memref<1x8x4x768xf32, #tpu.memory_space<vmem>> -> memref<8x4x768xf32, #tpu.memory_space<vmem>>
        %dma_start3A_371 = arith.constant 0 : i32
        %dma_start3A_372 = tpu.memref_slice %arg8[%dma_start3A_364, %dma_start3A_371] : memref<1x16xi32, #tpu.memory_space<vmem>> -> memref<1x8xi32, #tpu.memory_space<vmem>>
        %dma_start3A_373 = tpu.memref_squeeze %dma_start3A_372 : memref<1x8xi32, #tpu.memory_space<vmem>> -> memref<8xi32, #tpu.memory_space<vmem>>
        %dma_start3A_374 = arith.constant 0 : i32
        %dma_start3A_375 = arith.constant 0 : i32
        %dma_start3A_376 = tpu.memref_slice %arg4[%dma_start3A_374, %mul3A_363, %dma_start3A_375] : memref<200x256x768xf32, #tpu.memory_space<hbm>> -> memref<200x4x768xf32, #tpu.memory_space<hbm>>
        tpu.enqueue_indirect_dma source(%dma_start3A_376 : memref<200x4x768xf32, #tpu.memory_space<hbm>>) target(%dma_start3A_370 : memref<8x4x768xf32, #tpu.memory_space<vmem>>) offsets(%dma_start3A_373 : memref<8xi32, #tpu.memory_space<vmem>>) semaphore(%arg14 : memref<!tpu.dma_semaphore, #tpu.memory_space<semaphore_mem>>)
      } else {
      }
    }
    %scan3A_86 = arith.constant 16 : i32
    %dma_wait3A = arith.constant 0 : i32
    %dma_wait3A_87 = arith.constant 0 : i32
    %dma_wait3A_88 = arith.constant 0 : i32
    %dma_wait3A_89 = tpu.memref_slice %arg10[%dma_wait3A, %dma_wait3A_87, %dma_wait3A_88] : memref<4x4x768xf32, #tpu.memory_space<vmem>> -> memref<1x4x768xf32, #tpu.memory_space<vmem>>
    %dma_wait3A_90 = tpu.memref_squeeze %dma_wait3A_89 : memref<1x4x768xf32, #tpu.memory_space<vmem>> -> memref<4x768xf32, #tpu.memory_space<vmem>>
    %dma_wait3A_91 = arith.constant 240 : i32
    %dma_wait3A_92 = arith.constant 0 : i32
    %dma_wait3A_93 = tpu.memref_slice %arg5[%add3A, %dma_wait3A_91, %dma_wait3A_92] : memref<32x256x768xf32, #tpu.memory_space<hbm>> -> memref<1x4x768xf32, #tpu.memory_space<hbm>>
    %dma_wait3A_94 = tpu.memref_squeeze %dma_wait3A_93 : memref<1x4x768xf32, #tpu.memory_space<hbm>> -> memref<4x768xf32, #tpu.memory_space<hbm>>
    %dma_wait3A_95 = arith.constant 240 : i32
    %dma_wait3A_96 = arith.constant 0 : i32
    %dma_wait3A_97 = tpu.memref_slice %arg5[%add3A, %dma_wait3A_95, %dma_wait3A_96] : memref<32x256x768xf32, #tpu.memory_space<hbm>> -> memref<1x4x768xf32, #tpu.memory_space<hbm>>
    %dma_wait3A_98 = tpu.memref_squeeze %dma_wait3A_97 : memref<1x4x768xf32, #tpu.memory_space<hbm>> -> memref<4x768xf32, #tpu.memory_space<hbm>>
    %dma_wait3A_99 = arith.constant 0 : i32
    %dma_wait3A_100 = arith.constant 0 : i32
    %dma_wait3A_101 = tpu.memref_slice %arg10[%dma_wait3A, %dma_wait3A_99, %dma_wait3A_100] : memref<4x4x768xf32, #tpu.memory_space<vmem>> -> memref<1x4x768xf32, #tpu.memory_space<vmem>>
    %dma_wait3A_102 = tpu.memref_squeeze %dma_wait3A_101 : memref<1x4x768xf32, #tpu.memory_space<vmem>> -> memref<4x768xf32, #tpu.memory_space<vmem>>
    tpu.wait_dma2 semaphore(%arg15 : memref<!tpu.dma_semaphore, #tpu.memory_space<semaphore_mem>>) src(%dma_wait3A_102 : memref<4x768xf32, #tpu.memory_space<vmem>>) dst(%dma_wait3A_98 : memref<4x768xf32, #tpu.memory_space<hbm>>)
    %dma_wait3A_103 = arith.constant 1 : i32
    %dma_wait3A_104 = arith.constant 0 : i32
    %dma_wait3A_105 = arith.constant 0 : i32
    %dma_wait3A_106 = tpu.memref_slice %arg10[%dma_wait3A_103, %dma_wait3A_104, %dma_wait3A_105] : memref<4x4x768xf32, #tpu.memory_space<vmem>> -> memref<1x4x768xf32, #tpu.memory_space<vmem>>
    %dma_wait3A_107 = tpu.memref_squeeze %dma_wait3A_106 : memref<1x4x768xf32, #tpu.memory_space<vmem>> -> memref<4x768xf32, #tpu.memory_space<vmem>>
    %dma_wait3A_108 = arith.constant 244 : i32
    %dma_wait3A_109 = arith.constant 0 : i32
    %dma_wait3A_110 = tpu.memref_slice %arg5[%add3A, %dma_wait3A_108, %dma_wait3A_109] : memref<32x256x768xf32, #tpu.memory_space<hbm>> -> memref<1x4x768xf32, #tpu.memory_space<hbm>>
    %dma_wait3A_111 = tpu.memref_squeeze %dma_wait3A_110 : memref<1x4x768xf32, #tpu.memory_space<hbm>> -> memref<4x768xf32, #tpu.memory_space<hbm>>
    %dma_wait3A_112 = arith.constant 244 : i32
    %dma_wait3A_113 = arith.constant 0 : i32
    %dma_wait3A_114 = tpu.memref_slice %arg5[%add3A, %dma_wait3A_112, %dma_wait3A_113] : memref<32x256x768xf32, #tpu.memory_space<hbm>> -> memref<1x4x768xf32, #tpu.memory_space<hbm>>
    %dma_wait3A_115 = tpu.memref_squeeze %dma_wait3A_114 : memref<1x4x768xf32, #tpu.memory_space<hbm>> -> memref<4x768xf32, #tpu.memory_space<hbm>>
    %dma_wait3A_116 = arith.constant 0 : i32
    %dma_wait3A_117 = arith.constant 0 : i32
    %dma_wait3A_118 = tpu.memref_slice %arg10[%dma_wait3A_103, %dma_wait3A_116, %dma_wait3A_117] : memref<4x4x768xf32, #tpu.memory_space<vmem>> -> memref<1x4x768xf32, #tpu.memory_space<vmem>>
    %dma_wait3A_119 = tpu.memref_squeeze %dma_wait3A_118 : memref<1x4x768xf32, #tpu.memory_space<vmem>> -> memref<4x768xf32, #tpu.memory_space<vmem>>
    tpu.wait_dma2 semaphore(%arg16 : memref<!tpu.dma_semaphore, #tpu.memory_space<semaphore_mem>>) src(%dma_wait3A_119 : memref<4x768xf32, #tpu.memory_space<vmem>>) dst(%dma_wait3A_115 : memref<4x768xf32, #tpu.memory_space<hbm>>)
    %dma_wait3A_120 = arith.constant 2 : i32
    %dma_wait3A_121 = arith.constant 0 : i32
    %dma_wait3A_122 = arith.constant 0 : i32
    %dma_wait3A_123 = tpu.memref_slice %arg10[%dma_wait3A_120, %dma_wait3A_121, %dma_wait3A_122] : memref<4x4x768xf32, #tpu.memory_space<vmem>> -> memref<1x4x768xf32, #tpu.memory_space<vmem>>
    %dma_wait3A_124 = tpu.memref_squeeze %dma_wait3A_123 : memref<1x4x768xf32, #tpu.memory_space<vmem>> -> memref<4x768xf32, #tpu.memory_space<vmem>>
    %dma_wait3A_125 = arith.constant 248 : i32
    %dma_wait3A_126 = arith.constant 0 : i32
    %dma_wait3A_127 = tpu.memref_slice %arg5[%add3A, %dma_wait3A_125, %dma_wait3A_126] : memref<32x256x768xf32, #tpu.memory_space<hbm>> -> memref<1x4x768xf32, #tpu.memory_space<hbm>>
    %dma_wait3A_128 = tpu.memref_squeeze %dma_wait3A_127 : memref<1x4x768xf32, #tpu.memory_space<hbm>> -> memref<4x768xf32, #tpu.memory_space<hbm>>
    %dma_wait3A_129 = arith.constant 248 : i32
    %dma_wait3A_130 = arith.constant 0 : i32
    %dma_wait3A_131 = tpu.memref_slice %arg5[%add3A, %dma_wait3A_129, %dma_wait3A_130] : memref<32x256x768xf32, #tpu.memory_space<hbm>> -> memref<1x4x768xf32, #tpu.memory_space<hbm>>
    %dma_wait3A_132 = tpu.memref_squeeze %dma_wait3A_131 : memref<1x4x768xf32, #tpu.memory_space<hbm>> -> memref<4x768xf32, #tpu.memory_space<hbm>>
    %dma_wait3A_133 = arith.constant 0 : i32
    %dma_wait3A_134 = arith.constant 0 : i32
    %dma_wait3A_135 = tpu.memref_slice %arg10[%dma_wait3A_120, %dma_wait3A_133, %dma_wait3A_134] : memref<4x4x768xf32, #tpu.memory_space<vmem>> -> memref<1x4x768xf32, #tpu.memory_space<vmem>>
    %dma_wait3A_136 = tpu.memref_squeeze %dma_wait3A_135 : memref<1x4x768xf32, #tpu.memory_space<vmem>> -> memref<4x768xf32, #tpu.memory_space<vmem>>
    tpu.wait_dma2 semaphore(%arg17 : memref<!tpu.dma_semaphore, #tpu.memory_space<semaphore_mem>>) src(%dma_wait3A_136 : memref<4x768xf32, #tpu.memory_space<vmem>>) dst(%dma_wait3A_132 : memref<4x768xf32, #tpu.memory_space<hbm>>)
    %dma_wait3A_137 = arith.constant 3 : i32
    %dma_wait3A_138 = arith.constant 0 : i32
    %dma_wait3A_139 = arith.constant 0 : i32
    %dma_wait3A_140 = tpu.memref_slice %arg10[%dma_wait3A_137, %dma_wait3A_138, %dma_wait3A_139] : memref<4x4x768xf32, #tpu.memory_space<vmem>> -> memref<1x4x768xf32, #tpu.memory_space<vmem>>
    %dma_wait3A_141 = tpu.memref_squeeze %dma_wait3A_140 : memref<1x4x768xf32, #tpu.memory_space<vmem>> -> memref<4x768xf32, #tpu.memory_space<vmem>>
    %dma_wait3A_142 = arith.constant 252 : i32
    %dma_wait3A_143 = arith.constant 0 : i32
    %dma_wait3A_144 = tpu.memref_slice %arg5[%add3A, %dma_wait3A_142, %dma_wait3A_143] : memref<32x256x768xf32, #tpu.memory_space<hbm>> -> memref<1x4x768xf32, #tpu.memory_space<hbm>>
    %dma_wait3A_145 = tpu.memref_squeeze %dma_wait3A_144 : memref<1x4x768xf32, #tpu.memory_space<hbm>> -> memref<4x768xf32, #tpu.memory_space<hbm>>
    %dma_wait3A_146 = arith.constant 252 : i32
    %dma_wait3A_147 = arith.constant 0 : i32
    %dma_wait3A_148 = tpu.memref_slice %arg5[%add3A, %dma_wait3A_146, %dma_wait3A_147] : memref<32x256x768xf32, #tpu.memory_space<hbm>> -> memref<1x4x768xf32, #tpu.memory_space<hbm>>
    %dma_wait3A_149 = tpu.memref_squeeze %dma_wait3A_148 : memref<1x4x768xf32, #tpu.memory_space<hbm>> -> memref<4x768xf32, #tpu.memory_space<hbm>>
    %dma_wait3A_150 = arith.constant 0 : i32
    %dma_wait3A_151 = arith.constant 0 : i32
    %dma_wait3A_152 = tpu.memref_slice %arg10[%dma_wait3A_137, %dma_wait3A_150, %dma_wait3A_151] : memref<4x4x768xf32, #tpu.memory_space<vmem>> -> memref<1x4x768xf32, #tpu.memory_space<vmem>>
    %dma_wait3A_153 = tpu.memref_squeeze %dma_wait3A_152 : memref<1x4x768xf32, #tpu.memory_space<vmem>> -> memref<4x768xf32, #tpu.memory_space<vmem>>
    tpu.wait_dma2 semaphore(%arg18 : memref<!tpu.dma_semaphore, #tpu.memory_space<semaphore_mem>>) src(%dma_wait3A_153 : memref<4x768xf32, #tpu.memory_space<vmem>>) dst(%dma_wait3A_149 : memref<4x768xf32, #tpu.memory_space<hbm>>)
    return
  }
}

module attributes {stable_mosaic.version = 14 : i64} {
  func.func @_tc_topk_body(%arg0: memref<32x512xf32, #tpu.memory_space<vmem>>, %arg1: memref<20x10x1024xf32, #tpu.memory_space<vmem>>, %arg2: memref<32x16xf32, #tpu.memory_space<vmem>>, %arg3: memref<32x16xi32, #tpu.memory_space<vmem>>) attributes {dimension_semantics = [], scalar_prefetch = 0 : i64, scratch_operands = 0 : i64, tpu.core_type = #tpu.core_type<tc>} {
    %get3A = arith.constant 0 : index
    %get3A_0 = arith.constant 0 : index
    %get3A_1 = vector.load %arg0[%get3A, %get3A_0] : memref<32x512xf32, #tpu.memory_space<vmem>>, vector<32x512xf32>
    %get3A_2 = arith.constant 0 : index
    %get3A_3 = arith.constant 0 : index
    %get3A_4 = arith.constant 0 : index
    %get3A_5 = vector.load %arg1[%get3A_2, %get3A_3, %get3A_4] : memref<20x10x1024xf32, #tpu.memory_space<vmem>>, vector<20x10x1024xf32>
    %reshape3A = vector.shape_cast %get3A_5 : vector<20x10x1024xf32> to vector<200x1024xf32>
    %slice3A = vector.extract_strided_slice %reshape3A {offsets = [0, 0], sizes = [200, 512], strides = [1, 1]} : vector<200x1024xf32> to vector<200x512xf32>
    %mul3A = arith.mulf %get3A_1, %get3A_1 : vector<32x512xf32>
    %reduce_sum3A = arith.constant dense<0.000000e+00> : vector<32xf32>
    %reduce_sum3A_6 = vector.multi_reduction <add>, %mul3A, %reduce_sum3A [1] : vector<32x512xf32> to vector<32xf32>
    %broadcast_in_dim3A = vector.shape_cast %reduce_sum3A_6 : vector<32xf32> to vector<32x1xf32>
    %sqrt3A = math.sqrt %broadcast_in_dim3A : vector<32x1xf32>
    %add3A = arith.constant 9.99999993E-9 : f32
    %add3A_7 = vector.broadcast %add3A : f32 to vector<32x1xf32>
    %add3A_8 = arith.addf %sqrt3A, %add3A_7 : vector<32x1xf32>
    %div3A = vector.broadcast %add3A_8 : vector<32x1xf32> to vector<32x512xf32>
    %div3A_9 = arith.divf %get3A_1, %div3A : vector<32x512xf32>
    %mul3A_10 = arith.mulf %slice3A, %slice3A : vector<200x512xf32>
    %reduce_sum3A_11 = arith.constant dense<0.000000e+00> : vector<200xf32>
    %reduce_sum3A_12 = vector.multi_reduction <add>, %mul3A_10, %reduce_sum3A_11 [1] : vector<200x512xf32> to vector<200xf32>
    %broadcast_in_dim3A_13 = vector.shape_cast %reduce_sum3A_12 : vector<200xf32> to vector<200x1xf32>
    %sqrt3A_14 = math.sqrt %broadcast_in_dim3A_13 : vector<200x1xf32>
    %add3A_15 = arith.constant 9.99999993E-9 : f32
    %add3A_16 = vector.broadcast %add3A_15 : f32 to vector<200x1xf32>
    %add3A_17 = arith.addf %sqrt3A_14, %add3A_16 : vector<200x1xf32>
    %div3A_18 = vector.broadcast %add3A_17 : vector<200x1xf32> to vector<200x512xf32>
    %div3A_19 = arith.divf %slice3A, %div3A_18 : vector<200x512xf32>
    %dot_general3A = arith.constant dense<0.000000e+00> : vector<32x200xf32>
    %dot_general3A_20 = tpu.matmul %div3A_9, %div3A_19, %dot_general3A {dimension_numbers = #tpu.dot_dimension_numbers<[1], [1], [0], [0], [0, 0, 1, 0], [], []>, transpose_lhs_hint = false} : vector<32x512xf32>, vector<200x512xf32>, vector<32x200xf32> -> vector<32x200xf32>
    %iota3A = tpu.iota {dimensions = array<i32: 1>} : vector<32x200xi32>
    %reduce_max3A = arith.constant dense<0xFF800000> : vector<32xf32>
    %reduce_max3A_21 = vector.multi_reduction <maximumf>, %dot_general3A_20, %reduce_max3A [1] : vector<32x200xf32> to vector<32xf32>
    %broadcast_in_dim3A_22 = vector.shape_cast %reduce_max3A_21 : vector<32xf32> to vector<32x1xf32>
    %eq3A = vector.broadcast %broadcast_in_dim3A_22 : vector<32x1xf32> to vector<32x200xf32>
    %eq3A_23 = arith.cmpf oeq, %dot_general3A_20, %eq3A : vector<32x200xf32>
    %jit3A = arith.constant 1073741824 : i32
    %broadcast_in_dim3A_24 = vector.broadcast %jit3A : i32 to vector<32x200xi32>
    %select_n3A = arith.select %eq3A_23, %iota3A, %broadcast_in_dim3A_24 : vector<32x200xi1>, vector<32x200xi32>
    %reduce_min3A = arith.constant dense<2147483647> : vector<32xi32>
    %reduce_min3A_25 = vector.multi_reduction <minsi>, %select_n3A, %reduce_min3A [1] : vector<32x200xi32> to vector<32xi32>
    %broadcast_in_dim3A_26 = vector.shape_cast %reduce_min3A_25 : vector<32xi32> to vector<32x1xi32>
    %eq3A_27 = vector.broadcast %broadcast_in_dim3A_26 : vector<32x1xi32> to vector<32x200xi32>
    %eq3A_28 = arith.cmpi eq, %iota3A, %eq3A_27 : vector<32x200xi32>
    %jit3A_29 = arith.constant 0xFF800000 : f32
    %broadcast_in_dim3A_30 = vector.broadcast %jit3A_29 : f32 to vector<32x200xf32>
    %select_n3A_31 = arith.select %eq3A_28, %broadcast_in_dim3A_30, %dot_general3A_20 : vector<32x200xi1>, vector<32x200xf32>
    %reduce_max3A_32 = arith.constant dense<0xFF800000> : vector<32xf32>
    %reduce_max3A_33 = vector.multi_reduction <maximumf>, %select_n3A_31, %reduce_max3A_32 [1] : vector<32x200xf32> to vector<32xf32>
    %broadcast_in_dim3A_34 = vector.shape_cast %reduce_max3A_33 : vector<32xf32> to vector<32x1xf32>
    %eq3A_35 = vector.broadcast %broadcast_in_dim3A_34 : vector<32x1xf32> to vector<32x200xf32>
    %eq3A_36 = arith.cmpf oeq, %select_n3A_31, %eq3A_35 : vector<32x200xf32>
    %jit3A_37 = arith.constant 1073741824 : i32
    %broadcast_in_dim3A_38 = vector.broadcast %jit3A_37 : i32 to vector<32x200xi32>
    %select_n3A_39 = arith.select %eq3A_36, %iota3A, %broadcast_in_dim3A_38 : vector<32x200xi1>, vector<32x200xi32>
    %reduce_min3A_40 = arith.constant dense<2147483647> : vector<32xi32>
    %reduce_min3A_41 = vector.multi_reduction <minsi>, %select_n3A_39, %reduce_min3A_40 [1] : vector<32x200xi32> to vector<32xi32>
    %broadcast_in_dim3A_42 = vector.shape_cast %reduce_min3A_41 : vector<32xi32> to vector<32x1xi32>
    %eq3A_43 = vector.broadcast %broadcast_in_dim3A_42 : vector<32x1xi32> to vector<32x200xi32>
    %eq3A_44 = arith.cmpi eq, %iota3A, %eq3A_43 : vector<32x200xi32>
    %jit3A_45 = arith.constant 0xFF800000 : f32
    %broadcast_in_dim3A_46 = vector.broadcast %jit3A_45 : f32 to vector<32x200xf32>
    %select_n3A_47 = arith.select %eq3A_44, %broadcast_in_dim3A_46, %select_n3A_31 : vector<32x200xi1>, vector<32x200xf32>
    %reduce_max3A_48 = arith.constant dense<0xFF800000> : vector<32xf32>
    %reduce_max3A_49 = vector.multi_reduction <maximumf>, %select_n3A_47, %reduce_max3A_48 [1] : vector<32x200xf32> to vector<32xf32>
    %broadcast_in_dim3A_50 = vector.shape_cast %reduce_max3A_49 : vector<32xf32> to vector<32x1xf32>
    %eq3A_51 = vector.broadcast %broadcast_in_dim3A_50 : vector<32x1xf32> to vector<32x200xf32>
    %eq3A_52 = arith.cmpf oeq, %select_n3A_47, %eq3A_51 : vector<32x200xf32>
    %jit3A_53 = arith.constant 1073741824 : i32
    %broadcast_in_dim3A_54 = vector.broadcast %jit3A_53 : i32 to vector<32x200xi32>
    %select_n3A_55 = arith.select %eq3A_52, %iota3A, %broadcast_in_dim3A_54 : vector<32x200xi1>, vector<32x200xi32>
    %reduce_min3A_56 = arith.constant dense<2147483647> : vector<32xi32>
    %reduce_min3A_57 = vector.multi_reduction <minsi>, %select_n3A_55, %reduce_min3A_56 [1] : vector<32x200xi32> to vector<32xi32>
    %broadcast_in_dim3A_58 = vector.shape_cast %reduce_min3A_57 : vector<32xi32> to vector<32x1xi32>
    %eq3A_59 = vector.broadcast %broadcast_in_dim3A_58 : vector<32x1xi32> to vector<32x200xi32>
    %eq3A_60 = arith.cmpi eq, %iota3A, %eq3A_59 : vector<32x200xi32>
    %jit3A_61 = arith.constant 0xFF800000 : f32
    %broadcast_in_dim3A_62 = vector.broadcast %jit3A_61 : f32 to vector<32x200xf32>
    %select_n3A_63 = arith.select %eq3A_60, %broadcast_in_dim3A_62, %select_n3A_47 : vector<32x200xi1>, vector<32x200xf32>
    %reduce_max3A_64 = arith.constant dense<0xFF800000> : vector<32xf32>
    %reduce_max3A_65 = vector.multi_reduction <maximumf>, %select_n3A_63, %reduce_max3A_64 [1] : vector<32x200xf32> to vector<32xf32>
    %broadcast_in_dim3A_66 = vector.shape_cast %reduce_max3A_65 : vector<32xf32> to vector<32x1xf32>
    %eq3A_67 = vector.broadcast %broadcast_in_dim3A_66 : vector<32x1xf32> to vector<32x200xf32>
    %eq3A_68 = arith.cmpf oeq, %select_n3A_63, %eq3A_67 : vector<32x200xf32>
    %jit3A_69 = arith.constant 1073741824 : i32
    %broadcast_in_dim3A_70 = vector.broadcast %jit3A_69 : i32 to vector<32x200xi32>
    %select_n3A_71 = arith.select %eq3A_68, %iota3A, %broadcast_in_dim3A_70 : vector<32x200xi1>, vector<32x200xi32>
    %reduce_min3A_72 = arith.constant dense<2147483647> : vector<32xi32>
    %reduce_min3A_73 = vector.multi_reduction <minsi>, %select_n3A_71, %reduce_min3A_72 [1] : vector<32x200xi32> to vector<32xi32>
    %broadcast_in_dim3A_74 = vector.shape_cast %reduce_min3A_73 : vector<32xi32> to vector<32x1xi32>
    %eq3A_75 = vector.broadcast %broadcast_in_dim3A_74 : vector<32x1xi32> to vector<32x200xi32>
    %eq3A_76 = arith.cmpi eq, %iota3A, %eq3A_75 : vector<32x200xi32>
    %jit3A_77 = arith.constant 0xFF800000 : f32
    %broadcast_in_dim3A_78 = vector.broadcast %jit3A_77 : f32 to vector<32x200xf32>
    %select_n3A_79 = arith.select %eq3A_76, %broadcast_in_dim3A_78, %select_n3A_63 : vector<32x200xi1>, vector<32x200xf32>
    %reduce_max3A_80 = arith.constant dense<0xFF800000> : vector<32xf32>
    %reduce_max3A_81 = vector.multi_reduction <maximumf>, %select_n3A_79, %reduce_max3A_80 [1] : vector<32x200xf32> to vector<32xf32>
    %broadcast_in_dim3A_82 = vector.shape_cast %reduce_max3A_81 : vector<32xf32> to vector<32x1xf32>
    %eq3A_83 = vector.broadcast %broadcast_in_dim3A_82 : vector<32x1xf32> to vector<32x200xf32>
    %eq3A_84 = arith.cmpf oeq, %select_n3A_79, %eq3A_83 : vector<32x200xf32>
    %jit3A_85 = arith.constant 1073741824 : i32
    %broadcast_in_dim3A_86 = vector.broadcast %jit3A_85 : i32 to vector<32x200xi32>
    %select_n3A_87 = arith.select %eq3A_84, %iota3A, %broadcast_in_dim3A_86 : vector<32x200xi1>, vector<32x200xi32>
    %reduce_min3A_88 = arith.constant dense<2147483647> : vector<32xi32>
    %reduce_min3A_89 = vector.multi_reduction <minsi>, %select_n3A_87, %reduce_min3A_88 [1] : vector<32x200xi32> to vector<32xi32>
    %broadcast_in_dim3A_90 = vector.shape_cast %reduce_min3A_89 : vector<32xi32> to vector<32x1xi32>
    %eq3A_91 = vector.broadcast %broadcast_in_dim3A_90 : vector<32x1xi32> to vector<32x200xi32>
    %eq3A_92 = arith.cmpi eq, %iota3A, %eq3A_91 : vector<32x200xi32>
    %jit3A_93 = arith.constant 0xFF800000 : f32
    %broadcast_in_dim3A_94 = vector.broadcast %jit3A_93 : f32 to vector<32x200xf32>
    %select_n3A_95 = arith.select %eq3A_92, %broadcast_in_dim3A_94, %select_n3A_79 : vector<32x200xi1>, vector<32x200xf32>
    %reduce_max3A_96 = arith.constant dense<0xFF800000> : vector<32xf32>
    %reduce_max3A_97 = vector.multi_reduction <maximumf>, %select_n3A_95, %reduce_max3A_96 [1] : vector<32x200xf32> to vector<32xf32>
    %broadcast_in_dim3A_98 = vector.shape_cast %reduce_max3A_97 : vector<32xf32> to vector<32x1xf32>
    %eq3A_99 = vector.broadcast %broadcast_in_dim3A_98 : vector<32x1xf32> to vector<32x200xf32>
    %eq3A_100 = arith.cmpf oeq, %select_n3A_95, %eq3A_99 : vector<32x200xf32>
    %jit3A_101 = arith.constant 1073741824 : i32
    %broadcast_in_dim3A_102 = vector.broadcast %jit3A_101 : i32 to vector<32x200xi32>
    %select_n3A_103 = arith.select %eq3A_100, %iota3A, %broadcast_in_dim3A_102 : vector<32x200xi1>, vector<32x200xi32>
    %reduce_min3A_104 = arith.constant dense<2147483647> : vector<32xi32>
    %reduce_min3A_105 = vector.multi_reduction <minsi>, %select_n3A_103, %reduce_min3A_104 [1] : vector<32x200xi32> to vector<32xi32>
    %broadcast_in_dim3A_106 = vector.shape_cast %reduce_min3A_105 : vector<32xi32> to vector<32x1xi32>
    %eq3A_107 = vector.broadcast %broadcast_in_dim3A_106 : vector<32x1xi32> to vector<32x200xi32>
    %eq3A_108 = arith.cmpi eq, %iota3A, %eq3A_107 : vector<32x200xi32>
    %jit3A_109 = arith.constant 0xFF800000 : f32
    %broadcast_in_dim3A_110 = vector.broadcast %jit3A_109 : f32 to vector<32x200xf32>
    %select_n3A_111 = arith.select %eq3A_108, %broadcast_in_dim3A_110, %select_n3A_95 : vector<32x200xi1>, vector<32x200xf32>
    %reduce_max3A_112 = arith.constant dense<0xFF800000> : vector<32xf32>
    %reduce_max3A_113 = vector.multi_reduction <maximumf>, %select_n3A_111, %reduce_max3A_112 [1] : vector<32x200xf32> to vector<32xf32>
    %broadcast_in_dim3A_114 = vector.shape_cast %reduce_max3A_113 : vector<32xf32> to vector<32x1xf32>
    %eq3A_115 = vector.broadcast %broadcast_in_dim3A_114 : vector<32x1xf32> to vector<32x200xf32>
    %eq3A_116 = arith.cmpf oeq, %select_n3A_111, %eq3A_115 : vector<32x200xf32>
    %jit3A_117 = arith.constant 1073741824 : i32
    %broadcast_in_dim3A_118 = vector.broadcast %jit3A_117 : i32 to vector<32x200xi32>
    %select_n3A_119 = arith.select %eq3A_116, %iota3A, %broadcast_in_dim3A_118 : vector<32x200xi1>, vector<32x200xi32>
    %reduce_min3A_120 = arith.constant dense<2147483647> : vector<32xi32>
    %reduce_min3A_121 = vector.multi_reduction <minsi>, %select_n3A_119, %reduce_min3A_120 [1] : vector<32x200xi32> to vector<32xi32>
    %broadcast_in_dim3A_122 = vector.shape_cast %reduce_min3A_121 : vector<32xi32> to vector<32x1xi32>
    %eq3A_123 = vector.broadcast %broadcast_in_dim3A_122 : vector<32x1xi32> to vector<32x200xi32>
    %eq3A_124 = arith.cmpi eq, %iota3A, %eq3A_123 : vector<32x200xi32>
    %jit3A_125 = arith.constant 0xFF800000 : f32
    %broadcast_in_dim3A_126 = vector.broadcast %jit3A_125 : f32 to vector<32x200xf32>
    %select_n3A_127 = arith.select %eq3A_124, %broadcast_in_dim3A_126, %select_n3A_111 : vector<32x200xi1>, vector<32x200xf32>
    %reduce_max3A_128 = arith.constant dense<0xFF800000> : vector<32xf32>
    %reduce_max3A_129 = vector.multi_reduction <maximumf>, %select_n3A_127, %reduce_max3A_128 [1] : vector<32x200xf32> to vector<32xf32>
    %broadcast_in_dim3A_130 = vector.shape_cast %reduce_max3A_129 : vector<32xf32> to vector<32x1xf32>
    %eq3A_131 = vector.broadcast %broadcast_in_dim3A_130 : vector<32x1xf32> to vector<32x200xf32>
    %eq3A_132 = arith.cmpf oeq, %select_n3A_127, %eq3A_131 : vector<32x200xf32>
    %jit3A_133 = arith.constant 1073741824 : i32
    %broadcast_in_dim3A_134 = vector.broadcast %jit3A_133 : i32 to vector<32x200xi32>
    %select_n3A_135 = arith.select %eq3A_132, %iota3A, %broadcast_in_dim3A_134 : vector<32x200xi1>, vector<32x200xi32>
    %reduce_min3A_136 = arith.constant dense<2147483647> : vector<32xi32>
    %reduce_min3A_137 = vector.multi_reduction <minsi>, %select_n3A_135, %reduce_min3A_136 [1] : vector<32x200xi32> to vector<32xi32>
    %broadcast_in_dim3A_138 = vector.shape_cast %reduce_min3A_137 : vector<32xi32> to vector<32x1xi32>
    %sub3A = arith.subf %broadcast_in_dim3A_22, %broadcast_in_dim3A_22 : vector<32x1xf32>
    %exp3A = math.exp %sub3A : vector<32x1xf32>
    %sub3A_139 = arith.subf %broadcast_in_dim3A_34, %broadcast_in_dim3A_22 : vector<32x1xf32>
    %exp3A_140 = math.exp %sub3A_139 : vector<32x1xf32>
    %sub3A_141 = arith.subf %broadcast_in_dim3A_50, %broadcast_in_dim3A_22 : vector<32x1xf32>
    %exp3A_142 = math.exp %sub3A_141 : vector<32x1xf32>
    %sub3A_143 = arith.subf %broadcast_in_dim3A_66, %broadcast_in_dim3A_22 : vector<32x1xf32>
    %exp3A_144 = math.exp %sub3A_143 : vector<32x1xf32>
    %sub3A_145 = arith.subf %broadcast_in_dim3A_82, %broadcast_in_dim3A_22 : vector<32x1xf32>
    %exp3A_146 = math.exp %sub3A_145 : vector<32x1xf32>
    %sub3A_147 = arith.subf %broadcast_in_dim3A_98, %broadcast_in_dim3A_22 : vector<32x1xf32>
    %exp3A_148 = math.exp %sub3A_147 : vector<32x1xf32>
    %sub3A_149 = arith.subf %broadcast_in_dim3A_114, %broadcast_in_dim3A_22 : vector<32x1xf32>
    %exp3A_150 = math.exp %sub3A_149 : vector<32x1xf32>
    %sub3A_151 = arith.subf %broadcast_in_dim3A_130, %broadcast_in_dim3A_22 : vector<32x1xf32>
    %exp3A_152 = math.exp %sub3A_151 : vector<32x1xf32>
    %add3A_153 = arith.addf %exp3A, %exp3A_140 : vector<32x1xf32>
    %add3A_154 = arith.addf %add3A_153, %exp3A_142 : vector<32x1xf32>
    %add3A_155 = arith.addf %add3A_154, %exp3A_144 : vector<32x1xf32>
    %add3A_156 = arith.addf %add3A_155, %exp3A_146 : vector<32x1xf32>
    %add3A_157 = arith.addf %add3A_156, %exp3A_148 : vector<32x1xf32>
    %add3A_158 = arith.addf %add3A_157, %exp3A_150 : vector<32x1xf32>
    %add3A_159 = arith.addf %add3A_158, %exp3A_152 : vector<32x1xf32>
    %iota3A_160 = tpu.iota {dimensions = array<i32: 1>} : vector<32x16xi32>
    %broadcast_in_dim3A_161 = arith.constant 0.000000e+00 : f32
    %broadcast_in_dim3A_162 = vector.broadcast %broadcast_in_dim3A_161 : f32 to vector<32x16xf32>
    %broadcast_in_dim3A_163 = arith.constant 0 : i32
    %broadcast_in_dim3A_164 = vector.broadcast %broadcast_in_dim3A_163 : i32 to vector<32x16xi32>
    %eq3A_165 = arith.constant 0 : i32
    %eq3A_166 = vector.broadcast %eq3A_165 : i32 to vector<32x16xi32>
    %eq3A_167 = arith.cmpi eq, %iota3A_160, %eq3A_166 : vector<32x16xi32>
    %div3A_168 = arith.divf %exp3A, %add3A_159 : vector<32x1xf32>
    %broadcast_in_dim3A_169 = vector.shape_cast %div3A_168 : vector<32x1xf32> to vector<32x1xf32>
    %broadcast_in_dim3A_170 = vector.broadcast %broadcast_in_dim3A_169 : vector<32x1xf32> to vector<32x16xf32>
    %select_n3A_171 = arith.select %eq3A_167, %broadcast_in_dim3A_170, %broadcast_in_dim3A_162 : vector<32x16xi1>, vector<32x16xf32>
    %eq3A_172 = arith.constant 0 : i32
    %eq3A_173 = vector.broadcast %eq3A_172 : i32 to vector<32x16xi32>
    %eq3A_174 = arith.cmpi eq, %iota3A_160, %eq3A_173 : vector<32x16xi32>
    %broadcast_in_dim3A_175 = vector.shape_cast %broadcast_in_dim3A_26 : vector<32x1xi32> to vector<32x1xi32>
    %broadcast_in_dim3A_176 = vector.broadcast %broadcast_in_dim3A_175 : vector<32x1xi32> to vector<32x16xi32>
    %select_n3A_177 = arith.select %eq3A_174, %broadcast_in_dim3A_176, %broadcast_in_dim3A_164 : vector<32x16xi1>, vector<32x16xi32>
    %eq3A_178 = arith.constant 1 : i32
    %eq3A_179 = vector.broadcast %eq3A_178 : i32 to vector<32x16xi32>
    %eq3A_180 = arith.cmpi eq, %iota3A_160, %eq3A_179 : vector<32x16xi32>
    %div3A_181 = arith.divf %exp3A_140, %add3A_159 : vector<32x1xf32>
    %broadcast_in_dim3A_182 = vector.shape_cast %div3A_181 : vector<32x1xf32> to vector<32x1xf32>
    %broadcast_in_dim3A_183 = vector.broadcast %broadcast_in_dim3A_182 : vector<32x1xf32> to vector<32x16xf32>
    %select_n3A_184 = arith.select %eq3A_180, %broadcast_in_dim3A_183, %select_n3A_171 : vector<32x16xi1>, vector<32x16xf32>
    %eq3A_185 = arith.constant 1 : i32
    %eq3A_186 = vector.broadcast %eq3A_185 : i32 to vector<32x16xi32>
    %eq3A_187 = arith.cmpi eq, %iota3A_160, %eq3A_186 : vector<32x16xi32>
    %broadcast_in_dim3A_188 = vector.shape_cast %broadcast_in_dim3A_42 : vector<32x1xi32> to vector<32x1xi32>
    %broadcast_in_dim3A_189 = vector.broadcast %broadcast_in_dim3A_188 : vector<32x1xi32> to vector<32x16xi32>
    %select_n3A_190 = arith.select %eq3A_187, %broadcast_in_dim3A_189, %select_n3A_177 : vector<32x16xi1>, vector<32x16xi32>
    %eq3A_191 = arith.constant 2 : i32
    %eq3A_192 = vector.broadcast %eq3A_191 : i32 to vector<32x16xi32>
    %eq3A_193 = arith.cmpi eq, %iota3A_160, %eq3A_192 : vector<32x16xi32>
    %div3A_194 = arith.divf %exp3A_142, %add3A_159 : vector<32x1xf32>
    %broadcast_in_dim3A_195 = vector.shape_cast %div3A_194 : vector<32x1xf32> to vector<32x1xf32>
    %broadcast_in_dim3A_196 = vector.broadcast %broadcast_in_dim3A_195 : vector<32x1xf32> to vector<32x16xf32>
    %select_n3A_197 = arith.select %eq3A_193, %broadcast_in_dim3A_196, %select_n3A_184 : vector<32x16xi1>, vector<32x16xf32>
    %eq3A_198 = arith.constant 2 : i32
    %eq3A_199 = vector.broadcast %eq3A_198 : i32 to vector<32x16xi32>
    %eq3A_200 = arith.cmpi eq, %iota3A_160, %eq3A_199 : vector<32x16xi32>
    %broadcast_in_dim3A_201 = vector.shape_cast %broadcast_in_dim3A_58 : vector<32x1xi32> to vector<32x1xi32>
    %broadcast_in_dim3A_202 = vector.broadcast %broadcast_in_dim3A_201 : vector<32x1xi32> to vector<32x16xi32>
    %select_n3A_203 = arith.select %eq3A_200, %broadcast_in_dim3A_202, %select_n3A_190 : vector<32x16xi1>, vector<32x16xi32>
    %eq3A_204 = arith.constant 3 : i32
    %eq3A_205 = vector.broadcast %eq3A_204 : i32 to vector<32x16xi32>
    %eq3A_206 = arith.cmpi eq, %iota3A_160, %eq3A_205 : vector<32x16xi32>
    %div3A_207 = arith.divf %exp3A_144, %add3A_159 : vector<32x1xf32>
    %broadcast_in_dim3A_208 = vector.shape_cast %div3A_207 : vector<32x1xf32> to vector<32x1xf32>
    %broadcast_in_dim3A_209 = vector.broadcast %broadcast_in_dim3A_208 : vector<32x1xf32> to vector<32x16xf32>
    %select_n3A_210 = arith.select %eq3A_206, %broadcast_in_dim3A_209, %select_n3A_197 : vector<32x16xi1>, vector<32x16xf32>
    %eq3A_211 = arith.constant 3 : i32
    %eq3A_212 = vector.broadcast %eq3A_211 : i32 to vector<32x16xi32>
    %eq3A_213 = arith.cmpi eq, %iota3A_160, %eq3A_212 : vector<32x16xi32>
    %broadcast_in_dim3A_214 = vector.shape_cast %broadcast_in_dim3A_74 : vector<32x1xi32> to vector<32x1xi32>
    %broadcast_in_dim3A_215 = vector.broadcast %broadcast_in_dim3A_214 : vector<32x1xi32> to vector<32x16xi32>
    %select_n3A_216 = arith.select %eq3A_213, %broadcast_in_dim3A_215, %select_n3A_203 : vector<32x16xi1>, vector<32x16xi32>
    %eq3A_217 = arith.constant 4 : i32
    %eq3A_218 = vector.broadcast %eq3A_217 : i32 to vector<32x16xi32>
    %eq3A_219 = arith.cmpi eq, %iota3A_160, %eq3A_218 : vector<32x16xi32>
    %div3A_220 = arith.divf %exp3A_146, %add3A_159 : vector<32x1xf32>
    %broadcast_in_dim3A_221 = vector.shape_cast %div3A_220 : vector<32x1xf32> to vector<32x1xf32>
    %broadcast_in_dim3A_222 = vector.broadcast %broadcast_in_dim3A_221 : vector<32x1xf32> to vector<32x16xf32>
    %select_n3A_223 = arith.select %eq3A_219, %broadcast_in_dim3A_222, %select_n3A_210 : vector<32x16xi1>, vector<32x16xf32>
    %eq3A_224 = arith.constant 4 : i32
    %eq3A_225 = vector.broadcast %eq3A_224 : i32 to vector<32x16xi32>
    %eq3A_226 = arith.cmpi eq, %iota3A_160, %eq3A_225 : vector<32x16xi32>
    %broadcast_in_dim3A_227 = vector.shape_cast %broadcast_in_dim3A_90 : vector<32x1xi32> to vector<32x1xi32>
    %broadcast_in_dim3A_228 = vector.broadcast %broadcast_in_dim3A_227 : vector<32x1xi32> to vector<32x16xi32>
    %select_n3A_229 = arith.select %eq3A_226, %broadcast_in_dim3A_228, %select_n3A_216 : vector<32x16xi1>, vector<32x16xi32>
    %eq3A_230 = arith.constant 5 : i32
    %eq3A_231 = vector.broadcast %eq3A_230 : i32 to vector<32x16xi32>
    %eq3A_232 = arith.cmpi eq, %iota3A_160, %eq3A_231 : vector<32x16xi32>
    %div3A_233 = arith.divf %exp3A_148, %add3A_159 : vector<32x1xf32>
    %broadcast_in_dim3A_234 = vector.shape_cast %div3A_233 : vector<32x1xf32> to vector<32x1xf32>
    %broadcast_in_dim3A_235 = vector.broadcast %broadcast_in_dim3A_234 : vector<32x1xf32> to vector<32x16xf32>
    %select_n3A_236 = arith.select %eq3A_232, %broadcast_in_dim3A_235, %select_n3A_223 : vector<32x16xi1>, vector<32x16xf32>
    %eq3A_237 = arith.constant 5 : i32
    %eq3A_238 = vector.broadcast %eq3A_237 : i32 to vector<32x16xi32>
    %eq3A_239 = arith.cmpi eq, %iota3A_160, %eq3A_238 : vector<32x16xi32>
    %broadcast_in_dim3A_240 = vector.shape_cast %broadcast_in_dim3A_106 : vector<32x1xi32> to vector<32x1xi32>
    %broadcast_in_dim3A_241 = vector.broadcast %broadcast_in_dim3A_240 : vector<32x1xi32> to vector<32x16xi32>
    %select_n3A_242 = arith.select %eq3A_239, %broadcast_in_dim3A_241, %select_n3A_229 : vector<32x16xi1>, vector<32x16xi32>
    %eq3A_243 = arith.constant 6 : i32
    %eq3A_244 = vector.broadcast %eq3A_243 : i32 to vector<32x16xi32>
    %eq3A_245 = arith.cmpi eq, %iota3A_160, %eq3A_244 : vector<32x16xi32>
    %div3A_246 = arith.divf %exp3A_150, %add3A_159 : vector<32x1xf32>
    %broadcast_in_dim3A_247 = vector.shape_cast %div3A_246 : vector<32x1xf32> to vector<32x1xf32>
    %broadcast_in_dim3A_248 = vector.broadcast %broadcast_in_dim3A_247 : vector<32x1xf32> to vector<32x16xf32>
    %select_n3A_249 = arith.select %eq3A_245, %broadcast_in_dim3A_248, %select_n3A_236 : vector<32x16xi1>, vector<32x16xf32>
    %eq3A_250 = arith.constant 6 : i32
    %eq3A_251 = vector.broadcast %eq3A_250 : i32 to vector<32x16xi32>
    %eq3A_252 = arith.cmpi eq, %iota3A_160, %eq3A_251 : vector<32x16xi32>
    %broadcast_in_dim3A_253 = vector.shape_cast %broadcast_in_dim3A_122 : vector<32x1xi32> to vector<32x1xi32>
    %broadcast_in_dim3A_254 = vector.broadcast %broadcast_in_dim3A_253 : vector<32x1xi32> to vector<32x16xi32>
    %select_n3A_255 = arith.select %eq3A_252, %broadcast_in_dim3A_254, %select_n3A_242 : vector<32x16xi1>, vector<32x16xi32>
    %eq3A_256 = arith.constant 7 : i32
    %eq3A_257 = vector.broadcast %eq3A_256 : i32 to vector<32x16xi32>
    %eq3A_258 = arith.cmpi eq, %iota3A_160, %eq3A_257 : vector<32x16xi32>
    %div3A_259 = arith.divf %exp3A_152, %add3A_159 : vector<32x1xf32>
    %broadcast_in_dim3A_260 = vector.shape_cast %div3A_259 : vector<32x1xf32> to vector<32x1xf32>
    %broadcast_in_dim3A_261 = vector.broadcast %broadcast_in_dim3A_260 : vector<32x1xf32> to vector<32x16xf32>
    %select_n3A_262 = arith.select %eq3A_258, %broadcast_in_dim3A_261, %select_n3A_249 : vector<32x16xi1>, vector<32x16xf32>
    %eq3A_263 = arith.constant 7 : i32
    %eq3A_264 = vector.broadcast %eq3A_263 : i32 to vector<32x16xi32>
    %eq3A_265 = arith.cmpi eq, %iota3A_160, %eq3A_264 : vector<32x16xi32>
    %broadcast_in_dim3A_266 = vector.shape_cast %broadcast_in_dim3A_138 : vector<32x1xi32> to vector<32x1xi32>
    %broadcast_in_dim3A_267 = vector.broadcast %broadcast_in_dim3A_266 : vector<32x1xi32> to vector<32x16xi32>
    %select_n3A_268 = arith.select %eq3A_265, %broadcast_in_dim3A_267, %select_n3A_255 : vector<32x16xi1>, vector<32x16xi32>
    %swap3A = arith.constant 0 : index
    %swap3A_269 = arith.constant 0 : index
    %swap3A_270 = vector.load %arg2[%swap3A, %swap3A_269] : memref<32x16xf32, #tpu.memory_space<vmem>>, vector<32x16xf32>
    tpu.vector_store %arg2[%swap3A, %swap3A_269], %select_n3A_262 {strides = array<i32>} : memref<32x16xf32, #tpu.memory_space<vmem>>, vector<32x16xf32>,
    %swap3A_271 = arith.constant 0 : index
    %swap3A_272 = arith.constant 0 : index
    %swap3A_273 = vector.load %arg3[%swap3A_271, %swap3A_272] : memref<32x16xi32, #tpu.memory_space<vmem>>, vector<32x16xi32>
    tpu.vector_store %arg3[%swap3A_271, %swap3A_272], %select_n3A_268 {strides = array<i32>} : memref<32x16xi32, #tpu.memory_space<vmem>>, vector<32x16xi32>,
    return
  }
}

</mosaic_0001>

<sc_bundles>
// kernel: kernel.4.cloned.1.call-start
scs
__scs_entry_jumppad:
0x0: {  	(pc) =	sbr.rel $0x88, $3  }
0x1: {  	(tag) =	ssettag $0x0;
	lr =	simm.s32 $0x1  }
0x2: {  	[smem:$0x3F9E] =	sst lr;
	_ =	strace $0xD0000000  }
0x3: {  	_ = 	snop  }
0x4: {  	_ = 	snop  }
0x5: {  	_ = 	snop  }
0x6: {  	_ = 	snop  }
0x7: {  	_ = 	snop  }
__scs_overlays_trampoline_lowered:
0x8: {  	[smem:$0x3FAD] =	sst s0  }
0x9: {  	[smem:$0x3FAE] =	sst s1  }
0xa: {  	[smem:$0x3FAF] =	sst s2  }
0xb: {  	[smem:$0x3FB0] =	sst s3  }
0xc: {  	[smem:$0x3FB1] =	sst s4  }
0xd: {  	[smem:$0x3FB2] =	sst s5  }
0xe: {  	[smem:$0x3FB3] =	sst s6  }
0xf: {  	[smem:$0x3FB4] =	sst s7  }
0x10: {  	[smem:$0x3FB5] =	sst s8  }
0x11: {  	[smem:$0x3FB6] =	sst s9;
	s0 =	simm.s32 @!p0 $0x0  }
0x12: {  	s1 =	sld [smem:$0x3F9C];
	s0 =	simm.s32 @p0 $0x1  }
0x13: {  	[smem:$0x3FB7] =	sst s0;
	s0 =	simm.s32 @!p1 $0x0  }
0x14: {  	s2 =	sld [smem:$0x3F9B];
	s0 =	simm.s32 @p1 $0x1  }
0x15: {  	[smem:$0x3FB8] =	sst s0;
	s0 =	simm.s32 @!p2 $0x0  }
0x16: {  	s3 =	sld [smem:$0x3FDB];
	s0 =	simm.s32 @p2 $0x1  }
0x17: {  	s4 =	simm.s32 $0x1BF5;
	[smem:$0x3FBA] =	sst s0  }
0x18: {  	s0 =	sld [smem:$0x3F9D];
	_ =	swait.ge [sflag:s4], $0x0  }
0x19: {  	s7 =	sld [smem:$0x3F9E]  }
0x1a: {  	s8 =	sadd.s32 $0xFFFFE003, lr  }
0x1b: {  	s9 =	sadd.s32 $0xFFFFFEF7, lr;
	s5 =	simm.s32 $0xFFFFFFFF;
	p2 =	slt.u32 s8, $0xFFFFF086  }
0x1c: {  	p1 =	slt.u32 s9, $0xF7A;
	s5 =	simm.s32 @!p2 $0x0  }
0x1d: {  	s5 =	simm.s32 @p1 $0x1;
	p0 =	seq.s32 s7, s2  }
0x1e: {  	s7 =	smul.u32 @!p0 $0xF7A, s2;
	p2 =	seq.s32 @!p0 s5, $0x0  }
0x1f: {  	s9 =	smul.u32 $0xF7A, s1;
	s8 =	simm.s32 @!p0 $0x1BF5;
	p2 =	por !p2, p0  }
0x20: {  	[sflag:s8] =	ssyncset.s32 @!p0 $0xFFFFF086;
	s6 =	sadd.s32 @!p0 s3, s7;
	s7 =	simm.s32 @!p0 $0x108  }
0x21: {  	s3 =	sadd.s32 s3, s9;
	s6 =	sadd.s32 @!p0 $0x88, s6;
	s7 =	simm.s32 @p2 $0x1082  }
0x22: {  	[simem:s7], [sflag:s8] =	dma.local @!p0 [hbm:s6], $0xF7A  }
0x23: {  	s9 =	sor.u32 $0xD0000000, s2;
	s6 =	simm.s32 $0x108;
	_ =	swait.ge @!p0 [sflag:s8], $0x0  }
0x24: {  	s3 =	sadd.s32 $0x88, s3;
	s6 =	simm.s32 @!p1 $0x1082;
	[sflag:s4] =	ssyncset.s32 $0xFFFFF086  }
0x25: {  	[simem:s6], [sflag:s4] =	dma.local [hbm:s3], $0xF7A  }
0x26: {  	[smem:$0x3F9E] =	sst s1;
	(tag) =	ssettag s2;
	_ =	strace s9  }
0x27: {  	s1 =	sld [smem:$0x3FAE]  }
0x28: {  	s2 =	sld [smem:$0x3FAF]  }
0x29: {  	s4 =	sld [smem:$0x3FB1]  }
0x2a: {  	p0 =	seq.s32 s5, $0x0;
	s5 =	sld [smem:$0x3FB2]  }
0x2b: {  	s6 =	sld [smem:$0x3FB3]  }
0x2c: {  	s7 =	sld [smem:$0x3FB4]  }
0x2d: {  	s3 =	simm.s32 $0x108;
	s8 =	sld [smem:$0x3FB5]  }
0x2e: {  	s3 =	simm.s32 @!p0 $0x1082;
	s9 =	sld [smem:$0x3FB6]  }
0x2f: {  	lr =	sadd.s32 s0, s3;
	s0 =	sld [smem:$0x3FAD]  }
0x30: {  	s3 =	sld [smem:$0x3FB0]  }
0x31: {  	[smem:$0x3FB9] =	sst s10  }
0x32: {  	s10 =	sld [smem:$0x3FB7];
	_ =	sdelay $0x3  }
0x33: {  	p0 =	seq.s32 s10, $0x1;
	s10 =	sld [smem:$0x3FB9];
	_ =	sdelay $0x3  }
0x34: {  	[smem:$0x3FB9] =	sst s10  }
0x35: {  	s10 =	sld [smem:$0x3FB8];
	_ =	sdelay $0x3  }
0x36: {  	p1 =	seq.s32 s10, $0x1;
	s10 =	sld [smem:$0x3FB9];
	_ =	sdelay $0x3  }
0x37: {  	[smem:$0x3FB9] =	sst s10  }
0x38: {  	s10 =	sld [smem:$0x3FBA]  }
0x39: {  	_ = 	snop;
	(pc) =	sbr.ind lr, $3  }
0x3a: {  	_ = 	snop  }
0x3b: {  	_ = 	snop  }
0x3c: {  	p2 =	seq.s32 s10, $0x1;
	s10 =	sld [smem:$0x3FB9]  }
0x3d: {  	_ =	shalt  }
0x3e: {  	_ =	shalt  }
0x3f: {  	_ =	shalt  }
0x40: {  	_ =	shalt  }
0x41: {  	_ =	shalt  }
0x42: {  	_ =	shalt  }
0x43: {  	_ =	shalt  }
0x44: {  	_ =	shalt  }
0x45: {  	_ =	shalt  }
0x46: {  	_ =	shalt  }
0x47: {  	_ =	shalt  }
0x48: {  	_ =	shalt  }
0x49: {  	_ =	shalt  }
0x4a: {  	_ =	shalt  }
0x4b: {  	_ =	shalt  }
0x4c: {  	_ =	shalt  }
0x4d: {  	_ =	shalt  }
0x4e: {  	_ =	shalt  }
0x4f: {  	_ =	shalt  }
0x50: {  	_ =	shalt  }
0x51: {  	_ =	shalt  }
0x52: {  	_ =	shalt  }
0x53: {  	_ =	shalt  }
0x54: {  	_ =	shalt  }
0x55: {  	_ =	shalt  }
0x56: {  	_ =	shalt  }
0x57: {  	_ =	shalt  }
0x58: {  	_ =	shalt  }
0x59: {  	_ =	shalt  }
0x5a: {  	_ =	shalt  }
0x5b: {  	_ =	shalt  }
0x5c: {  	_ =	shalt  }
0x5d: {  	_ =	shalt  }
0x5e: {  	_ =	shalt  }
0x5f: {  	_ =	shalt  }
0x60: {  	_ =	shalt  }
0x61: {  	_ =	shalt  }
0x62: {  	_ =	shalt  }
0x63: {  	_ =	shalt  }
0x64: {  	_ =	shalt  }
0x65: {  	_ =	shalt  }
0x66: {  	_ =	shalt  }
0x67: {  	_ =	shalt  }
0x68: {  	_ =	shalt  }
0x69: {  	_ =	shalt  }
0x6a: {  	_ =	shalt  }
0x6b: {  	_ =	shalt  }
0x6c: {  	_ =	shalt  }
0x6d: {  	_ =	shalt  }
0x6e: {  	_ =	shalt  }
0x6f: {  	_ =	shalt  }
0x70: {  	_ =	shalt  }
0x71: {  	_ =	shalt  }
0x72: {  	_ =	shalt  }
0x73: {  	_ =	shalt  }
0x74: {  	_ =	shalt  }
0x75: {  	_ =	shalt  }
0x76: {  	_ =	shalt  }
0x77: {  	_ =	shalt  }
0x78: {  	_ =	shalt  }
0x79: {  	_ =	shalt  }
0x7a: {  	_ =	shalt  }
0x7b: {  	_ =	shalt  }
0x7c: {  	_ =	shalt  }
0x7d: {  	_ =	shalt  }
0x7e: {  	_ =	shalt  }
0x7f: {  	_ =	shalt  }
0x80: {  	_ =	shalt  }
0x81: {  	_ =	shalt  }
0x82: {  	_ =	shalt  }
0x83: {  	_ =	shalt  }
0x84: {  	_ =	shalt  }
0x85: {  	_ =	shalt  }
0x86: {  	_ =	shalt  }
0x87: {  	_ =	shalt  }
.Lfunc_end0:
.L_simem_size_0:
called_computation_lowered:
.L_overlay_start_0:
0x88: {  	s2 =	sld [smem:$0x3FD9]  }
0x89: {  	s3 =	sld [smem:$0x3FFE];
	_ =	sdelay $0x1  }
0x8a: {  	s1 =	srdreg.scid  }
0x8b: {  	s0 =	sand.u32 $0x1, s1  }
0x8c: {  	s17 =	sshll.u32 s0, $0xA;
	s2 =	sadd.s32 s3, s2  }
0x8d: {  	s2 =	sadd.s32 s2, s17  }
0x8e: {  	[smem:$0x3FC5] =	sst s2  }
0x8f: {  	_ = 	snop  }
0x90: {  	s2 =	sld [smem:$0x3FC7]  }
0x91: {  	s18 =	sld [smem:$0x3FD0];
	(tm) =	ssettm $0x1  }
0x92: {  	s4 =	sld [smem:$0x3FFB];
	_ =	sdelay $0x3  }
0x93: {  	_ =	strace s4  }
0x94: {  	s4 =	sld [smem:$0x3FFC];
	_ =	sdelay $0x3  }
0x95: {  	_ =	strace s4  }
0x96: {  	s4 =	sld [smem:$0x3FFD];
	_ =	sdelay $0x3  }
0x97: {  	_ =	strace s4  }
0x98: {  	_ =	strace $0x8FFFFFFF  }
0x99: {  	s19 =	sld [smem:$0x3FDB];
	_ =	sdelay $0x1  }
0x9a: {  	s5 =	simm.s32 $_scs_section_size  }
0x9b: {  	s6 =	simm.s32 $_size__tile_overlayer_lowered;
	s7 =	simm.s32 $_tile_overlayer_lowered  }
0x9c: {  	s22 =	simm.s32 $0x1BFF;
	s21 =	sshll.u32 s7, $0x1;
	s4 =	sadd.s32 s5, s19  }
0x9d: {  	s8 =	simm.s32 $0x0;
	s20 =	sshll.u32 s6, $0x1;
	s6 =	sadd.s32 s21, s4  }
0x9e: {  	[timem:s8], [sflag:s22] =	dma.local [hbm:s6], s20  }
0x9f: {  	_ =	swait.ge [sflag:s22], s20  }
0xa0: {  	s5 =	ssub.s32 $0x0, s20;
	[sflag:s22] =	ssyncset.done $0x0  }
0xa1: {  	[sflag:s22] =	ssyncadd.s32 s5;
	_ =	sdelay $0x1  }
0xa2: {  	s23 =	simm.s32 $0x1B8B  }
0xa3: {  	_ =	swait.ge [sflag:s23], $0x1  }
0xa4: {  	[sflag:s23] =	ssyncset.done $0x0  }
0xa5: {  	s25 =	simm.s32 $0x1B8E;
	s24 =	sld [smem:$0x3FFE];
	[sflag:s23] =	ssyncadd.s32 $0xFFFFFFFF  }
0xa6: {  	s26 =	simm.s32 $execute0_lowered;
	[smem:$0x3FD2] =	sst s25  }
0xa7: {  	s6 =	sshll.u32 s26, $0x1;
	_ =	strace $0x80000046;
	[dreg:$0x1] =	wrdreg $0xFFFFFFFF  }
0xa8: {  	s28 =	simm.s32 $_size_execute0_lowered;
	s4 =	sadd.s32 s4, s6;
	[dreg:$0x0] =	wrdreg $0x0  }
0xa9: {  	s6 =	sshll.u32 s28, $0x1;
	[dreg:$0x2] =	wrdreg s4  }
0xaa: {  	[dreg:$0x3] =	wrdreg s6  }
0xab: {  	[dreg:$0x4] =	wrdreg $0xC0  }
0xac: {  	_ =	task [dreg:s8], $0x5FFFF  }
0xad: {  	[dreg:$0x1] =	wrdreg $0xFFFFFFFF  }
0xae: {  	[dreg:$0x0] =	wrdreg $0x60  }
0xaf: {  	[dreg:$0x2] =	wrdreg s24  }
0xb0: {  	[dreg:$0x3] =	wrdreg s2  }
0xb1: {  	[dreg:$0x4] =	wrdreg s18  }
0xb2: {  	[dreg:$0x5] =	wrdreg $0x9  }
0xb3: {  	_ =	task.clear_ibuf [dreg:s8], $0x6FFFF;
	_ =	strace $0x90000046  }
0xb4: {  	s29 =	simm.s32 $0x9;
	_ =	strace $0x80000048  }
0xb5: {  	_ =	swait.ge [sflag:s29], $0x1  }
0xb6: {  	[sflag:s29] =	ssyncadd.s32 $0xFFFFFFFF  }
0xb7: {  	_ =	strace $0x90000048  }
0xb8: {  	_ =	sfence  }
0xb9: {  	s30 =	sld [smem:$0x0];
	_ =	sdelay $0x2  }
0xba: {  	s31 =	sshll.u32 s1, $0xD;
	s1 =	sshrl.u32 s1, $0x2  }
0xbb: {  	s3 =	sand.u32 $0x4000, s31;
	s1 =	sadd.s32 s1, s30  }
0xbc: {  	s0 =	sor.u32 s3, s0;
	s1 =	sshll.u32 s1, $0x11  }
0xbd: {  	s0 =	sor.u32 s1, s0  }
0xbe: {  	s0 =	sadd.s32 $0x8F2B, s0  }
0xbf: {  	[sflag:s0] =	ssyncadd.remote.s32 $0x1  }
0xc0: {  	_ =	sfence.sel $0xFFFF  }
0xc1: {  	[dreg:$0x0] =	wrdreg $0xFFFFFFFF;
	(pc) =	sbr.abs _section_cstart, $3  }
0xc2: {  	[dreg:$0x1] =	wrdreg $0xFFFFFFFF  }
0xc3: {  	_ =	task.clear_ibuf [dreg:s8], $0x2FFFF;
	_ =	strace $0x9FFFFFFF  }
0xc4: {  	(tm) =	ssettm $0x7FFFFFFF  }
0xc5: {  	_ =	shalt  }
tec
execute0_lowered:
.L_overlay_start_1:
0x0: {  	(tag) =	ssettag $0x1  }
0x1: {  	v0 =	vimm.s32 $0x2;
	vm0 =	vcmask $0x1700  }
0x2: {  	vm3 =	vcmask $0x300;
	v1 =	vimm.s32 $0xC00;
	vm2 =	vcmask $0x2F18  }
0x3: {  	vm4 =	vcmask $0x704;
	v2 =	vimm.s32 $0x3030202;
	vm1 =	vcmask $0x1310  }
0x4: {  	vm6 =	vcmask $0xF00;
	vm5 =	vcmask $0x1F10;
	vm12 =	vcmask $0x3720  }
0x5: {  	vm13 =	vcmask $0x1B18;
	vm14 =	vcmask $0x2710;
	vm15 =	vcmask $0x1F1C  }
0x6: {  	v4 =	vimm.s32 $0x400;
	v5 =	vimm.s32 $0x1400;
	v0 =	vsel vm0, $0x0, v0  }
0x7: {  	v1 =	vsel vm3, $0x0, v1;
	vm0 =	vcmask $0xB08;
	v2 =	vunpack.c.0.s8.s32 v2  }
0x8: {  	v4 =	vsel vm3, $0x1000, v4;
	v5 =	vsel vm3, $0x800, v5;
	vm3 =	vcmask $0x2320  }
0x9: {  	s1 =	rddreg [dreg:$0x0];
	v1 =	vsel vm4, $0x400, v1;
	v0 =	vsel vm2, $0x1, v0;
	vm2 =	vcmask $0x1714  }
0xa: {  	s0 =	rddreg [dreg:$0x1];
	s2 =	srdreg.scid;
	v4 =	vsel vm4, $0x1400, v4;
	v5 =	vsel vm4, $0xC00, v5;
	v1 =	vsel vm0, $0x800, v1  }
0xb: {  	s4 =	stileid.u32;
	s3 =	rddreg [dreg:$0x2];
	v2 =	vnsel vm6, $0x5, v2;
	v4 =	vsel vm0, $0x0, v4;
	v5 =	vsel vm0, $0x1000, v5  }
0xc: {  	s28 =	simm.s32 $0x16180;
	s29 =	simm.s32 $0x1;
	s30 =	simm.s32 $0x200;
	vm0 =	vcmask $0x2B28;
	v1 =	vsel vm1, $0x1000, v1;
	v4 =	vsel vm1, $0x800, v4  }
0xd: {  	s31 =	simm.s32 $0x400;
	s15 =	simm.s32 $0x6;
	s7 =	simm.s32 $0x3;
	v5 =	vsel vm1, $0x0, v5;
	vm1 =	vcmask $0x2F2C;
	v3 =	vsel vm2, $0x1400, v1  }
0xe: {  	s13 =	simm.s32 $0x7;
	s14 =	simm.s32 $0x19980;
	s9 =	simm.s32 $0x4;
	v1 =	vsel vm5, $0x3, v2;
	v2 =	vimm.s32 $0x7;
	v4 =	vsel vm2, $0xC00, v4  }
0xf: {  	s10 =	simm.s32 $0x8;
	s16 =	simm.s32 $0x1A580;
	s18 =	simm.s32 $0x0;
	v5 =	vsel vm2, $0x400, v5;
	vm2 =	vcmask $0x3330;
	v1 =	vsel vm12, $0x4, v1  }
0x10: {  	s2 =	sand.u32 $0x1, s2;
	s5 =	sshll.u32 s4, $0x1;
	s4 =	simm.s32 $0x0;
	v3 =	vsel vm13, $0x0, v3;
	v2 =	vsel vm6, $0x5, v2;
	v4 =	vsel vm13, $0x1000, v4  }
0x11: {  	s8 =	sadd.s32 $0x40, s0;
	s24 =	sadd.s32 $0x300, s0;
	s25 =	sadd.s32 $0x340, s0;
	v5 =	vsel vm13, $0x800, v5;
	v2 =	vsel vm14, $0x6, v2;
	v3 =	vsel vm15, $0x400, v3  }
0x12: {  	s11 =	sadd.s32 $0x40, s3;
	s5 =	sor.u32 s2, s5;
	[smem:$0x7FF] =	sst s4;
	v4 =	vsel vm15, $0x1400, v4;
	v5 =	vsel vm15, $0xC00, v5;
	v3 =	vsel vm3, $0x800, v3  }
0x13: {  	s2 =	ssub.s32 $0x2, s2;
	_ =	strace $0x80000047;
	[dreg:$0x6] =	wrdreg s24;
	v4 =	vsel vm3, $0x0, v4;
	v5 =	vsel vm3, $0x1000, v5;
	v3 =	vsel vm0, $0x1000, v3  }
0x14: {  	s6 =	sshll.u32 s5, $0x4;
	s22 =	sshrl.u32 s2, $0x1;
	[dreg:$0x7] =	wrdreg s25;
	v4 =	vsel vm0, $0x800, v4;
	v5 =	vsel vm0, $0x0, v5;
	vm0 =	vcmask $0x3734  }
.Ltmp0:
0x15: {  	s1 =	sadd.s32 s6, s1;
	s2 =	ssub.s32 s2, s22;
	v3 =	vsel vm1, $0x1400, v3;
	v4 =	vsel vm1, $0xC00, v4;
	v5 =	vsel vm1, $0x400, v5;
	(pc) =	sbr.rel .LBB2_1-.Ltmp0, $4  }
0x16: {  	s6 =	smul.u32 $0x30000, s5;
	s5 =	simm.s32 $0x18D80;
	s23 =	sadd.s32 $0xC00, s1;
	vm1 =	vcmask $0x3B38;
	v3 =	vsel vm2, $0x0, v3;
	v4 =	vsel vm2, $0x1000, v4  }
0x17: {  	s1 =	sadd.s32 $0xE00, s1;
	s26 =	smax.u32 s2, $0x1;
	[dreg:$0x4] =	wrdreg s23;
	v5 =	vsel vm2, $0x800, v5;
	v3 =	vsel vm0, $0x400, v3;
	v4 =	vsel vm0, $0x1400, v4  }
0x18: {  	s2 =	simm.s32 $0x18180;
	[dreg:$0x5] =	wrdreg s1;
	s12 =	sor.u32 $0x1800, s6;
	v5 =	vsel vm0, $0xC00, v5;
	vm0 =	vmmov $0xff;
	v3 =	vsel vm1, $0x800, v3  }
0x19: {  	[dreg:$0x8] =	wrdreg s26;
	s26 =	simm.s32 $0x14180;
	s1 =	simm.s32 $0x2;
	v4 =	vsel vm1, $0x0, v4;
	v5 =	vsel vm1, $0x1000, v5;
	vm1 =	vmmov $0xffff  }
.LBB2_32:
0x1a: {  	s17 =	simm.s32 $0x5  }
0x1b: {  	_ =	swait.ge [sflag:s17], $0xC00  }
0x1c: {  	[sflag:s17] =	ssyncset.done $0x0  }
0x1d: {  	[sflag:s17] =	ssyncadd.s32 $0xFFFFF400  }
0x1e: {  	_ =	swait.ge [sflag:s15], $0xC00  }
0x1f: {  	[sflag:s15] =	ssyncset.done $0x0  }
0x20: {  	[sflag:s15] =	ssyncadd.s32 $0xFFFFF400  }
0x21: {  	_ =	swait.ge [sflag:s13], $0xC00  }
0x22: {  	[sflag:s13] =	ssyncset.done $0x0  }
0x23: {  	[sflag:s13] =	ssyncadd.s32 $0xFFFFF400  }
0x24: {  	_ =	swait.ge [sflag:s10], $0xC00  }
0x25: {  	s18 =	rddreg [dreg:$0x9]  }
0x26: {  	s25 =	rddreg [dreg:$0x8];
	s18 =	sadd.s32 $0x1, s18  }
0x27: {  	p0 =	sne.s32 s18, s25  }
.Ltmp1:
0x28: {  	_ = 	snop;
	(pc) =	sbr.rel @!p0 .LBB2_33-.Ltmp1, $3  }
0x29: {  	_ =	sdelay $0x1  }
0x2a: {  	[sflag:s10] =	ssyncset.done $0x0  }
0x2b: {  	[sflag:s10] =	ssyncadd.s32 $0xFFFFF400  }
.LBB2_1:
0x2c: {  	[dreg:$0x9] =	wrdreg s18  }
0x2d: {  	s17 =	rddreg [dreg:$0x4];
	s20 =	simm.s32 $0x9  }
0x2e: {  	[tilespmem:s4], [sflag:$0x9] =	stream.linear.gather [hbm4b:s17+s4], $0x80, $0x38;
	[tilespmem:$0x1B180] =	vst v63  }
0x2f: {  	_ =	swait.ge [sflag:s20], $0x80  }
0x30: {  	[sflag:s20] =	ssyncset.done $0x0  }
0x31: {  	s19 =	simm.s32 $0x80;
	s21 =	rddreg [dreg:$0x5];
	[sflag:s20] =	ssyncadd.s32 $0xFFFFFF80  }
0x32: {  	[tilespmem:s19], [sflag:$0x9] =	stream.linear.gather [hbm4b:s21+s4], $0x80, $0x38;
	[tilespmem:$0x1B180] =	vst v63  }
0x33: {  	_ =	swait.ge [sflag:s20], $0x80  }
0x34: {  	[sflag:s20] =	ssyncset.done $0x0  }
0x35: {  	[sflag:s20] =	ssyncadd.s32 $0xFFFFFF80  }
0x36: {  	v6 =	vld [tilespmem:$0x0];
	_ =	sdelay $0x4  }
0x37: {  	v6 =	vnsel vm0, $0x0, v6  }
0x38: {  	[tilespmem:$0x100] =	vst v6  }
0x39: {  	v6 =	vld.msk [tilespmem:$0x100], $0xff;
	_ =	sdelay $0x4  }
0x3a: {  	v6 =	vmul.u32 $0x30000, v6;
	_ =	sdelay $0x1  }
0x3b: {  	v7 =	vperm.xlane v6, v0;
	_ =	sdelay $0x1  }
0x3c: {  	v8 =	vperm.xlane v6, v1;
	v7 =	vadd.s32 v3, v7;
	_ =	sdelay $0x1  }
0x3d: {  	v6 =	vperm.xlane v6, v2;
	v8 =	vadd.s32 v4, v8;
	_ =	sdelay $0x1  }
0x3e: {  	s22 =	simm.s32 $0x180;
	v6 =	vadd.s32 v5, v6  }
0x3f: {  	v13 =	vld [tilespmem:$0x80];
	[tilespmem:s22], [sflag:$0x1] =	stream.indirect_vreg.gather [hbm4b:s0+s4], $0x200, v7, vm1, $0x38  }
0x40: {  	s23 =	simm.s32 $0x2180  }
0x41: {  	[tilespmem:s23], [sflag:$0x1] =	stream.indirect_vreg.gather [hbm4b:s0+s4], $0x200, v8, vm1, $0x38;
	[tilespmem:$0x1B180] =	vst v63  }
0x42: {  	s24 =	simm.s32 $0x4180  }
0x43: {  	[tilespmem:s24], [sflag:$0x1] =	stream.indirect_vreg.gather [hbm4b:s0+s4], $0x200, v6, vm1, $0x38;
	[tilespmem:$0x1B180] =	vst v63  }
0x44: {  	v6 =	vld.msk [tilespmem:$0x100], $0xff;
	_ =	sdelay $0x4  }
0x45: {  	v6 =	vmul.u32 $0x30000, v6;
	_ =	sdelay $0x1  }
0x46: {  	v7 =	vperm.xlane v6, v0;
	_ =	sdelay $0x1  }
0x47: {  	v8 =	vperm.xlane v6, v1;
	v7 =	vadd.s32 v3, v7;
	_ =	sdelay $0x1  }
0x48: {  	v6 =	vperm.xlane v6, v2;
	v8 =	vadd.s32 v4, v8;
	_ =	sdelay $0x1  }
0x49: {  	s25 =	simm.s32 $0x6180;
	v6 =	vadd.s32 v5, v6  }
0x4a: {  	[tilespmem:s25], [sflag:$0x2] =	stream.indirect_vreg.gather [hbm4b:s8+s4], $0x200, v7, vm1, $0x38;
	[tilespmem:$0x1B180] =	vst v63  }
0x4b: {  	s18 =	simm.s32 $0x8180  }
0x4c: {  	[tilespmem:s18], [sflag:$0x2] =	stream.indirect_vreg.gather [hbm4b:s8+s4], $0x200, v8, vm1, $0x38;
	[tilespmem:$0x1B180] =	vst v63  }
0x4d: {  	s19 =	simm.s32 $0xA180  }
0x4e: {  	[tilespmem:s19], [sflag:$0x2] =	stream.indirect_vreg.gather [hbm4b:s8+s4], $0x200, v6, vm1, $0x38;
	[tilespmem:$0x1B180] =	vst v63  }
0x4f: {  	v6 =	vld.msk [tilespmem:$0x100], $0xff;
	_ =	sdelay $0x4  }
0x50: {  	v6 =	vmul.u32 $0x30000, v6;
	_ =	sdelay $0x1  }
0x51: {  	v7 =	vperm.xlane v6, v0;
	_ =	sdelay $0x1  }
0x52: {  	v8 =	vperm.xlane v6, v1;
	v7 =	vadd.s32 v3, v7;
	_ =	sdelay $0x1  }
0x53: {  	v6 =	vperm.xlane v6, v2;
	v8 =	vadd.s32 v4, v8;
	_ =	sdelay $0x1  }
0x54: {  	s21 =	simm.s32 $0xC180;
	s20 =	rddreg [dreg:$0x6];
	v6 =	vadd.s32 v5, v6  }
0x55: {  	[tilespmem:s21], [sflag:$0x3] =	stream.indirect_vreg.gather [hbm4b:s20+s4], $0x200, v7, vm1, $0x38;
	[tilespmem:$0x1B180] =	vst v63  }
0x56: {  	s22 =	simm.s32 $0xE180  }
0x57: {  	[tilespmem:s22], [sflag:$0x3] =	stream.indirect_vreg.gather [hbm4b:s20+s4], $0x200, v8, vm1, $0x38;
	[tilespmem:$0x1B180] =	vst v63  }
0x58: {  	s23 =	simm.s32 $0x10180  }
0x59: {  	[tilespmem:s23], [sflag:$0x3] =	stream.indirect_vreg.gather [hbm4b:s20+s4], $0x200, v6, vm1, $0x38;
	[tilespmem:$0x1B180] =	vst v63  }
0x5a: {  	v6 =	vld.msk [tilespmem:$0x100], $0xff;
	_ =	sdelay $0x4  }
0x5b: {  	v6 =	vmul.u32 $0x30000, v6;
	_ =	sdelay $0x1  }
0x5c: {  	v7 =	vperm.xlane v6, v0;
	_ =	sdelay $0x1  }
0x5d: {  	v8 =	vperm.xlane v6, v1;
	v7 =	vadd.s32 v3, v7;
	_ =	sdelay $0x1  }
0x5e: {  	v6 =	vperm.xlane v6, v2;
	v8 =	vadd.s32 v4, v8;
	_ =	sdelay $0x1  }
0x5f: {  	s24 =	rddreg [dreg:$0x7];
	s25 =	simm.s32 $0x12180;
	v9 =	vadd.s32 v5, v6  }
0x60: {  	[tilespmem:s25], [sflag:$0x4] =	stream.indirect_vreg.gather [hbm4b:s24+s4], $0x200, v7, vm1, $0x38;
	[tilespmem:$0x1B180] =	vst v63  }
0x61: {  	v10 =	vbroadcast v13, $0x4;
	v11 =	vbroadcast v13, $0x5  }
0x62: {  	v12 =	vbroadcast v13, $0x6;
	v6 =	vbroadcast v13, $0x0;
	[tilespmem:s26], [sflag:$0x4] =	stream.indirect_vreg.gather [hbm4b:s24+s4], $0x200, v8, vm1, $0x38;
	[tilespmem:$0x1B180] =	vst v63  }
0x63: {  	v7 =	vbroadcast v13, $0x1;
	v8 =	vbroadcast v13, $0x2  }
0x64: {  	[tilespmem:s28], [sflag:$0x4] =	stream.indirect_vreg.gather [hbm4b:s24+s4], $0x200, v9, vm1, $0x38;
	v9 =	vbroadcast v13, $0x3;
	v13 =	vbroadcast v13, $0x7;
	[tilespmem:$0x1B180] =	vst v63  }
0x65: {  	s17 =	simm.s32 $0x0  }
.LBB2_2:
0x66: {  	_ =	swait.ge [sflag:s29], $0x6000  }
0x67: {  	p0 =	seq.s32 s17, $0x0;
	[sflag:s29] =	ssyncset.done $0x0  }
0x68: {  	s19 =	simm.s32 @!p0 $0x5;
	[sflag:s29] =	ssyncadd.s32 $0xFFFFA000  }
0x69: {  	_ =	swait.ge @!p0 [sflag:s19], $0xC00  }
0x6a: {  	s18 =	smul.u32 $0x3000, s17;
	[sflag:s19] =	ssyncset.done @!p0 $0x0  }
0x6b: {  	s20 =	simm.s32 $0x0;
	[sflag:s19] =	ssyncadd.s32 @!p0 $0xFFFFF400;
	s19 =	simm.s32 $0x0  }
.LBB2_3:
0x6c: {  	s21 =	sshra.s32 s19, $0x2  }
0x6d: {  	v14 =	vld [tilespmem:s21+$0x1F0]  }
0x6e: {  	v15 =	vld [tilespmem:s21+$0xDF0]  }
0x6f: {  	v16 =	vld [tilespmem:s21+$0x180]  }
0x70: {  	v17 =	vld [tilespmem:s21+$0x19F0]  }
0x71: {  	v18 =	vld [tilespmem:s21+$0xD80]  }
0x72: {  	v19 =	vld [tilespmem:s21+$0x25F0]  }
0x73: {  	v20 =	vld [tilespmem:s21+$0x190]  }
0x74: {  	v21 =	vld [tilespmem:s21+$0x31F0]  }
0x75: {  	v22 =	vld [tilespmem:s21+$0xD90]  }
0x76: {  	v23 =	vld [tilespmem:s21+$0x1A0]  }
0x77: {  	v24 =	vld [tilespmem:s21+$0xDA0]  }
0x78: {  	v25 =	vld [tilespmem:s21+$0x1B0]  }
0x79: {  	v26 =	vld [tilespmem:s21+$0x1C0]  }
0x7a: {  	v27 =	vld [tilespmem:s21+$0x1D0]  }
0x7b: {  	v28 =	vld [tilespmem:s21+$0x1E0]  }
0x7c: {  	v29 =	vld [tilespmem:s21+$0x1980]  }
0x7d: {  	v30 =	vld [tilespmem:s21+$0x19A0]  }
0x7e: {  	v31 =	vld [tilespmem:s21+$0x19B0]  }
0x7f: {  	v32 =	vld [tilespmem:s21+$0x19C0];
	v14 =	vmul.f32 v14, v6;
	v15 =	vmul.f32 v15, v7  }
0x80: {  	v33 =	vld [tilespmem:s21+$0x19D0]  }
0x81: {  	v34 =	vld [tilespmem:s21+$0x19E0];
	v14 =	vadd.f32 v15, v14;
	v15 =	vmul.f32 v17, v8  }
0x82: {  	v17 =	vld [tilespmem:s21+$0x3DF0]  }
0x83: {  	v35 =	vld [tilespmem:s21+$0x2580];
	v14 =	vadd.f32 v15, v14;
	v15 =	vmul.f32 v19, v9  }
0x84: {  	v19 =	vld [tilespmem:s21+$0x49F0]  }
0x85: {  	v36 =	vld [tilespmem:s21+$0x2590];
	v14 =	vadd.f32 v15, v14;
	v15 =	vmul.f32 v21, v10  }
0x86: {  	v21 =	vld [tilespmem:s21+$0x55F0]  }
0x87: {  	v37 =	vld [tilespmem:s21+$0x25A0];
	v14 =	vadd.f32 v15, v14;
	v15 =	vmul.f32 v17, v11  }
0x88: {  	v38 =	vld [tilespmem:s21+$0x25B0]  }
0x89: {  	v39 =	vld [tilespmem:s21+$0x25C0];
	v14 =	vadd.f32 v15, v14;
	v15 =	vmul.f32 v19, v12  }
0x8a: {  	v52 =	vld [tilespmem:s21+$0x31B0];
	v16 =	vmul.f32 v16, v6;
	v18 =	vmul.f32 v18, v7  }
0x8b: {  	v17 =	vld [tilespmem:s21+$0xDB0];
	v14 =	vadd.f32 v15, v14;
	v15 =	vmul.f32 v21, v13  }
0x8c: {  	v16 =	vadd.f32 v18, v16;
	v19 =	vld [tilespmem:s21+$0xDC0]  }
0x8d: {  	v18 =	vmul.f32 v24, v7;
	v24 =	vmul.f32 v25, v6;
	v25 =	vld [tilespmem:s21+$0x25D0];
	v14 =	vadd.f32 v15, v14  }
0x8e: {  	v20 =	vmul.f32 v20, v6;
	v22 =	vmul.f32 v22, v7;
	v21 =	vld [tilespmem:s21+$0xDD0]  }
0x8f: {  	v23 =	vmul.f32 v23, v6;
	v53 =	vmul.f32 v34, v8;
	[tilespmem:s21+$0x181F0] =	vst v14;
	v14 =	vld [tilespmem:s21+$0x1990]  }
0x90: {  	v55 =	vmul.f32 v36, v9;
	v20 =	vadd.f32 v22, v20;
	v17 =	vmul.f32 v17, v7;
	v15 =	vld [tilespmem:s21+$0xDE0]  }
0x91: {  	v54 =	vld [tilespmem:s21+$0x31E0];
	v22 =	vmul.f32 v26, v6;
	v18 =	vadd.f32 v18, v23;
	v19 =	vmul.f32 v19, v7  }
0x92: {  	v56 =	vld [tilespmem:s21+$0x3D80];
	v23 =	vmul.f32 v27, v6;
	v25 =	vmul.f32 v25, v9;
	v17 =	vadd.f32 v17, v24  }
0x93: {  	v57 =	vld [tilespmem:s21+$0x3D90];
	v24 =	vmul.f32 v28, v6;
	v19 =	vadd.f32 v19, v22;
	v22 =	vmul.f32 v29, v8  }
0x94: {  	v58 =	vld [tilespmem:s21+$0x3DA0];
	v21 =	vmul.f32 v21, v7;
	v14 =	vmul.f32 v14, v8  }
0x95: {  	v26 =	vld [tilespmem:s21+$0x25E0];
	v15 =	vmul.f32 v15, v7;
	v16 =	vadd.f32 v22, v16;
	v22 =	vmul.f32 v31, v8  }
0x96: {  	v27 =	vld [tilespmem:s21+$0x3180];
	v21 =	vadd.f32 v21, v23;
	v14 =	vadd.f32 v14, v20;
	v20 =	vmul.f32 v32, v8  }
0x97: {  	v28 =	vld [tilespmem:s21+$0x3190];
	v23 =	vmul.f32 v30, v8;
	v17 =	vadd.f32 v22, v17;
	v22 =	vmul.f32 v33, v8  }
0x98: {  	v15 =	vadd.f32 v15, v24;
	v24 =	vld [tilespmem:s21+$0x31C0];
	v19 =	vadd.f32 v20, v19;
	v20 =	vmul.f32 v35, v9  }
0x99: {  	v29 =	vld [tilespmem:s21+$0x31A0];
	v18 =	vadd.f32 v23, v18;
	v21 =	vadd.f32 v22, v21;
	v22 =	vmul.f32 v37, v9  }
0x9a: {  	v59 =	vld [tilespmem:s21+$0x3DB0];
	v15 =	vadd.f32 v53, v15;
	v16 =	vadd.f32 v20, v16;
	v20 =	vmul.f32 v38, v9  }
0x9b: {  	v23 =	vld [tilespmem:s21+$0x31D0];
	v14 =	vadd.f32 v55, v14;
	v18 =	vadd.f32 v22, v18;
	v22 =	vmul.f32 v39, v9  }
0x9c: {  	v61 =	vld [tilespmem:s21+$0x49C0];
	v21 =	vadd.f32 v25, v21;
	v17 =	vadd.f32 v20, v17;
	v20 =	vmul.f32 v26, v9  }
0x9d: {  	v25 =	vld [tilespmem:s21+$0x3DD0];
	v24 =	vmul.f32 v24, v10;
	v19 =	vadd.f32 v22, v19;
	v22 =	vmul.f32 v28, v10  }
0x9e: {  	v28 =	vld [tilespmem:s21+$0x4980];
	v26 =	vmul.f32 v27, v10;
	v15 =	vadd.f32 v20, v15;
	v20 =	vmul.f32 v29, v10  }
0x9f: {  	v27 =	vld [tilespmem:s21+$0x3DC0];
	v14 =	vadd.f32 v22, v14;
	v22 =	vmul.f32 v52, v10;
	v19 =	vadd.f32 v24, v19  }
0xa0: {  	v16 =	vadd.f32 v26, v16;
	v26 =	vld [tilespmem:s21+$0x3DE0];
	v18 =	vadd.f32 v20, v18;
	v20 =	vmul.f32 v23, v10  }
0xa1: {  	v24 =	vld [tilespmem:s21+$0x49A0];
	v17 =	vadd.f32 v22, v17;
	v22 =	vmul.f32 v56, v11;
	v23 =	vmul.f32 v54, v10  }
0xa2: {  	v29 =	vld [tilespmem:s21+$0x4990];
	v20 =	vadd.f32 v20, v21;
	v21 =	vmul.f32 v57, v11  }
0xa3: {  	v16 =	vadd.f32 v22, v16;
	v22 =	vmul.f32 v58, v11;
	v15 =	vadd.f32 v23, v15;
	v23 =	vld [tilespmem:s21+$0x49B0]  }
0xa4: {  	v62 =	vadd.f32 v21, v14;
	v14 =	vmul.f32 v27, v11;
	v21 =	vmul.f32 v25, v11;
	v25 =	vld [tilespmem:s21+$0x49D0]  }
0xa5: {  	v60 =	vmul.f32 v59, v11;
	v18 =	vadd.f32 v22, v18;
	v22 =	vmul.f32 v26, v11;
	v26 =	vld [tilespmem:s21+$0x49E0]  }
0xa6: {  	v63 =	vld [tilespmem:s21+$0x5580];
	v27 =	vadd.f32 v14, v19;
	v19 =	vmul.f32 v28, v12;
	v28 =	vadd.f32 v21, v20  }
0xa7: {  	v20 =	vmul.f32 v29, v12;
	v14 =	vadd.f32 v22, v15;
	v15 =	vmul.f32 v24, v12;
	v24 =	vld [tilespmem:s21+$0x5590]  }
0xa8: {  	v21 =	vld [tilespmem:s21+$0x55A0];
	v19 =	vadd.f32 v19, v16;
	v16 =	vmul.f32 v23, v12;
	v23 =	vmul.f32 v61, v12  }
0xa9: {  	v17 =	vadd.f32 v60, v17;
	v22 =	vld [tilespmem:s21+$0x55B0];
	v20 =	vadd.f32 v20, v62;
	v25 =	vmul.f32 v25, v12  }
0xaa: {  	v18 =	vadd.f32 v15, v18;
	v26 =	vmul.f32 v26, v12;
	v15 =	vadd.f32 v23, v27;
	v23 =	vld [tilespmem:s21+$0x55C0]  }
0xab: {  	s22 =	simm.s32 $0x0;
	s23 =	sadd.s32 $0x800, s19;
	v17 =	vadd.f32 v16, v17;
	v27 =	vmul.f32 v63, v13;
	v16 =	vadd.f32 v25, v28;
	v25 =	vld [tilespmem:s21+$0x55D0]  }
.LBB2_4:
0xac: {  	s24 =	sshra.s32 s23, $0x2;
	v24 =	vmul.f32 v24, v13;
	v14 =	vadd.f32 v26, v14;
	v26 =	vld [tilespmem:s21+$0x55E0]  }
0xad: {  	s22 =	sadd.s32 $0x8, s22;
	v28 =	vld [tilespmem:s24+$0x1F0];
	v19 =	vadd.f32 v27, v19;
	v21 =	vmul.f32 v21, v13  }
0xae: {  	p1 =	slt.u32 s22, $0x28;
	v27 =	vld [tilespmem:s24+$0xDF0];
	v20 =	vadd.f32 v24, v20;
	v22 =	vmul.f32 v22, v13  }
0xaf: {  	v24 =	vld [tilespmem:s24+$0x180];
	[tilespmem:s21+$0x18180] =	vst v19;
	v18 =	vadd.f32 v21, v18;
	v19 =	vmul.f32 v23, v13  }
0xb0: {  	v21 =	vld [tilespmem:s24+$0x19F0];
	[tilespmem:s21+$0x18190] =	vst v20;
	v17 =	vadd.f32 v22, v17;
	v20 =	vmul.f32 v25, v13  }
0xb1: {  	v22 =	vld [tilespmem:s24+$0xD80];
	[tilespmem:s21+$0x181A0] =	vst v18;
	v15 =	vadd.f32 v19, v15;
	v18 =	vmul.f32 v26, v13  }
0xb2: {  	v19 =	vld [tilespmem:s24+$0x25F0];
	[tilespmem:s21+$0x181B0] =	vst v17;
	v16 =	vadd.f32 v20, v16  }
0xb3: {  	v20 =	vmul.f32 v28, v6;
	v17 =	vld [tilespmem:s24+$0x190];
	v23 =	vmul.f32 v27, v7;
	[tilespmem:s21+$0x181C0] =	vst v15;
	v14 =	vadd.f32 v18, v14  }
0xb4: {  	v15 =	vmul.f32 v24, v6;
	v18 =	vld [tilespmem:s24+$0x31F0];
	[tilespmem:s21+$0x181D0] =	vst v16  }
0xb5: {  	v16 =	vld [tilespmem:s24+$0xD90];
	v20 =	vadd.f32 v23, v20;
	v21 =	vmul.f32 v21, v8;
	[tilespmem:s21+$0x181E0] =	vst v14;
	s21 =	smov.u32 s24  }
0xb6: {  	v14 =	vmul.f32 v22, v7;
	v22 =	vld [tilespmem:s21+$0x3DF0]  }
0xb7: {  	v23 =	vld [tilespmem:s21+$0x1A0];
	v20 =	vadd.f32 v21, v20;
	v19 =	vmul.f32 v19, v9  }
0xb8: {  	v14 =	vadd.f32 v14, v15;
	v15 =	vmul.f32 v17, v6;
	v17 =	vld [tilespmem:s21+$0x49F0]  }
0xb9: {  	v21 =	vld [tilespmem:s21+$0xDA0];
	v19 =	vadd.f32 v19, v20;
	v18 =	vmul.f32 v18, v10  }
0xba: {  	v16 =	vmul.f32 v16, v7;
	v20 =	vld [tilespmem:s21+$0x55F0]  }
0xbb: {  	v24 =	vld [tilespmem:s21+$0x1B0];
	v18 =	vadd.f32 v18, v19;
	v19 =	vmul.f32 v22, v11  }
0xbc: {  	v15 =	vadd.f32 v16, v15;
	v16 =	vmul.f32 v23, v6;
	v22 =	vld [tilespmem:s21+$0xDB0]  }
0xbd: {  	v23 =	vld [tilespmem:s21+$0x1C0];
	v18 =	vadd.f32 v19, v18;
	v17 =	vmul.f32 v17, v12  }
0xbe: {  	v19 =	vmul.f32 v21, v7;
	v21 =	vld [tilespmem:s21+$0xDC0]  }
0xbf: {  	v25 =	vld [tilespmem:s21+$0x1D0];
	v17 =	vadd.f32 v17, v18;
	v18 =	vmul.f32 v20, v13  }
0xc0: {  	v16 =	vadd.f32 v19, v16;
	v19 =	vmul.f32 v24, v6;
	v20 =	vld [tilespmem:s21+$0xDD0]  }
0xc1: {  	v22 =	vmul.f32 v22, v7;
	v24 =	vld [tilespmem:s21+$0x1E0];
	v17 =	vadd.f32 v18, v17  }
0xc2: {  	v18 =	vmul.f32 v23, v6;
	v23 =	vld [tilespmem:s21+$0xDE0]  }
0xc3: {  	v26 =	vld [tilespmem:s21+$0x1980];
	v19 =	vadd.f32 v22, v19;
	v21 =	vmul.f32 v21, v7;
	[tilespmem:s21+$0x181F0] =	vst v17  }
0xc4: {  	v17 =	vld [tilespmem:s21+$0x1990];
	v22 =	vmul.f32 v25, v6  }
0xc5: {  	v25 =	vld [tilespmem:s21+$0x19A0];
	v18 =	vadd.f32 v21, v18;
	v20 =	vmul.f32 v20, v7  }
0xc6: {  	v21 =	vld [tilespmem:s21+$0x19B0];
	v24 =	vmul.f32 v24, v6  }
0xc7: {  	v27 =	vld [tilespmem:s21+$0x19C0];
	v20 =	vadd.f32 v20, v22;
	v22 =	vmul.f32 v23, v7  }
0xc8: {  	v23 =	vmul.f32 v26, v8;
	v26 =	vld [tilespmem:s21+$0x19D0]  }
0xc9: {  	v17 =	vmul.f32 v17, v8;
	v22 =	vadd.f32 v22, v24;
	v24 =	vld [tilespmem:s21+$0x19E0]  }
0xca: {  	v14 =	vadd.f32 v23, v14;
	v23 =	vld [tilespmem:s21+$0x2580];
	v25 =	vmul.f32 v25, v8  }
0xcb: {  	v15 =	vadd.f32 v17, v15;
	v17 =	vld [tilespmem:s21+$0x2590];
	v21 =	vmul.f32 v21, v8  }
0xcc: {  	v16 =	vadd.f32 v25, v16;
	v25 =	vld [tilespmem:s21+$0x25A0];
	v27 =	vmul.f32 v27, v8  }
0xcd: {  	v19 =	vadd.f32 v21, v19;
	v21 =	vld [tilespmem:s21+$0x25B0];
	v26 =	vmul.f32 v26, v8  }
0xce: {  	v18 =	vadd.f32 v27, v18;
	v27 =	vld [tilespmem:s21+$0x25C0];
	v24 =	vmul.f32 v24, v8  }
0xcf: {  	v23 =	vmul.f32 v23, v9;
	v20 =	vadd.f32 v26, v20;
	v26 =	vld [tilespmem:s21+$0x25D0]  }
0xd0: {  	v17 =	vmul.f32 v17, v9;
	v22 =	vadd.f32 v24, v22;
	v24 =	vld [tilespmem:s21+$0x25E0]  }
0xd1: {  	v14 =	vadd.f32 v23, v14;
	v23 =	vld [tilespmem:s21+$0x3180];
	v25 =	vmul.f32 v25, v9  }
0xd2: {  	v15 =	vadd.f32 v17, v15;
	v17 =	vld [tilespmem:s21+$0x3190];
	v21 =	vmul.f32 v21, v9  }
0xd3: {  	v16 =	vadd.f32 v25, v16;
	v25 =	vld [tilespmem:s21+$0x31A0];
	v27 =	vmul.f32 v27, v9  }
0xd4: {  	v19 =	vadd.f32 v21, v19;
	v21 =	vld [tilespmem:s21+$0x31B0];
	v26 =	vmul.f32 v26, v9  }
0xd5: {  	v18 =	vadd.f32 v27, v18;
	v27 =	vld [tilespmem:s21+$0x31C0];
	v24 =	vmul.f32 v24, v9  }
0xd6: {  	v23 =	vmul.f32 v23, v10;
	v20 =	vadd.f32 v26, v20;
	v26 =	vld [tilespmem:s21+$0x31D0]  }
0xd7: {  	v17 =	vmul.f32 v17, v10;
	v22 =	vadd.f32 v24, v22;
	v24 =	vld [tilespmem:s21+$0x31E0]  }
0xd8: {  	v14 =	vadd.f32 v23, v14;
	v23 =	vld [tilespmem:s21+$0x3D80];
	v25 =	vmul.f32 v25, v10  }
0xd9: {  	v15 =	vadd.f32 v17, v15;
	v17 =	vld [tilespmem:s21+$0x3D90];
	v21 =	vmul.f32 v21, v10  }
0xda: {  	v16 =	vadd.f32 v25, v16;
	v25 =	vld [tilespmem:s21+$0x3DA0];
	v27 =	vmul.f32 v27, v10  }
0xdb: {  	v19 =	vadd.f32 v21, v19;
	v21 =	vld [tilespmem:s21+$0x3DB0];
	v26 =	vmul.f32 v26, v10  }
0xdc: {  	v18 =	vadd.f32 v27, v18;
	v27 =	vld [tilespmem:s21+$0x3DC0];
	v24 =	vmul.f32 v24, v10  }
0xdd: {  	v23 =	vmul.f32 v23, v11;
	v20 =	vadd.f32 v26, v20;
	v26 =	vld [tilespmem:s21+$0x3DD0]  }
0xde: {  	v17 =	vmul.f32 v17, v11;
	v22 =	vadd.f32 v24, v22;
	v24 =	vld [tilespmem:s21+$0x3DE0]  }
0xdf: {  	v23 =	vadd.f32 v23, v14;
	v14 =	vld [tilespmem:s21+$0x4980];
	v25 =	vmul.f32 v25, v11  }
0xe0: {  	v15 =	vadd.f32 v17, v15;
	v17 =	vld [tilespmem:s21+$0x4990];
	v21 =	vmul.f32 v21, v11  }
0xe1: {  	v16 =	vadd.f32 v25, v16;
	v25 =	vld [tilespmem:s21+$0x49A0];
	v27 =	vmul.f32 v27, v11  }
0xe2: {  	v28 =	vadd.f32 v21, v19;
	v21 =	vld [tilespmem:s21+$0x49B0];
	v19 =	vmul.f32 v26, v11  }
0xe3: {  	v26 =	vadd.f32 v27, v18;
	v27 =	vld [tilespmem:s21+$0x49C0];
	v18 =	vmul.f32 v24, v11  }
0xe4: {  	v24 =	vmul.f32 v14, v12;
	v29 =	vadd.f32 v19, v20;
	v30 =	vld [tilespmem:s21+$0x49D0]  }
0xe5: {  	v17 =	vmul.f32 v17, v12;
	v14 =	vadd.f32 v18, v22;
	v31 =	vld [tilespmem:s21+$0x49E0]  }
0xe6: {  	v19 =	vadd.f32 v24, v23;
	v32 =	vld [tilespmem:s21+$0x5580];
	v18 =	vmul.f32 v25, v12  }
.Ltmp2:
0xe7: {  	v20 =	vadd.f32 v17, v15;
	v24 =	vld [tilespmem:s21+$0x5590];
	v15 =	vmul.f32 v21, v12;
	(pc) =	sbr.rel @p1 .LBB2_4-.Ltmp2, $4  }
0xe8: {  	v18 =	vadd.f32 v18, v16;
	v21 =	vld [tilespmem:s21+$0x55A0];
	v16 =	vmul.f32 v27, v12  }
0xe9: {  	v17 =	vadd.f32 v15, v28;
	v22 =	vld [tilespmem:s21+$0x55B0];
	v25 =	vmul.f32 v30, v12  }
0xea: {  	v15 =	vadd.f32 v16, v26;
	v23 =	vld [tilespmem:s21+$0x55C0];
	v26 =	vmul.f32 v31, v12  }
0xeb: {  	s23 =	sadd.s32 $0x800, s23;
	v27 =	vmul.f32 v32, v13;
	v16 =	vadd.f32 v25, v29;
	v25 =	vld [tilespmem:s21+$0x55D0]  }
0xec: {  	v24 =	vmul.f32 v24, v13;
	v28 =	vld [tilespmem:s21+$0x55E0]  }
0xed: {  	v19 =	vadd.f32 v27, v19;
	v21 =	vmul.f32 v21, v13  }
0xee: {  	v20 =	vadd.f32 v24, v20;
	v22 =	vmul.f32 v22, v13  }
0xef: {  	s20 =	sadd.s32 $0x1, s20;
	[tilespmem:s21+$0x18180] =	vst v19;
	v18 =	vadd.f32 v21, v18;
	v61 =	vmul.f32 v23, v13  }
0xf0: {  	p1 =	sne.s32 s20, $0x4;
	[tilespmem:s21+$0x18190] =	vst v20;
	v17 =	vadd.f32 v22, v17;
	v62 =	vmul.f32 v25, v13  }
.Ltmp3:
0xf1: {  	v14 =	vadd.f32 v26, v14;
	[tilespmem:s21+$0x181A0] =	vst v18;
	v15 =	vadd.f32 v61, v15;
	v63 =	vmul.f32 v28, v13;
	(pc) =	sbr.rel @p1 .LBB2_3-.Ltmp3, $4  }
0xf2: {  	[tilespmem:s21+$0x181B0] =	vst v17;
	v16 =	vadd.f32 v62, v16  }
0xf3: {  	[tilespmem:s21+$0x181C0] =	vst v15;
	v14 =	vadd.f32 v63, v14  }
0xf4: {  	[tilespmem:s21+$0x181D0] =	vst v16  }
0xf5: {  	s19 =	sadd.s32 $0x200, s19;
	[tilespmem:s21+$0x181E0] =	vst v14  }
0xf6: {  	p1 =	sne.s32 s17, $0xF  }
.Ltmp4:
0xf7: {  	_ = 	snop;
	(pc) =	sbr.rel @p1 .LBB2_8-.Ltmp4, $4  }
0xf8: {  	s19 =	sadd.s32 s6, s18  }
0xf9: {  	s19 =	sshrl.u32 s19, $0x3  }
0xfa: {  	s20 =	sadd.s32 s3, s19  }
0xfb: {  	[hbm4b:s20+s30] =	stream.strided.scatter [tilespmem:s2], [sflag:$0x5], $0xC00, s31, s30, $0x38;
	[tilespmem:$0x1B180] =	vst v63  }
.Ltmp5:
0xfc: {  	(pc) =	sbr.rel .LBB2_9-.Ltmp5, $4  }
0xfd: {  	_ = 	snop  }
0xfe: {  	_ =	swait.ge [sflag:s1], $0x6000  }
0xff: {  	[sflag:s1] =	ssyncset.done $0x0  }
0x100: {  	[sflag:s1] =	ssyncadd.s32 $0xFFFFA000  }
.LBB2_8:
0x101: {  	v14 =	vld.msk [tilespmem:$0x100], $0xff;
	_ =	sdelay $0x4  }
0x102: {  	v14 =	vmul.u32 $0x30000, v14;
	_ =	sdelay $0x1  }
0x103: {  	v15 =	vperm.xlane v14, v0;
	_ =	sdelay $0x1  }
0x104: {  	v16 =	vperm.xlane v14, v1;
	v15 =	vadd.s32 v3, v15;
	_ =	sdelay $0x1  }
0x105: {  	s20 =	sshrl.u32 s18, $0x3;
	v14 =	vperm.xlane v14, v2;
	v16 =	vadd.s32 v4, v16  }
0x106: {  	s20 =	sadd.s32 s0, s20  }
0x107: {  	s21 =	simm.s32 $0x180;
	s20 =	sadd.s32 $0x600, s20;
	v14 =	vadd.s32 v5, v14  }
0x108: {  	[tilespmem:s21], [sflag:$0x1] =	stream.indirect_vreg.gather [hbm4b:s20+s4], $0x200, v15, vm1, $0x38;
	[tilespmem:$0x1B180] =	vst v63  }
0x109: {  	s24 =	simm.s32 $0x2180  }
0x10a: {  	[tilespmem:s24], [sflag:$0x1] =	stream.indirect_vreg.gather [hbm4b:s20+s4], $0x200, v16, vm1, $0x38;
	[tilespmem:$0x1B180] =	vst v63  }
.Ltmp6:
0x10b: {  	s25 =	simm.s32 $0x4180;
	(pc) =	sbr.rel @p0 .LBB2_10-.Ltmp6, $4  }
0x10c: {  	[tilespmem:s25], [sflag:$0x1] =	stream.indirect_vreg.gather [hbm4b:s20+s4], $0x200, v14, vm1, $0x38;
	[tilespmem:$0x1B180] =	vst v63  }
0x10d: {  	_ =	swait.ge [sflag:s1], $0x6000  }
0x10e: {  	[sflag:s1] =	ssyncset.done $0x0  }
0x10f: {  	[sflag:s1] =	ssyncadd.s32 $0xFFFFA000  }
.LBB2_9:
0x110: {  	_ =	swait.ge [sflag:s15], $0xC00  }
0x111: {  	[sflag:s15] =	ssyncset.done $0x0  }
0x112: {  	[sflag:s15] =	ssyncadd.s32 $0xFFFFF400  }
.LBB2_10:
0x113: {  	s20 =	simm.s32 $0x0;
	s21 =	simm.s32 $0x0  }
.LBB2_11:
0x114: {  	s22 =	sshra.s32 s20, $0x2  }
0x115: {  	v14 =	vld [tilespmem:s22+$0x61F0]  }
0x116: {  	v15 =	vld [tilespmem:s22+$0x6DF0]  }
0x117: {  	v16 =	vld [tilespmem:s22+$0x6180]  }
0x118: {  	v17 =	vld [tilespmem:s22+$0x79F0]  }
0x119: {  	v18 =	vld [tilespmem:s22+$0x6D80]  }
0x11a: {  	v19 =	vld [tilespmem:s22+$0x85F0]  }
0x11b: {  	v20 =	vld [tilespmem:s22+$0x6190]  }
0x11c: {  	v21 =	vld [tilespmem:s22+$0x91F0]  }
0x11d: {  	v22 =	vld [tilespmem:s22+$0x6D90]  }
0x11e: {  	v23 =	vld [tilespmem:s22+$0x61A0]  }
0x11f: {  	v24 =	vld [tilespmem:s22+$0x6DA0]  }
0x120: {  	v25 =	vld [tilespmem:s22+$0x61B0]  }
0x121: {  	v26 =	vld [tilespmem:s22+$0x61C0]  }
0x122: {  	v27 =	vld [tilespmem:s22+$0x61D0]  }
0x123: {  	v28 =	vld [tilespmem:s22+$0x61E0]  }
0x124: {  	v29 =	vld [tilespmem:s22+$0x7980]  }
0x125: {  	v30 =	vld [tilespmem:s22+$0x79A0]  }
0x126: {  	v31 =	vld [tilespmem:s22+$0x79B0]  }
0x127: {  	v32 =	vld [tilespmem:s22+$0x79C0];
	v14 =	vmul.f32 v14, v6;
	v15 =	vmul.f32 v15, v7  }
0x128: {  	v33 =	vld [tilespmem:s22+$0x79D0]  }
0x129: {  	v34 =	vld [tilespmem:s22+$0x79E0];
	v14 =	vadd.f32 v15, v14;
	v15 =	vmul.f32 v17, v8  }
0x12a: {  	v17 =	vld [tilespmem:s22+$0x9DF0]  }
0x12b: {  	v35 =	vld [tilespmem:s22+$0x8580];
	v14 =	vadd.f32 v15, v14;
	v15 =	vmul.f32 v19, v9  }
0x12c: {  	v19 =	vld [tilespmem:s22+$0xA9F0]  }
0x12d: {  	v36 =	vld [tilespmem:s22+$0x8590];
	v14 =	vadd.f32 v15, v14;
	v15 =	vmul.f32 v21, v10  }
0x12e: {  	v21 =	vld [tilespmem:s22+$0xB5F0]  }
0x12f: {  	v37 =	vld [tilespmem:s22+$0x85A0];
	v14 =	vadd.f32 v15, v14;
	v15 =	vmul.f32 v17, v11  }
0x130: {  	v38 =	vld [tilespmem:s22+$0x85B0]  }
0x131: {  	v39 =	vld [tilespmem:s22+$0x85C0];
	v14 =	vadd.f32 v15, v14;
	v15 =	vmul.f32 v19, v12  }
0x132: {  	v52 =	vld [tilespmem:s22+$0x91B0];
	v16 =	vmul.f32 v16, v6;
	v18 =	vmul.f32 v18, v7  }
0x133: {  	v17 =	vld [tilespmem:s22+$0x6DB0];
	v14 =	vadd.f32 v15, v14;
	v15 =	vmul.f32 v21, v13  }
0x134: {  	v16 =	vadd.f32 v18, v16;
	v19 =	vld [tilespmem:s22+$0x6DC0]  }
0x135: {  	v18 =	vmul.f32 v24, v7;
	v24 =	vmul.f32 v25, v6;
	v25 =	vld [tilespmem:s22+$0x85D0];
	v14 =	vadd.f32 v15, v14  }
0x136: {  	v20 =	vmul.f32 v20, v6;
	v22 =	vmul.f32 v22, v7;
	v21 =	vld [tilespmem:s22+$0x6DD0]  }
0x137: {  	v23 =	vmul.f32 v23, v6;
	v53 =	vmul.f32 v34, v8;
	[tilespmem:s22+$0x18DF0] =	vst v14;
	v14 =	vld [tilespmem:s22+$0x7990]  }
0x138: {  	v55 =	vmul.f32 v36, v9;
	v20 =	vadd.f32 v22, v20;
	v17 =	vmul.f32 v17, v7;
	v15 =	vld [tilespmem:s22+$0x6DE0]  }
0x139: {  	v54 =	vld [tilespmem:s22+$0x91E0];
	v22 =	vmul.f32 v26, v6;
	v18 =	vadd.f32 v18, v23;
	v19 =	vmul.f32 v19, v7  }
0x13a: {  	v56 =	vld [tilespmem:s22+$0x9D80];
	v23 =	vmul.f32 v27, v6;
	v25 =	vmul.f32 v25, v9;
	v17 =	vadd.f32 v17, v24  }
0x13b: {  	v57 =	vld [tilespmem:s22+$0x9D90];
	v24 =	vmul.f32 v28, v6;
	v19 =	vadd.f32 v19, v22;
	v22 =	vmul.f32 v29, v8  }
0x13c: {  	v58 =	vld [tilespmem:s22+$0x9DA0];
	v21 =	vmul.f32 v21, v7;
	v14 =	vmul.f32 v14, v8  }
0x13d: {  	v26 =	vld [tilespmem:s22+$0x85E0];
	v15 =	vmul.f32 v15, v7;
	v16 =	vadd.f32 v22, v16;
	v22 =	vmul.f32 v31, v8  }
0x13e: {  	v27 =	vld [tilespmem:s22+$0x9180];
	v21 =	vadd.f32 v21, v23;
	v14 =	vadd.f32 v14, v20;
	v20 =	vmul.f32 v32, v8  }
0x13f: {  	v28 =	vld [tilespmem:s22+$0x9190];
	v23 =	vmul.f32 v30, v8;
	v17 =	vadd.f32 v22, v17;
	v22 =	vmul.f32 v33, v8  }
0x140: {  	v15 =	vadd.f32 v15, v24;
	v24 =	vld [tilespmem:s22+$0x91C0];
	v19 =	vadd.f32 v20, v19;
	v20 =	vmul.f32 v35, v9  }
0x141: {  	v29 =	vld [tilespmem:s22+$0x91A0];
	v18 =	vadd.f32 v23, v18;
	v21 =	vadd.f32 v22, v21;
	v22 =	vmul.f32 v37, v9  }
0x142: {  	v59 =	vld [tilespmem:s22+$0x9DB0];
	v15 =	vadd.f32 v53, v15;
	v16 =	vadd.f32 v20, v16;
	v20 =	vmul.f32 v38, v9  }
0x143: {  	v23 =	vld [tilespmem:s22+$0x91D0];
	v14 =	vadd.f32 v55, v14;
	v18 =	vadd.f32 v22, v18;
	v22 =	vmul.f32 v39, v9  }
0x144: {  	v61 =	vld [tilespmem:s22+$0xA9C0];
	v21 =	vadd.f32 v25, v21;
	v17 =	vadd.f32 v20, v17;
	v20 =	vmul.f32 v26, v9  }
0x145: {  	v25 =	vld [tilespmem:s22+$0x9DD0];
	v24 =	vmul.f32 v24, v10;
	v19 =	vadd.f32 v22, v19;
	v22 =	vmul.f32 v28, v10  }
0x146: {  	v28 =	vld [tilespmem:s22+$0xA980];
	v26 =	vmul.f32 v27, v10;
	v15 =	vadd.f32 v20, v15;
	v20 =	vmul.f32 v29, v10  }
0x147: {  	v27 =	vld [tilespmem:s22+$0x9DC0];
	v14 =	vadd.f32 v22, v14;
	v22 =	vmul.f32 v52, v10;
	v19 =	vadd.f32 v24, v19  }
0x148: {  	v16 =	vadd.f32 v26, v16;
	v26 =	vld [tilespmem:s22+$0x9DE0];
	v18 =	vadd.f32 v20, v18;
	v20 =	vmul.f32 v23, v10  }
0x149: {  	v24 =	vld [tilespmem:s22+$0xA9A0];
	v17 =	vadd.f32 v22, v17;
	v22 =	vmul.f32 v56, v11;
	v23 =	vmul.f32 v54, v10  }
0x14a: {  	v29 =	vld [tilespmem:s22+$0xA990];
	v20 =	vadd.f32 v20, v21;
	v21 =	vmul.f32 v57, v11  }
0x14b: {  	v16 =	vadd.f32 v22, v16;
	v22 =	vmul.f32 v58, v11;
	v15 =	vadd.f32 v23, v15;
	v23 =	vld [tilespmem:s22+$0xA9B0]  }
0x14c: {  	v62 =	vadd.f32 v21, v14;
	v14 =	vmul.f32 v27, v11;
	v21 =	vmul.f32 v25, v11;
	v25 =	vld [tilespmem:s22+$0xA9D0]  }
0x14d: {  	v60 =	vmul.f32 v59, v11;
	v18 =	vadd.f32 v22, v18;
	v22 =	vmul.f32 v26, v11;
	v26 =	vld [tilespmem:s22+$0xA9E0]  }
0x14e: {  	v63 =	vld [tilespmem:s22+$0xB580];
	v27 =	vadd.f32 v14, v19;
	v19 =	vmul.f32 v28, v12;
	v28 =	vadd.f32 v21, v20  }
0x14f: {  	v20 =	vmul.f32 v29, v12;
	v14 =	vadd.f32 v22, v15;
	v15 =	vmul.f32 v24, v12;
	v24 =	vld [tilespmem:s22+$0xB590]  }
0x150: {  	v21 =	vld [tilespmem:s22+$0xB5A0];
	v19 =	vadd.f32 v19, v16;
	v16 =	vmul.f32 v23, v12;
	v23 =	vmul.f32 v61, v12  }
0x151: {  	v17 =	vadd.f32 v60, v17;
	v22 =	vld [tilespmem:s22+$0xB5B0];
	v20 =	vadd.f32 v20, v62;
	v25 =	vmul.f32 v25, v12  }
0x152: {  	v18 =	vadd.f32 v15, v18;
	v26 =	vmul.f32 v26, v12;
	v15 =	vadd.f32 v23, v27;
	v23 =	vld [tilespmem:s22+$0xB5C0]  }
0x153: {  	s23 =	simm.s32 $0x0;
	s24 =	sadd.s32 $0x800, s20;
	v17 =	vadd.f32 v16, v17;
	v27 =	vmul.f32 v63, v13;
	v16 =	vadd.f32 v25, v28;
	v25 =	vld [tilespmem:s22+$0xB5D0]  }
.LBB2_12:
0x154: {  	s25 =	sshra.s32 s24, $0x2;
	v24 =	vmul.f32 v24, v13;
	v14 =	vadd.f32 v26, v14;
	v26 =	vld [tilespmem:s22+$0xB5E0]  }
0x155: {  	s23 =	sadd.s32 $0x8, s23;
	v28 =	vld [tilespmem:s25+$0x61F0];
	v19 =	vadd.f32 v27, v19;
	v21 =	vmul.f32 v21, v13  }
0x156: {  	p2 =	slt.u32 s23, $0x28;
	v27 =	vld [tilespmem:s25+$0x6DF0];
	v20 =	vadd.f32 v24, v20;
	v22 =	vmul.f32 v22, v13  }
0x157: {  	v24 =	vld [tilespmem:s25+$0x6180];
	[tilespmem:s22+$0x18D80] =	vst v19;
	v18 =	vadd.f32 v21, v18;
	v19 =	vmul.f32 v23, v13  }
0x158: {  	v21 =	vld [tilespmem:s25+$0x79F0];
	[tilespmem:s22+$0x18D90] =	vst v20;
	v17 =	vadd.f32 v22, v17;
	v20 =	vmul.f32 v25, v13  }
0x159: {  	v22 =	vld [tilespmem:s25+$0x6D80];
	[tilespmem:s22+$0x18DA0] =	vst v18;
	v15 =	vadd.f32 v19, v15;
	v18 =	vmul.f32 v26, v13  }
0x15a: {  	v19 =	vld [tilespmem:s25+$0x85F0];
	[tilespmem:s22+$0x18DB0] =	vst v17;
	v16 =	vadd.f32 v20, v16  }
0x15b: {  	v20 =	vmul.f32 v28, v6;
	v17 =	vld [tilespmem:s25+$0x6190];
	v23 =	vmul.f32 v27, v7;
	[tilespmem:s22+$0x18DC0] =	vst v15;
	v14 =	vadd.f32 v18, v14  }
0x15c: {  	v15 =	vmul.f32 v24, v6;
	v18 =	vld [tilespmem:s25+$0x91F0];
	[tilespmem:s22+$0x18DD0] =	vst v16  }
0x15d: {  	v16 =	vld [tilespmem:s25+$0x6D90];
	v20 =	vadd.f32 v23, v20;
	v21 =	vmul.f32 v21, v8;
	[tilespmem:s22+$0x18DE0] =	vst v14;
	s22 =	smov.u32 s25  }
0x15e: {  	v14 =	vmul.f32 v22, v7;
	v22 =	vld [tilespmem:s22+$0x9DF0]  }
0x15f: {  	v23 =	vld [tilespmem:s22+$0x61A0];
	v20 =	vadd.f32 v21, v20;
	v19 =	vmul.f32 v19, v9  }
0x160: {  	v14 =	vadd.f32 v14, v15;
	v15 =	vmul.f32 v17, v6;
	v17 =	vld [tilespmem:s22+$0xA9F0]  }
0x161: {  	v21 =	vld [tilespmem:s22+$0x6DA0];
	v19 =	vadd.f32 v19, v20;
	v18 =	vmul.f32 v18, v10  }
0x162: {  	v16 =	vmul.f32 v16, v7;
	v20 =	vld [tilespmem:s22+$0xB5F0]  }
0x163: {  	v24 =	vld [tilespmem:s22+$0x61B0];
	v18 =	vadd.f32 v18, v19;
	v19 =	vmul.f32 v22, v11  }
0x164: {  	v15 =	vadd.f32 v16, v15;
	v16 =	vmul.f32 v23, v6;
	v22 =	vld [tilespmem:s22+$0x6DB0]  }
0x165: {  	v23 =	vld [tilespmem:s22+$0x61C0];
	v18 =	vadd.f32 v19, v18;
	v17 =	vmul.f32 v17, v12  }
0x166: {  	v19 =	vmul.f32 v21, v7;
	v21 =	vld [tilespmem:s22+$0x6DC0]  }
0x167: {  	v25 =	vld [tilespmem:s22+$0x61D0];
	v17 =	vadd.f32 v17, v18;
	v18 =	vmul.f32 v20, v13  }
0x168: {  	v16 =	vadd.f32 v19, v16;
	v19 =	vmul.f32 v24, v6;
	v20 =	vld [tilespmem:s22+$0x6DD0]  }
0x169: {  	v22 =	vmul.f32 v22, v7;
	v24 =	vld [tilespmem:s22+$0x61E0];
	v17 =	vadd.f32 v18, v17  }
0x16a: {  	v18 =	vmul.f32 v23, v6;
	v23 =	vld [tilespmem:s22+$0x6DE0]  }
0x16b: {  	v26 =	vld [tilespmem:s22+$0x7980];
	v19 =	vadd.f32 v22, v19;
	v21 =	vmul.f32 v21, v7;
	[tilespmem:s22+$0x18DF0] =	vst v17  }
0x16c: {  	v17 =	vld [tilespmem:s22+$0x7990];
	v22 =	vmul.f32 v25, v6  }
0x16d: {  	v25 =	vld [tilespmem:s22+$0x79A0];
	v18 =	vadd.f32 v21, v18;
	v20 =	vmul.f32 v20, v7  }
0x16e: {  	v21 =	vld [tilespmem:s22+$0x79B0];
	v24 =	vmul.f32 v24, v6  }
0x16f: {  	v27 =	vld [tilespmem:s22+$0x79C0];
	v20 =	vadd.f32 v20, v22;
	v22 =	vmul.f32 v23, v7  }
0x170: {  	v23 =	vmul.f32 v26, v8;
	v26 =	vld [tilespmem:s22+$0x79D0]  }
0x171: {  	v17 =	vmul.f32 v17, v8;
	v22 =	vadd.f32 v22, v24;
	v24 =	vld [tilespmem:s22+$0x79E0]  }
0x172: {  	v14 =	vadd.f32 v23, v14;
	v23 =	vld [tilespmem:s22+$0x8580];
	v25 =	vmul.f32 v25, v8  }
0x173: {  	v15 =	vadd.f32 v17, v15;
	v17 =	vld [tilespmem:s22+$0x8590];
	v21 =	vmul.f32 v21, v8  }
0x174: {  	v16 =	vadd.f32 v25, v16;
	v25 =	vld [tilespmem:s22+$0x85A0];
	v27 =	vmul.f32 v27, v8  }
0x175: {  	v19 =	vadd.f32 v21, v19;
	v21 =	vld [tilespmem:s22+$0x85B0];
	v26 =	vmul.f32 v26, v8  }
0x176: {  	v18 =	vadd.f32 v27, v18;
	v27 =	vld [tilespmem:s22+$0x85C0];
	v24 =	vmul.f32 v24, v8  }
0x177: {  	v23 =	vmul.f32 v23, v9;
	v20 =	vadd.f32 v26, v20;
	v26 =	vld [tilespmem:s22+$0x85D0]  }
0x178: {  	v17 =	vmul.f32 v17, v9;
	v22 =	vadd.f32 v24, v22;
	v24 =	vld [tilespmem:s22+$0x85E0]  }
0x179: {  	v14 =	vadd.f32 v23, v14;
	v23 =	vld [tilespmem:s22+$0x9180];
	v25 =	vmul.f32 v25, v9  }
0x17a: {  	v15 =	vadd.f32 v17, v15;
	v17 =	vld [tilespmem:s22+$0x9190];
	v21 =	vmul.f32 v21, v9  }
0x17b: {  	v16 =	vadd.f32 v25, v16;
	v25 =	vld [tilespmem:s22+$0x91A0];
	v27 =	vmul.f32 v27, v9  }
0x17c: {  	v19 =	vadd.f32 v21, v19;
	v21 =	vld [tilespmem:s22+$0x91B0];
	v26 =	vmul.f32 v26, v9  }
0x17d: {  	v18 =	vadd.f32 v27, v18;
	v27 =	vld [tilespmem:s22+$0x91C0];
	v24 =	vmul.f32 v24, v9  }
0x17e: {  	v23 =	vmul.f32 v23, v10;
	v20 =	vadd.f32 v26, v20;
	v26 =	vld [tilespmem:s22+$0x91D0]  }
0x17f: {  	v17 =	vmul.f32 v17, v10;
	v22 =	vadd.f32 v24, v22;
	v24 =	vld [tilespmem:s22+$0x91E0]  }
0x180: {  	v14 =	vadd.f32 v23, v14;
	v23 =	vld [tilespmem:s22+$0x9D80];
	v25 =	vmul.f32 v25, v10  }
0x181: {  	v15 =	vadd.f32 v17, v15;
	v17 =	vld [tilespmem:s22+$0x9D90];
	v21 =	vmul.f32 v21, v10  }
0x182: {  	v16 =	vadd.f32 v25, v16;
	v25 =	vld [tilespmem:s22+$0x9DA0];
	v27 =	vmul.f32 v27, v10  }
0x183: {  	v19 =	vadd.f32 v21, v19;
	v21 =	vld [tilespmem:s22+$0x9DB0];
	v26 =	vmul.f32 v26, v10  }
0x184: {  	v18 =	vadd.f32 v27, v18;
	v27 =	vld [tilespmem:s22+$0x9DC0];
	v24 =	vmul.f32 v24, v10  }
0x185: {  	v23 =	vmul.f32 v23, v11;
	v20 =	vadd.f32 v26, v20;
	v26 =	vld [tilespmem:s22+$0x9DD0]  }
0x186: {  	v17 =	vmul.f32 v17, v11;
	v22 =	vadd.f32 v24, v22;
	v24 =	vld [tilespmem:s22+$0x9DE0]  }
0x187: {  	v23 =	vadd.f32 v23, v14;
	v14 =	vld [tilespmem:s22+$0xA980];
	v25 =	vmul.f32 v25, v11  }
0x188: {  	v15 =	vadd.f32 v17, v15;
	v17 =	vld [tilespmem:s22+$0xA990];
	v21 =	vmul.f32 v21, v11  }
0x189: {  	v16 =	vadd.f32 v25, v16;
	v25 =	vld [tilespmem:s22+$0xA9A0];
	v27 =	vmul.f32 v27, v11  }
0x18a: {  	v28 =	vadd.f32 v21, v19;
	v21 =	vld [tilespmem:s22+$0xA9B0];
	v19 =	vmul.f32 v26, v11  }
0x18b: {  	v26 =	vadd.f32 v27, v18;
	v27 =	vld [tilespmem:s22+$0xA9C0];
	v18 =	vmul.f32 v24, v11  }
0x18c: {  	v24 =	vmul.f32 v14, v12;
	v29 =	vadd.f32 v19, v20;
	v30 =	vld [tilespmem:s22+$0xA9D0]  }
0x18d: {  	v17 =	vmul.f32 v17, v12;
	v14 =	vadd.f32 v18, v22;
	v31 =	vld [tilespmem:s22+$0xA9E0]  }
0x18e: {  	v19 =	vadd.f32 v24, v23;
	v32 =	vld [tilespmem:s22+$0xB580];
	v18 =	vmul.f32 v25, v12  }
.Ltmp7:
0x18f: {  	v20 =	vadd.f32 v17, v15;
	v24 =	vld [tilespmem:s22+$0xB590];
	v15 =	vmul.f32 v21, v12;
	(pc) =	sbr.rel @p2 .LBB2_12-.Ltmp7, $4  }
0x190: {  	v18 =	vadd.f32 v18, v16;
	v21 =	vld [tilespmem:s22+$0xB5A0];
	v16 =	vmul.f32 v27, v12  }
0x191: {  	v17 =	vadd.f32 v15, v28;
	v22 =	vld [tilespmem:s22+$0xB5B0];
	v25 =	vmul.f32 v30, v12  }
0x192: {  	v15 =	vadd.f32 v16, v26;
	v23 =	vld [tilespmem:s22+$0xB5C0];
	v26 =	vmul.f32 v31, v12  }
0x193: {  	s24 =	sadd.s32 $0x800, s24;
	v27 =	vmul.f32 v32, v13;
	v16 =	vadd.f32 v25, v29;
	v25 =	vld [tilespmem:s22+$0xB5D0]  }
0x194: {  	v24 =	vmul.f32 v24, v13;
	v28 =	vld [tilespmem:s22+$0xB5E0]  }
0x195: {  	v19 =	vadd.f32 v27, v19;
	v21 =	vmul.f32 v21, v13  }
0x196: {  	v20 =	vadd.f32 v24, v20;
	v22 =	vmul.f32 v22, v13  }
0x197: {  	s21 =	sadd.s32 $0x1, s21;
	[tilespmem:s22+$0x18D80] =	vst v19;
	v18 =	vadd.f32 v21, v18;
	v61 =	vmul.f32 v23, v13  }
0x198: {  	p2 =	sne.s32 s21, $0x4;
	[tilespmem:s22+$0x18D90] =	vst v20;
	v17 =	vadd.f32 v22, v17;
	v62 =	vmul.f32 v25, v13  }
.Ltmp8:
0x199: {  	v14 =	vadd.f32 v26, v14;
	[tilespmem:s22+$0x18DA0] =	vst v18;
	v15 =	vadd.f32 v61, v15;
	v63 =	vmul.f32 v28, v13;
	(pc) =	sbr.rel @p2 .LBB2_11-.Ltmp8, $4  }
0x19a: {  	[tilespmem:s22+$0x18DB0] =	vst v17;
	v16 =	vadd.f32 v62, v16  }
0x19b: {  	[tilespmem:s22+$0x18DC0] =	vst v15;
	v14 =	vadd.f32 v63, v14  }
0x19c: {  	[tilespmem:s22+$0x18DD0] =	vst v16  }
0x19d: {  	s20 =	sadd.s32 $0x200, s20;
	[tilespmem:s22+$0x18DE0] =	vst v14  }
.Ltmp9:
0x19e: {  	(pc) =	sbr.rel @p1 .LBB2_16-.Ltmp9, $3  }
0x19f: {  	_ =	sdelay $0x1  }
0x1a0: {  	s19 =	sadd.s32 s19, s11  }
0x1a1: {  	[hbm4b:s19+s30] =	stream.strided.scatter [tilespmem:s5], [sflag:$0x6], $0xC00, s31, s30, $0x38;
	[tilespmem:$0x1B180] =	vst v63  }
.Ltmp10:
0x1a2: {  	(pc) =	sbr.rel .LBB2_17-.Ltmp10, $4  }
0x1a3: {  	_ = 	snop  }
0x1a4: {  	_ =	swait.ge [sflag:s7], $0x6000  }
0x1a5: {  	[sflag:s7] =	ssyncset.done $0x0  }
0x1a6: {  	[sflag:s7] =	ssyncadd.s32 $0xFFFFA000  }
.LBB2_16:
0x1a7: {  	v14 =	vld.msk [tilespmem:$0x100], $0xff;
	_ =	sdelay $0x4  }
0x1a8: {  	v14 =	vmul.u32 $0x30000, v14;
	_ =	sdelay $0x1  }
0x1a9: {  	v15 =	vperm.xlane v14, v0;
	_ =	sdelay $0x1  }
0x1aa: {  	v16 =	vperm.xlane v14, v1;
	v15 =	vadd.s32 v3, v15;
	_ =	sdelay $0x1  }
0x1ab: {  	s19 =	sshrl.u32 s18, $0x3;
	v14 =	vperm.xlane v14, v2;
	v16 =	vadd.s32 v4, v16  }
0x1ac: {  	s19 =	sadd.s32 s8, s19  }
0x1ad: {  	s20 =	simm.s32 $0x6180;
	s19 =	sadd.s32 $0x600, s19;
	v14 =	vadd.s32 v5, v14  }
0x1ae: {  	[tilespmem:s20], [sflag:$0x2] =	stream.indirect_vreg.gather [hbm4b:s19+s4], $0x200, v15, vm1, $0x38;
	[tilespmem:$0x1B180] =	vst v63  }
0x1af: {  	s24 =	simm.s32 $0x8180  }
0x1b0: {  	[tilespmem:s24], [sflag:$0x2] =	stream.indirect_vreg.gather [hbm4b:s19+s4], $0x200, v16, vm1, $0x38;
	[tilespmem:$0x1B180] =	vst v63  }
.Ltmp11:
0x1b1: {  	s25 =	simm.s32 $0xA180;
	(pc) =	sbr.rel @p0 .LBB2_18-.Ltmp11, $4  }
0x1b2: {  	[tilespmem:s25], [sflag:$0x2] =	stream.indirect_vreg.gather [hbm4b:s19+s4], $0x200, v14, vm1, $0x38;
	[tilespmem:$0x1B180] =	vst v63  }
0x1b3: {  	_ =	swait.ge [sflag:s7], $0x6000  }
0x1b4: {  	[sflag:s7] =	ssyncset.done $0x0  }
0x1b5: {  	[sflag:s7] =	ssyncadd.s32 $0xFFFFA000  }
.LBB2_17:
0x1b6: {  	_ =	swait.ge [sflag:s13], $0xC00  }
0x1b7: {  	[sflag:s13] =	ssyncset.done $0x0  }
0x1b8: {  	[sflag:s13] =	ssyncadd.s32 $0xFFFFF400  }
.LBB2_18:
0x1b9: {  	s19 =	simm.s32 $0x0;
	s20 =	simm.s32 $0x0  }
.LBB2_19:
0x1ba: {  	s21 =	sshra.s32 s19, $0x2  }
0x1bb: {  	v14 =	vld [tilespmem:s21+$0xC1F0]  }
0x1bc: {  	v15 =	vld [tilespmem:s21+$0xCDF0]  }
0x1bd: {  	v16 =	vld [tilespmem:s21+$0xC180]  }
0x1be: {  	v17 =	vld [tilespmem:s21+$0xD9F0]  }
0x1bf: {  	v18 =	vld [tilespmem:s21+$0xCD80]  }
0x1c0: {  	v19 =	vld [tilespmem:s21+$0xE5F0]  }
0x1c1: {  	v20 =	vld [tilespmem:s21+$0xC190]  }
0x1c2: {  	v21 =	vld [tilespmem:s21+$0xF1F0]  }
0x1c3: {  	v22 =	vld [tilespmem:s21+$0xCD90]  }
0x1c4: {  	v23 =	vld [tilespmem:s21+$0xC1A0]  }
0x1c5: {  	v24 =	vld [tilespmem:s21+$0xCDA0]  }
0x1c6: {  	v25 =	vld [tilespmem:s21+$0xC1B0]  }
0x1c7: {  	v26 =	vld [tilespmem:s21+$0xC1C0]  }
0x1c8: {  	v27 =	vld [tilespmem:s21+$0xC1D0]  }
0x1c9: {  	v28 =	vld [tilespmem:s21+$0xC1E0]  }
0x1ca: {  	v29 =	vld [tilespmem:s21+$0xD980]  }
0x1cb: {  	v30 =	vld [tilespmem:s21+$0xD9A0]  }
0x1cc: {  	v31 =	vld [tilespmem:s21+$0xD9B0]  }
0x1cd: {  	v32 =	vld [tilespmem:s21+$0xD9C0];
	v14 =	vmul.f32 v14, v6;
	v15 =	vmul.f32 v15, v7  }
0x1ce: {  	v33 =	vld [tilespmem:s21+$0xD9D0]  }
0x1cf: {  	v34 =	vld [tilespmem:s21+$0xD9E0];
	v14 =	vadd.f32 v15, v14;
	v15 =	vmul.f32 v17, v8  }
0x1d0: {  	v17 =	vld [tilespmem:s21+$0xFDF0]  }
0x1d1: {  	v35 =	vld [tilespmem:s21+$0xE580];
	v14 =	vadd.f32 v15, v14;
	v15 =	vmul.f32 v19, v9  }
0x1d2: {  	v19 =	vld [tilespmem:s21+$0x109F0]  }
0x1d3: {  	v36 =	vld [tilespmem:s21+$0xE590];
	v14 =	vadd.f32 v15, v14;
	v15 =	vmul.f32 v21, v10  }
0x1d4: {  	v21 =	vld [tilespmem:s21+$0x115F0]  }
0x1d5: {  	v37 =	vld [tilespmem:s21+$0xE5A0];
	v14 =	vadd.f32 v15, v14;
	v15 =	vmul.f32 v17, v11  }
0x1d6: {  	v38 =	vld [tilespmem:s21+$0xE5B0]  }
0x1d7: {  	v39 =	vld [tilespmem:s21+$0xE5C0];
	v14 =	vadd.f32 v15, v14;
	v15 =	vmul.f32 v19, v12  }
0x1d8: {  	v52 =	vld [tilespmem:s21+$0xF1B0];
	v16 =	vmul.f32 v16, v6;
	v18 =	vmul.f32 v18, v7  }
0x1d9: {  	v17 =	vld [tilespmem:s21+$0xCDB0];
	v14 =	vadd.f32 v15, v14;
	v15 =	vmul.f32 v21, v13  }
0x1da: {  	v16 =	vadd.f32 v18, v16;
	v19 =	vld [tilespmem:s21+$0xCDC0]  }
0x1db: {  	v18 =	vmul.f32 v24, v7;
	v24 =	vmul.f32 v25, v6;
	v25 =	vld [tilespmem:s21+$0xE5D0];
	v14 =	vadd.f32 v15, v14  }
0x1dc: {  	v20 =	vmul.f32 v20, v6;
	v22 =	vmul.f32 v22, v7;
	v21 =	vld [tilespmem:s21+$0xCDD0]  }
0x1dd: {  	v23 =	vmul.f32 v23, v6;
	v53 =	vmul.f32 v34, v8;
	[tilespmem:s21+$0x199F0] =	vst v14;
	v14 =	vld [tilespmem:s21+$0xD990]  }
0x1de: {  	v55 =	vmul.f32 v36, v9;
	v20 =	vadd.f32 v22, v20;
	v17 =	vmul.f32 v17, v7;
	v15 =	vld [tilespmem:s21+$0xCDE0]  }
0x1df: {  	v54 =	vld [tilespmem:s21+$0xF1E0];
	v22 =	vmul.f32 v26, v6;
	v18 =	vadd.f32 v18, v23;
	v19 =	vmul.f32 v19, v7  }
0x1e0: {  	v56 =	vld [tilespmem:s21+$0xFD80];
	v23 =	vmul.f32 v27, v6;
	v25 =	vmul.f32 v25, v9;
	v17 =	vadd.f32 v17, v24  }
0x1e1: {  	v57 =	vld [tilespmem:s21+$0xFD90];
	v24 =	vmul.f32 v28, v6;
	v19 =	vadd.f32 v19, v22;
	v22 =	vmul.f32 v29, v8  }
0x1e2: {  	v58 =	vld [tilespmem:s21+$0xFDA0];
	v21 =	vmul.f32 v21, v7;
	v14 =	vmul.f32 v14, v8  }
0x1e3: {  	v26 =	vld [tilespmem:s21+$0xE5E0];
	v15 =	vmul.f32 v15, v7;
	v16 =	vadd.f32 v22, v16;
	v22 =	vmul.f32 v31, v8  }
0x1e4: {  	v27 =	vld [tilespmem:s21+$0xF180];
	v21 =	vadd.f32 v21, v23;
	v14 =	vadd.f32 v14, v20;
	v20 =	vmul.f32 v32, v8  }
0x1e5: {  	v28 =	vld [tilespmem:s21+$0xF190];
	v23 =	vmul.f32 v30, v8;
	v17 =	vadd.f32 v22, v17;
	v22 =	vmul.f32 v33, v8  }
0x1e6: {  	v15 =	vadd.f32 v15, v24;
	v24 =	vld [tilespmem:s21+$0xF1C0];
	v19 =	vadd.f32 v20, v19;
	v20 =	vmul.f32 v35, v9  }
0x1e7: {  	v29 =	vld [tilespmem:s21+$0xF1A0];
	v18 =	vadd.f32 v23, v18;
	v21 =	vadd.f32 v22, v21;
	v22 =	vmul.f32 v37, v9  }
0x1e8: {  	v59 =	vld [tilespmem:s21+$0xFDB0];
	v15 =	vadd.f32 v53, v15;
	v16 =	vadd.f32 v20, v16;
	v20 =	vmul.f32 v38, v9  }
0x1e9: {  	v23 =	vld [tilespmem:s21+$0xF1D0];
	v14 =	vadd.f32 v55, v14;
	v18 =	vadd.f32 v22, v18;
	v22 =	vmul.f32 v39, v9  }
0x1ea: {  	v61 =	vld [tilespmem:s21+$0x109C0];
	v21 =	vadd.f32 v25, v21;
	v17 =	vadd.f32 v20, v17;
	v20 =	vmul.f32 v26, v9  }
0x1eb: {  	v25 =	vld [tilespmem:s21+$0xFDD0];
	v24 =	vmul.f32 v24, v10;
	v19 =	vadd.f32 v22, v19;
	v22 =	vmul.f32 v28, v10  }
0x1ec: {  	v28 =	vld [tilespmem:s21+$0x10980];
	v26 =	vmul.f32 v27, v10;
	v15 =	vadd.f32 v20, v15;
	v20 =	vmul.f32 v29, v10  }
0x1ed: {  	v27 =	vld [tilespmem:s21+$0xFDC0];
	v14 =	vadd.f32 v22, v14;
	v22 =	vmul.f32 v52, v10;
	v19 =	vadd.f32 v24, v19  }
0x1ee: {  	v16 =	vadd.f32 v26, v16;
	v26 =	vld [tilespmem:s21+$0xFDE0];
	v18 =	vadd.f32 v20, v18;
	v20 =	vmul.f32 v23, v10  }
0x1ef: {  	v24 =	vld [tilespmem:s21+$0x109A0];
	v17 =	vadd.f32 v22, v17;
	v22 =	vmul.f32 v56, v11;
	v23 =	vmul.f32 v54, v10  }
0x1f0: {  	v29 =	vld [tilespmem:s21+$0x10990];
	v20 =	vadd.f32 v20, v21;
	v21 =	vmul.f32 v57, v11  }
0x1f1: {  	v16 =	vadd.f32 v22, v16;
	v22 =	vmul.f32 v58, v11;
	v15 =	vadd.f32 v23, v15;
	v23 =	vld [tilespmem:s21+$0x109B0]  }
0x1f2: {  	v62 =	vadd.f32 v21, v14;
	v14 =	vmul.f32 v27, v11;
	v21 =	vmul.f32 v25, v11;
	v25 =	vld [tilespmem:s21+$0x109D0]  }
0x1f3: {  	v60 =	vmul.f32 v59, v11;
	v18 =	vadd.f32 v22, v18;
	v22 =	vmul.f32 v26, v11;
	v26 =	vld [tilespmem:s21+$0x109E0]  }
0x1f4: {  	v63 =	vld [tilespmem:s21+$0x11580];
	v27 =	vadd.f32 v14, v19;
	v19 =	vmul.f32 v28, v12;
	v28 =	vadd.f32 v21, v20  }
0x1f5: {  	v20 =	vmul.f32 v29, v12;
	v14 =	vadd.f32 v22, v15;
	v15 =	vmul.f32 v24, v12;
	v24 =	vld [tilespmem:s21+$0x11590]  }
0x1f6: {  	v21 =	vld [tilespmem:s21+$0x115A0];
	v19 =	vadd.f32 v19, v16;
	v16 =	vmul.f32 v23, v12;
	v23 =	vmul.f32 v61, v12  }
0x1f7: {  	v17 =	vadd.f32 v60, v17;
	v22 =	vld [tilespmem:s21+$0x115B0];
	v20 =	vadd.f32 v20, v62;
	v25 =	vmul.f32 v25, v12  }
0x1f8: {  	v18 =	vadd.f32 v15, v18;
	v26 =	vmul.f32 v26, v12;
	v15 =	vadd.f32 v23, v27;
	v23 =	vld [tilespmem:s21+$0x115C0]  }
0x1f9: {  	s22 =	simm.s32 $0x0;
	s23 =	sadd.s32 $0x800, s19;
	v17 =	vadd.f32 v16, v17;
	v27 =	vmul.f32 v63, v13;
	v16 =	vadd.f32 v25, v28;
	v25 =	vld [tilespmem:s21+$0x115D0]  }
.LBB2_20:
0x1fa: {  	s24 =	sshra.s32 s23, $0x2;
	v24 =	vmul.f32 v24, v13;
	v14 =	vadd.f32 v26, v14;
	v26 =	vld [tilespmem:s21+$0x115E0]  }
0x1fb: {  	s22 =	sadd.s32 $0x8, s22;
	v28 =	vld [tilespmem:s24+$0xC1F0];
	v19 =	vadd.f32 v27, v19;
	v21 =	vmul.f32 v21, v13  }
0x1fc: {  	p2 =	slt.u32 s22, $0x28;
	v27 =	vld [tilespmem:s24+$0xCDF0];
	v20 =	vadd.f32 v24, v20;
	v22 =	vmul.f32 v22, v13  }
0x1fd: {  	v24 =	vld [tilespmem:s24+$0xC180];
	[tilespmem:s21+$0x19980] =	vst v19;
	v18 =	vadd.f32 v21, v18;
	v19 =	vmul.f32 v23, v13  }
0x1fe: {  	v21 =	vld [tilespmem:s24+$0xD9F0];
	[tilespmem:s21+$0x19990] =	vst v20;
	v17 =	vadd.f32 v22, v17;
	v20 =	vmul.f32 v25, v13  }
0x1ff: {  	v22 =	vld [tilespmem:s24+$0xCD80];
	[tilespmem:s21+$0x199A0] =	vst v18;
	v15 =	vadd.f32 v19, v15;
	v18 =	vmul.f32 v26, v13  }
0x200: {  	v19 =	vld [tilespmem:s24+$0xE5F0];
	[tilespmem:s21+$0x199B0] =	vst v17;
	v16 =	vadd.f32 v20, v16  }
0x201: {  	v20 =	vmul.f32 v28, v6;
	v17 =	vld [tilespmem:s24+$0xC190];
	v23 =	vmul.f32 v27, v7;
	[tilespmem:s21+$0x199C0] =	vst v15;
	v14 =	vadd.f32 v18, v14  }
0x202: {  	v15 =	vmul.f32 v24, v6;
	v18 =	vld [tilespmem:s24+$0xF1F0];
	[tilespmem:s21+$0x199D0] =	vst v16  }
0x203: {  	v16 =	vld [tilespmem:s24+$0xCD90];
	v20 =	vadd.f32 v23, v20;
	v21 =	vmul.f32 v21, v8;
	[tilespmem:s21+$0x199E0] =	vst v14;
	s21 =	smov.u32 s24  }
0x204: {  	v14 =	vmul.f32 v22, v7;
	v22 =	vld [tilespmem:s21+$0xFDF0]  }
0x205: {  	v23 =	vld [tilespmem:s21+$0xC1A0];
	v20 =	vadd.f32 v21, v20;
	v19 =	vmul.f32 v19, v9  }
0x206: {  	v14 =	vadd.f32 v14, v15;
	v15 =	vmul.f32 v17, v6;
	v17 =	vld [tilespmem:s21+$0x109F0]  }
0x207: {  	v21 =	vld [tilespmem:s21+$0xCDA0];
	v19 =	vadd.f32 v19, v20;
	v18 =	vmul.f32 v18, v10  }
0x208: {  	v16 =	vmul.f32 v16, v7;
	v20 =	vld [tilespmem:s21+$0x115F0]  }
0x209: {  	v24 =	vld [tilespmem:s21+$0xC1B0];
	v18 =	vadd.f32 v18, v19;
	v19 =	vmul.f32 v22, v11  }
0x20a: {  	v15 =	vadd.f32 v16, v15;
	v16 =	vmul.f32 v23, v6;
	v22 =	vld [tilespmem:s21+$0xCDB0]  }
0x20b: {  	v23 =	vld [tilespmem:s21+$0xC1C0];
	v18 =	vadd.f32 v19, v18;
	v17 =	vmul.f32 v17, v12  }
0x20c: {  	v19 =	vmul.f32 v21, v7;
	v21 =	vld [tilespmem:s21+$0xCDC0]  }
0x20d: {  	v25 =	vld [tilespmem:s21+$0xC1D0];
	v17 =	vadd.f32 v17, v18;
	v18 =	vmul.f32 v20, v13  }
0x20e: {  	v16 =	vadd.f32 v19, v16;
	v19 =	vmul.f32 v24, v6;
	v20 =	vld [tilespmem:s21+$0xCDD0]  }
0x20f: {  	v22 =	vmul.f32 v22, v7;
	v24 =	vld [tilespmem:s21+$0xC1E0];
	v17 =	vadd.f32 v18, v17  }
0x210: {  	v18 =	vmul.f32 v23, v6;
	v23 =	vld [tilespmem:s21+$0xCDE0]  }
0x211: {  	v26 =	vld [tilespmem:s21+$0xD980];
	v19 =	vadd.f32 v22, v19;
	v21 =	vmul.f32 v21, v7;
	[tilespmem:s21+$0x199F0] =	vst v17  }
0x212: {  	v17 =	vld [tilespmem:s21+$0xD990];
	v22 =	vmul.f32 v25, v6  }
0x213: {  	v25 =	vld [tilespmem:s21+$0xD9A0];
	v18 =	vadd.f32 v21, v18;
	v20 =	vmul.f32 v20, v7  }
0x214: {  	v21 =	vld [tilespmem:s21+$0xD9B0];
	v24 =	vmul.f32 v24, v6  }
0x215: {  	v27 =	vld [tilespmem:s21+$0xD9C0];
	v20 =	vadd.f32 v20, v22;
	v22 =	vmul.f32 v23, v7  }
0x216: {  	v23 =	vmul.f32 v26, v8;
	v26 =	vld [tilespmem:s21+$0xD9D0]  }
0x217: {  	v17 =	vmul.f32 v17, v8;
	v22 =	vadd.f32 v22, v24;
	v24 =	vld [tilespmem:s21+$0xD9E0]  }
0x218: {  	v14 =	vadd.f32 v23, v14;
	v23 =	vld [tilespmem:s21+$0xE580];
	v25 =	vmul.f32 v25, v8  }
0x219: {  	v15 =	vadd.f32 v17, v15;
	v17 =	vld [tilespmem:s21+$0xE590];
	v21 =	vmul.f32 v21, v8  }
0x21a: {  	v16 =	vadd.f32 v25, v16;
	v25 =	vld [tilespmem:s21+$0xE5A0];
	v27 =	vmul.f32 v27, v8  }
0x21b: {  	v19 =	vadd.f32 v21, v19;
	v21 =	vld [tilespmem:s21+$0xE5B0];
	v26 =	vmul.f32 v26, v8  }
0x21c: {  	v18 =	vadd.f32 v27, v18;
	v27 =	vld [tilespmem:s21+$0xE5C0];
	v24 =	vmul.f32 v24, v8  }
0x21d: {  	v23 =	vmul.f32 v23, v9;
	v20 =	vadd.f32 v26, v20;
	v26 =	vld [tilespmem:s21+$0xE5D0]  }
0x21e: {  	v17 =	vmul.f32 v17, v9;
	v22 =	vadd.f32 v24, v22;
	v24 =	vld [tilespmem:s21+$0xE5E0]  }
0x21f: {  	v14 =	vadd.f32 v23, v14;
	v23 =	vld [tilespmem:s21+$0xF180];
	v25 =	vmul.f32 v25, v9  }
0x220: {  	v15 =	vadd.f32 v17, v15;
	v17 =	vld [tilespmem:s21+$0xF190];
	v21 =	vmul.f32 v21, v9  }
0x221: {  	v16 =	vadd.f32 v25, v16;
	v25 =	vld [tilespmem:s21+$0xF1A0];
	v27 =	vmul.f32 v27, v9  }
0x222: {  	v19 =	vadd.f32 v21, v19;
	v21 =	vld [tilespmem:s21+$0xF1B0];
	v26 =	vmul.f32 v26, v9  }
0x223: {  	v18 =	vadd.f32 v27, v18;
	v27 =	vld [tilespmem:s21+$0xF1C0];
	v24 =	vmul.f32 v24, v9  }
0x224: {  	v23 =	vmul.f32 v23, v10;
	v20 =	vadd.f32 v26, v20;
	v26 =	vld [tilespmem:s21+$0xF1D0]  }
0x225: {  	v17 =	vmul.f32 v17, v10;
	v22 =	vadd.f32 v24, v22;
	v24 =	vld [tilespmem:s21+$0xF1E0]  }
0x226: {  	v14 =	vadd.f32 v23, v14;
	v23 =	vld [tilespmem:s21+$0xFD80];
	v25 =	vmul.f32 v25, v10  }
0x227: {  	v15 =	vadd.f32 v17, v15;
	v17 =	vld [tilespmem:s21+$0xFD90];
	v21 =	vmul.f32 v21, v10  }
0x228: {  	v16 =	vadd.f32 v25, v16;
	v25 =	vld [tilespmem:s21+$0xFDA0];
	v27 =	vmul.f32 v27, v10  }
0x229: {  	v19 =	vadd.f32 v21, v19;
	v21 =	vld [tilespmem:s21+$0xFDB0];
	v26 =	vmul.f32 v26, v10  }
0x22a: {  	v18 =	vadd.f32 v27, v18;
	v27 =	vld [tilespmem:s21+$0xFDC0];
	v24 =	vmul.f32 v24, v10  }
0x22b: {  	v23 =	vmul.f32 v23, v11;
	v20 =	vadd.f32 v26, v20;
	v26 =	vld [tilespmem:s21+$0xFDD0]  }
0x22c: {  	v17 =	vmul.f32 v17, v11;
	v22 =	vadd.f32 v24, v22;
	v24 =	vld [tilespmem:s21+$0xFDE0]  }
0x22d: {  	v23 =	vadd.f32 v23, v14;
	v14 =	vld [tilespmem:s21+$0x10980];
	v25 =	vmul.f32 v25, v11  }
0x22e: {  	v15 =	vadd.f32 v17, v15;
	v17 =	vld [tilespmem:s21+$0x10990];
	v21 =	vmul.f32 v21, v11  }
0x22f: {  	v16 =	vadd.f32 v25, v16;
	v25 =	vld [tilespmem:s21+$0x109A0];
	v27 =	vmul.f32 v27, v11  }
0x230: {  	v28 =	vadd.f32 v21, v19;
	v21 =	vld [tilespmem:s21+$0x109B0];
	v19 =	vmul.f32 v26, v11  }
0x231: {  	v26 =	vadd.f32 v27, v18;
	v27 =	vld [tilespmem:s21+$0x109C0];
	v18 =	vmul.f32 v24, v11  }
0x232: {  	v24 =	vmul.f32 v14, v12;
	v29 =	vadd.f32 v19, v20;
	v30 =	vld [tilespmem:s21+$0x109D0]  }
0x233: {  	v17 =	vmul.f32 v17, v12;
	v14 =	vadd.f32 v18, v22;
	v31 =	vld [tilespmem:s21+$0x109E0]  }
0x234: {  	v19 =	vadd.f32 v24, v23;
	v32 =	vld [tilespmem:s21+$0x11580];
	v18 =	vmul.f32 v25, v12  }
.Ltmp12:
0x235: {  	v20 =	vadd.f32 v17, v15;
	v24 =	vld [tilespmem:s21+$0x11590];
	v15 =	vmul.f32 v21, v12;
	(pc) =	sbr.rel @p2 .LBB2_20-.Ltmp12, $4  }
0x236: {  	v18 =	vadd.f32 v18, v16;
	v21 =	vld [tilespmem:s21+$0x115A0];
	v16 =	vmul.f32 v27, v12  }
0x237: {  	v17 =	vadd.f32 v15, v28;
	v22 =	vld [tilespmem:s21+$0x115B0];
	v25 =	vmul.f32 v30, v12  }
0x238: {  	v15 =	vadd.f32 v16, v26;
	v23 =	vld [tilespmem:s21+$0x115C0];
	v26 =	vmul.f32 v31, v12  }
0x239: {  	s23 =	sadd.s32 $0x800, s23;
	v27 =	vmul.f32 v32, v13;
	v16 =	vadd.f32 v25, v29;
	v25 =	vld [tilespmem:s21+$0x115D0]  }
0x23a: {  	v24 =	vmul.f32 v24, v13;
	v28 =	vld [tilespmem:s21+$0x115E0]  }
0x23b: {  	v19 =	vadd.f32 v27, v19;
	v21 =	vmul.f32 v21, v13  }
0x23c: {  	v20 =	vadd.f32 v24, v20;
	v22 =	vmul.f32 v22, v13  }
0x23d: {  	s20 =	sadd.s32 $0x1, s20;
	[tilespmem:s21+$0x19980] =	vst v19;
	v18 =	vadd.f32 v21, v18;
	v61 =	vmul.f32 v23, v13  }
0x23e: {  	p2 =	sne.s32 s20, $0x4;
	[tilespmem:s21+$0x19990] =	vst v20;
	v17 =	vadd.f32 v22, v17;
	v62 =	vmul.f32 v25, v13  }
.Ltmp13:
0x23f: {  	v14 =	vadd.f32 v26, v14;
	[tilespmem:s21+$0x199A0] =	vst v18;
	v15 =	vadd.f32 v61, v15;
	v63 =	vmul.f32 v28, v13;
	(pc) =	sbr.rel @p2 .LBB2_19-.Ltmp13, $4  }
0x240: {  	[tilespmem:s21+$0x199B0] =	vst v17;
	v16 =	vadd.f32 v62, v16  }
0x241: {  	[tilespmem:s21+$0x199C0] =	vst v15;
	v14 =	vadd.f32 v63, v14  }
0x242: {  	[tilespmem:s21+$0x199D0] =	vst v16  }
0x243: {  	s19 =	sadd.s32 $0x200, s19;
	[tilespmem:s21+$0x199E0] =	vst v14  }
.Ltmp14:
0x244: {  	(pc) =	sbr.rel @p1 .LBB2_24-.Ltmp14, $4  }
0x245: {  	s19 =	sadd.s32 s18, s12  }
0x246: {  	s19 =	sshrl.u32 s19, $0x3  }
0x247: {  	s20 =	sadd.s32 s3, s19  }
0x248: {  	[hbm4b:s20+s30] =	stream.strided.scatter [tilespmem:s14], [sflag:$0x7], $0xC00, s31, s30, $0x38;
	[tilespmem:$0x1B180] =	vst v63  }
.Ltmp15:
0x249: {  	(pc) =	sbr.rel .LBB2_25-.Ltmp15, $4  }
0x24a: {  	_ = 	snop  }
0x24b: {  	_ =	swait.ge [sflag:s9], $0x6000  }
0x24c: {  	[sflag:s9] =	ssyncset.done $0x0  }
0x24d: {  	[sflag:s9] =	ssyncadd.s32 $0xFFFFA000  }
.LBB2_24:
0x24e: {  	v14 =	vld.msk [tilespmem:$0x100], $0xff;
	_ =	sdelay $0x4  }
0x24f: {  	v14 =	vmul.u32 $0x30000, v14;
	_ =	sdelay $0x1  }
0x250: {  	v15 =	vperm.xlane v14, v0;
	_ =	sdelay $0x1  }
0x251: {  	v16 =	vperm.xlane v14, v1;
	v15 =	vadd.s32 v3, v15;
	_ =	sdelay $0x1  }
0x252: {  	s20 =	sshrl.u32 s18, $0x3;
	v14 =	vperm.xlane v14, v2;
	v16 =	vadd.s32 v4, v16  }
0x253: {  	s20 =	sadd.s32 s0, s20  }
0x254: {  	s21 =	simm.s32 $0xC180;
	s20 =	sadd.s32 $0x900, s20;
	v14 =	vadd.s32 v5, v14  }
0x255: {  	[tilespmem:s21], [sflag:$0x3] =	stream.indirect_vreg.gather [hbm4b:s20+s4], $0x200, v15, vm1, $0x38;
	[tilespmem:$0x1B180] =	vst v63  }
0x256: {  	s24 =	simm.s32 $0xE180  }
0x257: {  	[tilespmem:s24], [sflag:$0x3] =	stream.indirect_vreg.gather [hbm4b:s20+s4], $0x200, v16, vm1, $0x38;
	[tilespmem:$0x1B180] =	vst v63  }
.Ltmp16:
0x258: {  	s25 =	simm.s32 $0x10180;
	(pc) =	sbr.rel @p0 .LBB2_26-.Ltmp16, $4  }
0x259: {  	[tilespmem:s25], [sflag:$0x3] =	stream.indirect_vreg.gather [hbm4b:s20+s4], $0x200, v14, vm1, $0x38;
	[tilespmem:$0x1B180] =	vst v63  }
0x25a: {  	_ =	swait.ge [sflag:s9], $0x6000  }
0x25b: {  	[sflag:s9] =	ssyncset.done $0x0  }
0x25c: {  	[sflag:s9] =	ssyncadd.s32 $0xFFFFA000  }
.LBB2_25:
0x25d: {  	_ =	swait.ge [sflag:s10], $0xC00  }
0x25e: {  	[sflag:s10] =	ssyncset.done $0x0  }
0x25f: {  	[sflag:s10] =	ssyncadd.s32 $0xFFFFF400  }
.LBB2_26:
0x260: {  	s20 =	simm.s32 $0x0;
	s21 =	simm.s32 $0x0  }
.LBB2_27:
0x261: {  	s22 =	sshra.s32 s20, $0x2  }
0x262: {  	v14 =	vld [tilespmem:s22+$0x121F0]  }
0x263: {  	v15 =	vld [tilespmem:s22+$0x12DF0]  }
0x264: {  	v16 =	vld [tilespmem:s22+$0x12180]  }
0x265: {  	v17 =	vld [tilespmem:s22+$0x139F0]  }
0x266: {  	v18 =	vld [tilespmem:s22+$0x12D80]  }
0x267: {  	v19 =	vld [tilespmem:s22+$0x145F0]  }
0x268: {  	v20 =	vld [tilespmem:s22+$0x12190]  }
0x269: {  	v21 =	vld [tilespmem:s22+$0x151F0]  }
0x26a: {  	v22 =	vld [tilespmem:s22+$0x12D90]  }
0x26b: {  	v23 =	vld [tilespmem:s22+$0x121A0]  }
0x26c: {  	v24 =	vld [tilespmem:s22+$0x12DA0]  }
0x26d: {  	v25 =	vld [tilespmem:s22+$0x121B0]  }
0x26e: {  	v26 =	vld [tilespmem:s22+$0x121C0]  }
0x26f: {  	v27 =	vld [tilespmem:s22+$0x121D0]  }
0x270: {  	v28 =	vld [tilespmem:s22+$0x121E0]  }
0x271: {  	v29 =	vld [tilespmem:s22+$0x13980]  }
0x272: {  	v30 =	vld [tilespmem:s22+$0x139A0]  }
0x273: {  	v31 =	vld [tilespmem:s22+$0x139B0]  }
0x274: {  	v32 =	vld [tilespmem:s22+$0x139C0];
	v14 =	vmul.f32 v14, v6;
	v15 =	vmul.f32 v15, v7  }
0x275: {  	v33 =	vld [tilespmem:s22+$0x139D0]  }
0x276: {  	v34 =	vld [tilespmem:s22+$0x139E0];
	v14 =	vadd.f32 v15, v14;
	v15 =	vmul.f32 v17, v8  }
0x277: {  	v17 =	vld [tilespmem:s22+$0x15DF0]  }
0x278: {  	v35 =	vld [tilespmem:s22+$0x14580];
	v14 =	vadd.f32 v15, v14;
	v15 =	vmul.f32 v19, v9  }
0x279: {  	v19 =	vld [tilespmem:s22+$0x169F0]  }
0x27a: {  	v36 =	vld [tilespmem:s22+$0x14590];
	v14 =	vadd.f32 v15, v14;
	v15 =	vmul.f32 v21, v10  }
0x27b: {  	v21 =	vld [tilespmem:s22+$0x175F0]  }
0x27c: {  	v37 =	vld [tilespmem:s22+$0x145A0];
	v14 =	vadd.f32 v15, v14;
	v15 =	vmul.f32 v17, v11  }
0x27d: {  	v38 =	vld [tilespmem:s22+$0x145B0]  }
0x27e: {  	v39 =	vld [tilespmem:s22+$0x145C0];
	v14 =	vadd.f32 v15, v14;
	v15 =	vmul.f32 v19, v12  }
0x27f: {  	v52 =	vld [tilespmem:s22+$0x151B0];
	v16 =	vmul.f32 v16, v6;
	v18 =	vmul.f32 v18, v7  }
0x280: {  	v17 =	vld [tilespmem:s22+$0x12DB0];
	v14 =	vadd.f32 v15, v14;
	v15 =	vmul.f32 v21, v13  }
0x281: {  	v16 =	vadd.f32 v18, v16;
	v19 =	vld [tilespmem:s22+$0x12DC0]  }
0x282: {  	v18 =	vmul.f32 v24, v7;
	v24 =	vmul.f32 v25, v6;
	v25 =	vld [tilespmem:s22+$0x145D0];
	v14 =	vadd.f32 v15, v14  }
0x283: {  	v20 =	vmul.f32 v20, v6;
	v22 =	vmul.f32 v22, v7;
	v21 =	vld [tilespmem:s22+$0x12DD0]  }
0x284: {  	v23 =	vmul.f32 v23, v6;
	v53 =	vmul.f32 v34, v8;
	[tilespmem:s22+$0x1A5F0] =	vst v14;
	v14 =	vld [tilespmem:s22+$0x13990]  }
0x285: {  	v55 =	vmul.f32 v36, v9;
	v20 =	vadd.f32 v22, v20;
	v17 =	vmul.f32 v17, v7;
	v15 =	vld [tilespmem:s22+$0x12DE0]  }
0x286: {  	v54 =	vld [tilespmem:s22+$0x151E0];
	v22 =	vmul.f32 v26, v6;
	v18 =	vadd.f32 v18, v23;
	v19 =	vmul.f32 v19, v7  }
0x287: {  	v56 =	vld [tilespmem:s22+$0x15D80];
	v23 =	vmul.f32 v27, v6;
	v25 =	vmul.f32 v25, v9;
	v17 =	vadd.f32 v17, v24  }
0x288: {  	v57 =	vld [tilespmem:s22+$0x15D90];
	v24 =	vmul.f32 v28, v6;
	v19 =	vadd.f32 v19, v22;
	v22 =	vmul.f32 v29, v8  }
0x289: {  	v58 =	vld [tilespmem:s22+$0x15DA0];
	v21 =	vmul.f32 v21, v7;
	v14 =	vmul.f32 v14, v8  }
0x28a: {  	v26 =	vld [tilespmem:s22+$0x145E0];
	v15 =	vmul.f32 v15, v7;
	v16 =	vadd.f32 v22, v16;
	v22 =	vmul.f32 v31, v8  }
0x28b: {  	v27 =	vld [tilespmem:s22+$0x15180];
	v21 =	vadd.f32 v21, v23;
	v14 =	vadd.f32 v14, v20;
	v20 =	vmul.f32 v32, v8  }
0x28c: {  	v28 =	vld [tilespmem:s22+$0x15190];
	v23 =	vmul.f32 v30, v8;
	v17 =	vadd.f32 v22, v17;
	v22 =	vmul.f32 v33, v8  }
0x28d: {  	v15 =	vadd.f32 v15, v24;
	v24 =	vld [tilespmem:s22+$0x151C0];
	v19 =	vadd.f32 v20, v19;
	v20 =	vmul.f32 v35, v9  }
0x28e: {  	v29 =	vld [tilespmem:s22+$0x151A0];
	v18 =	vadd.f32 v23, v18;
	v21 =	vadd.f32 v22, v21;
	v22 =	vmul.f32 v37, v9  }
0x28f: {  	v59 =	vld [tilespmem:s22+$0x15DB0];
	v15 =	vadd.f32 v53, v15;
	v16 =	vadd.f32 v20, v16;
	v20 =	vmul.f32 v38, v9  }
0x290: {  	v23 =	vld [tilespmem:s22+$0x151D0];
	v14 =	vadd.f32 v55, v14;
	v18 =	vadd.f32 v22, v18;
	v22 =	vmul.f32 v39, v9  }
0x291: {  	v61 =	vld [tilespmem:s22+$0x169C0];
	v21 =	vadd.f32 v25, v21;
	v17 =	vadd.f32 v20, v17;
	v20 =	vmul.f32 v26, v9  }
0x292: {  	v25 =	vld [tilespmem:s22+$0x15DD0];
	v24 =	vmul.f32 v24, v10;
	v19 =	vadd.f32 v22, v19;
	v22 =	vmul.f32 v28, v10  }
0x293: {  	v28 =	vld [tilespmem:s22+$0x16980];
	v26 =	vmul.f32 v27, v10;
	v15 =	vadd.f32 v20, v15;
	v20 =	vmul.f32 v29, v10  }
0x294: {  	v27 =	vld [tilespmem:s22+$0x15DC0];
	v14 =	vadd.f32 v22, v14;
	v22 =	vmul.f32 v52, v10;
	v19 =	vadd.f32 v24, v19  }
0x295: {  	v16 =	vadd.f32 v26, v16;
	v26 =	vld [tilespmem:s22+$0x15DE0];
	v18 =	vadd.f32 v20, v18;
	v20 =	vmul.f32 v23, v10  }
0x296: {  	v24 =	vld [tilespmem:s22+$0x169A0];
	v17 =	vadd.f32 v22, v17;
	v22 =	vmul.f32 v56, v11;
	v23 =	vmul.f32 v54, v10  }
0x297: {  	v29 =	vld [tilespmem:s22+$0x16990];
	v20 =	vadd.f32 v20, v21;
	v21 =	vmul.f32 v57, v11  }
0x298: {  	v16 =	vadd.f32 v22, v16;
	v22 =	vmul.f32 v58, v11;
	v15 =	vadd.f32 v23, v15;
	v23 =	vld [tilespmem:s22+$0x169B0]  }
0x299: {  	v62 =	vadd.f32 v21, v14;
	v14 =	vmul.f32 v27, v11;
	v21 =	vmul.f32 v25, v11;
	v25 =	vld [tilespmem:s22+$0x169D0]  }
0x29a: {  	v60 =	vmul.f32 v59, v11;
	v18 =	vadd.f32 v22, v18;
	v22 =	vmul.f32 v26, v11;
	v26 =	vld [tilespmem:s22+$0x169E0]  }
0x29b: {  	v63 =	vld [tilespmem:s22+$0x17580];
	v27 =	vadd.f32 v14, v19;
	v19 =	vmul.f32 v28, v12;
	v28 =	vadd.f32 v21, v20  }
0x29c: {  	v20 =	vmul.f32 v29, v12;
	v14 =	vadd.f32 v22, v15;
	v15 =	vmul.f32 v24, v12;
	v24 =	vld [tilespmem:s22+$0x17590]  }
0x29d: {  	v21 =	vld [tilespmem:s22+$0x175A0];
	v19 =	vadd.f32 v19, v16;
	v16 =	vmul.f32 v23, v12;
	v23 =	vmul.f32 v61, v12  }
0x29e: {  	v17 =	vadd.f32 v60, v17;
	v22 =	vld [tilespmem:s22+$0x175B0];
	v20 =	vadd.f32 v20, v62;
	v25 =	vmul.f32 v25, v12  }
0x29f: {  	v18 =	vadd.f32 v15, v18;
	v26 =	vmul.f32 v26, v12;
	v15 =	vadd.f32 v23, v27;
	v23 =	vld [tilespmem:s22+$0x175C0]  }
0x2a0: {  	s23 =	simm.s32 $0x0;
	s24 =	sadd.s32 $0x800, s20;
	v17 =	vadd.f32 v16, v17;
	v27 =	vmul.f32 v63, v13;
	v16 =	vadd.f32 v25, v28;
	v25 =	vld [tilespmem:s22+$0x175D0]  }
.LBB2_28:
0x2a1: {  	s25 =	sshra.s32 s24, $0x2;
	v24 =	vmul.f32 v24, v13;
	v14 =	vadd.f32 v26, v14;
	v26 =	vld [tilespmem:s22+$0x175E0]  }
0x2a2: {  	s23 =	sadd.s32 $0x8, s23;
	v28 =	vld [tilespmem:s25+$0x121F0];
	v19 =	vadd.f32 v27, v19;
	v21 =	vmul.f32 v21, v13  }
0x2a3: {  	p0 =	slt.u32 s23, $0x28;
	v27 =	vld [tilespmem:s25+$0x12DF0];
	v20 =	vadd.f32 v24, v20;
	v22 =	vmul.f32 v22, v13  }
0x2a4: {  	v24 =	vld [tilespmem:s25+$0x12180];
	[tilespmem:s22+$0x1A580] =	vst v19;
	v18 =	vadd.f32 v21, v18;
	v19 =	vmul.f32 v23, v13  }
0x2a5: {  	v21 =	vld [tilespmem:s25+$0x139F0];
	[tilespmem:s22+$0x1A590] =	vst v20;
	v17 =	vadd.f32 v22, v17;
	v20 =	vmul.f32 v25, v13  }
0x2a6: {  	v22 =	vld [tilespmem:s25+$0x12D80];
	[tilespmem:s22+$0x1A5A0] =	vst v18;
	v15 =	vadd.f32 v19, v15;
	v18 =	vmul.f32 v26, v13  }
0x2a7: {  	v19 =	vld [tilespmem:s25+$0x145F0];
	[tilespmem:s22+$0x1A5B0] =	vst v17;
	v16 =	vadd.f32 v20, v16  }
0x2a8: {  	v20 =	vmul.f32 v28, v6;
	v17 =	vld [tilespmem:s25+$0x12190];
	v23 =	vmul.f32 v27, v7;
	[tilespmem:s22+$0x1A5C0] =	vst v15;
	v14 =	vadd.f32 v18, v14  }
0x2a9: {  	v15 =	vmul.f32 v24, v6;
	v18 =	vld [tilespmem:s25+$0x151F0];
	[tilespmem:s22+$0x1A5D0] =	vst v16  }
0x2aa: {  	v16 =	vld [tilespmem:s25+$0x12D90];
	v20 =	vadd.f32 v23, v20;
	v21 =	vmul.f32 v21, v8;
	[tilespmem:s22+$0x1A5E0] =	vst v14;
	s22 =	smov.u32 s25  }
0x2ab: {  	v14 =	vmul.f32 v22, v7;
	v22 =	vld [tilespmem:s22+$0x15DF0]  }
0x2ac: {  	v23 =	vld [tilespmem:s22+$0x121A0];
	v20 =	vadd.f32 v21, v20;
	v19 =	vmul.f32 v19, v9  }
0x2ad: {  	v14 =	vadd.f32 v14, v15;
	v15 =	vmul.f32 v17, v6;
	v17 =	vld [tilespmem:s22+$0x169F0]  }
0x2ae: {  	v21 =	vld [tilespmem:s22+$0x12DA0];
	v19 =	vadd.f32 v19, v20;
	v18 =	vmul.f32 v18, v10  }
0x2af: {  	v16 =	vmul.f32 v16, v7;
	v20 =	vld [tilespmem:s22+$0x175F0]  }
0x2b0: {  	v24 =	vld [tilespmem:s22+$0x121B0];
	v18 =	vadd.f32 v18, v19;
	v19 =	vmul.f32 v22, v11  }
0x2b1: {  	v15 =	vadd.f32 v16, v15;
	v16 =	vmul.f32 v23, v6;
	v22 =	vld [tilespmem:s22+$0x12DB0]  }
0x2b2: {  	v23 =	vld [tilespmem:s22+$0x121C0];
	v18 =	vadd.f32 v19, v18;
	v17 =	vmul.f32 v17, v12  }
0x2b3: {  	v19 =	vmul.f32 v21, v7;
	v21 =	vld [tilespmem:s22+$0x12DC0]  }
0x2b4: {  	v25 =	vld [tilespmem:s22+$0x121D0];
	v17 =	vadd.f32 v17, v18;
	v18 =	vmul.f32 v20, v13  }
0x2b5: {  	v16 =	vadd.f32 v19, v16;
	v19 =	vmul.f32 v24, v6;
	v20 =	vld [tilespmem:s22+$0x12DD0]  }
0x2b6: {  	v22 =	vmul.f32 v22, v7;
	v24 =	vld [tilespmem:s22+$0x121E0];
	v17 =	vadd.f32 v18, v17  }
0x2b7: {  	v18 =	vmul.f32 v23, v6;
	v23 =	vld [tilespmem:s22+$0x12DE0]  }
0x2b8: {  	v26 =	vld [tilespmem:s22+$0x13980];
	v19 =	vadd.f32 v22, v19;
	v21 =	vmul.f32 v21, v7;
	[tilespmem:s22+$0x1A5F0] =	vst v17  }
0x2b9: {  	v17 =	vld [tilespmem:s22+$0x13990];
	v22 =	vmul.f32 v25, v6  }
0x2ba: {  	v25 =	vld [tilespmem:s22+$0x139A0];
	v18 =	vadd.f32 v21, v18;
	v20 =	vmul.f32 v20, v7  }
0x2bb: {  	v21 =	vld [tilespmem:s22+$0x139B0];
	v24 =	vmul.f32 v24, v6  }
0x2bc: {  	v27 =	vld [tilespmem:s22+$0x139C0];
	v20 =	vadd.f32 v20, v22;
	v22 =	vmul.f32 v23, v7  }
0x2bd: {  	v23 =	vmul.f32 v26, v8;
	v26 =	vld [tilespmem:s22+$0x139D0]  }
0x2be: {  	v17 =	vmul.f32 v17, v8;
	v22 =	vadd.f32 v22, v24;
	v24 =	vld [tilespmem:s22+$0x139E0]  }
0x2bf: {  	v14 =	vadd.f32 v23, v14;
	v23 =	vld [tilespmem:s22+$0x14580];
	v25 =	vmul.f32 v25, v8  }
0x2c0: {  	v15 =	vadd.f32 v17, v15;
	v17 =	vld [tilespmem:s22+$0x14590];
	v21 =	vmul.f32 v21, v8  }
0x2c1: {  	v16 =	vadd.f32 v25, v16;
	v25 =	vld [tilespmem:s22+$0x145A0];
	v27 =	vmul.f32 v27, v8  }
0x2c2: {  	v19 =	vadd.f32 v21, v19;
	v21 =	vld [tilespmem:s22+$0x145B0];
	v26 =	vmul.f32 v26, v8  }
0x2c3: {  	v18 =	vadd.f32 v27, v18;
	v27 =	vld [tilespmem:s22+$0x145C0];
	v24 =	vmul.f32 v24, v8  }
0x2c4: {  	v23 =	vmul.f32 v23, v9;
	v20 =	vadd.f32 v26, v20;
	v26 =	vld [tilespmem:s22+$0x145D0]  }
0x2c5: {  	v17 =	vmul.f32 v17, v9;
	v22 =	vadd.f32 v24, v22;
	v24 =	vld [tilespmem:s22+$0x145E0]  }
0x2c6: {  	v14 =	vadd.f32 v23, v14;
	v23 =	vld [tilespmem:s22+$0x15180];
	v25 =	vmul.f32 v25, v9  }
0x2c7: {  	v15 =	vadd.f32 v17, v15;
	v17 =	vld [tilespmem:s22+$0x15190];
	v21 =	vmul.f32 v21, v9  }
0x2c8: {  	v16 =	vadd.f32 v25, v16;
	v25 =	vld [tilespmem:s22+$0x151A0];
	v27 =	vmul.f32 v27, v9  }
0x2c9: {  	v19 =	vadd.f32 v21, v19;
	v21 =	vld [tilespmem:s22+$0x151B0];
	v26 =	vmul.f32 v26, v9  }
0x2ca: {  	v18 =	vadd.f32 v27, v18;
	v27 =	vld [tilespmem:s22+$0x151C0];
	v24 =	vmul.f32 v24, v9  }
0x2cb: {  	v23 =	vmul.f32 v23, v10;
	v20 =	vadd.f32 v26, v20;
	v26 =	vld [tilespmem:s22+$0x151D0]  }
0x2cc: {  	v17 =	vmul.f32 v17, v10;
	v22 =	vadd.f32 v24, v22;
	v24 =	vld [tilespmem:s22+$0x151E0]  }
0x2cd: {  	v14 =	vadd.f32 v23, v14;
	v23 =	vld [tilespmem:s22+$0x15D80];
	v25 =	vmul.f32 v25, v10  }
0x2ce: {  	v15 =	vadd.f32 v17, v15;
	v17 =	vld [tilespmem:s22+$0x15D90];
	v21 =	vmul.f32 v21, v10  }
0x2cf: {  	v16 =	vadd.f32 v25, v16;
	v25 =	vld [tilespmem:s22+$0x15DA0];
	v27 =	vmul.f32 v27, v10  }
0x2d0: {  	v19 =	vadd.f32 v21, v19;
	v21 =	vld [tilespmem:s22+$0x15DB0];
	v26 =	vmul.f32 v26, v10  }
0x2d1: {  	v18 =	vadd.f32 v27, v18;
	v27 =	vld [tilespmem:s22+$0x15DC0];
	v24 =	vmul.f32 v24, v10  }
0x2d2: {  	v23 =	vmul.f32 v23, v11;
	v20 =	vadd.f32 v26, v20;
	v26 =	vld [tilespmem:s22+$0x15DD0]  }
0x2d3: {  	v17 =	vmul.f32 v17, v11;
	v22 =	vadd.f32 v24, v22;
	v24 =	vld [tilespmem:s22+$0x15DE0]  }
0x2d4: {  	v23 =	vadd.f32 v23, v14;
	v14 =	vld [tilespmem:s22+$0x16980];
	v25 =	vmul.f32 v25, v11  }
0x2d5: {  	v15 =	vadd.f32 v17, v15;
	v17 =	vld [tilespmem:s22+$0x16990];
	v21 =	vmul.f32 v21, v11  }
0x2d6: {  	v16 =	vadd.f32 v25, v16;
	v25 =	vld [tilespmem:s22+$0x169A0];
	v27 =	vmul.f32 v27, v11  }
0x2d7: {  	v28 =	vadd.f32 v21, v19;
	v21 =	vld [tilespmem:s22+$0x169B0];
	v19 =	vmul.f32 v26, v11  }
0x2d8: {  	v26 =	vadd.f32 v27, v18;
	v27 =	vld [tilespmem:s22+$0x169C0];
	v18 =	vmul.f32 v24, v11  }
0x2d9: {  	v24 =	vmul.f32 v14, v12;
	v29 =	vadd.f32 v19, v20;
	v30 =	vld [tilespmem:s22+$0x169D0]  }
0x2da: {  	v17 =	vmul.f32 v17, v12;
	v14 =	vadd.f32 v18, v22;
	v31 =	vld [tilespmem:s22+$0x169E0]  }
0x2db: {  	v19 =	vadd.f32 v24, v23;
	v32 =	vld [tilespmem:s22+$0x17580];
	v18 =	vmul.f32 v25, v12  }
.Ltmp17:
0x2dc: {  	v20 =	vadd.f32 v17, v15;
	v24 =	vld [tilespmem:s22+$0x17590];
	v15 =	vmul.f32 v21, v12;
	(pc) =	sbr.rel @p0 .LBB2_28-.Ltmp17, $4  }
0x2dd: {  	v18 =	vadd.f32 v18, v16;
	v21 =	vld [tilespmem:s22+$0x175A0];
	v16 =	vmul.f32 v27, v12  }
0x2de: {  	v17 =	vadd.f32 v15, v28;
	v22 =	vld [tilespmem:s22+$0x175B0];
	v25 =	vmul.f32 v30, v12  }
0x2df: {  	v15 =	vadd.f32 v16, v26;
	v23 =	vld [tilespmem:s22+$0x175C0];
	v26 =	vmul.f32 v31, v12  }
0x2e0: {  	s24 =	sadd.s32 $0x800, s24;
	v27 =	vmul.f32 v32, v13;
	v16 =	vadd.f32 v25, v29;
	v25 =	vld [tilespmem:s22+$0x175D0]  }
0x2e1: {  	v24 =	vmul.f32 v24, v13;
	v28 =	vld [tilespmem:s22+$0x175E0]  }
0x2e2: {  	v19 =	vadd.f32 v27, v19;
	v21 =	vmul.f32 v21, v13  }
0x2e3: {  	v20 =	vadd.f32 v24, v20;
	v22 =	vmul.f32 v22, v13  }
0x2e4: {  	s21 =	sadd.s32 $0x1, s21;
	[tilespmem:s22+$0x1A580] =	vst v19;
	v18 =	vadd.f32 v21, v18;
	v61 =	vmul.f32 v23, v13  }
0x2e5: {  	p0 =	sne.s32 s21, $0x4;
	[tilespmem:s22+$0x1A590] =	vst v20;
	v17 =	vadd.f32 v22, v17;
	v62 =	vmul.f32 v25, v13  }
.Ltmp18:
0x2e6: {  	v14 =	vadd.f32 v26, v14;
	[tilespmem:s22+$0x1A5A0] =	vst v18;
	v15 =	vadd.f32 v61, v15;
	v63 =	vmul.f32 v28, v13;
	(pc) =	sbr.rel @p0 .LBB2_27-.Ltmp18, $4  }
0x2e7: {  	[tilespmem:s22+$0x1A5B0] =	vst v17;
	v16 =	vadd.f32 v62, v16  }
0x2e8: {  	[tilespmem:s22+$0x1A5C0] =	vst v15;
	v14 =	vadd.f32 v63, v14  }
0x2e9: {  	[tilespmem:s22+$0x1A5D0] =	vst v16  }
0x2ea: {  	s20 =	sadd.s32 $0x200, s20;
	[tilespmem:s22+$0x1A5E0] =	vst v14  }
0x2eb: {  	p0 =	seq.s32 s17, $0xF  }
.Ltmp19:
0x2ec: {  	_ = 	snop;
	(pc) =	sbr.rel @p0 .LBB2_32-.Ltmp19, $3  }
0x2ed: {  	_ =	sdelay $0x1  }
0x2ee: {  	s19 =	sadd.s32 s19, s11  }
0x2ef: {  	[hbm4b:s19+s30] =	stream.strided.scatter [tilespmem:s16], [sflag:$0x8], $0xC00, s31, s30, $0x38;
	[tilespmem:$0x1B180] =	vst v63  }
0x2f0: {  	v14 =	vld.msk [tilespmem:$0x100], $0xff;
	_ =	sdelay $0x4  }
0x2f1: {  	v14 =	vmul.u32 $0x30000, v14;
	_ =	sdelay $0x1  }
0x2f2: {  	v15 =	vperm.xlane v14, v0;
	_ =	sdelay $0x1  }
0x2f3: {  	v15 =	vadd.s32 v3, v15  }
0x2f4: {  	v16 =	vperm.xlane v14, v1  }
0x2f5: {  	s18 =	sshrl.u32 s18, $0x3  }
0x2f6: {  	s18 =	sadd.s32 s8, s18;
	v14 =	vperm.xlane v14, v2;
	v16 =	vadd.s32 v4, v16  }
0x2f7: {  	s19 =	simm.s32 $0x12180;
	s18 =	sadd.s32 $0x900, s18  }
0x2f8: {  	v14 =	vadd.s32 v5, v14;
	[tilespmem:s19], [sflag:$0x4] =	stream.indirect_vreg.gather [hbm4b:s18+s4], $0x200, v15, vm1, $0x38;
	[tilespmem:$0x1B180] =	vst v63  }
.Ltmp20:
0x2f9: {  	_ = 	snop;
	(pc) =	sbr.rel .LBB2_2-.Ltmp20, $4  }
0x2fa: {  	_ = 	snop  }
0x2fb: {  	[tilespmem:s26], [sflag:$0x4] =	stream.indirect_vreg.gather [hbm4b:s18+s4], $0x200, v16, vm1, $0x38;
	[tilespmem:$0x1B180] =	vst v63  }
0x2fc: {  	s17 =	sadd.s32 $0x1, s17  }
0x2fd: {  	[tilespmem:s28], [sflag:$0x4] =	stream.indirect_vreg.gather [hbm4b:s18+s4], $0x200, v14, vm1, $0x38;
	[tilespmem:$0x1B180] =	vst v63  }
.LBB2_33:
0x2fe: {  	_ =	sfence.sel $0x180000  }
0x2ff: {  	[bflag:$0x0] =	sbarrier.arrive $0xFFFF  }
0x300: {  	_ =	strace $0x90000047  }
0x301: {  	s0 =	stileid.u32;
	[bflag:$0x2] =	sbarrier.arrive $0xFFFF  }
0x302: {  	p0 =	sne.s32 s0, $0x0;
	s0 =	rddreg [dreg:$0x3]  }
0x303: {  	s0 =	sadd.s32 @!p0 $0x100000, s0  }
0x304: {  	[sflag:s0] =	ssyncadd.tile.s32 @!p0 $0x1;
	_ =	shalt  }
.Lfunc_end2:
_tile_overlayer_lowered:
.L_overlay_start_2:
0x305: {  	(tag) =	ssettag $0x2  }
0x306: {  	s0 =	rddreg [dreg:$0x0];
	s2 =	stileid.u32  }
0x307: {  	s1 =	rddreg [dreg:$0x1];
	p0 =	sne.s32 s2, $0x0  }
0x308: {  	s3 =	rddreg [dreg:$0x2];
	[bflag:$0x3] =	sbarrier.arrive $0xFFFF;
	s2 =	simm.s32 @!p0 $0x1C09  }
0x309: {  	[timem:s3], [sflag:s2] =	dma.local @!p0 [hbm:s0], s1  }
0x30a: {  	s0 =	simm.s32 @!p0 $0x9  }
0x30b: {  	_ =	swait.ge @!p0 [sflag:s0], s1  }
0x30c: {  	s1 =	ssub.s32 @!p0 $0x0, s1;
	[sflag:s0] =	ssyncset.done @!p0 $0x0  }
0x30d: {  	[sflag:s0] =	ssyncadd.s32 @!p0 s1  }
0x30e: {  	[bflag:$0x3] =	sbarrier.arrive $0xFFFF  }
0x30f: {  	_ =	shalt  }

</sc_bundles>
